<compile_context>
chip_gen: v7x
topology: tpu7x:2x2x1
jax: 0.10.2.dev20260603
libtpu: 0.0.44.dev20260713+nightly
codegen_flags: <defaults>
</compile_context>

<pallas_src>
import functools

import jax
import jax.numpy as jnp
from jax import lax
from jax.experimental import pallas as pl
from jax.experimental.pallas import tpu as pltpu
from jax.experimental.pallas import tpu_sc as plsc

N = 10000
E = 320000
D = 128
HID = 128
L = 64
G = 64

NC = 2
NS = 16
NW = NC * NS
EPW = E // NW
CH = 80
NCHUNK = EPW // CH
NBUF = 4
GA = 2
IA = 3
RPT = 624
TAIL = N - NS * RPT


def _edge_messages(h, src, dst, zeros):
    mesh = plsc.VectorSubcoreMesh(
        core_axis_name="c", subcore_axis_name="s",
        num_cores=NC, num_subcores=NS)

    @functools.partial(
        pl.kernel,
        out_type=jax.ShapeDtypeStruct((NC * N, D), jnp.float32),
        mesh=mesh,
        scratch_types=[
            pltpu.VMEM((NBUF, CH), jnp.int32),
            pltpu.VMEM((NBUF, CH), jnp.int32),
            pltpu.VMEM((NBUF, CH, D), jnp.float32),
            pltpu.VMEM_SHARED((N, D), jnp.float32),
        ] + [pltpu.SemaphoreType.DMA] * (3 * NBUF),
    )
    def k(h_hbm, src_hbm, dst_hbm, z_hbm, out_hbm, sidx, didx, rows, acc,
          is0, is1, is2, is3,
          gs0, gs1, gs2, gs3,
          ss0, ss1, ss2, ss3):
        isems = (is0, is1, is2, is3)
        gsems = (gs0, gs1, gs2, gs3)
        ssems = (ss0, ss1, ss2, ss3)
        c = lax.axis_index("c")
        s = lax.axis_index("s")
        wid = c * NS + s
        base = wid * EPW

        def idx_start(i, b):
            off = pl.multiple_of(base + i * CH, 8)
            pltpu.async_copy(src_hbm.at[pl.ds(off, CH)], sidx.at[b], isems[b])
            pltpu.async_copy(dst_hbm.at[pl.ds(off, CH)], didx.at[b], isems[b])

        def idx_wait(b):
            pltpu.make_async_copy(src_hbm.at[pl.ds(0, CH)], sidx.at[b],
                                  isems[b]).wait()
            pltpu.make_async_copy(dst_hbm.at[pl.ds(0, CH)], didx.at[b],
                                  isems[b]).wait()

        pltpu.sync_copy(z_hbm.at[pl.ds(s * RPT, RPT)],
                        acc.at[pl.ds(s * RPT, RPT)])

        @pl.when(s == NS - 1)
        def _zero_tail():
            pltpu.sync_copy(z_hbm.at[pl.ds(NS * RPT, TAIL)],
                            acc.at[pl.ds(NS * RPT, TAIL)])

        plsc.subcore_barrier()

        idx_start(0, 0)
        idx_wait(0)
        pltpu.async_copy(h_hbm.at[sidx.at[0]], rows.at[0], gsems[0])
        pltpu.make_async_copy(h_hbm.at[sidx.at[0]], rows.at[0],
                              gsems[0]).wait()
        pltpu.async_copy(rows.at[0], acc.at[didx.at[0]], ssems[0], add=True)
        pltpu.make_async_copy(rows.at[0], acc.at[didx.at[0]],
                              ssems[0]).wait()

        for b in range(IA):
            idx_start(1 + b, b)
        for b in range(GA):
            idx_wait(b)
            pltpu.async_copy(h_hbm.at[sidx.at[b]], rows.at[b], gsems[b])

        @pl.loop(0, (NCHUNK - 1) // NBUF)
        def _grp(g):
            i0 = 1 + g * NBUF
            for b in range(NBUF):
                i = i0 + b
                pltpu.make_async_copy(h_hbm.at[sidx.at[b]], rows.at[b],
                                      gsems[b]).wait()
                pltpu.async_copy(rows.at[b], acc.at[didx.at[b]], ssems[b],
                                 add=True)
                bg = (b + GA) % NBUF

                @pl.when(i + GA < NCHUNK)
                def _issue_gather():
                    idx_wait(bg)

                    @pl.when(i >= NBUF - GA + 1)
                    def _wait_prev_scatter():
                        pltpu.make_async_copy(rows.at[bg], acc.at[didx.at[bg]],
                                              ssems[bg]).wait()

                    pltpu.async_copy(h_hbm.at[sidx.at[bg]], rows.at[bg],
                                     gsems[bg])

                bi = (b + IA) % NBUF

                @pl.when(i + IA < NCHUNK)
                def _issue_idx():
                    idx_start(i + IA, bi)

        for b in range(NBUF):
            pltpu.make_async_copy(rows.at[b], acc.at[didx.at[b]],
                                  ssems[b]).wait()

        plsc.subcore_barrier()
        pltpu.sync_copy(acc.at[pl.ds(s * RPT, RPT)],
                        out_hbm.at[pl.ds(c * N + s * RPT, RPT)])

        @pl.when(s == NS - 1)
        def _drain_tail():
            pltpu.sync_copy(acc.at[pl.ds(NS * RPT, TAIL)],
                            out_hbm.at[pl.ds(c * N + NS * RPT, TAIL)])

    return k(h, src, dst, zeros)


def _gin_layer_tc(h, msg2, eps, W1, b1, W2, b2, g, be):

    def body(eps_ref, h_ref, m_ref, w1_ref, b1_ref, w2_ref, b2_ref,
             g_ref, be_ref, o_ref):
        e = eps_ref[0]
        z = (1.0 + e) * h_ref[...] + m_ref[0] + m_ref[1]
        a = jnp.maximum(
            jnp.dot(z, w1_ref[...], preferred_element_type=jnp.float32)
            + b1_ref[...], 0.0)
        u = (jnp.dot(a, w2_ref[...], preferred_element_type=jnp.float32)
             + b2_ref[...])
        mu = jnp.mean(u, axis=0, keepdims=True)
        dvc = u - mu
        var = jnp.mean(dvc * dvc, axis=0, keepdims=True)
        o_ref[...] = jnp.maximum(
            dvc * lax.rsqrt(var + 1e-5) * g_ref[...] + be_ref[...], 0.0)

    return pl.pallas_call(
        body,
        out_shape=jax.ShapeDtypeStruct((N, HID), jnp.float32),
        in_specs=[pl.BlockSpec(memory_space=pltpu.SMEM)]
        + [pl.BlockSpec(memory_space=pltpu.VMEM)] * 8,
    )(eps.reshape(1), h, msg2, W1, b1.reshape(1, HID), W2,
      b2.reshape(1, HID), g.reshape(1, HID), be.reshape(1, HID))


def _gin_layer3_pool_tc(h, msg2, eps, W1, b1, W2, b2, g, be,
                        batchf, Wm, bm, Wv, bv):

    def body(eps_ref, h_ref, m_ref, w1_ref, b1_ref, w2_ref, b2_ref,
             g_ref, be_ref, b_ref, wm_ref, bm_ref, wv_ref, bv_ref,
             om_ref, ov_ref):
        e = eps_ref[0]
        z = (1.0 + e) * h_ref[...] + m_ref[0] + m_ref[1]
        a = jnp.maximum(
            jnp.dot(z, w1_ref[...], preferred_element_type=jnp.float32)
            + b1_ref[...], 0.0)
        u = (jnp.dot(a, w2_ref[...], preferred_element_type=jnp.float32)
             + b2_ref[...])
        mu = jnp.mean(u, axis=0, keepdims=True)
        dvc = u - mu
        var = jnp.mean(dvc * dvc, axis=0, keepdims=True)
        hf = jnp.maximum(
            dvc * lax.rsqrt(var + 1e-5) * g_ref[...] + be_ref[...], 0.0)
        iota_g = lax.broadcasted_iota(jnp.int32, (1, G), 1).astype(jnp.float32)
        oh = (b_ref[...] == iota_g).astype(jnp.float32)
        ones_col = jnp.ones((N, 1), dtype=jnp.float32)
        cnt = lax.dot_general(oh, ones_col, (((0,), (0,)), ((), ())),
                              preferred_element_type=jnp.float32)
        hgs = lax.dot_general(oh, hf, (((0,), (0,)), ((), ())),
                              preferred_element_type=jnp.float32)
        hg = hgs * (1.0 / jnp.clip(cnt, 1.0))
        om_ref[...] = (jnp.dot(hg, wm_ref[...],
                               preferred_element_type=jnp.float32)
                       + bm_ref[...])
        ov_ref[...] = (jnp.dot(hg, wv_ref[...],
                               preferred_element_type=jnp.float32)
                       + bv_ref[...])

    return pl.pallas_call(
        body,
        out_shape=(jax.ShapeDtypeStruct((G, L), jnp.float32),
                   jax.ShapeDtypeStruct((G, L), jnp.float32)),
        in_specs=[pl.BlockSpec(memory_space=pltpu.SMEM)]
        + [pl.BlockSpec(memory_space=pltpu.VMEM)] * 13,
    )(eps.reshape(1), h, msg2, W1, b1.reshape(1, HID), W2,
      b2.reshape(1, HID), g.reshape(1, HID), be.reshape(1, HID),
      batchf, Wm, bm.reshape(1, L), Wv, bv.reshape(1, L))


def kernel(x, edge_index, batch,
           eps0, W1_0, b1_0, W2_0, b2_0, g0, be0,
           eps1, W1_1, b1_1, W2_1, b2_1, g1, be1,
           eps2, W1_2, b1_2, W2_2, b2_2, g2, be2,
           Wm, bm, Wv, bv):
    src = edge_index[0]
    dst = edge_index[1]
    zeros = jnp.zeros((N, D), dtype=jnp.float32)
    batchf = batch.astype(jnp.float32).reshape(N, 1)

    h = x
    for eps, W1, b1, W2, b2, g, be in (
            (eps0, W1_0, b1_0, W2_0, b2_0, g0, be0),
            (eps1, W1_1, b1_1, W2_1, b2_1, g1, be1)):
        msg2 = _edge_messages(h, src, dst, zeros).reshape(NC, N, D)
        h = _gin_layer_tc(h, msg2, eps, W1, b1, W2, b2, g, be)

    msg2 = _edge_messages(h, src, dst, zeros).reshape(NC, N, D)
    return _gin_layer3_pool_tc(h, msg2, eps2, W1_2, b1_2, W2_2, b2_2, g2, be2,
                               batchf, Wm, bm, Wv, bv)

# --- scband reference (transcript-rebuilt; emitter-appended) ---
"""Pipeline reference for scband-gnnencoder-3624952398185 (READ-ONLY COPY).

The authoritative reference and input builder live on the scoring server;
editing this copy changes nothing except your own understanding.
"""

import jax, jax.numpy as jnp
import numpy as np

N = 10000
E = 320000
D = 128
H = 128
L = 64
G = 64


def setup_inputs(seed: int = 0) -> dict:
    key = jax.random.key(seed)
    ks = jax.random.split(key, 40)
    inp = {}
    inp["x"] = jax.random.normal(ks[0], (N, D), dtype=jnp.float32)
    inp["edge_index"] = jax.random.randint(ks[1], (2, E), 0, N, dtype=jnp.int32)
    inp["batch"] = jnp.sort(jax.random.randint(ks[2], (N,), 0, G, dtype=jnp.int32))
    i = 3
    for l in range(3):
        in_dim = D if l == 0 else H
        inp[f"eps{l}"] = jnp.zeros((), dtype=jnp.float32)
        inp[f"W1_{l}"] = jax.random.normal(ks[i], (in_dim, H), dtype=jnp.float32) / np.sqrt(in_dim); i += 1
        inp[f"b1_{l}"] = jnp.zeros((H,), dtype=jnp.float32)
        inp[f"W2_{l}"] = jax.random.normal(ks[i], (H, H), dtype=jnp.float32) / np.sqrt(H); i += 1
        inp[f"b2_{l}"] = jnp.zeros((H,), dtype=jnp.float32)
        inp[f"g{l}"] = jnp.ones((H,), dtype=jnp.float32)
        inp[f"be{l}"] = jnp.zeros((H,), dtype=jnp.float32)
    inp["Wm"] = jax.random.normal(ks[i], (H, L), dtype=jnp.float32) / np.sqrt(H); i += 1
    inp["bm"] = jnp.zeros((L,), dtype=jnp.float32)
    inp["Wv"] = jax.random.normal(ks[i], (H, L), dtype=jnp.float32) / np.sqrt(H); i += 1
    inp["bv"] = jnp.zeros((L,), dtype=jnp.float32)
    return inp


def _gin_block(h, src, dst, eps, W1, b1, W2, b2, gamma, beta):
    # GIN message passing: sum-aggregate neighbor features (scatter-add)
    msg = jax.ops.segment_sum(h[src], dst, num_segments=N)
    out = (1.0 + eps) * h + msg
    # MLP: Linear -> ReLU -> Linear
    out = jnp.maximum(out @ W1 + b1, 0.0) @ W2 + b2
    # BatchNorm1d (batch statistics, training-mode behavior, deterministic)
    mu = out.mean(axis=0)
    var = out.var(axis=0)
    out = (out - mu) / jnp.sqrt(var + 1e-5) * gamma + beta
    # outer ReLU (dropout is identity deterministically)
    return jnp.maximum(out, 0.0)


def reference(x, edge_index, batch,
              eps0, W1_0, b1_0, W2_0, b2_0, g0, be0,
              eps1, W1_1, b1_1, W2_1, b2_1, g1, be1,
              eps2, W1_2, b1_2, W2_2, b2_2, g2, be2,
              Wm, bm, Wv, bv):
    src = edge_index[0]
    dst = edge_index[1]
    h = x
    h = _gin_block(h, src, dst, eps0, W1_0, b1_0, W2_0, b2_0, g0, be0)
    h = _gin_block(h, src, dst, eps1, W1_1, b1_1, W2_1, b2_1, g1, be1)
    h = _gin_block(h, src, dst, eps2, W1_2, b1_2, W2_2, b2_2, g2, be2)
    # global_mean_pool over per-node graph assignment
    cnt = jax.ops.segment_sum(jnp.ones((N,), dtype=jnp.float32), batch, num_segments=G)
    hg = jax.ops.segment_sum(h, batch, num_segments=G) / jnp.clip(cnt, 1.0)[:, None]
    return (hg @ Wm + bm, hg @ Wv + bv)

if __name__ == "__main__":
    import jax
    _d = setup_inputs()
    print(jax.jit(kernel)(*tuple(_d.values())))

</pallas_src>

<mosaic_0001>
#map = affine_map<(d0, d1) -> (0, 0)>
#map1 = affine_map<(d0, d1) -> (0)>
module attributes {stable_mosaic.version = 14 : i64} {
  func.func @k(%arg0: i32, %arg1: i32, %arg2: memref<10000x128xf32, #tpu.memory_space<hbm>>, %arg3: memref<320000xi32, #tpu.memory_space<hbm>>, %arg4: memref<320000xi32, #tpu.memory_space<hbm>>, %arg5: memref<10000x128xf32, #tpu.memory_space<hbm>>, %arg6: memref<20000x128xf32, #tpu.memory_space<hbm>>, %arg7: memref<4x80xi32, #tpu.memory_space<vmem>>, %arg8: memref<4x80xi32, #tpu.memory_space<vmem>>, %arg9: memref<4x80x128xf32, #tpu.memory_space<vmem>>, %arg10: memref<10000x128xf32, #tpu.memory_space<vmem_shared>>, %arg11: memref<!tpu.dma_semaphore, #tpu.memory_space<semaphore_mem>>, %arg12: memref<!tpu.dma_semaphore, #tpu.memory_space<semaphore_mem>>, %arg13: memref<!tpu.dma_semaphore, #tpu.memory_space<semaphore_mem>>, %arg14: memref<!tpu.dma_semaphore, #tpu.memory_space<semaphore_mem>>, %arg15: memref<!tpu.dma_semaphore, #tpu.memory_space<semaphore_mem>>, %arg16: memref<!tpu.dma_semaphore, #tpu.memory_space<semaphore_mem>>, %arg17: memref<!tpu.dma_semaphore, #tpu.memory_space<semaphore_mem>>, %arg18: memref<!tpu.dma_semaphore, #tpu.memory_space<semaphore_mem>>, %arg19: memref<!tpu.dma_semaphore, #tpu.memory_space<semaphore_mem>>, %arg20: memref<!tpu.dma_semaphore, #tpu.memory_space<semaphore_mem>>, %arg21: memref<!tpu.dma_semaphore, #tpu.memory_space<semaphore_mem>>, %arg22: memref<!tpu.dma_semaphore, #tpu.memory_space<semaphore_mem>>) attributes {dimension_semantics = [#tpu.dimension_semantics<core_parallel>, #tpu.dimension_semantics<subcore_parallel>], iteration_bounds = array<i64: 2, 16>, scalar_prefetch = 0 : i64, scratch_operands = 16 : i64, tpu.core_type = #tpu.core_type<sc_vector_subcore>, window_params = [{transform_indices = #map}, {transform_indices = #map1}, {transform_indices = #map1}, {transform_indices = #map}, {transform_indices = #map}]} {
    %mul3A = arith.constant 16 : i32
    %mul3A_0 = arith.muli %arg0, %mul3A : i32
    %add3A = arith.addi %mul3A_0, %arg1 : i32
    %mul3A_1 = arith.constant 10000 : i32
    %mul3A_2 = arith.muli %add3A, %mul3A_1 : i32
    %mul3A_3 = arith.constant 624 : i32
    %mul3A_4 = arith.muli %arg1, %mul3A_3 : i32
    %mul3A_5 = arith.constant 624 : i32
    %mul3A_6 = arith.muli %arg1, %mul3A_5 : i32
    "tpu.region"() ({
      %run_scoped3A = tpu.sem_alloc : memref<!tpu.dma_semaphore, #tpu.memory_space<semaphore_mem>>
      %dma_start3A_293 = arith.constant 0 : i32
      %dma_start3A_294 = tpu.memref_slice %arg10[%mul3A_6, %dma_start3A_293] : memref<10000x128xf32, #tpu.memory_space<vmem_shared>> -> memref<624x128xf32, #tpu.memory_space<vmem_shared>>
      %dma_start3A_295 = arith.constant 0 : i32
      %dma_start3A_296 = tpu.memref_slice %arg5[%mul3A_4, %dma_start3A_295] : memref<10000x128xf32, #tpu.memory_space<hbm>> -> memref<624x128xf32, #tpu.memory_space<hbm>>
      tpu.enqueue_dma source(%dma_start3A_296 : memref<624x128xf32, #tpu.memory_space<hbm>>) target(%dma_start3A_294 : memref<624x128xf32, #tpu.memory_space<vmem_shared>>) target_semaphore(%run_scoped3A : memref<!tpu.dma_semaphore, #tpu.memory_space<semaphore_mem>>)
      %dma_wait3A_297 = arith.constant 0 : i32
      %dma_wait3A_298 = tpu.memref_slice %arg10[%mul3A_6, %dma_wait3A_297] : memref<10000x128xf32, #tpu.memory_space<vmem_shared>> -> memref<624x128xf32, #tpu.memory_space<vmem_shared>>
      %dma_wait3A_299 = arith.constant 0 : i32
      %dma_wait3A_300 = tpu.memref_slice %arg5[%mul3A_4, %dma_wait3A_299] : memref<10000x128xf32, #tpu.memory_space<hbm>> -> memref<624x128xf32, #tpu.memory_space<hbm>>
      tpu.wait_dma2 semaphore(%run_scoped3A : memref<!tpu.dma_semaphore, #tpu.memory_space<semaphore_mem>>) src(%dma_wait3A_300 : memref<624x128xf32, #tpu.memory_space<hbm>>) dst(%dma_wait3A_298 : memref<624x128xf32, #tpu.memory_space<vmem_shared>>)
      tpu.yield
    }) : () -> ()
    %eq3A = arith.constant 15 : i32
    %eq3A_7 = arith.cmpi eq, %arg1, %eq3A : i32
    %convert_element_type3A = arith.extui %eq3A_7 : i1 to i32
    %cond3A = arith.constant 0 : i32
    %cond3A_8 = arith.cmpi ne, %convert_element_type3A, %cond3A : i32
    scf.if %cond3A_8 {
      "tpu.region"() ({
        %run_scoped3A = tpu.sem_alloc : memref<!tpu.dma_semaphore, #tpu.memory_space<semaphore_mem>>
        %dma_start3A_293 = arith.constant 9984 : i32
        %dma_start3A_294 = arith.constant 0 : i32
        %dma_start3A_295 = tpu.memref_slice %arg10[%dma_start3A_293, %dma_start3A_294] : memref<10000x128xf32, #tpu.memory_space<vmem_shared>> -> memref<16x128xf32, #tpu.memory_space<vmem_shared>>
        %dma_start3A_296 = arith.constant 9984 : i32
        %dma_start3A_297 = arith.constant 0 : i32
        %dma_start3A_298 = tpu.memref_slice %arg5[%dma_start3A_296, %dma_start3A_297] : memref<10000x128xf32, #tpu.memory_space<hbm>> -> memref<16x128xf32, #tpu.memory_space<hbm>>
        tpu.enqueue_dma source(%dma_start3A_298 : memref<16x128xf32, #tpu.memory_space<hbm>>) target(%dma_start3A_295 : memref<16x128xf32, #tpu.memory_space<vmem_shared>>) target_semaphore(%run_scoped3A : memref<!tpu.dma_semaphore, #tpu.memory_space<semaphore_mem>>)
        %dma_wait3A_299 = arith.constant 9984 : i32
        %dma_wait3A_300 = arith.constant 0 : i32
        %dma_wait3A_301 = tpu.memref_slice %arg10[%dma_wait3A_299, %dma_wait3A_300] : memref<10000x128xf32, #tpu.memory_space<vmem_shared>> -> memref<16x128xf32, #tpu.memory_space<vmem_shared>>
        %dma_wait3A_302 = arith.constant 9984 : i32
        %dma_wait3A_303 = arith.constant 0 : i32
        %dma_wait3A_304 = tpu.memref_slice %arg5[%dma_wait3A_302, %dma_wait3A_303] : memref<10000x128xf32, #tpu.memory_space<hbm>> -> memref<16x128xf32, #tpu.memory_space<hbm>>
        tpu.wait_dma2 semaphore(%run_scoped3A : memref<!tpu.dma_semaphore, #tpu.memory_space<semaphore_mem>>) src(%dma_wait3A_304 : memref<16x128xf32, #tpu.memory_space<hbm>>) dst(%dma_wait3A_301 : memref<16x128xf32, #tpu.memory_space<vmem_shared>>)
        tpu.yield
      }) : () -> ()
    } else {
    }
    %barrier3A = arith.constant 0 : index
    tpu.barrier barrier_id(%barrier3A)
    %add3A_9 = arith.constant 0 : i32
    %add3A_10 = arith.addi %mul3A_2, %add3A_9 : i32
    %multiple_of3A = tpu.assume_multiple %add3A_10, 8 : i32
    %dma_start3A = arith.constant 0 : i32
    %dma_start3A_11 = arith.constant 0 : i32
    %dma_start3A_12 = tpu.memref_slice %arg7[%dma_start3A, %dma_start3A_11] : memref<4x80xi32, #tpu.memory_space<vmem>> -> memref<1x80xi32, #tpu.memory_space<vmem>>
    %dma_start3A_13 = tpu.memref_squeeze %dma_start3A_12 : memref<1x80xi32, #tpu.memory_space<vmem>> -> memref<80xi32, #tpu.memory_space<vmem>>
    %dma_start3A_14 = tpu.memref_slice %arg3[%multiple_of3A] : memref<320000xi32, #tpu.memory_space<hbm>> -> memref<80xi32, #tpu.memory_space<hbm>>
    %dma_start3A_15 = arith.constant 0 : i32
    %dma_start3A_16 = tpu.memref_slice %arg7[%dma_start3A, %dma_start3A_15] : memref<4x80xi32, #tpu.memory_space<vmem>> -> memref<1x80xi32, #tpu.memory_space<vmem>>
    %dma_start3A_17 = tpu.memref_squeeze %dma_start3A_16 : memref<1x80xi32, #tpu.memory_space<vmem>> -> memref<80xi32, #tpu.memory_space<vmem>>
    %dma_start3A_18 = tpu.memref_slice %arg3[%multiple_of3A] : memref<320000xi32, #tpu.memory_space<hbm>> -> memref<80xi32, #tpu.memory_space<hbm>>
    tpu.enqueue_dma source(%dma_start3A_18 : memref<80xi32, #tpu.memory_space<hbm>>) target(%dma_start3A_17 : memref<80xi32, #tpu.memory_space<vmem>>) target_semaphore(%arg11 : memref<!tpu.dma_semaphore, #tpu.memory_space<semaphore_mem>>)
    %dma_start3A_19 = arith.constant 0 : i32
    %dma_start3A_20 = arith.constant 0 : i32
    %dma_start3A_21 = tpu.memref_slice %arg8[%dma_start3A_19, %dma_start3A_20] : memref<4x80xi32, #tpu.memory_space<vmem>> -> memref<1x80xi32, #tpu.memory_space<vmem>>
    %dma_start3A_22 = tpu.memref_squeeze %dma_start3A_21 : memref<1x80xi32, #tpu.memory_space<vmem>> -> memref<80xi32, #tpu.memory_space<vmem>>
    %dma_start3A_23 = tpu.memref_slice %arg4[%multiple_of3A] : memref<320000xi32, #tpu.memory_space<hbm>> -> memref<80xi32, #tpu.memory_space<hbm>>
    %dma_start3A_24 = arith.constant 0 : i32
    %dma_start3A_25 = tpu.memref_slice %arg8[%dma_start3A_19, %dma_start3A_24] : memref<4x80xi32, #tpu.memory_space<vmem>> -> memref<1x80xi32, #tpu.memory_space<vmem>>
    %dma_start3A_26 = tpu.memref_squeeze %dma_start3A_25 : memref<1x80xi32, #tpu.memory_space<vmem>> -> memref<80xi32, #tpu.memory_space<vmem>>
    %dma_start3A_27 = tpu.memref_slice %arg4[%multiple_of3A] : memref<320000xi32, #tpu.memory_space<hbm>> -> memref<80xi32, #tpu.memory_space<hbm>>
    tpu.enqueue_dma source(%dma_start3A_27 : memref<80xi32, #tpu.memory_space<hbm>>) target(%dma_start3A_26 : memref<80xi32, #tpu.memory_space<vmem>>) target_semaphore(%arg11 : memref<!tpu.dma_semaphore, #tpu.memory_space<semaphore_mem>>)
    %dma_wait3A = arith.constant 0 : i32
    %dma_wait3A_28 = arith.constant 0 : i32
    %dma_wait3A_29 = tpu.memref_slice %arg7[%dma_wait3A, %dma_wait3A_28] : memref<4x80xi32, #tpu.memory_space<vmem>> -> memref<1x80xi32, #tpu.memory_space<vmem>>
    %dma_wait3A_30 = tpu.memref_squeeze %dma_wait3A_29 : memref<1x80xi32, #tpu.memory_space<vmem>> -> memref<80xi32, #tpu.memory_space<vmem>>
    %dma_wait3A_31 = arith.constant 0 : i32
    %dma_wait3A_32 = tpu.memref_slice %arg3[%dma_wait3A_31] : memref<320000xi32, #tpu.memory_space<hbm>> -> memref<80xi32, #tpu.memory_space<hbm>>
    %dma_wait3A_33 = arith.constant 0 : i32
    %dma_wait3A_34 = tpu.memref_slice %arg7[%dma_wait3A, %dma_wait3A_33] : memref<4x80xi32, #tpu.memory_space<vmem>> -> memref<1x80xi32, #tpu.memory_space<vmem>>
    %dma_wait3A_35 = tpu.memref_squeeze %dma_wait3A_34 : memref<1x80xi32, #tpu.memory_space<vmem>> -> memref<80xi32, #tpu.memory_space<vmem>>
    %dma_wait3A_36 = arith.constant 0 : i32
    %dma_wait3A_37 = tpu.memref_slice %arg3[%dma_wait3A_36] : memref<320000xi32, #tpu.memory_space<hbm>> -> memref<80xi32, #tpu.memory_space<hbm>>
    tpu.wait_dma2 semaphore(%arg11 : memref<!tpu.dma_semaphore, #tpu.memory_space<semaphore_mem>>) src(%dma_wait3A_37 : memref<80xi32, #tpu.memory_space<hbm>>) dst(%dma_wait3A_35 : memref<80xi32, #tpu.memory_space<vmem>>)
    %dma_wait3A_38 = arith.constant 0 : i32
    %dma_wait3A_39 = arith.constant 0 : i32
    %dma_wait3A_40 = tpu.memref_slice %arg8[%dma_wait3A_38, %dma_wait3A_39] : memref<4x80xi32, #tpu.memory_space<vmem>> -> memref<1x80xi32, #tpu.memory_space<vmem>>
    %dma_wait3A_41 = tpu.memref_squeeze %dma_wait3A_40 : memref<1x80xi32, #tpu.memory_space<vmem>> -> memref<80xi32, #tpu.memory_space<vmem>>
    %dma_wait3A_42 = arith.constant 0 : i32
    %dma_wait3A_43 = tpu.memref_slice %arg4[%dma_wait3A_42] : memref<320000xi32, #tpu.memory_space<hbm>> -> memref<80xi32, #tpu.memory_space<hbm>>
    %dma_wait3A_44 = arith.constant 0 : i32
    %dma_wait3A_45 = tpu.memref_slice %arg8[%dma_wait3A_38, %dma_wait3A_44] : memref<4x80xi32, #tpu.memory_space<vmem>> -> memref<1x80xi32, #tpu.memory_space<vmem>>
    %dma_wait3A_46 = tpu.memref_squeeze %dma_wait3A_45 : memref<1x80xi32, #tpu.memory_space<vmem>> -> memref<80xi32, #tpu.memory_space<vmem>>
    %dma_wait3A_47 = arith.constant 0 : i32
    %dma_wait3A_48 = tpu.memref_slice %arg4[%dma_wait3A_47] : memref<320000xi32, #tpu.memory_space<hbm>> -> memref<80xi32, #tpu.memory_space<hbm>>
    tpu.wait_dma2 semaphore(%arg11 : memref<!tpu.dma_semaphore, #tpu.memory_space<semaphore_mem>>) src(%dma_wait3A_48 : memref<80xi32, #tpu.memory_space<hbm>>) dst(%dma_wait3A_46 : memref<80xi32, #tpu.memory_space<vmem>>)
    %dma_start3A_49 = arith.constant 0 : i32
    %dma_start3A_50 = arith.constant 0 : i32
    %dma_start3A_51 = arith.constant 0 : i32
    %dma_start3A_52 = arith.constant 0 : i32
    %dma_start3A_53 = tpu.memref_slice %arg9[%dma_start3A_50, %dma_start3A_51, %dma_start3A_52] : memref<4x80x128xf32, #tpu.memory_space<vmem>> -> memref<1x80x128xf32, #tpu.memory_space<vmem>>
    %dma_start3A_54 = tpu.memref_squeeze %dma_start3A_53 : memref<1x80x128xf32, #tpu.memory_space<vmem>> -> memref<80x128xf32, #tpu.memory_space<vmem>>
    %dma_start3A_55 = arith.constant 0 : i32
    %dma_start3A_56 = tpu.memref_slice %arg7[%dma_start3A_49, %dma_start3A_55] : memref<4x80xi32, #tpu.memory_space<vmem>> -> memref<1x80xi32, #tpu.memory_space<vmem>>
    %dma_start3A_57 = tpu.memref_squeeze %dma_start3A_56 : memref<1x80xi32, #tpu.memory_space<vmem>> -> memref<80xi32, #tpu.memory_space<vmem>>
    %dma_start3A_58 = arith.constant 0 : i32
    %dma_start3A_59 = arith.constant 0 : i32
    %dma_start3A_60 = tpu.memref_slice %arg2[%dma_start3A_58, %dma_start3A_59] : memref<10000x128xf32, #tpu.memory_space<hbm>> -> memref<10000x128xf32, #tpu.memory_space<hbm>>
    tpu.enqueue_indirect_dma source(%dma_start3A_60 : memref<10000x128xf32, #tpu.memory_space<hbm>>) target(%dma_start3A_54 : memref<80x128xf32, #tpu.memory_space<vmem>>) offsets(%dma_start3A_57 : memref<80xi32, #tpu.memory_space<vmem>>) semaphore(%arg15 : memref<!tpu.dma_semaphore, #tpu.memory_space<semaphore_mem>>)
    %dma_wait3A_61 = arith.constant 0 : i32
    %dma_wait3A_62 = arith.constant 0 : i32
    %dma_wait3A_63 = arith.constant 0 : i32
    %dma_wait3A_64 = arith.constant 0 : i32
    %dma_wait3A_65 = tpu.memref_slice %arg9[%dma_wait3A_62, %dma_wait3A_63, %dma_wait3A_64] : memref<4x80x128xf32, #tpu.memory_space<vmem>> -> memref<1x80x128xf32, #tpu.memory_space<vmem>>
    %dma_wait3A_66 = tpu.memref_squeeze %dma_wait3A_65 : memref<1x80x128xf32, #tpu.memory_space<vmem>> -> memref<80x128xf32, #tpu.memory_space<vmem>>
    %dma_wait3A_67 = arith.constant 0 : i32
    %dma_wait3A_68 = tpu.memref_slice %arg7[%dma_wait3A_61, %dma_wait3A_67] : memref<4x80xi32, #tpu.memory_space<vmem>> -> memref<1x80xi32, #tpu.memory_space<vmem>>
    %dma_wait3A_69 = tpu.memref_squeeze %dma_wait3A_68 : memref<1x80xi32, #tpu.memory_space<vmem>> -> memref<80xi32, #tpu.memory_space<vmem>>
    %dma_wait3A_70 = arith.constant 0 : i32
    %dma_wait3A_71 = arith.constant 0 : i32
    %dma_wait3A_72 = tpu.memref_slice %arg2[%dma_wait3A_70, %dma_wait3A_71] : memref<10000x128xf32, #tpu.memory_space<hbm>> -> memref<10000x128xf32, #tpu.memory_space<hbm>>
    tpu.wait_indirect_dma semaphore(%arg15 : memref<!tpu.dma_semaphore, #tpu.memory_space<semaphore_mem>>) src(%dma_wait3A_72 : memref<10000x128xf32, #tpu.memory_space<hbm>>) dst(%dma_wait3A_66 : memref<80x128xf32, #tpu.memory_space<vmem>>)
    %dma_start3A_73 = arith.constant 0 : i32
    %dma_start3A_74 = arith.constant 0 : i32
    %dma_start3A_75 = arith.constant 0 : i32
    %dma_start3A_76 = arith.constant 0 : i32
    %dma_start3A_77 = tpu.memref_slice %arg9[%dma_start3A_73, %dma_start3A_75, %dma_start3A_76] : memref<4x80x128xf32, #tpu.memory_space<vmem>> -> memref<1x80x128xf32, #tpu.memory_space<vmem>>
    %dma_start3A_78 = tpu.memref_squeeze %dma_start3A_77 : memref<1x80x128xf32, #tpu.memory_space<vmem>> -> memref<80x128xf32, #tpu.memory_space<vmem>>
    %dma_start3A_79 = arith.constant 0 : i32
    %dma_start3A_80 = tpu.memref_slice %arg8[%dma_start3A_74, %dma_start3A_79] : memref<4x80xi32, #tpu.memory_space<vmem>> -> memref<1x80xi32, #tpu.memory_space<vmem>>
    %dma_start3A_81 = tpu.memref_squeeze %dma_start3A_80 : memref<1x80xi32, #tpu.memory_space<vmem>> -> memref<80xi32, #tpu.memory_space<vmem>>
    %dma_start3A_82 = arith.constant 0 : i32
    %dma_start3A_83 = arith.constant 0 : i32
    %dma_start3A_84 = tpu.memref_slice %arg10[%dma_start3A_82, %dma_start3A_83] : memref<10000x128xf32, #tpu.memory_space<vmem_shared>> -> memref<10000x128xf32, #tpu.memory_space<vmem_shared>>
    tpu.enqueue_indirect_dma source(%dma_start3A_78 : memref<80x128xf32, #tpu.memory_space<vmem>>) target(%dma_start3A_84 : memref<10000x128xf32, #tpu.memory_space<vmem_shared>>) offsets(%dma_start3A_81 : memref<80xi32, #tpu.memory_space<vmem>>) semaphore(%arg19 : memref<!tpu.dma_semaphore, #tpu.memory_space<semaphore_mem>>) {add = true}
    %dma_wait3A_85 = arith.constant 0 : i32
    %dma_wait3A_86 = arith.constant 0 : i32
    %dma_wait3A_87 = arith.constant 0 : i32
    %dma_wait3A_88 = arith.constant 0 : i32
    %dma_wait3A_89 = tpu.memref_slice %arg9[%dma_wait3A_85, %dma_wait3A_87, %dma_wait3A_88] : memref<4x80x128xf32, #tpu.memory_space<vmem>> -> memref<1x80x128xf32, #tpu.memory_space<vmem>>
    %dma_wait3A_90 = tpu.memref_squeeze %dma_wait3A_89 : memref<1x80x128xf32, #tpu.memory_space<vmem>> -> memref<80x128xf32, #tpu.memory_space<vmem>>
    %dma_wait3A_91 = arith.constant 0 : i32
    %dma_wait3A_92 = tpu.memref_slice %arg8[%dma_wait3A_86, %dma_wait3A_91] : memref<4x80xi32, #tpu.memory_space<vmem>> -> memref<1x80xi32, #tpu.memory_space<vmem>>
    %dma_wait3A_93 = tpu.memref_squeeze %dma_wait3A_92 : memref<1x80xi32, #tpu.memory_space<vmem>> -> memref<80xi32, #tpu.memory_space<vmem>>
    %dma_wait3A_94 = arith.constant 0 : i32
    %dma_wait3A_95 = arith.constant 0 : i32
    %dma_wait3A_96 = tpu.memref_slice %arg10[%dma_wait3A_94, %dma_wait3A_95] : memref<10000x128xf32, #tpu.memory_space<vmem_shared>> -> memref<10000x128xf32, #tpu.memory_space<vmem_shared>>
    tpu.wait_indirect_dma semaphore(%arg19 : memref<!tpu.dma_semaphore, #tpu.memory_space<semaphore_mem>>) src(%dma_wait3A_90 : memref<80x128xf32, #tpu.memory_space<vmem>>) dst(%dma_wait3A_96 : memref<10000x128xf32, #tpu.memory_space<vmem_shared>>)
    %add3A_97 = arith.constant 80 : i32
    %add3A_98 = arith.addi %mul3A_2, %add3A_97 : i32
    %multiple_of3A_99 = tpu.assume_multiple %add3A_98, 8 : i32
    %dma_start3A_100 = arith.constant 0 : i32
    %dma_start3A_101 = arith.constant 0 : i32
    %dma_start3A_102 = tpu.memref_slice %arg7[%dma_start3A_100, %dma_start3A_101] : memref<4x80xi32, #tpu.memory_space<vmem>> -> memref<1x80xi32, #tpu.memory_space<vmem>>
    %dma_start3A_103 = tpu.memref_squeeze %dma_start3A_102 : memref<1x80xi32, #tpu.memory_space<vmem>> -> memref<80xi32, #tpu.memory_space<vmem>>
    %dma_start3A_104 = tpu.memref_slice %arg3[%multiple_of3A_99] : memref<320000xi32, #tpu.memory_space<hbm>> -> memref<80xi32, #tpu.memory_space<hbm>>
    %dma_start3A_105 = arith.constant 0 : i32
    %dma_start3A_106 = tpu.memref_slice %arg7[%dma_start3A_100, %dma_start3A_105] : memref<4x80xi32, #tpu.memory_space<vmem>> -> memref<1x80xi32, #tpu.memory_space<vmem>>
    %dma_start3A_107 = tpu.memref_squeeze %dma_start3A_106 : memref<1x80xi32, #tpu.memory_space<vmem>> -> memref<80xi32, #tpu.memory_space<vmem>>
    %dma_start3A_108 = tpu.memref_slice %arg3[%multiple_of3A_99] : memref<320000xi32, #tpu.memory_space<hbm>> -> memref<80xi32, #tpu.memory_space<hbm>>
    tpu.enqueue_dma source(%dma_start3A_108 : memref<80xi32, #tpu.memory_space<hbm>>) target(%dma_start3A_107 : memref<80xi32, #tpu.memory_space<vmem>>) target_semaphore(%arg11 : memref<!tpu.dma_semaphore, #tpu.memory_space<semaphore_mem>>)
    %dma_start3A_109 = arith.constant 0 : i32
    %dma_start3A_110 = arith.constant 0 : i32
    %dma_start3A_111 = tpu.memref_slice %arg8[%dma_start3A_109, %dma_start3A_110] : memref<4x80xi32, #tpu.memory_space<vmem>> -> memref<1x80xi32, #tpu.memory_space<vmem>>
    %dma_start3A_112 = tpu.memref_squeeze %dma_start3A_111 : memref<1x80xi32, #tpu.memory_space<vmem>> -> memref<80xi32, #tpu.memory_space<vmem>>
    %dma_start3A_113 = tpu.memref_slice %arg4[%multiple_of3A_99] : memref<320000xi32, #tpu.memory_space<hbm>> -> memref<80xi32, #tpu.memory_space<hbm>>
    %dma_start3A_114 = arith.constant 0 : i32
    %dma_start3A_115 = tpu.memref_slice %arg8[%dma_start3A_109, %dma_start3A_114] : memref<4x80xi32, #tpu.memory_space<vmem>> -> memref<1x80xi32, #tpu.memory_space<vmem>>
    %dma_start3A_116 = tpu.memref_squeeze %dma_start3A_115 : memref<1x80xi32, #tpu.memory_space<vmem>> -> memref<80xi32, #tpu.memory_space<vmem>>
    %dma_start3A_117 = tpu.memref_slice %arg4[%multiple_of3A_99] : memref<320000xi32, #tpu.memory_space<hbm>> -> memref<80xi32, #tpu.memory_space<hbm>>
    tpu.enqueue_dma source(%dma_start3A_117 : memref<80xi32, #tpu.memory_space<hbm>>) target(%dma_start3A_116 : memref<80xi32, #tpu.memory_space<vmem>>) target_semaphore(%arg11 : memref<!tpu.dma_semaphore, #tpu.memory_space<semaphore_mem>>)
    %add3A_118 = arith.constant 160 : i32
    %add3A_119 = arith.addi %mul3A_2, %add3A_118 : i32
    %multiple_of3A_120 = tpu.assume_multiple %add3A_119, 8 : i32
    %dma_start3A_121 = arith.constant 1 : i32
    %dma_start3A_122 = arith.constant 0 : i32
    %dma_start3A_123 = tpu.memref_slice %arg7[%dma_start3A_121, %dma_start3A_122] : memref<4x80xi32, #tpu.memory_space<vmem>> -> memref<1x80xi32, #tpu.memory_space<vmem>>
    %dma_start3A_124 = tpu.memref_squeeze %dma_start3A_123 : memref<1x80xi32, #tpu.memory_space<vmem>> -> memref<80xi32, #tpu.memory_space<vmem>>
    %dma_start3A_125 = tpu.memref_slice %arg3[%multiple_of3A_120] : memref<320000xi32, #tpu.memory_space<hbm>> -> memref<80xi32, #tpu.memory_space<hbm>>
    %dma_start3A_126 = arith.constant 0 : i32
    %dma_start3A_127 = tpu.memref_slice %arg7[%dma_start3A_121, %dma_start3A_126] : memref<4x80xi32, #tpu.memory_space<vmem>> -> memref<1x80xi32, #tpu.memory_space<vmem>>
    %dma_start3A_128 = tpu.memref_squeeze %dma_start3A_127 : memref<1x80xi32, #tpu.memory_space<vmem>> -> memref<80xi32, #tpu.memory_space<vmem>>
    %dma_start3A_129 = tpu.memref_slice %arg3[%multiple_of3A_120] : memref<320000xi32, #tpu.memory_space<hbm>> -> memref<80xi32, #tpu.memory_space<hbm>>
    tpu.enqueue_dma source(%dma_start3A_129 : memref<80xi32, #tpu.memory_space<hbm>>) target(%dma_start3A_128 : memref<80xi32, #tpu.memory_space<vmem>>) target_semaphore(%arg12 : memref<!tpu.dma_semaphore, #tpu.memory_space<semaphore_mem>>)
    %dma_start3A_130 = arith.constant 1 : i32
    %dma_start3A_131 = arith.constant 0 : i32
    %dma_start3A_132 = tpu.memref_slice %arg8[%dma_start3A_130, %dma_start3A_131] : memref<4x80xi32, #tpu.memory_space<vmem>> -> memref<1x80xi32, #tpu.memory_space<vmem>>
    %dma_start3A_133 = tpu.memref_squeeze %dma_start3A_132 : memref<1x80xi32, #tpu.memory_space<vmem>> -> memref<80xi32, #tpu.memory_space<vmem>>
    %dma_start3A_134 = tpu.memref_slice %arg4[%multiple_of3A_120] : memref<320000xi32, #tpu.memory_space<hbm>> -> memref<80xi32, #tpu.memory_space<hbm>>
    %dma_start3A_135 = arith.constant 0 : i32
    %dma_start3A_136 = tpu.memref_slice %arg8[%dma_start3A_130, %dma_start3A_135] : memref<4x80xi32, #tpu.memory_space<vmem>> -> memref<1x80xi32, #tpu.memory_space<vmem>>
    %dma_start3A_137 = tpu.memref_squeeze %dma_start3A_136 : memref<1x80xi32, #tpu.memory_space<vmem>> -> memref<80xi32, #tpu.memory_space<vmem>>
    %dma_start3A_138 = tpu.memref_slice %arg4[%multiple_of3A_120] : memref<320000xi32, #tpu.memory_space<hbm>> -> memref<80xi32, #tpu.memory_space<hbm>>
    tpu.enqueue_dma source(%dma_start3A_138 : memref<80xi32, #tpu.memory_space<hbm>>) target(%dma_start3A_137 : memref<80xi32, #tpu.memory_space<vmem>>) target_semaphore(%arg12 : memref<!tpu.dma_semaphore, #tpu.memory_space<semaphore_mem>>)
    %add3A_139 = arith.constant 240 : i32
    %add3A_140 = arith.addi %mul3A_2, %add3A_139 : i32
    %multiple_of3A_141 = tpu.assume_multiple %add3A_140, 8 : i32
    %dma_start3A_142 = arith.constant 2 : i32
    %dma_start3A_143 = arith.constant 0 : i32
    %dma_start3A_144 = tpu.memref_slice %arg7[%dma_start3A_142, %dma_start3A_143] : memref<4x80xi32, #tpu.memory_space<vmem>> -> memref<1x80xi32, #tpu.memory_space<vmem>>
    %dma_start3A_145 = tpu.memref_squeeze %dma_start3A_144 : memref<1x80xi32, #tpu.memory_space<vmem>> -> memref<80xi32, #tpu.memory_space<vmem>>
    %dma_start3A_146 = tpu.memref_slice %arg3[%multiple_of3A_141] : memref<320000xi32, #tpu.memory_space<hbm>> -> memref<80xi32, #tpu.memory_space<hbm>>
    %dma_start3A_147 = arith.constant 0 : i32
    %dma_start3A_148 = tpu.memref_slice %arg7[%dma_start3A_142, %dma_start3A_147] : memref<4x80xi32, #tpu.memory_space<vmem>> -> memref<1x80xi32, #tpu.memory_space<vmem>>
    %dma_start3A_149 = tpu.memref_squeeze %dma_start3A_148 : memref<1x80xi32, #tpu.memory_space<vmem>> -> memref<80xi32, #tpu.memory_space<vmem>>
    %dma_start3A_150 = tpu.memref_slice %arg3[%multiple_of3A_141] : memref<320000xi32, #tpu.memory_space<hbm>> -> memref<80xi32, #tpu.memory_space<hbm>>
    tpu.enqueue_dma source(%dma_start3A_150 : memref<80xi32, #tpu.memory_space<hbm>>) target(%dma_start3A_149 : memref<80xi32, #tpu.memory_space<vmem>>) target_semaphore(%arg13 : memref<!tpu.dma_semaphore, #tpu.memory_space<semaphore_mem>>)
    %dma_start3A_151 = arith.constant 2 : i32
    %dma_start3A_152 = arith.constant 0 : i32
    %dma_start3A_153 = tpu.memref_slice %arg8[%dma_start3A_151, %dma_start3A_152] : memref<4x80xi32, #tpu.memory_space<vmem>> -> memref<1x80xi32, #tpu.memory_space<vmem>>
    %dma_start3A_154 = tpu.memref_squeeze %dma_start3A_153 : memref<1x80xi32, #tpu.memory_space<vmem>> -> memref<80xi32, #tpu.memory_space<vmem>>
    %dma_start3A_155 = tpu.memref_slice %arg4[%multiple_of3A_141] : memref<320000xi32, #tpu.memory_space<hbm>> -> memref<80xi32, #tpu.memory_space<hbm>>
    %dma_start3A_156 = arith.constant 0 : i32
    %dma_start3A_157 = tpu.memref_slice %arg8[%dma_start3A_151, %dma_start3A_156] : memref<4x80xi32, #tpu.memory_space<vmem>> -> memref<1x80xi32, #tpu.memory_space<vmem>>
    %dma_start3A_158 = tpu.memref_squeeze %dma_start3A_157 : memref<1x80xi32, #tpu.memory_space<vmem>> -> memref<80xi32, #tpu.memory_space<vmem>>
    %dma_start3A_159 = tpu.memref_slice %arg4[%multiple_of3A_141] : memref<320000xi32, #tpu.memory_space<hbm>> -> memref<80xi32, #tpu.memory_space<hbm>>
    tpu.enqueue_dma source(%dma_start3A_159 : memref<80xi32, #tpu.memory_space<hbm>>) target(%dma_start3A_158 : memref<80xi32, #tpu.memory_space<vmem>>) target_semaphore(%arg13 : memref<!tpu.dma_semaphore, #tpu.memory_space<semaphore_mem>>)
    %dma_wait3A_160 = arith.constant 0 : i32
    %dma_wait3A_161 = arith.constant 0 : i32
    %dma_wait3A_162 = tpu.memref_slice %arg7[%dma_wait3A_160, %dma_wait3A_161] : memref<4x80xi32, #tpu.memory_space<vmem>> -> memref<1x80xi32, #tpu.memory_space<vmem>>
    %dma_wait3A_163 = tpu.memref_squeeze %dma_wait3A_162 : memref<1x80xi32, #tpu.memory_space<vmem>> -> memref<80xi32, #tpu.memory_space<vmem>>
    %dma_wait3A_164 = arith.constant 0 : i32
    %dma_wait3A_165 = tpu.memref_slice %arg3[%dma_wait3A_164] : memref<320000xi32, #tpu.memory_space<hbm>> -> memref<80xi32, #tpu.memory_space<hbm>>
    %dma_wait3A_166 = arith.constant 0 : i32
    %dma_wait3A_167 = tpu.memref_slice %arg7[%dma_wait3A_160, %dma_wait3A_166] : memref<4x80xi32, #tpu.memory_space<vmem>> -> memref<1x80xi32, #tpu.memory_space<vmem>>
    %dma_wait3A_168 = tpu.memref_squeeze %dma_wait3A_167 : memref<1x80xi32, #tpu.memory_space<vmem>> -> memref<80xi32, #tpu.memory_space<vmem>>
    %dma_wait3A_169 = arith.constant 0 : i32
    %dma_wait3A_170 = tpu.memref_slice %arg3[%dma_wait3A_169] : memref<320000xi32, #tpu.memory_space<hbm>> -> memref<80xi32, #tpu.memory_space<hbm>>
    tpu.wait_dma2 semaphore(%arg11 : memref<!tpu.dma_semaphore, #tpu.memory_space<semaphore_mem>>) src(%dma_wait3A_170 : memref<80xi32, #tpu.memory_space<hbm>>) dst(%dma_wait3A_168 : memref<80xi32, #tpu.memory_space<vmem>>)
    %dma_wait3A_171 = arith.constant 0 : i32
    %dma_wait3A_172 = arith.constant 0 : i32
    %dma_wait3A_173 = tpu.memref_slice %arg8[%dma_wait3A_171, %dma_wait3A_172] : memref<4x80xi32, #tpu.memory_space<vmem>> -> memref<1x80xi32, #tpu.memory_space<vmem>>
    %dma_wait3A_174 = tpu.memref_squeeze %dma_wait3A_173 : memref<1x80xi32, #tpu.memory_space<vmem>> -> memref<80xi32, #tpu.memory_space<vmem>>
    %dma_wait3A_175 = arith.constant 0 : i32
    %dma_wait3A_176 = tpu.memref_slice %arg4[%dma_wait3A_175] : memref<320000xi32, #tpu.memory_space<hbm>> -> memref<80xi32, #tpu.memory_space<hbm>>
    %dma_wait3A_177 = arith.constant 0 : i32
    %dma_wait3A_178 = tpu.memref_slice %arg8[%dma_wait3A_171, %dma_wait3A_177] : memref<4x80xi32, #tpu.memory_space<vmem>> -> memref<1x80xi32, #tpu.memory_space<vmem>>
    %dma_wait3A_179 = tpu.memref_squeeze %dma_wait3A_178 : memref<1x80xi32, #tpu.memory_space<vmem>> -> memref<80xi32, #tpu.memory_space<vmem>>
    %dma_wait3A_180 = arith.constant 0 : i32
    %dma_wait3A_181 = tpu.memref_slice %arg4[%dma_wait3A_180] : memref<320000xi32, #tpu.memory_space<hbm>> -> memref<80xi32, #tpu.memory_space<hbm>>
    tpu.wait_dma2 semaphore(%arg11 : memref<!tpu.dma_semaphore, #tpu.memory_space<semaphore_mem>>) src(%dma_wait3A_181 : memref<80xi32, #tpu.memory_space<hbm>>) dst(%dma_wait3A_179 : memref<80xi32, #tpu.memory_space<vmem>>)
    %dma_start3A_182 = arith.constant 0 : i32
    %dma_start3A_183 = arith.constant 0 : i32
    %dma_start3A_184 = arith.constant 0 : i32
    %dma_start3A_185 = arith.constant 0 : i32
    %dma_start3A_186 = tpu.memref_slice %arg9[%dma_start3A_183, %dma_start3A_184, %dma_start3A_185] : memref<4x80x128xf32, #tpu.memory_space<vmem>> -> memref<1x80x128xf32, #tpu.memory_space<vmem>>
    %dma_start3A_187 = tpu.memref_squeeze %dma_start3A_186 : memref<1x80x128xf32, #tpu.memory_space<vmem>> -> memref<80x128xf32, #tpu.memory_space<vmem>>
    %dma_start3A_188 = arith.constant 0 : i32
    %dma_start3A_189 = tpu.memref_slice %arg7[%dma_start3A_182, %dma_start3A_188] : memref<4x80xi32, #tpu.memory_space<vmem>> -> memref<1x80xi32, #tpu.memory_space<vmem>>
    %dma_start3A_190 = tpu.memref_squeeze %dma_start3A_189 : memref<1x80xi32, #tpu.memory_space<vmem>> -> memref<80xi32, #tpu.memory_space<vmem>>
    %dma_start3A_191 = arith.constant 0 : i32
    %dma_start3A_192 = arith.constant 0 : i32
    %dma_start3A_193 = tpu.memref_slice %arg2[%dma_start3A_191, %dma_start3A_192] : memref<10000x128xf32, #tpu.memory_space<hbm>> -> memref<10000x128xf32, #tpu.memory_space<hbm>>
    tpu.enqueue_indirect_dma source(%dma_start3A_193 : memref<10000x128xf32, #tpu.memory_space<hbm>>) target(%dma_start3A_187 : memref<80x128xf32, #tpu.memory_space<vmem>>) offsets(%dma_start3A_190 : memref<80xi32, #tpu.memory_space<vmem>>) semaphore(%arg15 : memref<!tpu.dma_semaphore, #tpu.memory_space<semaphore_mem>>)
    %dma_wait3A_194 = arith.constant 1 : i32
    %dma_wait3A_195 = arith.constant 0 : i32
    %dma_wait3A_196 = tpu.memref_slice %arg7[%dma_wait3A_194, %dma_wait3A_195] : memref<4x80xi32, #tpu.memory_space<vmem>> -> memref<1x80xi32, #tpu.memory_space<vmem>>
    %dma_wait3A_197 = tpu.memref_squeeze %dma_wait3A_196 : memref<1x80xi32, #tpu.memory_space<vmem>> -> memref<80xi32, #tpu.memory_space<vmem>>
    %dma_wait3A_198 = arith.constant 0 : i32
    %dma_wait3A_199 = tpu.memref_slice %arg3[%dma_wait3A_198] : memref<320000xi32, #tpu.memory_space<hbm>> -> memref<80xi32, #tpu.memory_space<hbm>>
    %dma_wait3A_200 = arith.constant 0 : i32
    %dma_wait3A_201 = tpu.memref_slice %arg7[%dma_wait3A_194, %dma_wait3A_200] : memref<4x80xi32, #tpu.memory_space<vmem>> -> memref<1x80xi32, #tpu.memory_space<vmem>>
    %dma_wait3A_202 = tpu.memref_squeeze %dma_wait3A_201 : memref<1x80xi32, #tpu.memory_space<vmem>> -> memref<80xi32, #tpu.memory_space<vmem>>
    %dma_wait3A_203 = arith.constant 0 : i32
    %dma_wait3A_204 = tpu.memref_slice %arg3[%dma_wait3A_203] : memref<320000xi32, #tpu.memory_space<hbm>> -> memref<80xi32, #tpu.memory_space<hbm>>
    tpu.wait_dma2 semaphore(%arg12 : memref<!tpu.dma_semaphore, #tpu.memory_space<semaphore_mem>>) src(%dma_wait3A_204 : memref<80xi32, #tpu.memory_space<hbm>>) dst(%dma_wait3A_202 : memref<80xi32, #tpu.memory_space<vmem>>)
    %dma_wait3A_205 = arith.constant 1 : i32
    %dma_wait3A_206 = arith.constant 0 : i32
    %dma_wait3A_207 = tpu.memref_slice %arg8[%dma_wait3A_205, %dma_wait3A_206] : memref<4x80xi32, #tpu.memory_space<vmem>> -> memref<1x80xi32, #tpu.memory_space<vmem>>
    %dma_wait3A_208 = tpu.memref_squeeze %dma_wait3A_207 : memref<1x80xi32, #tpu.memory_space<vmem>> -> memref<80xi32, #tpu.memory_space<vmem>>
    %dma_wait3A_209 = arith.constant 0 : i32
    %dma_wait3A_210 = tpu.memref_slice %arg4[%dma_wait3A_209] : memref<320000xi32, #tpu.memory_space<hbm>> -> memref<80xi32, #tpu.memory_space<hbm>>
    %dma_wait3A_211 = arith.constant 0 : i32
    %dma_wait3A_212 = tpu.memref_slice %arg8[%dma_wait3A_205, %dma_wait3A_211] : memref<4x80xi32, #tpu.memory_space<vmem>> -> memref<1x80xi32, #tpu.memory_space<vmem>>
    %dma_wait3A_213 = tpu.memref_squeeze %dma_wait3A_212 : memref<1x80xi32, #tpu.memory_space<vmem>> -> memref<80xi32, #tpu.memory_space<vmem>>
    %dma_wait3A_214 = arith.constant 0 : i32
    %dma_wait3A_215 = tpu.memref_slice %arg4[%dma_wait3A_214] : memref<320000xi32, #tpu.memory_space<hbm>> -> memref<80xi32, #tpu.memory_space<hbm>>
    tpu.wait_dma2 semaphore(%arg12 : memref<!tpu.dma_semaphore, #tpu.memory_space<semaphore_mem>>) src(%dma_wait3A_215 : memref<80xi32, #tpu.memory_space<hbm>>) dst(%dma_wait3A_213 : memref<80xi32, #tpu.memory_space<vmem>>)
    %dma_start3A_216 = arith.constant 1 : i32
    %dma_start3A_217 = arith.constant 1 : i32
    %dma_start3A_218 = arith.constant 0 : i32
    %dma_start3A_219 = arith.constant 0 : i32
    %dma_start3A_220 = tpu.memref_slice %arg9[%dma_start3A_217, %dma_start3A_218, %dma_start3A_219] : memref<4x80x128xf32, #tpu.memory_space<vmem>> -> memref<1x80x128xf32, #tpu.memory_space<vmem>>
    %dma_start3A_221 = tpu.memref_squeeze %dma_start3A_220 : memref<1x80x128xf32, #tpu.memory_space<vmem>> -> memref<80x128xf32, #tpu.memory_space<vmem>>
    %dma_start3A_222 = arith.constant 0 : i32
    %dma_start3A_223 = tpu.memref_slice %arg7[%dma_start3A_216, %dma_start3A_222] : memref<4x80xi32, #tpu.memory_space<vmem>> -> memref<1x80xi32, #tpu.memory_space<vmem>>
    %dma_start3A_224 = tpu.memref_squeeze %dma_start3A_223 : memref<1x80xi32, #tpu.memory_space<vmem>> -> memref<80xi32, #tpu.memory_space<vmem>>
    %dma_start3A_225 = arith.constant 0 : i32
    %dma_start3A_226 = arith.constant 0 : i32
    %dma_start3A_227 = tpu.memref_slice %arg2[%dma_start3A_225, %dma_start3A_226] : memref<10000x128xf32, #tpu.memory_space<hbm>> -> memref<10000x128xf32, #tpu.memory_space<hbm>>
    tpu.enqueue_indirect_dma source(%dma_start3A_227 : memref<10000x128xf32, #tpu.memory_space<hbm>>) target(%dma_start3A_221 : memref<80x128xf32, #tpu.memory_space<vmem>>) offsets(%dma_start3A_224 : memref<80xi32, #tpu.memory_space<vmem>>) semaphore(%arg16 : memref<!tpu.dma_semaphore, #tpu.memory_space<semaphore_mem>>)
    %scan3A = arith.constant 0 : i32
    %scan3A_228 = arith.constant 31 : i32
    %scan3A_229 = arith.addi %scan3A, %scan3A_228 : i32
    %scan3A_230 = arith.constant 1 : i32
    scf.for %scan3A_293 = %scan3A to %scan3A_229 step %scan3A_230  : i32 {
      %mul3A_294 = arith.constant 1 : i32
      %mul3A_295 = arith.muli %scan3A_293, %mul3A_294 : i32
      %add3A_296 = arith.constant 0 : i32
      %add3A_297 = arith.addi %add3A_296, %mul3A_295 : i32
      %mul3A_298 = arith.constant 4 : i32
      %mul3A_299 = arith.muli %add3A_297, %mul3A_298 : i32
      %add3A_300 = arith.constant 1 : i32
      %add3A_301 = arith.addi %add3A_300, %mul3A_299 : i32
      %add3A_302 = arith.constant 0 : i32
      %add3A_303 = arith.addi %add3A_301, %add3A_302 : i32
      %dma_wait3A_304 = arith.constant 0 : i32
      %dma_wait3A_305 = arith.constant 0 : i32
      %dma_wait3A_306 = arith.constant 0 : i32
      %dma_wait3A_307 = arith.constant 0 : i32
      %dma_wait3A_308 = tpu.memref_slice %arg9[%dma_wait3A_305, %dma_wait3A_306, %dma_wait3A_307] : memref<4x80x128xf32, #tpu.memory_space<vmem>> -> memref<1x80x128xf32, #tpu.memory_space<vmem>>
      %dma_wait3A_309 = tpu.memref_squeeze %dma_wait3A_308 : memref<1x80x128xf32, #tpu.memory_space<vmem>> -> memref<80x128xf32, #tpu.memory_space<vmem>>
      %dma_wait3A_310 = arith.constant 0 : i32
      %dma_wait3A_311 = tpu.memref_slice %arg7[%dma_wait3A_304, %dma_wait3A_310] : memref<4x80xi32, #tpu.memory_space<vmem>> -> memref<1x80xi32, #tpu.memory_space<vmem>>
      %dma_wait3A_312 = tpu.memref_squeeze %dma_wait3A_311 : memref<1x80xi32, #tpu.memory_space<vmem>> -> memref<80xi32, #tpu.memory_space<vmem>>
      %dma_wait3A_313 = arith.constant 0 : i32
      %dma_wait3A_314 = arith.constant 0 : i32
      %dma_wait3A_315 = tpu.memref_slice %arg2[%dma_wait3A_313, %dma_wait3A_314] : memref<10000x128xf32, #tpu.memory_space<hbm>> -> memref<10000x128xf32, #tpu.memory_space<hbm>>
      tpu.wait_indirect_dma semaphore(%arg15 : memref<!tpu.dma_semaphore, #tpu.memory_space<semaphore_mem>>) src(%dma_wait3A_315 : memref<10000x128xf32, #tpu.memory_space<hbm>>) dst(%dma_wait3A_309 : memref<80x128xf32, #tpu.memory_space<vmem>>)
      %dma_start3A_316 = arith.constant 0 : i32
      %dma_start3A_317 = arith.constant 0 : i32
      %dma_start3A_318 = arith.constant 0 : i32
      %dma_start3A_319 = arith.constant 0 : i32
      %dma_start3A_320 = tpu.memref_slice %arg9[%dma_start3A_316, %dma_start3A_318, %dma_start3A_319] : memref<4x80x128xf32, #tpu.memory_space<vmem>> -> memref<1x80x128xf32, #tpu.memory_space<vmem>>
      %dma_start3A_321 = tpu.memref_squeeze %dma_start3A_320 : memref<1x80x128xf32, #tpu.memory_space<vmem>> -> memref<80x128xf32, #tpu.memory_space<vmem>>
      %dma_start3A_322 = arith.constant 0 : i32
      %dma_start3A_323 = tpu.memref_slice %arg8[%dma_start3A_317, %dma_start3A_322] : memref<4x80xi32, #tpu.memory_space<vmem>> -> memref<1x80xi32, #tpu.memory_space<vmem>>
      %dma_start3A_324 = tpu.memref_squeeze %dma_start3A_323 : memref<1x80xi32, #tpu.memory_space<vmem>> -> memref<80xi32, #tpu.memory_space<vmem>>
      %dma_start3A_325 = arith.constant 0 : i32
      %dma_start3A_326 = arith.constant 0 : i32
      %dma_start3A_327 = tpu.memref_slice %arg10[%dma_start3A_325, %dma_start3A_326] : memref<10000x128xf32, #tpu.memory_space<vmem_shared>> -> memref<10000x128xf32, #tpu.memory_space<vmem_shared>>
      tpu.enqueue_indirect_dma source(%dma_start3A_321 : memref<80x128xf32, #tpu.memory_space<vmem>>) target(%dma_start3A_327 : memref<10000x128xf32, #tpu.memory_space<vmem_shared>>) offsets(%dma_start3A_324 : memref<80xi32, #tpu.memory_space<vmem>>) semaphore(%arg19 : memref<!tpu.dma_semaphore, #tpu.memory_space<semaphore_mem>>) {add = true}
      %add3A_328 = arith.constant 2 : i32
      %add3A_329 = arith.addi %add3A_303, %add3A_328 : i32
      %lt3A = arith.constant 125 : i32
      %lt3A_330 = arith.cmpi slt, %add3A_329, %lt3A : i32
      %convert_element_type3A_331 = arith.extui %lt3A_330 : i1 to i32
      %cond3A_332 = arith.constant 0 : i32
      %cond3A_333 = arith.cmpi ne, %convert_element_type3A_331, %cond3A_332 : i32
      scf.if %cond3A_333 {
        %dma_wait3A_461 = arith.constant 2 : i32
        %dma_wait3A_462 = arith.constant 0 : i32
        %dma_wait3A_463 = tpu.memref_slice %arg7[%dma_wait3A_461, %dma_wait3A_462] : memref<4x80xi32, #tpu.memory_space<vmem>> -> memref<1x80xi32, #tpu.memory_space<vmem>>
        %dma_wait3A_464 = tpu.memref_squeeze %dma_wait3A_463 : memref<1x80xi32, #tpu.memory_space<vmem>> -> memref<80xi32, #tpu.memory_space<vmem>>
        %dma_wait3A_465 = arith.constant 0 : i32
        %dma_wait3A_466 = tpu.memref_slice %arg3[%dma_wait3A_465] : memref<320000xi32, #tpu.memory_space<hbm>> -> memref<80xi32, #tpu.memory_space<hbm>>
        %dma_wait3A_467 = arith.constant 0 : i32
        %dma_wait3A_468 = tpu.memref_slice %arg7[%dma_wait3A_461, %dma_wait3A_467] : memref<4x80xi32, #tpu.memory_space<vmem>> -> memref<1x80xi32, #tpu.memory_space<vmem>>
        %dma_wait3A_469 = tpu.memref_squeeze %dma_wait3A_468 : memref<1x80xi32, #tpu.memory_space<vmem>> -> memref<80xi32, #tpu.memory_space<vmem>>
        %dma_wait3A_470 = arith.constant 0 : i32
        %dma_wait3A_471 = tpu.memref_slice %arg3[%dma_wait3A_470] : memref<320000xi32, #tpu.memory_space<hbm>> -> memref<80xi32, #tpu.memory_space<hbm>>
        tpu.wait_dma2 semaphore(%arg13 : memref<!tpu.dma_semaphore, #tpu.memory_space<semaphore_mem>>) src(%dma_wait3A_471 : memref<80xi32, #tpu.memory_space<hbm>>) dst(%dma_wait3A_469 : memref<80xi32, #tpu.memory_space<vmem>>)
        %dma_wait3A_472 = arith.constant 2 : i32
        %dma_wait3A_473 = arith.constant 0 : i32
        %dma_wait3A_474 = tpu.memref_slice %arg8[%dma_wait3A_472, %dma_wait3A_473] : memref<4x80xi32, #tpu.memory_space<vmem>> -> memref<1x80xi32, #tpu.memory_space<vmem>>
        %dma_wait3A_475 = tpu.memref_squeeze %dma_wait3A_474 : memref<1x80xi32, #tpu.memory_space<vmem>> -> memref<80xi32, #tpu.memory_space<vmem>>
        %dma_wait3A_476 = arith.constant 0 : i32
        %dma_wait3A_477 = tpu.memref_slice %arg4[%dma_wait3A_476] : memref<320000xi32, #tpu.memory_space<hbm>> -> memref<80xi32, #tpu.memory_space<hbm>>
        %dma_wait3A_478 = arith.constant 0 : i32
        %dma_wait3A_479 = tpu.memref_slice %arg8[%dma_wait3A_472, %dma_wait3A_478] : memref<4x80xi32, #tpu.memory_space<vmem>> -> memref<1x80xi32, #tpu.memory_space<vmem>>
        %dma_wait3A_480 = tpu.memref_squeeze %dma_wait3A_479 : memref<1x80xi32, #tpu.memory_space<vmem>> -> memref<80xi32, #tpu.memory_space<vmem>>
        %dma_wait3A_481 = arith.constant 0 : i32
        %dma_wait3A_482 = tpu.memref_slice %arg4[%dma_wait3A_481] : memref<320000xi32, #tpu.memory_space<hbm>> -> memref<80xi32, #tpu.memory_space<hbm>>
        tpu.wait_dma2 semaphore(%arg13 : memref<!tpu.dma_semaphore, #tpu.memory_space<semaphore_mem>>) src(%dma_wait3A_482 : memref<80xi32, #tpu.memory_space<hbm>>) dst(%dma_wait3A_480 : memref<80xi32, #tpu.memory_space<vmem>>)
        %ge3A = arith.constant 3 : i32
        %ge3A_483 = arith.cmpi sge, %add3A_303, %ge3A : i32
        %convert_element_type3A_484 = arith.extui %ge3A_483 : i1 to i32
        %cond3A_485 = arith.constant 0 : i32
        %cond3A_486 = arith.cmpi ne, %convert_element_type3A_484, %cond3A_485 : i32
        scf.if %cond3A_486 {
          %dma_wait3A_499 = arith.constant 2 : i32
          %dma_wait3A_500 = arith.constant 2 : i32
          %dma_wait3A_501 = arith.constant 0 : i32
          %dma_wait3A_502 = arith.constant 0 : i32
          %dma_wait3A_503 = tpu.memref_slice %arg9[%dma_wait3A_499, %dma_wait3A_501, %dma_wait3A_502] : memref<4x80x128xf32, #tpu.memory_space<vmem>> -> memref<1x80x128xf32, #tpu.memory_space<vmem>>
          %dma_wait3A_504 = tpu.memref_squeeze %dma_wait3A_503 : memref<1x80x128xf32, #tpu.memory_space<vmem>> -> memref<80x128xf32, #tpu.memory_space<vmem>>
          %dma_wait3A_505 = arith.constant 0 : i32
          %dma_wait3A_506 = tpu.memref_slice %arg8[%dma_wait3A_500, %dma_wait3A_505] : memref<4x80xi32, #tpu.memory_space<vmem>> -> memref<1x80xi32, #tpu.memory_space<vmem>>
          %dma_wait3A_507 = tpu.memref_squeeze %dma_wait3A_506 : memref<1x80xi32, #tpu.memory_space<vmem>> -> memref<80xi32, #tpu.memory_space<vmem>>
          %dma_wait3A_508 = arith.constant 0 : i32
          %dma_wait3A_509 = arith.constant 0 : i32
          %dma_wait3A_510 = tpu.memref_slice %arg10[%dma_wait3A_508, %dma_wait3A_509] : memref<10000x128xf32, #tpu.memory_space<vmem_shared>> -> memref<10000x128xf32, #tpu.memory_space<vmem_shared>>
          tpu.wait_indirect_dma semaphore(%arg21 : memref<!tpu.dma_semaphore, #tpu.memory_space<semaphore_mem>>) src(%dma_wait3A_504 : memref<80x128xf32, #tpu.memory_space<vmem>>) dst(%dma_wait3A_510 : memref<10000x128xf32, #tpu.memory_space<vmem_shared>>)
        } else {
        }
        %dma_start3A_487 = arith.constant 2 : i32
        %dma_start3A_488 = arith.constant 2 : i32
        %dma_start3A_489 = arith.constant 0 : i32
        %dma_start3A_490 = arith.constant 0 : i32
        %dma_start3A_491 = tpu.memref_slice %arg9[%dma_start3A_488, %dma_start3A_489, %dma_start3A_490] : memref<4x80x128xf32, #tpu.memory_space<vmem>> -> memref<1x80x128xf32, #tpu.memory_space<vmem>>
        %dma_start3A_492 = tpu.memref_squeeze %dma_start3A_491 : memref<1x80x128xf32, #tpu.memory_space<vmem>> -> memref<80x128xf32, #tpu.memory_space<vmem>>
        %dma_start3A_493 = arith.constant 0 : i32
        %dma_start3A_494 = tpu.memref_slice %arg7[%dma_start3A_487, %dma_start3A_493] : memref<4x80xi32, #tpu.memory_space<vmem>> -> memref<1x80xi32, #tpu.memory_space<vmem>>
        %dma_start3A_495 = tpu.memref_squeeze %dma_start3A_494 : memref<1x80xi32, #tpu.memory_space<vmem>> -> memref<80xi32, #tpu.memory_space<vmem>>
        %dma_start3A_496 = arith.constant 0 : i32
        %dma_start3A_497 = arith.constant 0 : i32
        %dma_start3A_498 = tpu.memref_slice %arg2[%dma_start3A_496, %dma_start3A_497] : memref<10000x128xf32, #tpu.memory_space<hbm>> -> memref<10000x128xf32, #tpu.memory_space<hbm>>
        tpu.enqueue_indirect_dma source(%dma_start3A_498 : memref<10000x128xf32, #tpu.memory_space<hbm>>) target(%dma_start3A_492 : memref<80x128xf32, #tpu.memory_space<vmem>>) offsets(%dma_start3A_495 : memref<80xi32, #tpu.memory_space<vmem>>) semaphore(%arg17 : memref<!tpu.dma_semaphore, #tpu.memory_space<semaphore_mem>>)
      } else {
      }
      %add3A_334 = arith.constant 3 : i32
      %add3A_335 = arith.addi %add3A_303, %add3A_334 : i32
      %lt3A_336 = arith.constant 125 : i32
      %lt3A_337 = arith.cmpi slt, %add3A_335, %lt3A_336 : i32
      %convert_element_type3A_338 = arith.extui %lt3A_337 : i1 to i32
      %cond3A_339 = arith.constant 0 : i32
      %cond3A_340 = arith.cmpi ne, %convert_element_type3A_338, %cond3A_339 : i32
      scf.if %cond3A_340 {
        %add3A_461 = arith.constant 3 : i32
        %add3A_462 = arith.addi %add3A_303, %add3A_461 : i32
        %mul3A_463 = arith.constant 80 : i32
        %mul3A_464 = arith.muli %add3A_462, %mul3A_463 : i32
        %add3A_465 = arith.addi %mul3A_2, %mul3A_464 : i32
        %multiple_of3A_466 = tpu.assume_multiple %add3A_465, 8 : i32
        %dma_start3A_467 = arith.constant 3 : i32
        %dma_start3A_468 = arith.constant 0 : i32
        %dma_start3A_469 = tpu.memref_slice %arg7[%dma_start3A_467, %dma_start3A_468] : memref<4x80xi32, #tpu.memory_space<vmem>> -> memref<1x80xi32, #tpu.memory_space<vmem>>
        %dma_start3A_470 = tpu.memref_squeeze %dma_start3A_469 : memref<1x80xi32, #tpu.memory_space<vmem>> -> memref<80xi32, #tpu.memory_space<vmem>>
        %dma_start3A_471 = tpu.memref_slice %arg3[%multiple_of3A_466] : memref<320000xi32, #tpu.memory_space<hbm>> -> memref<80xi32, #tpu.memory_space<hbm>>
        %dma_start3A_472 = arith.constant 0 : i32
        %dma_start3A_473 = tpu.memref_slice %arg7[%dma_start3A_467, %dma_start3A_472] : memref<4x80xi32, #tpu.memory_space<vmem>> -> memref<1x80xi32, #tpu.memory_space<vmem>>
        %dma_start3A_474 = tpu.memref_squeeze %dma_start3A_473 : memref<1x80xi32, #tpu.memory_space<vmem>> -> memref<80xi32, #tpu.memory_space<vmem>>
        %dma_start3A_475 = tpu.memref_slice %arg3[%multiple_of3A_466] : memref<320000xi32, #tpu.memory_space<hbm>> -> memref<80xi32, #tpu.memory_space<hbm>>
        tpu.enqueue_dma source(%dma_start3A_475 : memref<80xi32, #tpu.memory_space<hbm>>) target(%dma_start3A_474 : memref<80xi32, #tpu.memory_space<vmem>>) target_semaphore(%arg14 : memref<!tpu.dma_semaphore, #tpu.memory_space<semaphore_mem>>)
        %dma_start3A_476 = arith.constant 3 : i32
        %dma_start3A_477 = arith.constant 0 : i32
        %dma_start3A_478 = tpu.memref_slice %arg8[%dma_start3A_476, %dma_start3A_477] : memref<4x80xi32, #tpu.memory_space<vmem>> -> memref<1x80xi32, #tpu.memory_space<vmem>>
        %dma_start3A_479 = tpu.memref_squeeze %dma_start3A_478 : memref<1x80xi32, #tpu.memory_space<vmem>> -> memref<80xi32, #tpu.memory_space<vmem>>
        %dma_start3A_480 = tpu.memref_slice %arg4[%multiple_of3A_466] : memref<320000xi32, #tpu.memory_space<hbm>> -> memref<80xi32, #tpu.memory_space<hbm>>
        %dma_start3A_481 = arith.constant 0 : i32
        %dma_start3A_482 = tpu.memref_slice %arg8[%dma_start3A_476, %dma_start3A_481] : memref<4x80xi32, #tpu.memory_space<vmem>> -> memref<1x80xi32, #tpu.memory_space<vmem>>
        %dma_start3A_483 = tpu.memref_squeeze %dma_start3A_482 : memref<1x80xi32, #tpu.memory_space<vmem>> -> memref<80xi32, #tpu.memory_space<vmem>>
        %dma_start3A_484 = tpu.memref_slice %arg4[%multiple_of3A_466] : memref<320000xi32, #tpu.memory_space<hbm>> -> memref<80xi32, #tpu.memory_space<hbm>>
        tpu.enqueue_dma source(%dma_start3A_484 : memref<80xi32, #tpu.memory_space<hbm>>) target(%dma_start3A_483 : memref<80xi32, #tpu.memory_space<vmem>>) target_semaphore(%arg14 : memref<!tpu.dma_semaphore, #tpu.memory_space<semaphore_mem>>)
      } else {
      }
      %add3A_341 = arith.constant 1 : i32
      %add3A_342 = arith.addi %add3A_301, %add3A_341 : i32
      %dma_wait3A_343 = arith.constant 1 : i32
      %dma_wait3A_344 = arith.constant 1 : i32
      %dma_wait3A_345 = arith.constant 0 : i32
      %dma_wait3A_346 = arith.constant 0 : i32
      %dma_wait3A_347 = tpu.memref_slice %arg9[%dma_wait3A_344, %dma_wait3A_345, %dma_wait3A_346] : memref<4x80x128xf32, #tpu.memory_space<vmem>> -> memref<1x80x128xf32, #tpu.memory_space<vmem>>
      %dma_wait3A_348 = tpu.memref_squeeze %dma_wait3A_347 : memref<1x80x128xf32, #tpu.memory_space<vmem>> -> memref<80x128xf32, #tpu.memory_space<vmem>>
      %dma_wait3A_349 = arith.constant 0 : i32
      %dma_wait3A_350 = tpu.memref_slice %arg7[%dma_wait3A_343, %dma_wait3A_349] : memref<4x80xi32, #tpu.memory_space<vmem>> -> memref<1x80xi32, #tpu.memory_space<vmem>>
      %dma_wait3A_351 = tpu.memref_squeeze %dma_wait3A_350 : memref<1x80xi32, #tpu.memory_space<vmem>> -> memref<80xi32, #tpu.memory_space<vmem>>
      %dma_wait3A_352 = arith.constant 0 : i32
      %dma_wait3A_353 = arith.constant 0 : i32
      %dma_wait3A_354 = tpu.memref_slice %arg2[%dma_wait3A_352, %dma_wait3A_353] : memref<10000x128xf32, #tpu.memory_space<hbm>> -> memref<10000x128xf32, #tpu.memory_space<hbm>>
      tpu.wait_indirect_dma semaphore(%arg16 : memref<!tpu.dma_semaphore, #tpu.memory_space<semaphore_mem>>) src(%dma_wait3A_354 : memref<10000x128xf32, #tpu.memory_space<hbm>>) dst(%dma_wait3A_348 : memref<80x128xf32, #tpu.memory_space<vmem>>)
      %dma_start3A_355 = arith.constant 1 : i32
      %dma_start3A_356 = arith.constant 1 : i32
      %dma_start3A_357 = arith.constant 0 : i32
      %dma_start3A_358 = arith.constant 0 : i32
      %dma_start3A_359 = tpu.memref_slice %arg9[%dma_start3A_355, %dma_start3A_357, %dma_start3A_358] : memref<4x80x128xf32, #tpu.memory_space<vmem>> -> memref<1x80x128xf32, #tpu.memory_space<vmem>>
      %dma_start3A_360 = tpu.memref_squeeze %dma_start3A_359 : memref<1x80x128xf32, #tpu.memory_space<vmem>> -> memref<80x128xf32, #tpu.memory_space<vmem>>
      %dma_start3A_361 = arith.constant 0 : i32
      %dma_start3A_362 = tpu.memref_slice %arg8[%dma_start3A_356, %dma_start3A_361] : memref<4x80xi32, #tpu.memory_space<vmem>> -> memref<1x80xi32, #tpu.memory_space<vmem>>
      %dma_start3A_363 = tpu.memref_squeeze %dma_start3A_362 : memref<1x80xi32, #tpu.memory_space<vmem>> -> memref<80xi32, #tpu.memory_space<vmem>>
      %dma_start3A_364 = arith.constant 0 : i32
      %dma_start3A_365 = arith.constant 0 : i32
      %dma_start3A_366 = tpu.memref_slice %arg10[%dma_start3A_364, %dma_start3A_365] : memref<10000x128xf32, #tpu.memory_space<vmem_shared>> -> memref<10000x128xf32, #tpu.memory_space<vmem_shared>>
      tpu.enqueue_indirect_dma source(%dma_start3A_360 : memref<80x128xf32, #tpu.memory_space<vmem>>) target(%dma_start3A_366 : memref<10000x128xf32, #tpu.memory_space<vmem_shared>>) offsets(%dma_start3A_363 : memref<80xi32, #tpu.memory_space<vmem>>) semaphore(%arg20 : memref<!tpu.dma_semaphore, #tpu.memory_space<semaphore_mem>>) {add = true}
      %add3A_367 = arith.constant 2 : i32
      %add3A_368 = arith.addi %add3A_342, %add3A_367 : i32
      %lt3A_369 = arith.constant 125 : i32
      %lt3A_370 = arith.cmpi slt, %add3A_368, %lt3A_369 : i32
      %convert_element_type3A_371 = arith.extui %lt3A_370 : i1 to i32
      %cond3A_372 = arith.constant 0 : i32
      %cond3A_373 = arith.cmpi ne, %convert_element_type3A_371, %cond3A_372 : i32
      scf.if %cond3A_373 {
        %dma_wait3A_461 = arith.constant 3 : i32
        %dma_wait3A_462 = arith.constant 0 : i32
        %dma_wait3A_463 = tpu.memref_slice %arg7[%dma_wait3A_461, %dma_wait3A_462] : memref<4x80xi32, #tpu.memory_space<vmem>> -> memref<1x80xi32, #tpu.memory_space<vmem>>
        %dma_wait3A_464 = tpu.memref_squeeze %dma_wait3A_463 : memref<1x80xi32, #tpu.memory_space<vmem>> -> memref<80xi32, #tpu.memory_space<vmem>>
        %dma_wait3A_465 = arith.constant 0 : i32
        %dma_wait3A_466 = tpu.memref_slice %arg3[%dma_wait3A_465] : memref<320000xi32, #tpu.memory_space<hbm>> -> memref<80xi32, #tpu.memory_space<hbm>>
        %dma_wait3A_467 = arith.constant 0 : i32
        %dma_wait3A_468 = tpu.memref_slice %arg7[%dma_wait3A_461, %dma_wait3A_467] : memref<4x80xi32, #tpu.memory_space<vmem>> -> memref<1x80xi32, #tpu.memory_space<vmem>>
        %dma_wait3A_469 = tpu.memref_squeeze %dma_wait3A_468 : memref<1x80xi32, #tpu.memory_space<vmem>> -> memref<80xi32, #tpu.memory_space<vmem>>
        %dma_wait3A_470 = arith.constant 0 : i32
        %dma_wait3A_471 = tpu.memref_slice %arg3[%dma_wait3A_470] : memref<320000xi32, #tpu.memory_space<hbm>> -> memref<80xi32, #tpu.memory_space<hbm>>
        tpu.wait_dma2 semaphore(%arg14 : memref<!tpu.dma_semaphore, #tpu.memory_space<semaphore_mem>>) src(%dma_wait3A_471 : memref<80xi32, #tpu.memory_space<hbm>>) dst(%dma_wait3A_469 : memref<80xi32, #tpu.memory_space<vmem>>)
        %dma_wait3A_472 = arith.constant 3 : i32
        %dma_wait3A_473 = arith.constant 0 : i32
        %dma_wait3A_474 = tpu.memref_slice %arg8[%dma_wait3A_472, %dma_wait3A_473] : memref<4x80xi32, #tpu.memory_space<vmem>> -> memref<1x80xi32, #tpu.memory_space<vmem>>
        %dma_wait3A_475 = tpu.memref_squeeze %dma_wait3A_474 : memref<1x80xi32, #tpu.memory_space<vmem>> -> memref<80xi32, #tpu.memory_space<vmem>>
        %dma_wait3A_476 = arith.constant 0 : i32
        %dma_wait3A_477 = tpu.memref_slice %arg4[%dma_wait3A_476] : memref<320000xi32, #tpu.memory_space<hbm>> -> memref<80xi32, #tpu.memory_space<hbm>>
        %dma_wait3A_478 = arith.constant 0 : i32
        %dma_wait3A_479 = tpu.memref_slice %arg8[%dma_wait3A_472, %dma_wait3A_478] : memref<4x80xi32, #tpu.memory_space<vmem>> -> memref<1x80xi32, #tpu.memory_space<vmem>>
        %dma_wait3A_480 = tpu.memref_squeeze %dma_wait3A_479 : memref<1x80xi32, #tpu.memory_space<vmem>> -> memref<80xi32, #tpu.memory_space<vmem>>
        %dma_wait3A_481 = arith.constant 0 : i32
        %dma_wait3A_482 = tpu.memref_slice %arg4[%dma_wait3A_481] : memref<320000xi32, #tpu.memory_space<hbm>> -> memref<80xi32, #tpu.memory_space<hbm>>
        tpu.wait_dma2 semaphore(%arg14 : memref<!tpu.dma_semaphore, #tpu.memory_space<semaphore_mem>>) src(%dma_wait3A_482 : memref<80xi32, #tpu.memory_space<hbm>>) dst(%dma_wait3A_480 : memref<80xi32, #tpu.memory_space<vmem>>)
        %ge3A = arith.constant 3 : i32
        %ge3A_483 = arith.cmpi sge, %add3A_342, %ge3A : i32
        %convert_element_type3A_484 = arith.extui %ge3A_483 : i1 to i32
        %cond3A_485 = arith.constant 0 : i32
        %cond3A_486 = arith.cmpi ne, %convert_element_type3A_484, %cond3A_485 : i32
        scf.if %cond3A_486 {
          %dma_wait3A_499 = arith.constant 3 : i32
          %dma_wait3A_500 = arith.constant 3 : i32
          %dma_wait3A_501 = arith.constant 0 : i32
          %dma_wait3A_502 = arith.constant 0 : i32
          %dma_wait3A_503 = tpu.memref_slice %arg9[%dma_wait3A_499, %dma_wait3A_501, %dma_wait3A_502] : memref<4x80x128xf32, #tpu.memory_space<vmem>> -> memref<1x80x128xf32, #tpu.memory_space<vmem>>
          %dma_wait3A_504 = tpu.memref_squeeze %dma_wait3A_503 : memref<1x80x128xf32, #tpu.memory_space<vmem>> -> memref<80x128xf32, #tpu.memory_space<vmem>>
          %dma_wait3A_505 = arith.constant 0 : i32
          %dma_wait3A_506 = tpu.memref_slice %arg8[%dma_wait3A_500, %dma_wait3A_505] : memref<4x80xi32, #tpu.memory_space<vmem>> -> memref<1x80xi32, #tpu.memory_space<vmem>>
          %dma_wait3A_507 = tpu.memref_squeeze %dma_wait3A_506 : memref<1x80xi32, #tpu.memory_space<vmem>> -> memref<80xi32, #tpu.memory_space<vmem>>
          %dma_wait3A_508 = arith.constant 0 : i32
          %dma_wait3A_509 = arith.constant 0 : i32
          %dma_wait3A_510 = tpu.memref_slice %arg10[%dma_wait3A_508, %dma_wait3A_509] : memref<10000x128xf32, #tpu.memory_space<vmem_shared>> -> memref<10000x128xf32, #tpu.memory_space<vmem_shared>>
          tpu.wait_indirect_dma semaphore(%arg22 : memref<!tpu.dma_semaphore, #tpu.memory_space<semaphore_mem>>) src(%dma_wait3A_504 : memref<80x128xf32, #tpu.memory_space<vmem>>) dst(%dma_wait3A_510 : memref<10000x128xf32, #tpu.memory_space<vmem_shared>>)
        } else {
        }
        %dma_start3A_487 = arith.constant 3 : i32
        %dma_start3A_488 = arith.constant 3 : i32
        %dma_start3A_489 = arith.constant 0 : i32
        %dma_start3A_490 = arith.constant 0 : i32
        %dma_start3A_491 = tpu.memref_slice %arg9[%dma_start3A_488, %dma_start3A_489, %dma_start3A_490] : memref<4x80x128xf32, #tpu.memory_space<vmem>> -> memref<1x80x128xf32, #tpu.memory_space<vmem>>
        %dma_start3A_492 = tpu.memref_squeeze %dma_start3A_491 : memref<1x80x128xf32, #tpu.memory_space<vmem>> -> memref<80x128xf32, #tpu.memory_space<vmem>>
        %dma_start3A_493 = arith.constant 0 : i32
        %dma_start3A_494 = tpu.memref_slice %arg7[%dma_start3A_487, %dma_start3A_493] : memref<4x80xi32, #tpu.memory_space<vmem>> -> memref<1x80xi32, #tpu.memory_space<vmem>>
        %dma_start3A_495 = tpu.memref_squeeze %dma_start3A_494 : memref<1x80xi32, #tpu.memory_space<vmem>> -> memref<80xi32, #tpu.memory_space<vmem>>
        %dma_start3A_496 = arith.constant 0 : i32
        %dma_start3A_497 = arith.constant 0 : i32
        %dma_start3A_498 = tpu.memref_slice %arg2[%dma_start3A_496, %dma_start3A_497] : memref<10000x128xf32, #tpu.memory_space<hbm>> -> memref<10000x128xf32, #tpu.memory_space<hbm>>
        tpu.enqueue_indirect_dma source(%dma_start3A_498 : memref<10000x128xf32, #tpu.memory_space<hbm>>) target(%dma_start3A_492 : memref<80x128xf32, #tpu.memory_space<vmem>>) offsets(%dma_start3A_495 : memref<80xi32, #tpu.memory_space<vmem>>) semaphore(%arg18 : memref<!tpu.dma_semaphore, #tpu.memory_space<semaphore_mem>>)
      } else {
      }
      %add3A_374 = arith.constant 3 : i32
      %add3A_375 = arith.addi %add3A_342, %add3A_374 : i32
      %lt3A_376 = arith.constant 125 : i32
      %lt3A_377 = arith.cmpi slt, %add3A_375, %lt3A_376 : i32
      %convert_element_type3A_378 = arith.extui %lt3A_377 : i1 to i32
      %cond3A_379 = arith.constant 0 : i32
      %cond3A_380 = arith.cmpi ne, %convert_element_type3A_378, %cond3A_379 : i32
      scf.if %cond3A_380 {
        %add3A_461 = arith.constant 3 : i32
        %add3A_462 = arith.addi %add3A_342, %add3A_461 : i32
        %mul3A_463 = arith.constant 80 : i32
        %mul3A_464 = arith.muli %add3A_462, %mul3A_463 : i32
        %add3A_465 = arith.addi %mul3A_2, %mul3A_464 : i32
        %multiple_of3A_466 = tpu.assume_multiple %add3A_465, 8 : i32
        %dma_start3A_467 = arith.constant 0 : i32
        %dma_start3A_468 = arith.constant 0 : i32
        %dma_start3A_469 = tpu.memref_slice %arg7[%dma_start3A_467, %dma_start3A_468] : memref<4x80xi32, #tpu.memory_space<vmem>> -> memref<1x80xi32, #tpu.memory_space<vmem>>
        %dma_start3A_470 = tpu.memref_squeeze %dma_start3A_469 : memref<1x80xi32, #tpu.memory_space<vmem>> -> memref<80xi32, #tpu.memory_space<vmem>>
        %dma_start3A_471 = tpu.memref_slice %arg3[%multiple_of3A_466] : memref<320000xi32, #tpu.memory_space<hbm>> -> memref<80xi32, #tpu.memory_space<hbm>>
        %dma_start3A_472 = arith.constant 0 : i32
        %dma_start3A_473 = tpu.memref_slice %arg7[%dma_start3A_467, %dma_start3A_472] : memref<4x80xi32, #tpu.memory_space<vmem>> -> memref<1x80xi32, #tpu.memory_space<vmem>>
        %dma_start3A_474 = tpu.memref_squeeze %dma_start3A_473 : memref<1x80xi32, #tpu.memory_space<vmem>> -> memref<80xi32, #tpu.memory_space<vmem>>
        %dma_start3A_475 = tpu.memref_slice %arg3[%multiple_of3A_466] : memref<320000xi32, #tpu.memory_space<hbm>> -> memref<80xi32, #tpu.memory_space<hbm>>
        tpu.enqueue_dma source(%dma_start3A_475 : memref<80xi32, #tpu.memory_space<hbm>>) target(%dma_start3A_474 : memref<80xi32, #tpu.memory_space<vmem>>) target_semaphore(%arg11 : memref<!tpu.dma_semaphore, #tpu.memory_space<semaphore_mem>>)
        %dma_start3A_476 = arith.constant 0 : i32
        %dma_start3A_477 = arith.constant 0 : i32
        %dma_start3A_478 = tpu.memref_slice %arg8[%dma_start3A_476, %dma_start3A_477] : memref<4x80xi32, #tpu.memory_space<vmem>> -> memref<1x80xi32, #tpu.memory_space<vmem>>
        %dma_start3A_479 = tpu.memref_squeeze %dma_start3A_478 : memref<1x80xi32, #tpu.memory_space<vmem>> -> memref<80xi32, #tpu.memory_space<vmem>>
        %dma_start3A_480 = tpu.memref_slice %arg4[%multiple_of3A_466] : memref<320000xi32, #tpu.memory_space<hbm>> -> memref<80xi32, #tpu.memory_space<hbm>>
        %dma_start3A_481 = arith.constant 0 : i32
        %dma_start3A_482 = tpu.memref_slice %arg8[%dma_start3A_476, %dma_start3A_481] : memref<4x80xi32, #tpu.memory_space<vmem>> -> memref<1x80xi32, #tpu.memory_space<vmem>>
        %dma_start3A_483 = tpu.memref_squeeze %dma_start3A_482 : memref<1x80xi32, #tpu.memory_space<vmem>> -> memref<80xi32, #tpu.memory_space<vmem>>
        %dma_start3A_484 = tpu.memref_slice %arg4[%multiple_of3A_466] : memref<320000xi32, #tpu.memory_space<hbm>> -> memref<80xi32, #tpu.memory_space<hbm>>
        tpu.enqueue_dma source(%dma_start3A_484 : memref<80xi32, #tpu.memory_space<hbm>>) target(%dma_start3A_483 : memref<80xi32, #tpu.memory_space<vmem>>) target_semaphore(%arg11 : memref<!tpu.dma_semaphore, #tpu.memory_space<semaphore_mem>>)
      } else {
      }
      %add3A_381 = arith.constant 2 : i32
      %add3A_382 = arith.addi %add3A_301, %add3A_381 : i32
      %dma_wait3A_383 = arith.constant 2 : i32
      %dma_wait3A_384 = arith.constant 2 : i32
      %dma_wait3A_385 = arith.constant 0 : i32
      %dma_wait3A_386 = arith.constant 0 : i32
      %dma_wait3A_387 = tpu.memref_slice %arg9[%dma_wait3A_384, %dma_wait3A_385, %dma_wait3A_386] : memref<4x80x128xf32, #tpu.memory_space<vmem>> -> memref<1x80x128xf32, #tpu.memory_space<vmem>>
      %dma_wait3A_388 = tpu.memref_squeeze %dma_wait3A_387 : memref<1x80x128xf32, #tpu.memory_space<vmem>> -> memref<80x128xf32, #tpu.memory_space<vmem>>
      %dma_wait3A_389 = arith.constant 0 : i32
      %dma_wait3A_390 = tpu.memref_slice %arg7[%dma_wait3A_383, %dma_wait3A_389] : memref<4x80xi32, #tpu.memory_space<vmem>> -> memref<1x80xi32, #tpu.memory_space<vmem>>
      %dma_wait3A_391 = tpu.memref_squeeze %dma_wait3A_390 : memref<1x80xi32, #tpu.memory_space<vmem>> -> memref<80xi32, #tpu.memory_space<vmem>>
      %dma_wait3A_392 = arith.constant 0 : i32
      %dma_wait3A_393 = arith.constant 0 : i32
      %dma_wait3A_394 = tpu.memref_slice %arg2[%dma_wait3A_392, %dma_wait3A_393] : memref<10000x128xf32, #tpu.memory_space<hbm>> -> memref<10000x128xf32, #tpu.memory_space<hbm>>
      tpu.wait_indirect_dma semaphore(%arg17 : memref<!tpu.dma_semaphore, #tpu.memory_space<semaphore_mem>>) src(%dma_wait3A_394 : memref<10000x128xf32, #tpu.memory_space<hbm>>) dst(%dma_wait3A_388 : memref<80x128xf32, #tpu.memory_space<vmem>>)
      %dma_start3A_395 = arith.constant 2 : i32
      %dma_start3A_396 = arith.constant 2 : i32
      %dma_start3A_397 = arith.constant 0 : i32
      %dma_start3A_398 = arith.constant 0 : i32
      %dma_start3A_399 = tpu.memref_slice %arg9[%dma_start3A_395, %dma_start3A_397, %dma_start3A_398] : memref<4x80x128xf32, #tpu.memory_space<vmem>> -> memref<1x80x128xf32, #tpu.memory_space<vmem>>
      %dma_start3A_400 = tpu.memref_squeeze %dma_start3A_399 : memref<1x80x128xf32, #tpu.memory_space<vmem>> -> memref<80x128xf32, #tpu.memory_space<vmem>>
      %dma_start3A_401 = arith.constant 0 : i32
      %dma_start3A_402 = tpu.memref_slice %arg8[%dma_start3A_396, %dma_start3A_401] : memref<4x80xi32, #tpu.memory_space<vmem>> -> memref<1x80xi32, #tpu.memory_space<vmem>>
      %dma_start3A_403 = tpu.memref_squeeze %dma_start3A_402 : memref<1x80xi32, #tpu.memory_space<vmem>> -> memref<80xi32, #tpu.memory_space<vmem>>
      %dma_start3A_404 = arith.constant 0 : i32
      %dma_start3A_405 = arith.constant 0 : i32
      %dma_start3A_406 = tpu.memref_slice %arg10[%dma_start3A_404, %dma_start3A_405] : memref<10000x128xf32, #tpu.memory_space<vmem_shared>> -> memref<10000x128xf32, #tpu.memory_space<vmem_shared>>
      tpu.enqueue_indirect_dma source(%dma_start3A_400 : memref<80x128xf32, #tpu.memory_space<vmem>>) target(%dma_start3A_406 : memref<10000x128xf32, #tpu.memory_space<vmem_shared>>) offsets(%dma_start3A_403 : memref<80xi32, #tpu.memory_space<vmem>>) semaphore(%arg21 : memref<!tpu.dma_semaphore, #tpu.memory_space<semaphore_mem>>) {add = true}
      %add3A_407 = arith.constant 2 : i32
      %add3A_408 = arith.addi %add3A_382, %add3A_407 : i32
      %lt3A_409 = arith.constant 125 : i32
      %lt3A_410 = arith.cmpi slt, %add3A_408, %lt3A_409 : i32
      %convert_element_type3A_411 = arith.extui %lt3A_410 : i1 to i32
      %cond3A_412 = arith.constant 0 : i32
      %cond3A_413 = arith.cmpi ne, %convert_element_type3A_411, %cond3A_412 : i32
      scf.if %cond3A_413 {
        %dma_wait3A_461 = arith.constant 0 : i32
        %dma_wait3A_462 = arith.constant 0 : i32
        %dma_wait3A_463 = tpu.memref_slice %arg7[%dma_wait3A_461, %dma_wait3A_462] : memref<4x80xi32, #tpu.memory_space<vmem>> -> memref<1x80xi32, #tpu.memory_space<vmem>>
        %dma_wait3A_464 = tpu.memref_squeeze %dma_wait3A_463 : memref<1x80xi32, #tpu.memory_space<vmem>> -> memref<80xi32, #tpu.memory_space<vmem>>
        %dma_wait3A_465 = arith.constant 0 : i32
        %dma_wait3A_466 = tpu.memref_slice %arg3[%dma_wait3A_465] : memref<320000xi32, #tpu.memory_space<hbm>> -> memref<80xi32, #tpu.memory_space<hbm>>
        %dma_wait3A_467 = arith.constant 0 : i32
        %dma_wait3A_468 = tpu.memref_slice %arg7[%dma_wait3A_461, %dma_wait3A_467] : memref<4x80xi32, #tpu.memory_space<vmem>> -> memref<1x80xi32, #tpu.memory_space<vmem>>
        %dma_wait3A_469 = tpu.memref_squeeze %dma_wait3A_468 : memref<1x80xi32, #tpu.memory_space<vmem>> -> memref<80xi32, #tpu.memory_space<vmem>>
        %dma_wait3A_470 = arith.constant 0 : i32
        %dma_wait3A_471 = tpu.memref_slice %arg3[%dma_wait3A_470] : memref<320000xi32, #tpu.memory_space<hbm>> -> memref<80xi32, #tpu.memory_space<hbm>>
        tpu.wait_dma2 semaphore(%arg11 : memref<!tpu.dma_semaphore, #tpu.memory_space<semaphore_mem>>) src(%dma_wait3A_471 : memref<80xi32, #tpu.memory_space<hbm>>) dst(%dma_wait3A_469 : memref<80xi32, #tpu.memory_space<vmem>>)
        %dma_wait3A_472 = arith.constant 0 : i32
        %dma_wait3A_473 = arith.constant 0 : i32
        %dma_wait3A_474 = tpu.memref_slice %arg8[%dma_wait3A_472, %dma_wait3A_473] : memref<4x80xi32, #tpu.memory_space<vmem>> -> memref<1x80xi32, #tpu.memory_space<vmem>>
        %dma_wait3A_475 = tpu.memref_squeeze %dma_wait3A_474 : memref<1x80xi32, #tpu.memory_space<vmem>> -> memref<80xi32, #tpu.memory_space<vmem>>
        %dma_wait3A_476 = arith.constant 0 : i32
        %dma_wait3A_477 = tpu.memref_slice %arg4[%dma_wait3A_476] : memref<320000xi32, #tpu.memory_space<hbm>> -> memref<80xi32, #tpu.memory_space<hbm>>
        %dma_wait3A_478 = arith.constant 0 : i32
        %dma_wait3A_479 = tpu.memref_slice %arg8[%dma_wait3A_472, %dma_wait3A_478] : memref<4x80xi32, #tpu.memory_space<vmem>> -> memref<1x80xi32, #tpu.memory_space<vmem>>
        %dma_wait3A_480 = tpu.memref_squeeze %dma_wait3A_479 : memref<1x80xi32, #tpu.memory_space<vmem>> -> memref<80xi32, #tpu.memory_space<vmem>>
        %dma_wait3A_481 = arith.constant 0 : i32
        %dma_wait3A_482 = tpu.memref_slice %arg4[%dma_wait3A_481] : memref<320000xi32, #tpu.memory_space<hbm>> -> memref<80xi32, #tpu.memory_space<hbm>>
        tpu.wait_dma2 semaphore(%arg11 : memref<!tpu.dma_semaphore, #tpu.memory_space<semaphore_mem>>) src(%dma_wait3A_482 : memref<80xi32, #tpu.memory_space<hbm>>) dst(%dma_wait3A_480 : memref<80xi32, #tpu.memory_space<vmem>>)
        %ge3A = arith.constant 3 : i32
        %ge3A_483 = arith.cmpi sge, %add3A_382, %ge3A : i32
        %convert_element_type3A_484 = arith.extui %ge3A_483 : i1 to i32
        %cond3A_485 = arith.constant 0 : i32
        %cond3A_486 = arith.cmpi ne, %convert_element_type3A_484, %cond3A_485 : i32
        scf.if %cond3A_486 {
          %dma_wait3A_499 = arith.constant 0 : i32
          %dma_wait3A_500 = arith.constant 0 : i32
          %dma_wait3A_501 = arith.constant 0 : i32
          %dma_wait3A_502 = arith.constant 0 : i32
          %dma_wait3A_503 = tpu.memref_slice %arg9[%dma_wait3A_499, %dma_wait3A_501, %dma_wait3A_502] : memref<4x80x128xf32, #tpu.memory_space<vmem>> -> memref<1x80x128xf32, #tpu.memory_space<vmem>>
          %dma_wait3A_504 = tpu.memref_squeeze %dma_wait3A_503 : memref<1x80x128xf32, #tpu.memory_space<vmem>> -> memref<80x128xf32, #tpu.memory_space<vmem>>
          %dma_wait3A_505 = arith.constant 0 : i32
          %dma_wait3A_506 = tpu.memref_slice %arg8[%dma_wait3A_500, %dma_wait3A_505] : memref<4x80xi32, #tpu.memory_space<vmem>> -> memref<1x80xi32, #tpu.memory_space<vmem>>
          %dma_wait3A_507 = tpu.memref_squeeze %dma_wait3A_506 : memref<1x80xi32, #tpu.memory_space<vmem>> -> memref<80xi32, #tpu.memory_space<vmem>>
          %dma_wait3A_508 = arith.constant 0 : i32
          %dma_wait3A_509 = arith.constant 0 : i32
          %dma_wait3A_510 = tpu.memref_slice %arg10[%dma_wait3A_508, %dma_wait3A_509] : memref<10000x128xf32, #tpu.memory_space<vmem_shared>> -> memref<10000x128xf32, #tpu.memory_space<vmem_shared>>
          tpu.wait_indirect_dma semaphore(%arg19 : memref<!tpu.dma_semaphore, #tpu.memory_space<semaphore_mem>>) src(%dma_wait3A_504 : memref<80x128xf32, #tpu.memory_space<vmem>>) dst(%dma_wait3A_510 : memref<10000x128xf32, #tpu.memory_space<vmem_shared>>)
        } else {
        }
        %dma_start3A_487 = arith.constant 0 : i32
        %dma_start3A_488 = arith.constant 0 : i32
        %dma_start3A_489 = arith.constant 0 : i32
        %dma_start3A_490 = arith.constant 0 : i32
        %dma_start3A_491 = tpu.memref_slice %arg9[%dma_start3A_488, %dma_start3A_489, %dma_start3A_490] : memref<4x80x128xf32, #tpu.memory_space<vmem>> -> memref<1x80x128xf32, #tpu.memory_space<vmem>>
        %dma_start3A_492 = tpu.memref_squeeze %dma_start3A_491 : memref<1x80x128xf32, #tpu.memory_space<vmem>> -> memref<80x128xf32, #tpu.memory_space<vmem>>
        %dma_start3A_493 = arith.constant 0 : i32
        %dma_start3A_494 = tpu.memref_slice %arg7[%dma_start3A_487, %dma_start3A_493] : memref<4x80xi32, #tpu.memory_space<vmem>> -> memref<1x80xi32, #tpu.memory_space<vmem>>
        %dma_start3A_495 = tpu.memref_squeeze %dma_start3A_494 : memref<1x80xi32, #tpu.memory_space<vmem>> -> memref<80xi32, #tpu.memory_space<vmem>>
        %dma_start3A_496 = arith.constant 0 : i32
        %dma_start3A_497 = arith.constant 0 : i32
        %dma_start3A_498 = tpu.memref_slice %arg2[%dma_start3A_496, %dma_start3A_497] : memref<10000x128xf32, #tpu.memory_space<hbm>> -> memref<10000x128xf32, #tpu.memory_space<hbm>>
        tpu.enqueue_indirect_dma source(%dma_start3A_498 : memref<10000x128xf32, #tpu.memory_space<hbm>>) target(%dma_start3A_492 : memref<80x128xf32, #tpu.memory_space<vmem>>) offsets(%dma_start3A_495 : memref<80xi32, #tpu.memory_space<vmem>>) semaphore(%arg15 : memref<!tpu.dma_semaphore, #tpu.memory_space<semaphore_mem>>)
      } else {
      }
      %add3A_414 = arith.constant 3 : i32
      %add3A_415 = arith.addi %add3A_382, %add3A_414 : i32
      %lt3A_416 = arith.constant 125 : i32
      %lt3A_417 = arith.cmpi slt, %add3A_415, %lt3A_416 : i32
      %convert_element_type3A_418 = arith.extui %lt3A_417 : i1 to i32
      %cond3A_419 = arith.constant 0 : i32
      %cond3A_420 = arith.cmpi ne, %convert_element_type3A_418, %cond3A_419 : i32
      scf.if %cond3A_420 {
        %add3A_461 = arith.constant 3 : i32
        %add3A_462 = arith.addi %add3A_382, %add3A_461 : i32
        %mul3A_463 = arith.constant 80 : i32
        %mul3A_464 = arith.muli %add3A_462, %mul3A_463 : i32
        %add3A_465 = arith.addi %mul3A_2, %mul3A_464 : i32
        %multiple_of3A_466 = tpu.assume_multiple %add3A_465, 8 : i32
        %dma_start3A_467 = arith.constant 1 : i32
        %dma_start3A_468 = arith.constant 0 : i32
        %dma_start3A_469 = tpu.memref_slice %arg7[%dma_start3A_467, %dma_start3A_468] : memref<4x80xi32, #tpu.memory_space<vmem>> -> memref<1x80xi32, #tpu.memory_space<vmem>>
        %dma_start3A_470 = tpu.memref_squeeze %dma_start3A_469 : memref<1x80xi32, #tpu.memory_space<vmem>> -> memref<80xi32, #tpu.memory_space<vmem>>
        %dma_start3A_471 = tpu.memref_slice %arg3[%multiple_of3A_466] : memref<320000xi32, #tpu.memory_space<hbm>> -> memref<80xi32, #tpu.memory_space<hbm>>
        %dma_start3A_472 = arith.constant 0 : i32
        %dma_start3A_473 = tpu.memref_slice %arg7[%dma_start3A_467, %dma_start3A_472] : memref<4x80xi32, #tpu.memory_space<vmem>> -> memref<1x80xi32, #tpu.memory_space<vmem>>
        %dma_start3A_474 = tpu.memref_squeeze %dma_start3A_473 : memref<1x80xi32, #tpu.memory_space<vmem>> -> memref<80xi32, #tpu.memory_space<vmem>>
        %dma_start3A_475 = tpu.memref_slice %arg3[%multiple_of3A_466] : memref<320000xi32, #tpu.memory_space<hbm>> -> memref<80xi32, #tpu.memory_space<hbm>>
        tpu.enqueue_dma source(%dma_start3A_475 : memref<80xi32, #tpu.memory_space<hbm>>) target(%dma_start3A_474 : memref<80xi32, #tpu.memory_space<vmem>>) target_semaphore(%arg12 : memref<!tpu.dma_semaphore, #tpu.memory_space<semaphore_mem>>)
        %dma_start3A_476 = arith.constant 1 : i32
        %dma_start3A_477 = arith.constant 0 : i32
        %dma_start3A_478 = tpu.memref_slice %arg8[%dma_start3A_476, %dma_start3A_477] : memref<4x80xi32, #tpu.memory_space<vmem>> -> memref<1x80xi32, #tpu.memory_space<vmem>>
        %dma_start3A_479 = tpu.memref_squeeze %dma_start3A_478 : memref<1x80xi32, #tpu.memory_space<vmem>> -> memref<80xi32, #tpu.memory_space<vmem>>
        %dma_start3A_480 = tpu.memref_slice %arg4[%multiple_of3A_466] : memref<320000xi32, #tpu.memory_space<hbm>> -> memref<80xi32, #tpu.memory_space<hbm>>
        %dma_start3A_481 = arith.constant 0 : i32
        %dma_start3A_482 = tpu.memref_slice %arg8[%dma_start3A_476, %dma_start3A_481] : memref<4x80xi32, #tpu.memory_space<vmem>> -> memref<1x80xi32, #tpu.memory_space<vmem>>
        %dma_start3A_483 = tpu.memref_squeeze %dma_start3A_482 : memref<1x80xi32, #tpu.memory_space<vmem>> -> memref<80xi32, #tpu.memory_space<vmem>>
        %dma_start3A_484 = tpu.memref_slice %arg4[%multiple_of3A_466] : memref<320000xi32, #tpu.memory_space<hbm>> -> memref<80xi32, #tpu.memory_space<hbm>>
        tpu.enqueue_dma source(%dma_start3A_484 : memref<80xi32, #tpu.memory_space<hbm>>) target(%dma_start3A_483 : memref<80xi32, #tpu.memory_space<vmem>>) target_semaphore(%arg12 : memref<!tpu.dma_semaphore, #tpu.memory_space<semaphore_mem>>)
      } else {
      }
      %add3A_421 = arith.constant 3 : i32
      %add3A_422 = arith.addi %add3A_301, %add3A_421 : i32
      %dma_wait3A_423 = arith.constant 3 : i32
      %dma_wait3A_424 = arith.constant 3 : i32
      %dma_wait3A_425 = arith.constant 0 : i32
      %dma_wait3A_426 = arith.constant 0 : i32
      %dma_wait3A_427 = tpu.memref_slice %arg9[%dma_wait3A_424, %dma_wait3A_425, %dma_wait3A_426] : memref<4x80x128xf32, #tpu.memory_space<vmem>> -> memref<1x80x128xf32, #tpu.memory_space<vmem>>
      %dma_wait3A_428 = tpu.memref_squeeze %dma_wait3A_427 : memref<1x80x128xf32, #tpu.memory_space<vmem>> -> memref<80x128xf32, #tpu.memory_space<vmem>>
      %dma_wait3A_429 = arith.constant 0 : i32
      %dma_wait3A_430 = tpu.memref_slice %arg7[%dma_wait3A_423, %dma_wait3A_429] : memref<4x80xi32, #tpu.memory_space<vmem>> -> memref<1x80xi32, #tpu.memory_space<vmem>>
      %dma_wait3A_431 = tpu.memref_squeeze %dma_wait3A_430 : memref<1x80xi32, #tpu.memory_space<vmem>> -> memref<80xi32, #tpu.memory_space<vmem>>
      %dma_wait3A_432 = arith.constant 0 : i32
      %dma_wait3A_433 = arith.constant 0 : i32
      %dma_wait3A_434 = tpu.memref_slice %arg2[%dma_wait3A_432, %dma_wait3A_433] : memref<10000x128xf32, #tpu.memory_space<hbm>> -> memref<10000x128xf32, #tpu.memory_space<hbm>>
      tpu.wait_indirect_dma semaphore(%arg18 : memref<!tpu.dma_semaphore, #tpu.memory_space<semaphore_mem>>) src(%dma_wait3A_434 : memref<10000x128xf32, #tpu.memory_space<hbm>>) dst(%dma_wait3A_428 : memref<80x128xf32, #tpu.memory_space<vmem>>)
      %dma_start3A_435 = arith.constant 3 : i32
      %dma_start3A_436 = arith.constant 3 : i32
      %dma_start3A_437 = arith.constant 0 : i32
      %dma_start3A_438 = arith.constant 0 : i32
      %dma_start3A_439 = tpu.memref_slice %arg9[%dma_start3A_435, %dma_start3A_437, %dma_start3A_438] : memref<4x80x128xf32, #tpu.memory_space<vmem>> -> memref<1x80x128xf32, #tpu.memory_space<vmem>>
      %dma_start3A_440 = tpu.memref_squeeze %dma_start3A_439 : memref<1x80x128xf32, #tpu.memory_space<vmem>> -> memref<80x128xf32, #tpu.memory_space<vmem>>
      %dma_start3A_441 = arith.constant 0 : i32
      %dma_start3A_442 = tpu.memref_slice %arg8[%dma_start3A_436, %dma_start3A_441] : memref<4x80xi32, #tpu.memory_space<vmem>> -> memref<1x80xi32, #tpu.memory_space<vmem>>
      %dma_start3A_443 = tpu.memref_squeeze %dma_start3A_442 : memref<1x80xi32, #tpu.memory_space<vmem>> -> memref<80xi32, #tpu.memory_space<vmem>>
      %dma_start3A_444 = arith.constant 0 : i32
      %dma_start3A_445 = arith.constant 0 : i32
      %dma_start3A_446 = tpu.memref_slice %arg10[%dma_start3A_444, %dma_start3A_445] : memref<10000x128xf32, #tpu.memory_space<vmem_shared>> -> memref<10000x128xf32, #tpu.memory_space<vmem_shared>>
      tpu.enqueue_indirect_dma source(%dma_start3A_440 : memref<80x128xf32, #tpu.memory_space<vmem>>) target(%dma_start3A_446 : memref<10000x128xf32, #tpu.memory_space<vmem_shared>>) offsets(%dma_start3A_443 : memref<80xi32, #tpu.memory_space<vmem>>) semaphore(%arg22 : memref<!tpu.dma_semaphore, #tpu.memory_space<semaphore_mem>>) {add = true}
      %add3A_447 = arith.constant 2 : i32
      %add3A_448 = arith.addi %add3A_422, %add3A_447 : i32
      %lt3A_449 = arith.constant 125 : i32
      %lt3A_450 = arith.cmpi slt, %add3A_448, %lt3A_449 : i32
      %convert_element_type3A_451 = arith.extui %lt3A_450 : i1 to i32
      %cond3A_452 = arith.constant 0 : i32
      %cond3A_453 = arith.cmpi ne, %convert_element_type3A_451, %cond3A_452 : i32
      scf.if %cond3A_453 {
        %dma_wait3A_461 = arith.constant 1 : i32
        %dma_wait3A_462 = arith.constant 0 : i32
        %dma_wait3A_463 = tpu.memref_slice %arg7[%dma_wait3A_461, %dma_wait3A_462] : memref<4x80xi32, #tpu.memory_space<vmem>> -> memref<1x80xi32, #tpu.memory_space<vmem>>
        %dma_wait3A_464 = tpu.memref_squeeze %dma_wait3A_463 : memref<1x80xi32, #tpu.memory_space<vmem>> -> memref<80xi32, #tpu.memory_space<vmem>>
        %dma_wait3A_465 = arith.constant 0 : i32
        %dma_wait3A_466 = tpu.memref_slice %arg3[%dma_wait3A_465] : memref<320000xi32, #tpu.memory_space<hbm>> -> memref<80xi32, #tpu.memory_space<hbm>>
        %dma_wait3A_467 = arith.constant 0 : i32
        %dma_wait3A_468 = tpu.memref_slice %arg7[%dma_wait3A_461, %dma_wait3A_467] : memref<4x80xi32, #tpu.memory_space<vmem>> -> memref<1x80xi32, #tpu.memory_space<vmem>>
        %dma_wait3A_469 = tpu.memref_squeeze %dma_wait3A_468 : memref<1x80xi32, #tpu.memory_space<vmem>> -> memref<80xi32, #tpu.memory_space<vmem>>
        %dma_wait3A_470 = arith.constant 0 : i32
        %dma_wait3A_471 = tpu.memref_slice %arg3[%dma_wait3A_470] : memref<320000xi32, #tpu.memory_space<hbm>> -> memref<80xi32, #tpu.memory_space<hbm>>
        tpu.wait_dma2 semaphore(%arg12 : memref<!tpu.dma_semaphore, #tpu.memory_space<semaphore_mem>>) src(%dma_wait3A_471 : memref<80xi32, #tpu.memory_space<hbm>>) dst(%dma_wait3A_469 : memref<80xi32, #tpu.memory_space<vmem>>)
        %dma_wait3A_472 = arith.constant 1 : i32
        %dma_wait3A_473 = arith.constant 0 : i32
        %dma_wait3A_474 = tpu.memref_slice %arg8[%dma_wait3A_472, %dma_wait3A_473] : memref<4x80xi32, #tpu.memory_space<vmem>> -> memref<1x80xi32, #tpu.memory_space<vmem>>
        %dma_wait3A_475 = tpu.memref_squeeze %dma_wait3A_474 : memref<1x80xi32, #tpu.memory_space<vmem>> -> memref<80xi32, #tpu.memory_space<vmem>>
        %dma_wait3A_476 = arith.constant 0 : i32
        %dma_wait3A_477 = tpu.memref_slice %arg4[%dma_wait3A_476] : memref<320000xi32, #tpu.memory_space<hbm>> -> memref<80xi32, #tpu.memory_space<hbm>>
        %dma_wait3A_478 = arith.constant 0 : i32
        %dma_wait3A_479 = tpu.memref_slice %arg8[%dma_wait3A_472, %dma_wait3A_478] : memref<4x80xi32, #tpu.memory_space<vmem>> -> memref<1x80xi32, #tpu.memory_space<vmem>>
        %dma_wait3A_480 = tpu.memref_squeeze %dma_wait3A_479 : memref<1x80xi32, #tpu.memory_space<vmem>> -> memref<80xi32, #tpu.memory_space<vmem>>
        %dma_wait3A_481 = arith.constant 0 : i32
        %dma_wait3A_482 = tpu.memref_slice %arg4[%dma_wait3A_481] : memref<320000xi32, #tpu.memory_space<hbm>> -> memref<80xi32, #tpu.memory_space<hbm>>
        tpu.wait_dma2 semaphore(%arg12 : memref<!tpu.dma_semaphore, #tpu.memory_space<semaphore_mem>>) src(%dma_wait3A_482 : memref<80xi32, #tpu.memory_space<hbm>>) dst(%dma_wait3A_480 : memref<80xi32, #tpu.memory_space<vmem>>)
        %ge3A = arith.constant 3 : i32
        %ge3A_483 = arith.cmpi sge, %add3A_422, %ge3A : i32
        %convert_element_type3A_484 = arith.extui %ge3A_483 : i1 to i32
        %cond3A_485 = arith.constant 0 : i32
        %cond3A_486 = arith.cmpi ne, %convert_element_type3A_484, %cond3A_485 : i32
        scf.if %cond3A_486 {
          %dma_wait3A_499 = arith.constant 1 : i32
          %dma_wait3A_500 = arith.constant 1 : i32
          %dma_wait3A_501 = arith.constant 0 : i32
          %dma_wait3A_502 = arith.constant 0 : i32
          %dma_wait3A_503 = tpu.memref_slice %arg9[%dma_wait3A_499, %dma_wait3A_501, %dma_wait3A_502] : memref<4x80x128xf32, #tpu.memory_space<vmem>> -> memref<1x80x128xf32, #tpu.memory_space<vmem>>
          %dma_wait3A_504 = tpu.memref_squeeze %dma_wait3A_503 : memref<1x80x128xf32, #tpu.memory_space<vmem>> -> memref<80x128xf32, #tpu.memory_space<vmem>>
          %dma_wait3A_505 = arith.constant 0 : i32
          %dma_wait3A_506 = tpu.memref_slice %arg8[%dma_wait3A_500, %dma_wait3A_505] : memref<4x80xi32, #tpu.memory_space<vmem>> -> memref<1x80xi32, #tpu.memory_space<vmem>>
          %dma_wait3A_507 = tpu.memref_squeeze %dma_wait3A_506 : memref<1x80xi32, #tpu.memory_space<vmem>> -> memref<80xi32, #tpu.memory_space<vmem>>
          %dma_wait3A_508 = arith.constant 0 : i32
          %dma_wait3A_509 = arith.constant 0 : i32
          %dma_wait3A_510 = tpu.memref_slice %arg10[%dma_wait3A_508, %dma_wait3A_509] : memref<10000x128xf32, #tpu.memory_space<vmem_shared>> -> memref<10000x128xf32, #tpu.memory_space<vmem_shared>>
          tpu.wait_indirect_dma semaphore(%arg20 : memref<!tpu.dma_semaphore, #tpu.memory_space<semaphore_mem>>) src(%dma_wait3A_504 : memref<80x128xf32, #tpu.memory_space<vmem>>) dst(%dma_wait3A_510 : memref<10000x128xf32, #tpu.memory_space<vmem_shared>>)
        } else {
        }
        %dma_start3A_487 = arith.constant 1 : i32
        %dma_start3A_488 = arith.constant 1 : i32
        %dma_start3A_489 = arith.constant 0 : i32
        %dma_start3A_490 = arith.constant 0 : i32
        %dma_start3A_491 = tpu.memref_slice %arg9[%dma_start3A_488, %dma_start3A_489, %dma_start3A_490] : memref<4x80x128xf32, #tpu.memory_space<vmem>> -> memref<1x80x128xf32, #tpu.memory_space<vmem>>
        %dma_start3A_492 = tpu.memref_squeeze %dma_start3A_491 : memref<1x80x128xf32, #tpu.memory_space<vmem>> -> memref<80x128xf32, #tpu.memory_space<vmem>>
        %dma_start3A_493 = arith.constant 0 : i32
        %dma_start3A_494 = tpu.memref_slice %arg7[%dma_start3A_487, %dma_start3A_493] : memref<4x80xi32, #tpu.memory_space<vmem>> -> memref<1x80xi32, #tpu.memory_space<vmem>>
        %dma_start3A_495 = tpu.memref_squeeze %dma_start3A_494 : memref<1x80xi32, #tpu.memory_space<vmem>> -> memref<80xi32, #tpu.memory_space<vmem>>
        %dma_start3A_496 = arith.constant 0 : i32
        %dma_start3A_497 = arith.constant 0 : i32
        %dma_start3A_498 = tpu.memref_slice %arg2[%dma_start3A_496, %dma_start3A_497] : memref<10000x128xf32, #tpu.memory_space<hbm>> -> memref<10000x128xf32, #tpu.memory_space<hbm>>
        tpu.enqueue_indirect_dma source(%dma_start3A_498 : memref<10000x128xf32, #tpu.memory_space<hbm>>) target(%dma_start3A_492 : memref<80x128xf32, #tpu.memory_space<vmem>>) offsets(%dma_start3A_495 : memref<80xi32, #tpu.memory_space<vmem>>) semaphore(%arg16 : memref<!tpu.dma_semaphore, #tpu.memory_space<semaphore_mem>>)
      } else {
      }
      %add3A_454 = arith.constant 3 : i32
      %add3A_455 = arith.addi %add3A_422, %add3A_454 : i32
      %lt3A_456 = arith.constant 125 : i32
      %lt3A_457 = arith.cmpi slt, %add3A_455, %lt3A_456 : i32
      %convert_element_type3A_458 = arith.extui %lt3A_457 : i1 to i32
      %cond3A_459 = arith.constant 0 : i32
      %cond3A_460 = arith.cmpi ne, %convert_element_type3A_458, %cond3A_459 : i32
      scf.if %cond3A_460 {
        %add3A_461 = arith.constant 3 : i32
        %add3A_462 = arith.addi %add3A_422, %add3A_461 : i32
        %mul3A_463 = arith.constant 80 : i32
        %mul3A_464 = arith.muli %add3A_462, %mul3A_463 : i32
        %add3A_465 = arith.addi %mul3A_2, %mul3A_464 : i32
        %multiple_of3A_466 = tpu.assume_multiple %add3A_465, 8 : i32
        %dma_start3A_467 = arith.constant 2 : i32
        %dma_start3A_468 = arith.constant 0 : i32
        %dma_start3A_469 = tpu.memref_slice %arg7[%dma_start3A_467, %dma_start3A_468] : memref<4x80xi32, #tpu.memory_space<vmem>> -> memref<1x80xi32, #tpu.memory_space<vmem>>
        %dma_start3A_470 = tpu.memref_squeeze %dma_start3A_469 : memref<1x80xi32, #tpu.memory_space<vmem>> -> memref<80xi32, #tpu.memory_space<vmem>>
        %dma_start3A_471 = tpu.memref_slice %arg3[%multiple_of3A_466] : memref<320000xi32, #tpu.memory_space<hbm>> -> memref<80xi32, #tpu.memory_space<hbm>>
        %dma_start3A_472 = arith.constant 0 : i32
        %dma_start3A_473 = tpu.memref_slice %arg7[%dma_start3A_467, %dma_start3A_472] : memref<4x80xi32, #tpu.memory_space<vmem>> -> memref<1x80xi32, #tpu.memory_space<vmem>>
        %dma_start3A_474 = tpu.memref_squeeze %dma_start3A_473 : memref<1x80xi32, #tpu.memory_space<vmem>> -> memref<80xi32, #tpu.memory_space<vmem>>
        %dma_start3A_475 = tpu.memref_slice %arg3[%multiple_of3A_466] : memref<320000xi32, #tpu.memory_space<hbm>> -> memref<80xi32, #tpu.memory_space<hbm>>
        tpu.enqueue_dma source(%dma_start3A_475 : memref<80xi32, #tpu.memory_space<hbm>>) target(%dma_start3A_474 : memref<80xi32, #tpu.memory_space<vmem>>) target_semaphore(%arg13 : memref<!tpu.dma_semaphore, #tpu.memory_space<semaphore_mem>>)
        %dma_start3A_476 = arith.constant 2 : i32
        %dma_start3A_477 = arith.constant 0 : i32
        %dma_start3A_478 = tpu.memref_slice %arg8[%dma_start3A_476, %dma_start3A_477] : memref<4x80xi32, #tpu.memory_space<vmem>> -> memref<1x80xi32, #tpu.memory_space<vmem>>
        %dma_start3A_479 = tpu.memref_squeeze %dma_start3A_478 : memref<1x80xi32, #tpu.memory_space<vmem>> -> memref<80xi32, #tpu.memory_space<vmem>>
        %dma_start3A_480 = tpu.memref_slice %arg4[%multiple_of3A_466] : memref<320000xi32, #tpu.memory_space<hbm>> -> memref<80xi32, #tpu.memory_space<hbm>>
        %dma_start3A_481 = arith.constant 0 : i32
        %dma_start3A_482 = tpu.memref_slice %arg8[%dma_start3A_476, %dma_start3A_481] : memref<4x80xi32, #tpu.memory_space<vmem>> -> memref<1x80xi32, #tpu.memory_space<vmem>>
        %dma_start3A_483 = tpu.memref_squeeze %dma_start3A_482 : memref<1x80xi32, #tpu.memory_space<vmem>> -> memref<80xi32, #tpu.memory_space<vmem>>
        %dma_start3A_484 = tpu.memref_slice %arg4[%multiple_of3A_466] : memref<320000xi32, #tpu.memory_space<hbm>> -> memref<80xi32, #tpu.memory_space<hbm>>
        tpu.enqueue_dma source(%dma_start3A_484 : memref<80xi32, #tpu.memory_space<hbm>>) target(%dma_start3A_483 : memref<80xi32, #tpu.memory_space<vmem>>) target_semaphore(%arg13 : memref<!tpu.dma_semaphore, #tpu.memory_space<semaphore_mem>>)
      } else {
      }
    }
    %scan3A_231 = arith.constant 31 : i32
    %dma_wait3A_232 = arith.constant 0 : i32
    %dma_wait3A_233 = arith.constant 0 : i32
    %dma_wait3A_234 = arith.constant 0 : i32
    %dma_wait3A_235 = arith.constant 0 : i32
    %dma_wait3A_236 = tpu.memref_slice %arg9[%dma_wait3A_232, %dma_wait3A_234, %dma_wait3A_235] : memref<4x80x128xf32, #tpu.memory_space<vmem>> -> memref<1x80x128xf32, #tpu.memory_space<vmem>>
    %dma_wait3A_237 = tpu.memref_squeeze %dma_wait3A_236 : memref<1x80x128xf32, #tpu.memory_space<vmem>> -> memref<80x128xf32, #tpu.memory_space<vmem>>
    %dma_wait3A_238 = arith.constant 0 : i32
    %dma_wait3A_239 = tpu.memref_slice %arg8[%dma_wait3A_233, %dma_wait3A_238] : memref<4x80xi32, #tpu.memory_space<vmem>> -> memref<1x80xi32, #tpu.memory_space<vmem>>
    %dma_wait3A_240 = tpu.memref_squeeze %dma_wait3A_239 : memref<1x80xi32, #tpu.memory_space<vmem>> -> memref<80xi32, #tpu.memory_space<vmem>>
    %dma_wait3A_241 = arith.constant 0 : i32
    %dma_wait3A_242 = arith.constant 0 : i32
    %dma_wait3A_243 = tpu.memref_slice %arg10[%dma_wait3A_241, %dma_wait3A_242] : memref<10000x128xf32, #tpu.memory_space<vmem_shared>> -> memref<10000x128xf32, #tpu.memory_space<vmem_shared>>
    tpu.wait_indirect_dma semaphore(%arg19 : memref<!tpu.dma_semaphore, #tpu.memory_space<semaphore_mem>>) src(%dma_wait3A_237 : memref<80x128xf32, #tpu.memory_space<vmem>>) dst(%dma_wait3A_243 : memref<10000x128xf32, #tpu.memory_space<vmem_shared>>)
    %dma_wait3A_244 = arith.constant 1 : i32
    %dma_wait3A_245 = arith.constant 1 : i32
    %dma_wait3A_246 = arith.constant 0 : i32
    %dma_wait3A_247 = arith.constant 0 : i32
    %dma_wait3A_248 = tpu.memref_slice %arg9[%dma_wait3A_244, %dma_wait3A_246, %dma_wait3A_247] : memref<4x80x128xf32, #tpu.memory_space<vmem>> -> memref<1x80x128xf32, #tpu.memory_space<vmem>>
    %dma_wait3A_249 = tpu.memref_squeeze %dma_wait3A_248 : memref<1x80x128xf32, #tpu.memory_space<vmem>> -> memref<80x128xf32, #tpu.memory_space<vmem>>
    %dma_wait3A_250 = arith.constant 0 : i32
    %dma_wait3A_251 = tpu.memref_slice %arg8[%dma_wait3A_245, %dma_wait3A_250] : memref<4x80xi32, #tpu.memory_space<vmem>> -> memref<1x80xi32, #tpu.memory_space<vmem>>
    %dma_wait3A_252 = tpu.memref_squeeze %dma_wait3A_251 : memref<1x80xi32, #tpu.memory_space<vmem>> -> memref<80xi32, #tpu.memory_space<vmem>>
    %dma_wait3A_253 = arith.constant 0 : i32
    %dma_wait3A_254 = arith.constant 0 : i32
    %dma_wait3A_255 = tpu.memref_slice %arg10[%dma_wait3A_253, %dma_wait3A_254] : memref<10000x128xf32, #tpu.memory_space<vmem_shared>> -> memref<10000x128xf32, #tpu.memory_space<vmem_shared>>
    tpu.wait_indirect_dma semaphore(%arg20 : memref<!tpu.dma_semaphore, #tpu.memory_space<semaphore_mem>>) src(%dma_wait3A_249 : memref<80x128xf32, #tpu.memory_space<vmem>>) dst(%dma_wait3A_255 : memref<10000x128xf32, #tpu.memory_space<vmem_shared>>)
    %dma_wait3A_256 = arith.constant 2 : i32
    %dma_wait3A_257 = arith.constant 2 : i32
    %dma_wait3A_258 = arith.constant 0 : i32
    %dma_wait3A_259 = arith.constant 0 : i32
    %dma_wait3A_260 = tpu.memref_slice %arg9[%dma_wait3A_256, %dma_wait3A_258, %dma_wait3A_259] : memref<4x80x128xf32, #tpu.memory_space<vmem>> -> memref<1x80x128xf32, #tpu.memory_space<vmem>>
    %dma_wait3A_261 = tpu.memref_squeeze %dma_wait3A_260 : memref<1x80x128xf32, #tpu.memory_space<vmem>> -> memref<80x128xf32, #tpu.memory_space<vmem>>
    %dma_wait3A_262 = arith.constant 0 : i32
    %dma_wait3A_263 = tpu.memref_slice %arg8[%dma_wait3A_257, %dma_wait3A_262] : memref<4x80xi32, #tpu.memory_space<vmem>> -> memref<1x80xi32, #tpu.memory_space<vmem>>
    %dma_wait3A_264 = tpu.memref_squeeze %dma_wait3A_263 : memref<1x80xi32, #tpu.memory_space<vmem>> -> memref<80xi32, #tpu.memory_space<vmem>>
    %dma_wait3A_265 = arith.constant 0 : i32
    %dma_wait3A_266 = arith.constant 0 : i32
    %dma_wait3A_267 = tpu.memref_slice %arg10[%dma_wait3A_265, %dma_wait3A_266] : memref<10000x128xf32, #tpu.memory_space<vmem_shared>> -> memref<10000x128xf32, #tpu.memory_space<vmem_shared>>
    tpu.wait_indirect_dma semaphore(%arg21 : memref<!tpu.dma_semaphore, #tpu.memory_space<semaphore_mem>>) src(%dma_wait3A_261 : memref<80x128xf32, #tpu.memory_space<vmem>>) dst(%dma_wait3A_267 : memref<10000x128xf32, #tpu.memory_space<vmem_shared>>)
    %dma_wait3A_268 = arith.constant 3 : i32
    %dma_wait3A_269 = arith.constant 3 : i32
    %dma_wait3A_270 = arith.constant 0 : i32
    %dma_wait3A_271 = arith.constant 0 : i32
    %dma_wait3A_272 = tpu.memref_slice %arg9[%dma_wait3A_268, %dma_wait3A_270, %dma_wait3A_271] : memref<4x80x128xf32, #tpu.memory_space<vmem>> -> memref<1x80x128xf32, #tpu.memory_space<vmem>>
    %dma_wait3A_273 = tpu.memref_squeeze %dma_wait3A_272 : memref<1x80x128xf32, #tpu.memory_space<vmem>> -> memref<80x128xf32, #tpu.memory_space<vmem>>
    %dma_wait3A_274 = arith.constant 0 : i32
    %dma_wait3A_275 = tpu.memref_slice %arg8[%dma_wait3A_269, %dma_wait3A_274] : memref<4x80xi32, #tpu.memory_space<vmem>> -> memref<1x80xi32, #tpu.memory_space<vmem>>
    %dma_wait3A_276 = tpu.memref_squeeze %dma_wait3A_275 : memref<1x80xi32, #tpu.memory_space<vmem>> -> memref<80xi32, #tpu.memory_space<vmem>>
    %dma_wait3A_277 = arith.constant 0 : i32
    %dma_wait3A_278 = arith.constant 0 : i32
    %dma_wait3A_279 = tpu.memref_slice %arg10[%dma_wait3A_277, %dma_wait3A_278] : memref<10000x128xf32, #tpu.memory_space<vmem_shared>> -> memref<10000x128xf32, #tpu.memory_space<vmem_shared>>
    tpu.wait_indirect_dma semaphore(%arg22 : memref<!tpu.dma_semaphore, #tpu.memory_space<semaphore_mem>>) src(%dma_wait3A_273 : memref<80x128xf32, #tpu.memory_space<vmem>>) dst(%dma_wait3A_279 : memref<10000x128xf32, #tpu.memory_space<vmem_shared>>)
    %barrier3A_280 = arith.constant 0 : index
    tpu.barrier barrier_id(%barrier3A_280)
    %mul3A_281 = arith.constant 624 : i32
    %mul3A_282 = arith.muli %arg1, %mul3A_281 : i32
    %mul3A_283 = arith.constant 10000 : i32
    %mul3A_284 = arith.muli %arg0, %mul3A_283 : i32
    %mul3A_285 = arith.constant 624 : i32
    %mul3A_286 = arith.muli %arg1, %mul3A_285 : i32
    %add3A_287 = arith.addi %mul3A_284, %mul3A_286 : i32
    "tpu.region"() ({
      %run_scoped3A = tpu.sem_alloc : memref<!tpu.dma_semaphore, #tpu.memory_space<semaphore_mem>>
      %dma_start3A_293 = arith.constant 0 : i32
      %dma_start3A_294 = tpu.memref_slice %arg6[%add3A_287, %dma_start3A_293] : memref<20000x128xf32, #tpu.memory_space<hbm>> -> memref<624x128xf32, #tpu.memory_space<hbm>>
      %dma_start3A_295 = arith.constant 0 : i32
      %dma_start3A_296 = tpu.memref_slice %arg10[%mul3A_282, %dma_start3A_295] : memref<10000x128xf32, #tpu.memory_space<vmem_shared>> -> memref<624x128xf32, #tpu.memory_space<vmem_shared>>
      tpu.enqueue_dma source(%dma_start3A_296 : memref<624x128xf32, #tpu.memory_space<vmem_shared>>) target(%dma_start3A_294 : memref<624x128xf32, #tpu.memory_space<hbm>>) target_semaphore(%run_scoped3A : memref<!tpu.dma_semaphore, #tpu.memory_space<semaphore_mem>>)
      %dma_wait3A_297 = arith.constant 0 : i32
      %dma_wait3A_298 = tpu.memref_slice %arg6[%add3A_287, %dma_wait3A_297] : memref<20000x128xf32, #tpu.memory_space<hbm>> -> memref<624x128xf32, #tpu.memory_space<hbm>>
      %dma_wait3A_299 = arith.constant 0 : i32
      %dma_wait3A_300 = tpu.memref_slice %arg10[%mul3A_282, %dma_wait3A_299] : memref<10000x128xf32, #tpu.memory_space<vmem_shared>> -> memref<624x128xf32, #tpu.memory_space<vmem_shared>>
      tpu.wait_dma2 semaphore(%run_scoped3A : memref<!tpu.dma_semaphore, #tpu.memory_space<semaphore_mem>>) src(%dma_wait3A_300 : memref<624x128xf32, #tpu.memory_space<vmem_shared>>) dst(%dma_wait3A_298 : memref<624x128xf32, #tpu.memory_space<hbm>>)
      tpu.yield
    }) : () -> ()
    %eq3A_288 = arith.constant 15 : i32
    %eq3A_289 = arith.cmpi eq, %arg1, %eq3A_288 : i32
    %convert_element_type3A_290 = arith.extui %eq3A_289 : i1 to i32
    %cond3A_291 = arith.constant 0 : i32
    %cond3A_292 = arith.cmpi ne, %convert_element_type3A_290, %cond3A_291 : i32
    scf.if %cond3A_292 {
      %mul3A_293 = arith.constant 10000 : i32
      %mul3A_294 = arith.muli %arg0, %mul3A_293 : i32
      %add3A_295 = arith.constant 9984 : i32
      %add3A_296 = arith.addi %mul3A_294, %add3A_295 : i32
      "tpu.region"() ({
        %run_scoped3A = tpu.sem_alloc : memref<!tpu.dma_semaphore, #tpu.memory_space<semaphore_mem>>
        %dma_start3A_297 = arith.constant 0 : i32
        %dma_start3A_298 = tpu.memref_slice %arg6[%add3A_296, %dma_start3A_297] : memref<20000x128xf32, #tpu.memory_space<hbm>> -> memref<16x128xf32, #tpu.memory_space<hbm>>
        %dma_start3A_299 = arith.constant 9984 : i32
        %dma_start3A_300 = arith.constant 0 : i32
        %dma_start3A_301 = tpu.memref_slice %arg10[%dma_start3A_299, %dma_start3A_300] : memref<10000x128xf32, #tpu.memory_space<vmem_shared>> -> memref<16x128xf32, #tpu.memory_space<vmem_shared>>
        tpu.enqueue_dma source(%dma_start3A_301 : memref<16x128xf32, #tpu.memory_space<vmem_shared>>) target(%dma_start3A_298 : memref<16x128xf32, #tpu.memory_space<hbm>>) target_semaphore(%run_scoped3A : memref<!tpu.dma_semaphore, #tpu.memory_space<semaphore_mem>>)
        %dma_wait3A_302 = arith.constant 0 : i32
        %dma_wait3A_303 = tpu.memref_slice %arg6[%add3A_296, %dma_wait3A_302] : memref<20000x128xf32, #tpu.memory_space<hbm>> -> memref<16x128xf32, #tpu.memory_space<hbm>>
        %dma_wait3A_304 = arith.constant 9984 : i32
        %dma_wait3A_305 = arith.constant 0 : i32
        %dma_wait3A_306 = tpu.memref_slice %arg10[%dma_wait3A_304, %dma_wait3A_305] : memref<10000x128xf32, #tpu.memory_space<vmem_shared>> -> memref<16x128xf32, #tpu.memory_space<vmem_shared>>
        tpu.wait_dma2 semaphore(%run_scoped3A : memref<!tpu.dma_semaphore, #tpu.memory_space<semaphore_mem>>) src(%dma_wait3A_306 : memref<16x128xf32, #tpu.memory_space<vmem_shared>>) dst(%dma_wait3A_303 : memref<16x128xf32, #tpu.memory_space<hbm>>)
        tpu.yield
      }) : () -> ()
    } else {
    }
    return
  }
}

#map = affine_map<(d0, d1) -> (0, 0)>
#map1 = affine_map<(d0, d1) -> (0)>
module attributes {stable_mosaic.version = 14 : i64} {
  func.func @k(%arg0: i32, %arg1: i32, %arg2: memref<10000x128xf32, #tpu.memory_space<hbm>>, %arg3: memref<320000xi32, #tpu.memory_space<hbm>>, %arg4: memref<320000xi32, #tpu.memory_space<hbm>>, %arg5: memref<10000x128xf32, #tpu.memory_space<hbm>>, %arg6: memref<20000x128xf32, #tpu.memory_space<hbm>>, %arg7: memref<4x80xi32, #tpu.memory_space<vmem>>, %arg8: memref<4x80xi32, #tpu.memory_space<vmem>>, %arg9: memref<4x80x128xf32, #tpu.memory_space<vmem>>, %arg10: memref<10000x128xf32, #tpu.memory_space<vmem_shared>>, %arg11: memref<!tpu.dma_semaphore, #tpu.memory_space<semaphore_mem>>, %arg12: memref<!tpu.dma_semaphore, #tpu.memory_space<semaphore_mem>>, %arg13: memref<!tpu.dma_semaphore, #tpu.memory_space<semaphore_mem>>, %arg14: memref<!tpu.dma_semaphore, #tpu.memory_space<semaphore_mem>>, %arg15: memref<!tpu.dma_semaphore, #tpu.memory_space<semaphore_mem>>, %arg16: memref<!tpu.dma_semaphore, #tpu.memory_space<semaphore_mem>>, %arg17: memref<!tpu.dma_semaphore, #tpu.memory_space<semaphore_mem>>, %arg18: memref<!tpu.dma_semaphore, #tpu.memory_space<semaphore_mem>>, %arg19: memref<!tpu.dma_semaphore, #tpu.memory_space<semaphore_mem>>, %arg20: memref<!tpu.dma_semaphore, #tpu.memory_space<semaphore_mem>>, %arg21: memref<!tpu.dma_semaphore, #tpu.memory_space<semaphore_mem>>, %arg22: memref<!tpu.dma_semaphore, #tpu.memory_space<semaphore_mem>>) attributes {dimension_semantics = [#tpu.dimension_semantics<core_parallel>, #tpu.dimension_semantics<subcore_parallel>], iteration_bounds = array<i64: 2, 16>, scalar_prefetch = 0 : i64, scratch_operands = 16 : i64, tpu.core_type = #tpu.core_type<sc_vector_subcore>, window_params = [{transform_indices = #map}, {transform_indices = #map1}, {transform_indices = #map1}, {transform_indices = #map}, {transform_indices = #map}]} {
    %mul3A = arith.constant 16 : i32
    %mul3A_0 = arith.muli %arg0, %mul3A : i32
    %add3A = arith.addi %mul3A_0, %arg1 : i32
    %mul3A_1 = arith.constant 10000 : i32
    %mul3A_2 = arith.muli %add3A, %mul3A_1 : i32
    %mul3A_3 = arith.constant 624 : i32
    %mul3A_4 = arith.muli %arg1, %mul3A_3 : i32
    %mul3A_5 = arith.constant 624 : i32
    %mul3A_6 = arith.muli %arg1, %mul3A_5 : i32
    "tpu.region"() ({
      %run_scoped3A = tpu.sem_alloc : memref<!tpu.dma_semaphore, #tpu.memory_space<semaphore_mem>>
      %dma_start3A_293 = arith.constant 0 : i32
      %dma_start3A_294 = tpu.memref_slice %arg10[%mul3A_6, %dma_start3A_293] : memref<10000x128xf32, #tpu.memory_space<vmem_shared>> -> memref<624x128xf32, #tpu.memory_space<vmem_shared>>
      %dma_start3A_295 = arith.constant 0 : i32
      %dma_start3A_296 = tpu.memref_slice %arg5[%mul3A_4, %dma_start3A_295] : memref<10000x128xf32, #tpu.memory_space<hbm>> -> memref<624x128xf32, #tpu.memory_space<hbm>>
      tpu.enqueue_dma source(%dma_start3A_296 : memref<624x128xf32, #tpu.memory_space<hbm>>) target(%dma_start3A_294 : memref<624x128xf32, #tpu.memory_space<vmem_shared>>) target_semaphore(%run_scoped3A : memref<!tpu.dma_semaphore, #tpu.memory_space<semaphore_mem>>)
      %dma_wait3A_297 = arith.constant 0 : i32
      %dma_wait3A_298 = tpu.memref_slice %arg10[%mul3A_6, %dma_wait3A_297] : memref<10000x128xf32, #tpu.memory_space<vmem_shared>> -> memref<624x128xf32, #tpu.memory_space<vmem_shared>>
      %dma_wait3A_299 = arith.constant 0 : i32
      %dma_wait3A_300 = tpu.memref_slice %arg5[%mul3A_4, %dma_wait3A_299] : memref<10000x128xf32, #tpu.memory_space<hbm>> -> memref<624x128xf32, #tpu.memory_space<hbm>>
      tpu.wait_dma2 semaphore(%run_scoped3A : memref<!tpu.dma_semaphore, #tpu.memory_space<semaphore_mem>>) src(%dma_wait3A_300 : memref<624x128xf32, #tpu.memory_space<hbm>>) dst(%dma_wait3A_298 : memref<624x128xf32, #tpu.memory_space<vmem_shared>>)
      tpu.yield
    }) : () -> ()
    %eq3A = arith.constant 15 : i32
    %eq3A_7 = arith.cmpi eq, %arg1, %eq3A : i32
    %convert_element_type3A = arith.extui %eq3A_7 : i1 to i32
    %cond3A = arith.constant 0 : i32
    %cond3A_8 = arith.cmpi ne, %convert_element_type3A, %cond3A : i32
    scf.if %cond3A_8 {
      "tpu.region"() ({
        %run_scoped3A = tpu.sem_alloc : memref<!tpu.dma_semaphore, #tpu.memory_space<semaphore_mem>>
        %dma_start3A_293 = arith.constant 9984 : i32
        %dma_start3A_294 = arith.constant 0 : i32
        %dma_start3A_295 = tpu.memref_slice %arg10[%dma_start3A_293, %dma_start3A_294] : memref<10000x128xf32, #tpu.memory_space<vmem_shared>> -> memref<16x128xf32, #tpu.memory_space<vmem_shared>>
        %dma_start3A_296 = arith.constant 9984 : i32
        %dma_start3A_297 = arith.constant 0 : i32
        %dma_start3A_298 = tpu.memref_slice %arg5[%dma_start3A_296, %dma_start3A_297] : memref<10000x128xf32, #tpu.memory_space<hbm>> -> memref<16x128xf32, #tpu.memory_space<hbm>>
        tpu.enqueue_dma source(%dma_start3A_298 : memref<16x128xf32, #tpu.memory_space<hbm>>) target(%dma_start3A_295 : memref<16x128xf32, #tpu.memory_space<vmem_shared>>) target_semaphore(%run_scoped3A : memref<!tpu.dma_semaphore, #tpu.memory_space<semaphore_mem>>)
        %dma_wait3A_299 = arith.constant 9984 : i32
        %dma_wait3A_300 = arith.constant 0 : i32
        %dma_wait3A_301 = tpu.memref_slice %arg10[%dma_wait3A_299, %dma_wait3A_300] : memref<10000x128xf32, #tpu.memory_space<vmem_shared>> -> memref<16x128xf32, #tpu.memory_space<vmem_shared>>
        %dma_wait3A_302 = arith.constant 9984 : i32
        %dma_wait3A_303 = arith.constant 0 : i32
        %dma_wait3A_304 = tpu.memref_slice %arg5[%dma_wait3A_302, %dma_wait3A_303] : memref<10000x128xf32, #tpu.memory_space<hbm>> -> memref<16x128xf32, #tpu.memory_space<hbm>>
        tpu.wait_dma2 semaphore(%run_scoped3A : memref<!tpu.dma_semaphore, #tpu.memory_space<semaphore_mem>>) src(%dma_wait3A_304 : memref<16x128xf32, #tpu.memory_space<hbm>>) dst(%dma_wait3A_301 : memref<16x128xf32, #tpu.memory_space<vmem_shared>>)
        tpu.yield
      }) : () -> ()
    } else {
    }
    %barrier3A = arith.constant 0 : index
    tpu.barrier barrier_id(%barrier3A)
    %add3A_9 = arith.constant 0 : i32
    %add3A_10 = arith.addi %mul3A_2, %add3A_9 : i32
    %multiple_of3A = tpu.assume_multiple %add3A_10, 8 : i32
    %dma_start3A = arith.constant 0 : i32
    %dma_start3A_11 = arith.constant 0 : i32
    %dma_start3A_12 = tpu.memref_slice %arg7[%dma_start3A, %dma_start3A_11] : memref<4x80xi32, #tpu.memory_space<vmem>> -> memref<1x80xi32, #tpu.memory_space<vmem>>
    %dma_start3A_13 = tpu.memref_squeeze %dma_start3A_12 : memref<1x80xi32, #tpu.memory_space<vmem>> -> memref<80xi32, #tpu.memory_space<vmem>>
    %dma_start3A_14 = tpu.memref_slice %arg3[%multiple_of3A] : memref<320000xi32, #tpu.memory_space<hbm>> -> memref<80xi32, #tpu.memory_space<hbm>>
    %dma_start3A_15 = arith.constant 0 : i32
    %dma_start3A_16 = tpu.memref_slice %arg7[%dma_start3A, %dma_start3A_15] : memref<4x80xi32, #tpu.memory_space<vmem>> -> memref<1x80xi32, #tpu.memory_space<vmem>>
    %dma_start3A_17 = tpu.memref_squeeze %dma_start3A_16 : memref<1x80xi32, #tpu.memory_space<vmem>> -> memref<80xi32, #tpu.memory_space<vmem>>
    %dma_start3A_18 = tpu.memref_slice %arg3[%multiple_of3A] : memref<320000xi32, #tpu.memory_space<hbm>> -> memref<80xi32, #tpu.memory_space<hbm>>
    tpu.enqueue_dma source(%dma_start3A_18 : memref<80xi32, #tpu.memory_space<hbm>>) target(%dma_start3A_17 : memref<80xi32, #tpu.memory_space<vmem>>) target_semaphore(%arg11 : memref<!tpu.dma_semaphore, #tpu.memory_space<semaphore_mem>>)
    %dma_start3A_19 = arith.constant 0 : i32
    %dma_start3A_20 = arith.constant 0 : i32
    %dma_start3A_21 = tpu.memref_slice %arg8[%dma_start3A_19, %dma_start3A_20] : memref<4x80xi32, #tpu.memory_space<vmem>> -> memref<1x80xi32, #tpu.memory_space<vmem>>
    %dma_start3A_22 = tpu.memref_squeeze %dma_start3A_21 : memref<1x80xi32, #tpu.memory_space<vmem>> -> memref<80xi32, #tpu.memory_space<vmem>>
    %dma_start3A_23 = tpu.memref_slice %arg4[%multiple_of3A] : memref<320000xi32, #tpu.memory_space<hbm>> -> memref<80xi32, #tpu.memory_space<hbm>>
    %dma_start3A_24 = arith.constant 0 : i32
    %dma_start3A_25 = tpu.memref_slice %arg8[%dma_start3A_19, %dma_start3A_24] : memref<4x80xi32, #tpu.memory_space<vmem>> -> memref<1x80xi32, #tpu.memory_space<vmem>>
    %dma_start3A_26 = tpu.memref_squeeze %dma_start3A_25 : memref<1x80xi32, #tpu.memory_space<vmem>> -> memref<80xi32, #tpu.memory_space<vmem>>
    %dma_start3A_27 = tpu.memref_slice %arg4[%multiple_of3A] : memref<320000xi32, #tpu.memory_space<hbm>> -> memref<80xi32, #tpu.memory_space<hbm>>
    tpu.enqueue_dma source(%dma_start3A_27 : memref<80xi32, #tpu.memory_space<hbm>>) target(%dma_start3A_26 : memref<80xi32, #tpu.memory_space<vmem>>) target_semaphore(%arg11 : memref<!tpu.dma_semaphore, #tpu.memory_space<semaphore_mem>>)
    %dma_wait3A = arith.constant 0 : i32
    %dma_wait3A_28 = arith.constant 0 : i32
    %dma_wait3A_29 = tpu.memref_slice %arg7[%dma_wait3A, %dma_wait3A_28] : memref<4x80xi32, #tpu.memory_space<vmem>> -> memref<1x80xi32, #tpu.memory_space<vmem>>
    %dma_wait3A_30 = tpu.memref_squeeze %dma_wait3A_29 : memref<1x80xi32, #tpu.memory_space<vmem>> -> memref<80xi32, #tpu.memory_space<vmem>>
    %dma_wait3A_31 = arith.constant 0 : i32
    %dma_wait3A_32 = tpu.memref_slice %arg3[%dma_wait3A_31] : memref<320000xi32, #tpu.memory_space<hbm>> -> memref<80xi32, #tpu.memory_space<hbm>>
    %dma_wait3A_33 = arith.constant 0 : i32
    %dma_wait3A_34 = tpu.memref_slice %arg7[%dma_wait3A, %dma_wait3A_33] : memref<4x80xi32, #tpu.memory_space<vmem>> -> memref<1x80xi32, #tpu.memory_space<vmem>>
    %dma_wait3A_35 = tpu.memref_squeeze %dma_wait3A_34 : memref<1x80xi32, #tpu.memory_space<vmem>> -> memref<80xi32, #tpu.memory_space<vmem>>
    %dma_wait3A_36 = arith.constant 0 : i32
    %dma_wait3A_37 = tpu.memref_slice %arg3[%dma_wait3A_36] : memref<320000xi32, #tpu.memory_space<hbm>> -> memref<80xi32, #tpu.memory_space<hbm>>
    tpu.wait_dma2 semaphore(%arg11 : memref<!tpu.dma_semaphore, #tpu.memory_space<semaphore_mem>>) src(%dma_wait3A_37 : memref<80xi32, #tpu.memory_space<hbm>>) dst(%dma_wait3A_35 : memref<80xi32, #tpu.memory_space<vmem>>)
    %dma_wait3A_38 = arith.constant 0 : i32
    %dma_wait3A_39 = arith.constant 0 : i32
    %dma_wait3A_40 = tpu.memref_slice %arg8[%dma_wait3A_38, %dma_wait3A_39] : memref<4x80xi32, #tpu.memory_space<vmem>> -> memref<1x80xi32, #tpu.memory_space<vmem>>
    %dma_wait3A_41 = tpu.memref_squeeze %dma_wait3A_40 : memref<1x80xi32, #tpu.memory_space<vmem>> -> memref<80xi32, #tpu.memory_space<vmem>>
    %dma_wait3A_42 = arith.constant 0 : i32
    %dma_wait3A_43 = tpu.memref_slice %arg4[%dma_wait3A_42] : memref<320000xi32, #tpu.memory_space<hbm>> -> memref<80xi32, #tpu.memory_space<hbm>>
    %dma_wait3A_44 = arith.constant 0 : i32
    %dma_wait3A_45 = tpu.memref_slice %arg8[%dma_wait3A_38, %dma_wait3A_44] : memref<4x80xi32, #tpu.memory_space<vmem>> -> memref<1x80xi32, #tpu.memory_space<vmem>>
    %dma_wait3A_46 = tpu.memref_squeeze %dma_wait3A_45 : memref<1x80xi32, #tpu.memory_space<vmem>> -> memref<80xi32, #tpu.memory_space<vmem>>
    %dma_wait3A_47 = arith.constant 0 : i32
    %dma_wait3A_48 = tpu.memref_slice %arg4[%dma_wait3A_47] : memref<320000xi32, #tpu.memory_space<hbm>> -> memref<80xi32, #tpu.memory_space<hbm>>
    tpu.wait_dma2 semaphore(%arg11 : memref<!tpu.dma_semaphore, #tpu.memory_space<semaphore_mem>>) src(%dma_wait3A_48 : memref<80xi32, #tpu.memory_space<hbm>>) dst(%dma_wait3A_46 : memref<80xi32, #tpu.memory_space<vmem>>)
    %dma_start3A_49 = arith.constant 0 : i32
    %dma_start3A_50 = arith.constant 0 : i32
    %dma_start3A_51 = arith.constant 0 : i32
    %dma_start3A_52 = arith.constant 0 : i32
    %dma_start3A_53 = tpu.memref_slice %arg9[%dma_start3A_50, %dma_start3A_51, %dma_start3A_52] : memref<4x80x128xf32, #tpu.memory_space<vmem>> -> memref<1x80x128xf32, #tpu.memory_space<vmem>>
    %dma_start3A_54 = tpu.memref_squeeze %dma_start3A_53 : memref<1x80x128xf32, #tpu.memory_space<vmem>> -> memref<80x128xf32, #tpu.memory_space<vmem>>
    %dma_start3A_55 = arith.constant 0 : i32
    %dma_start3A_56 = tpu.memref_slice %arg7[%dma_start3A_49, %dma_start3A_55] : memref<4x80xi32, #tpu.memory_space<vmem>> -> memref<1x80xi32, #tpu.memory_space<vmem>>
    %dma_start3A_57 = tpu.memref_squeeze %dma_start3A_56 : memref<1x80xi32, #tpu.memory_space<vmem>> -> memref<80xi32, #tpu.memory_space<vmem>>
    %dma_start3A_58 = arith.constant 0 : i32
    %dma_start3A_59 = arith.constant 0 : i32
    %dma_start3A_60 = tpu.memref_slice %arg2[%dma_start3A_58, %dma_start3A_59] : memref<10000x128xf32, #tpu.memory_space<hbm>> -> memref<10000x128xf32, #tpu.memory_space<hbm>>
    tpu.enqueue_indirect_dma source(%dma_start3A_60 : memref<10000x128xf32, #tpu.memory_space<hbm>>) target(%dma_start3A_54 : memref<80x128xf32, #tpu.memory_space<vmem>>) offsets(%dma_start3A_57 : memref<80xi32, #tpu.memory_space<vmem>>) semaphore(%arg15 : memref<!tpu.dma_semaphore, #tpu.memory_space<semaphore_mem>>)
    %dma_wait3A_61 = arith.constant 0 : i32
    %dma_wait3A_62 = arith.constant 0 : i32
    %dma_wait3A_63 = arith.constant 0 : i32
    %dma_wait3A_64 = arith.constant 0 : i32
    %dma_wait3A_65 = tpu.memref_slice %arg9[%dma_wait3A_62, %dma_wait3A_63, %dma_wait3A_64] : memref<4x80x128xf32, #tpu.memory_space<vmem>> -> memref<1x80x128xf32, #tpu.memory_space<vmem>>
    %dma_wait3A_66 = tpu.memref_squeeze %dma_wait3A_65 : memref<1x80x128xf32, #tpu.memory_space<vmem>> -> memref<80x128xf32, #tpu.memory_space<vmem>>
    %dma_wait3A_67 = arith.constant 0 : i32
    %dma_wait3A_68 = tpu.memref_slice %arg7[%dma_wait3A_61, %dma_wait3A_67] : memref<4x80xi32, #tpu.memory_space<vmem>> -> memref<1x80xi32, #tpu.memory_space<vmem>>
    %dma_wait3A_69 = tpu.memref_squeeze %dma_wait3A_68 : memref<1x80xi32, #tpu.memory_space<vmem>> -> memref<80xi32, #tpu.memory_space<vmem>>
    %dma_wait3A_70 = arith.constant 0 : i32
    %dma_wait3A_71 = arith.constant 0 : i32
    %dma_wait3A_72 = tpu.memref_slice %arg2[%dma_wait3A_70, %dma_wait3A_71] : memref<10000x128xf32, #tpu.memory_space<hbm>> -> memref<10000x128xf32, #tpu.memory_space<hbm>>
    tpu.wait_indirect_dma semaphore(%arg15 : memref<!tpu.dma_semaphore, #tpu.memory_space<semaphore_mem>>) src(%dma_wait3A_72 : memref<10000x128xf32, #tpu.memory_space<hbm>>) dst(%dma_wait3A_66 : memref<80x128xf32, #tpu.memory_space<vmem>>)
    %dma_start3A_73 = arith.constant 0 : i32
    %dma_start3A_74 = arith.constant 0 : i32
    %dma_start3A_75 = arith.constant 0 : i32
    %dma_start3A_76 = arith.constant 0 : i32
    %dma_start3A_77 = tpu.memref_slice %arg9[%dma_start3A_73, %dma_start3A_75, %dma_start3A_76] : memref<4x80x128xf32, #tpu.memory_space<vmem>> -> memref<1x80x128xf32, #tpu.memory_space<vmem>>
    %dma_start3A_78 = tpu.memref_squeeze %dma_start3A_77 : memref<1x80x128xf32, #tpu.memory_space<vmem>> -> memref<80x128xf32, #tpu.memory_space<vmem>>
    %dma_start3A_79 = arith.constant 0 : i32
    %dma_start3A_80 = tpu.memref_slice %arg8[%dma_start3A_74, %dma_start3A_79] : memref<4x80xi32, #tpu.memory_space<vmem>> -> memref<1x80xi32, #tpu.memory_space<vmem>>
    %dma_start3A_81 = tpu.memref_squeeze %dma_start3A_80 : memref<1x80xi32, #tpu.memory_space<vmem>> -> memref<80xi32, #tpu.memory_space<vmem>>
    %dma_start3A_82 = arith.constant 0 : i32
    %dma_start3A_83 = arith.constant 0 : i32
    %dma_start3A_84 = tpu.memref_slice %arg10[%dma_start3A_82, %dma_start3A_83] : memref<10000x128xf32, #tpu.memory_space<vmem_shared>> -> memref<10000x128xf32, #tpu.memory_space<vmem_shared>>
    tpu.enqueue_indirect_dma source(%dma_start3A_78 : memref<80x128xf32, #tpu.memory_space<vmem>>) target(%dma_start3A_84 : memref<10000x128xf32, #tpu.memory_space<vmem_shared>>) offsets(%dma_start3A_81 : memref<80xi32, #tpu.memory_space<vmem>>) semaphore(%arg19 : memref<!tpu.dma_semaphore, #tpu.memory_space<semaphore_mem>>) {add = true}
    %dma_wait3A_85 = arith.constant 0 : i32
    %dma_wait3A_86 = arith.constant 0 : i32
    %dma_wait3A_87 = arith.constant 0 : i32
    %dma_wait3A_88 = arith.constant 0 : i32
    %dma_wait3A_89 = tpu.memref_slice %arg9[%dma_wait3A_85, %dma_wait3A_87, %dma_wait3A_88] : memref<4x80x128xf32, #tpu.memory_space<vmem>> -> memref<1x80x128xf32, #tpu.memory_space<vmem>>
    %dma_wait3A_90 = tpu.memref_squeeze %dma_wait3A_89 : memref<1x80x128xf32, #tpu.memory_space<vmem>> -> memref<80x128xf32, #tpu.memory_space<vmem>>
    %dma_wait3A_91 = arith.constant 0 : i32
    %dma_wait3A_92 = tpu.memref_slice %arg8[%dma_wait3A_86, %dma_wait3A_91] : memref<4x80xi32, #tpu.memory_space<vmem>> -> memref<1x80xi32, #tpu.memory_space<vmem>>
    %dma_wait3A_93 = tpu.memref_squeeze %dma_wait3A_92 : memref<1x80xi32, #tpu.memory_space<vmem>> -> memref<80xi32, #tpu.memory_space<vmem>>
    %dma_wait3A_94 = arith.constant 0 : i32
    %dma_wait3A_95 = arith.constant 0 : i32
    %dma_wait3A_96 = tpu.memref_slice %arg10[%dma_wait3A_94, %dma_wait3A_95] : memref<10000x128xf32, #tpu.memory_space<vmem_shared>> -> memref<10000x128xf32, #tpu.memory_space<vmem_shared>>
    tpu.wait_indirect_dma semaphore(%arg19 : memref<!tpu.dma_semaphore, #tpu.memory_space<semaphore_mem>>) src(%dma_wait3A_90 : memref<80x128xf32, #tpu.memory_space<vmem>>) dst(%dma_wait3A_96 : memref<10000x128xf32, #tpu.memory_space<vmem_shared>>)
    %add3A_97 = arith.constant 80 : i32
    %add3A_98 = arith.addi %mul3A_2, %add3A_97 : i32
    %multiple_of3A_99 = tpu.assume_multiple %add3A_98, 8 : i32
    %dma_start3A_100 = arith.constant 0 : i32
    %dma_start3A_101 = arith.constant 0 : i32
    %dma_start3A_102 = tpu.memref_slice %arg7[%dma_start3A_100, %dma_start3A_101] : memref<4x80xi32, #tpu.memory_space<vmem>> -> memref<1x80xi32, #tpu.memory_space<vmem>>
    %dma_start3A_103 = tpu.memref_squeeze %dma_start3A_102 : memref<1x80xi32, #tpu.memory_space<vmem>> -> memref<80xi32, #tpu.memory_space<vmem>>
    %dma_start3A_104 = tpu.memref_slice %arg3[%multiple_of3A_99] : memref<320000xi32, #tpu.memory_space<hbm>> -> memref<80xi32, #tpu.memory_space<hbm>>
    %dma_start3A_105 = arith.constant 0 : i32
    %dma_start3A_106 = tpu.memref_slice %arg7[%dma_start3A_100, %dma_start3A_105] : memref<4x80xi32, #tpu.memory_space<vmem>> -> memref<1x80xi32, #tpu.memory_space<vmem>>
    %dma_start3A_107 = tpu.memref_squeeze %dma_start3A_106 : memref<1x80xi32, #tpu.memory_space<vmem>> -> memref<80xi32, #tpu.memory_space<vmem>>
    %dma_start3A_108 = tpu.memref_slice %arg3[%multiple_of3A_99] : memref<320000xi32, #tpu.memory_space<hbm>> -> memref<80xi32, #tpu.memory_space<hbm>>
    tpu.enqueue_dma source(%dma_start3A_108 : memref<80xi32, #tpu.memory_space<hbm>>) target(%dma_start3A_107 : memref<80xi32, #tpu.memory_space<vmem>>) target_semaphore(%arg11 : memref<!tpu.dma_semaphore, #tpu.memory_space<semaphore_mem>>)
    %dma_start3A_109 = arith.constant 0 : i32
    %dma_start3A_110 = arith.constant 0 : i32
    %dma_start3A_111 = tpu.memref_slice %arg8[%dma_start3A_109, %dma_start3A_110] : memref<4x80xi32, #tpu.memory_space<vmem>> -> memref<1x80xi32, #tpu.memory_space<vmem>>
    %dma_start3A_112 = tpu.memref_squeeze %dma_start3A_111 : memref<1x80xi32, #tpu.memory_space<vmem>> -> memref<80xi32, #tpu.memory_space<vmem>>
    %dma_start3A_113 = tpu.memref_slice %arg4[%multiple_of3A_99] : memref<320000xi32, #tpu.memory_space<hbm>> -> memref<80xi32, #tpu.memory_space<hbm>>
    %dma_start3A_114 = arith.constant 0 : i32
    %dma_start3A_115 = tpu.memref_slice %arg8[%dma_start3A_109, %dma_start3A_114] : memref<4x80xi32, #tpu.memory_space<vmem>> -> memref<1x80xi32, #tpu.memory_space<vmem>>
    %dma_start3A_116 = tpu.memref_squeeze %dma_start3A_115 : memref<1x80xi32, #tpu.memory_space<vmem>> -> memref<80xi32, #tpu.memory_space<vmem>>
    %dma_start3A_117 = tpu.memref_slice %arg4[%multiple_of3A_99] : memref<320000xi32, #tpu.memory_space<hbm>> -> memref<80xi32, #tpu.memory_space<hbm>>
    tpu.enqueue_dma source(%dma_start3A_117 : memref<80xi32, #tpu.memory_space<hbm>>) target(%dma_start3A_116 : memref<80xi32, #tpu.memory_space<vmem>>) target_semaphore(%arg11 : memref<!tpu.dma_semaphore, #tpu.memory_space<semaphore_mem>>)
    %add3A_118 = arith.constant 160 : i32
    %add3A_119 = arith.addi %mul3A_2, %add3A_118 : i32
    %multiple_of3A_120 = tpu.assume_multiple %add3A_119, 8 : i32
    %dma_start3A_121 = arith.constant 1 : i32
    %dma_start3A_122 = arith.constant 0 : i32
    %dma_start3A_123 = tpu.memref_slice %arg7[%dma_start3A_121, %dma_start3A_122] : memref<4x80xi32, #tpu.memory_space<vmem>> -> memref<1x80xi32, #tpu.memory_space<vmem>>
    %dma_start3A_124 = tpu.memref_squeeze %dma_start3A_123 : memref<1x80xi32, #tpu.memory_space<vmem>> -> memref<80xi32, #tpu.memory_space<vmem>>
    %dma_start3A_125 = tpu.memref_slice %arg3[%multiple_of3A_120] : memref<320000xi32, #tpu.memory_space<hbm>> -> memref<80xi32, #tpu.memory_space<hbm>>
    %dma_start3A_126 = arith.constant 0 : i32
    %dma_start3A_127 = tpu.memref_slice %arg7[%dma_start3A_121, %dma_start3A_126] : memref<4x80xi32, #tpu.memory_space<vmem>> -> memref<1x80xi32, #tpu.memory_space<vmem>>
    %dma_start3A_128 = tpu.memref_squeeze %dma_start3A_127 : memref<1x80xi32, #tpu.memory_space<vmem>> -> memref<80xi32, #tpu.memory_space<vmem>>
    %dma_start3A_129 = tpu.memref_slice %arg3[%multiple_of3A_120] : memref<320000xi32, #tpu.memory_space<hbm>> -> memref<80xi32, #tpu.memory_space<hbm>>
    tpu.enqueue_dma source(%dma_start3A_129 : memref<80xi32, #tpu.memory_space<hbm>>) target(%dma_start3A_128 : memref<80xi32, #tpu.memory_space<vmem>>) target_semaphore(%arg12 : memref<!tpu.dma_semaphore, #tpu.memory_space<semaphore_mem>>)
    %dma_start3A_130 = arith.constant 1 : i32
    %dma_start3A_131 = arith.constant 0 : i32
    %dma_start3A_132 = tpu.memref_slice %arg8[%dma_start3A_130, %dma_start3A_131] : memref<4x80xi32, #tpu.memory_space<vmem>> -> memref<1x80xi32, #tpu.memory_space<vmem>>
    %dma_start3A_133 = tpu.memref_squeeze %dma_start3A_132 : memref<1x80xi32, #tpu.memory_space<vmem>> -> memref<80xi32, #tpu.memory_space<vmem>>
    %dma_start3A_134 = tpu.memref_slice %arg4[%multiple_of3A_120] : memref<320000xi32, #tpu.memory_space<hbm>> -> memref<80xi32, #tpu.memory_space<hbm>>
    %dma_start3A_135 = arith.constant 0 : i32
    %dma_start3A_136 = tpu.memref_slice %arg8[%dma_start3A_130, %dma_start3A_135] : memref<4x80xi32, #tpu.memory_space<vmem>> -> memref<1x80xi32, #tpu.memory_space<vmem>>
    %dma_start3A_137 = tpu.memref_squeeze %dma_start3A_136 : memref<1x80xi32, #tpu.memory_space<vmem>> -> memref<80xi32, #tpu.memory_space<vmem>>
    %dma_start3A_138 = tpu.memref_slice %arg4[%multiple_of3A_120] : memref<320000xi32, #tpu.memory_space<hbm>> -> memref<80xi32, #tpu.memory_space<hbm>>
    tpu.enqueue_dma source(%dma_start3A_138 : memref<80xi32, #tpu.memory_space<hbm>>) target(%dma_start3A_137 : memref<80xi32, #tpu.memory_space<vmem>>) target_semaphore(%arg12 : memref<!tpu.dma_semaphore, #tpu.memory_space<semaphore_mem>>)
    %add3A_139 = arith.constant 240 : i32
    %add3A_140 = arith.addi %mul3A_2, %add3A_139 : i32
    %multiple_of3A_141 = tpu.assume_multiple %add3A_140, 8 : i32
    %dma_start3A_142 = arith.constant 2 : i32
    %dma_start3A_143 = arith.constant 0 : i32
    %dma_start3A_144 = tpu.memref_slice %arg7[%dma_start3A_142, %dma_start3A_143] : memref<4x80xi32, #tpu.memory_space<vmem>> -> memref<1x80xi32, #tpu.memory_space<vmem>>
    %dma_start3A_145 = tpu.memref_squeeze %dma_start3A_144 : memref<1x80xi32, #tpu.memory_space<vmem>> -> memref<80xi32, #tpu.memory_space<vmem>>
    %dma_start3A_146 = tpu.memref_slice %arg3[%multiple_of3A_141] : memref<320000xi32, #tpu.memory_space<hbm>> -> memref<80xi32, #tpu.memory_space<hbm>>
    %dma_start3A_147 = arith.constant 0 : i32
    %dma_start3A_148 = tpu.memref_slice %arg7[%dma_start3A_142, %dma_start3A_147] : memref<4x80xi32, #tpu.memory_space<vmem>> -> memref<1x80xi32, #tpu.memory_space<vmem>>
    %dma_start3A_149 = tpu.memref_squeeze %dma_start3A_148 : memref<1x80xi32, #tpu.memory_space<vmem>> -> memref<80xi32, #tpu.memory_space<vmem>>
    %dma_start3A_150 = tpu.memref_slice %arg3[%multiple_of3A_141] : memref<320000xi32, #tpu.memory_space<hbm>> -> memref<80xi32, #tpu.memory_space<hbm>>
    tpu.enqueue_dma source(%dma_start3A_150 : memref<80xi32, #tpu.memory_space<hbm>>) target(%dma_start3A_149 : memref<80xi32, #tpu.memory_space<vmem>>) target_semaphore(%arg13 : memref<!tpu.dma_semaphore, #tpu.memory_space<semaphore_mem>>)
    %dma_start3A_151 = arith.constant 2 : i32
    %dma_start3A_152 = arith.constant 0 : i32
    %dma_start3A_153 = tpu.memref_slice %arg8[%dma_start3A_151, %dma_start3A_152] : memref<4x80xi32, #tpu.memory_space<vmem>> -> memref<1x80xi32, #tpu.memory_space<vmem>>
    %dma_start3A_154 = tpu.memref_squeeze %dma_start3A_153 : memref<1x80xi32, #tpu.memory_space<vmem>> -> memref<80xi32, #tpu.memory_space<vmem>>
    %dma_start3A_155 = tpu.memref_slice %arg4[%multiple_of3A_141] : memref<320000xi32, #tpu.memory_space<hbm>> -> memref<80xi32, #tpu.memory_space<hbm>>
    %dma_start3A_156 = arith.constant 0 : i32
    %dma_start3A_157 = tpu.memref_slice %arg8[%dma_start3A_151, %dma_start3A_156] : memref<4x80xi32, #tpu.memory_space<vmem>> -> memref<1x80xi32, #tpu.memory_space<vmem>>
    %dma_start3A_158 = tpu.memref_squeeze %dma_start3A_157 : memref<1x80xi32, #tpu.memory_space<vmem>> -> memref<80xi32, #tpu.memory_space<vmem>>
    %dma_start3A_159 = tpu.memref_slice %arg4[%multiple_of3A_141] : memref<320000xi32, #tpu.memory_space<hbm>> -> memref<80xi32, #tpu.memory_space<hbm>>
    tpu.enqueue_dma source(%dma_start3A_159 : memref<80xi32, #tpu.memory_space<hbm>>) target(%dma_start3A_158 : memref<80xi32, #tpu.memory_space<vmem>>) target_semaphore(%arg13 : memref<!tpu.dma_semaphore, #tpu.memory_space<semaphore_mem>>)
    %dma_wait3A_160 = arith.constant 0 : i32
    %dma_wait3A_161 = arith.constant 0 : i32
    %dma_wait3A_162 = tpu.memref_slice %arg7[%dma_wait3A_160, %dma_wait3A_161] : memref<4x80xi32, #tpu.memory_space<vmem>> -> memref<1x80xi32, #tpu.memory_space<vmem>>
    %dma_wait3A_163 = tpu.memref_squeeze %dma_wait3A_162 : memref<1x80xi32, #tpu.memory_space<vmem>> -> memref<80xi32, #tpu.memory_space<vmem>>
    %dma_wait3A_164 = arith.constant 0 : i32
    %dma_wait3A_165 = tpu.memref_slice %arg3[%dma_wait3A_164] : memref<320000xi32, #tpu.memory_space<hbm>> -> memref<80xi32, #tpu.memory_space<hbm>>
    %dma_wait3A_166 = arith.constant 0 : i32
    %dma_wait3A_167 = tpu.memref_slice %arg7[%dma_wait3A_160, %dma_wait3A_166] : memref<4x80xi32, #tpu.memory_space<vmem>> -> memref<1x80xi32, #tpu.memory_space<vmem>>
    %dma_wait3A_168 = tpu.memref_squeeze %dma_wait3A_167 : memref<1x80xi32, #tpu.memory_space<vmem>> -> memref<80xi32, #tpu.memory_space<vmem>>
    %dma_wait3A_169 = arith.constant 0 : i32
    %dma_wait3A_170 = tpu.memref_slice %arg3[%dma_wait3A_169] : memref<320000xi32, #tpu.memory_space<hbm>> -> memref<80xi32, #tpu.memory_space<hbm>>
    tpu.wait_dma2 semaphore(%arg11 : memref<!tpu.dma_semaphore, #tpu.memory_space<semaphore_mem>>) src(%dma_wait3A_170 : memref<80xi32, #tpu.memory_space<hbm>>) dst(%dma_wait3A_168 : memref<80xi32, #tpu.memory_space<vmem>>)
    %dma_wait3A_171 = arith.constant 0 : i32
    %dma_wait3A_172 = arith.constant 0 : i32
    %dma_wait3A_173 = tpu.memref_slice %arg8[%dma_wait3A_171, %dma_wait3A_172] : memref<4x80xi32, #tpu.memory_space<vmem>> -> memref<1x80xi32, #tpu.memory_space<vmem>>
    %dma_wait3A_174 = tpu.memref_squeeze %dma_wait3A_173 : memref<1x80xi32, #tpu.memory_space<vmem>> -> memref<80xi32, #tpu.memory_space<vmem>>
    %dma_wait3A_175 = arith.constant 0 : i32
    %dma_wait3A_176 = tpu.memref_slice %arg4[%dma_wait3A_175] : memref<320000xi32, #tpu.memory_space<hbm>> -> memref<80xi32, #tpu.memory_space<hbm>>
    %dma_wait3A_177 = arith.constant 0 : i32
    %dma_wait3A_178 = tpu.memref_slice %arg8[%dma_wait3A_171, %dma_wait3A_177] : memref<4x80xi32, #tpu.memory_space<vmem>> -> memref<1x80xi32, #tpu.memory_space<vmem>>
    %dma_wait3A_179 = tpu.memref_squeeze %dma_wait3A_178 : memref<1x80xi32, #tpu.memory_space<vmem>> -> memref<80xi32, #tpu.memory_space<vmem>>
    %dma_wait3A_180 = arith.constant 0 : i32
    %dma_wait3A_181 = tpu.memref_slice %arg4[%dma_wait3A_180] : memref<320000xi32, #tpu.memory_space<hbm>> -> memref<80xi32, #tpu.memory_space<hbm>>
    tpu.wait_dma2 semaphore(%arg11 : memref<!tpu.dma_semaphore, #tpu.memory_space<semaphore_mem>>) src(%dma_wait3A_181 : memref<80xi32, #tpu.memory_space<hbm>>) dst(%dma_wait3A_179 : memref<80xi32, #tpu.memory_space<vmem>>)
    %dma_start3A_182 = arith.constant 0 : i32
    %dma_start3A_183 = arith.constant 0 : i32
    %dma_start3A_184 = arith.constant 0 : i32
    %dma_start3A_185 = arith.constant 0 : i32
    %dma_start3A_186 = tpu.memref_slice %arg9[%dma_start3A_183, %dma_start3A_184, %dma_start3A_185] : memref<4x80x128xf32, #tpu.memory_space<vmem>> -> memref<1x80x128xf32, #tpu.memory_space<vmem>>
    %dma_start3A_187 = tpu.memref_squeeze %dma_start3A_186 : memref<1x80x128xf32, #tpu.memory_space<vmem>> -> memref<80x128xf32, #tpu.memory_space<vmem>>
    %dma_start3A_188 = arith.constant 0 : i32
    %dma_start3A_189 = tpu.memref_slice %arg7[%dma_start3A_182, %dma_start3A_188] : memref<4x80xi32, #tpu.memory_space<vmem>> -> memref<1x80xi32, #tpu.memory_space<vmem>>
    %dma_start3A_190 = tpu.memref_squeeze %dma_start3A_189 : memref<1x80xi32, #tpu.memory_space<vmem>> -> memref<80xi32, #tpu.memory_space<vmem>>
    %dma_start3A_191 = arith.constant 0 : i32
    %dma_start3A_192 = arith.constant 0 : i32
    %dma_start3A_193 = tpu.memref_slice %arg2[%dma_start3A_191, %dma_start3A_192] : memref<10000x128xf32, #tpu.memory_space<hbm>> -> memref<10000x128xf32, #tpu.memory_space<hbm>>
    tpu.enqueue_indirect_dma source(%dma_start3A_193 : memref<10000x128xf32, #tpu.memory_space<hbm>>) target(%dma_start3A_187 : memref<80x128xf32, #tpu.memory_space<vmem>>) offsets(%dma_start3A_190 : memref<80xi32, #tpu.memory_space<vmem>>) semaphore(%arg15 : memref<!tpu.dma_semaphore, #tpu.memory_space<semaphore_mem>>)
    %dma_wait3A_194 = arith.constant 1 : i32
    %dma_wait3A_195 = arith.constant 0 : i32
    %dma_wait3A_196 = tpu.memref_slice %arg7[%dma_wait3A_194, %dma_wait3A_195] : memref<4x80xi32, #tpu.memory_space<vmem>> -> memref<1x80xi32, #tpu.memory_space<vmem>>
    %dma_wait3A_197 = tpu.memref_squeeze %dma_wait3A_196 : memref<1x80xi32, #tpu.memory_space<vmem>> -> memref<80xi32, #tpu.memory_space<vmem>>
    %dma_wait3A_198 = arith.constant 0 : i32
    %dma_wait3A_199 = tpu.memref_slice %arg3[%dma_wait3A_198] : memref<320000xi32, #tpu.memory_space<hbm>> -> memref<80xi32, #tpu.memory_space<hbm>>
    %dma_wait3A_200 = arith.constant 0 : i32
    %dma_wait3A_201 = tpu.memref_slice %arg7[%dma_wait3A_194, %dma_wait3A_200] : memref<4x80xi32, #tpu.memory_space<vmem>> -> memref<1x80xi32, #tpu.memory_space<vmem>>
    %dma_wait3A_202 = tpu.memref_squeeze %dma_wait3A_201 : memref<1x80xi32, #tpu.memory_space<vmem>> -> memref<80xi32, #tpu.memory_space<vmem>>
    %dma_wait3A_203 = arith.constant 0 : i32
    %dma_wait3A_204 = tpu.memref_slice %arg3[%dma_wait3A_203] : memref<320000xi32, #tpu.memory_space<hbm>> -> memref<80xi32, #tpu.memory_space<hbm>>
    tpu.wait_dma2 semaphore(%arg12 : memref<!tpu.dma_semaphore, #tpu.memory_space<semaphore_mem>>) src(%dma_wait3A_204 : memref<80xi32, #tpu.memory_space<hbm>>) dst(%dma_wait3A_202 : memref<80xi32, #tpu.memory_space<vmem>>)
    %dma_wait3A_205 = arith.constant 1 : i32
    %dma_wait3A_206 = arith.constant 0 : i32
    %dma_wait3A_207 = tpu.memref_slice %arg8[%dma_wait3A_205, %dma_wait3A_206] : memref<4x80xi32, #tpu.memory_space<vmem>> -> memref<1x80xi32, #tpu.memory_space<vmem>>
    %dma_wait3A_208 = tpu.memref_squeeze %dma_wait3A_207 : memref<1x80xi32, #tpu.memory_space<vmem>> -> memref<80xi32, #tpu.memory_space<vmem>>
    %dma_wait3A_209 = arith.constant 0 : i32
    %dma_wait3A_210 = tpu.memref_slice %arg4[%dma_wait3A_209] : memref<320000xi32, #tpu.memory_space<hbm>> -> memref<80xi32, #tpu.memory_space<hbm>>
    %dma_wait3A_211 = arith.constant 0 : i32
    %dma_wait3A_212 = tpu.memref_slice %arg8[%dma_wait3A_205, %dma_wait3A_211] : memref<4x80xi32, #tpu.memory_space<vmem>> -> memref<1x80xi32, #tpu.memory_space<vmem>>
    %dma_wait3A_213 = tpu.memref_squeeze %dma_wait3A_212 : memref<1x80xi32, #tpu.memory_space<vmem>> -> memref<80xi32, #tpu.memory_space<vmem>>
    %dma_wait3A_214 = arith.constant 0 : i32
    %dma_wait3A_215 = tpu.memref_slice %arg4[%dma_wait3A_214] : memref<320000xi32, #tpu.memory_space<hbm>> -> memref<80xi32, #tpu.memory_space<hbm>>
    tpu.wait_dma2 semaphore(%arg12 : memref<!tpu.dma_semaphore, #tpu.memory_space<semaphore_mem>>) src(%dma_wait3A_215 : memref<80xi32, #tpu.memory_space<hbm>>) dst(%dma_wait3A_213 : memref<80xi32, #tpu.memory_space<vmem>>)
    %dma_start3A_216 = arith.constant 1 : i32
    %dma_start3A_217 = arith.constant 1 : i32
    %dma_start3A_218 = arith.constant 0 : i32
    %dma_start3A_219 = arith.constant 0 : i32
    %dma_start3A_220 = tpu.memref_slice %arg9[%dma_start3A_217, %dma_start3A_218, %dma_start3A_219] : memref<4x80x128xf32, #tpu.memory_space<vmem>> -> memref<1x80x128xf32, #tpu.memory_space<vmem>>
    %dma_start3A_221 = tpu.memref_squeeze %dma_start3A_220 : memref<1x80x128xf32, #tpu.memory_space<vmem>> -> memref<80x128xf32, #tpu.memory_space<vmem>>
    %dma_start3A_222 = arith.constant 0 : i32
    %dma_start3A_223 = tpu.memref_slice %arg7[%dma_start3A_216, %dma_start3A_222] : memref<4x80xi32, #tpu.memory_space<vmem>> -> memref<1x80xi32, #tpu.memory_space<vmem>>
    %dma_start3A_224 = tpu.memref_squeeze %dma_start3A_223 : memref<1x80xi32, #tpu.memory_space<vmem>> -> memref<80xi32, #tpu.memory_space<vmem>>
    %dma_start3A_225 = arith.constant 0 : i32
    %dma_start3A_226 = arith.constant 0 : i32
    %dma_start3A_227 = tpu.memref_slice %arg2[%dma_start3A_225, %dma_start3A_226] : memref<10000x128xf32, #tpu.memory_space<hbm>> -> memref<10000x128xf32, #tpu.memory_space<hbm>>
    tpu.enqueue_indirect_dma source(%dma_start3A_227 : memref<10000x128xf32, #tpu.memory_space<hbm>>) target(%dma_start3A_221 : memref<80x128xf32, #tpu.memory_space<vmem>>) offsets(%dma_start3A_224 : memref<80xi32, #tpu.memory_space<vmem>>) semaphore(%arg16 : memref<!tpu.dma_semaphore, #tpu.memory_space<semaphore_mem>>)
    %scan3A = arith.constant 0 : i32
    %scan3A_228 = arith.constant 31 : i32
    %scan3A_229 = arith.addi %scan3A, %scan3A_228 : i32
    %scan3A_230 = arith.constant 1 : i32
    scf.for %scan3A_293 = %scan3A to %scan3A_229 step %scan3A_230  : i32 {
      %mul3A_294 = arith.constant 1 : i32
      %mul3A_295 = arith.muli %scan3A_293, %mul3A_294 : i32
      %add3A_296 = arith.constant 0 : i32
      %add3A_297 = arith.addi %add3A_296, %mul3A_295 : i32
      %mul3A_298 = arith.constant 4 : i32
      %mul3A_299 = arith.muli %add3A_297, %mul3A_298 : i32
      %add3A_300 = arith.constant 1 : i32
      %add3A_301 = arith.addi %add3A_300, %mul3A_299 : i32
      %add3A_302 = arith.constant 0 : i32
      %add3A_303 = arith.addi %add3A_301, %add3A_302 : i32
      %dma_wait3A_304 = arith.constant 0 : i32
      %dma_wait3A_305 = arith.constant 0 : i32
      %dma_wait3A_306 = arith.constant 0 : i32
      %dma_wait3A_307 = arith.constant 0 : i32
      %dma_wait3A_308 = tpu.memref_slice %arg9[%dma_wait3A_305, %dma_wait3A_306, %dma_wait3A_307] : memref<4x80x128xf32, #tpu.memory_space<vmem>> -> memref<1x80x128xf32, #tpu.memory_space<vmem>>
      %dma_wait3A_309 = tpu.memref_squeeze %dma_wait3A_308 : memref<1x80x128xf32, #tpu.memory_space<vmem>> -> memref<80x128xf32, #tpu.memory_space<vmem>>
      %dma_wait3A_310 = arith.constant 0 : i32
      %dma_wait3A_311 = tpu.memref_slice %arg7[%dma_wait3A_304, %dma_wait3A_310] : memref<4x80xi32, #tpu.memory_space<vmem>> -> memref<1x80xi32, #tpu.memory_space<vmem>>
      %dma_wait3A_312 = tpu.memref_squeeze %dma_wait3A_311 : memref<1x80xi32, #tpu.memory_space<vmem>> -> memref<80xi32, #tpu.memory_space<vmem>>
      %dma_wait3A_313 = arith.constant 0 : i32
      %dma_wait3A_314 = arith.constant 0 : i32
      %dma_wait3A_315 = tpu.memref_slice %arg2[%dma_wait3A_313, %dma_wait3A_314] : memref<10000x128xf32, #tpu.memory_space<hbm>> -> memref<10000x128xf32, #tpu.memory_space<hbm>>
      tpu.wait_indirect_dma semaphore(%arg15 : memref<!tpu.dma_semaphore, #tpu.memory_space<semaphore_mem>>) src(%dma_wait3A_315 : memref<10000x128xf32, #tpu.memory_space<hbm>>) dst(%dma_wait3A_309 : memref<80x128xf32, #tpu.memory_space<vmem>>)
      %dma_start3A_316 = arith.constant 0 : i32
      %dma_start3A_317 = arith.constant 0 : i32
      %dma_start3A_318 = arith.constant 0 : i32
      %dma_start3A_319 = arith.constant 0 : i32
      %dma_start3A_320 = tpu.memref_slice %arg9[%dma_start3A_316, %dma_start3A_318, %dma_start3A_319] : memref<4x80x128xf32, #tpu.memory_space<vmem>> -> memref<1x80x128xf32, #tpu.memory_space<vmem>>
      %dma_start3A_321 = tpu.memref_squeeze %dma_start3A_320 : memref<1x80x128xf32, #tpu.memory_space<vmem>> -> memref<80x128xf32, #tpu.memory_space<vmem>>
      %dma_start3A_322 = arith.constant 0 : i32
      %dma_start3A_323 = tpu.memref_slice %arg8[%dma_start3A_317, %dma_start3A_322] : memref<4x80xi32, #tpu.memory_space<vmem>> -> memref<1x80xi32, #tpu.memory_space<vmem>>
      %dma_start3A_324 = tpu.memref_squeeze %dma_start3A_323 : memref<1x80xi32, #tpu.memory_space<vmem>> -> memref<80xi32, #tpu.memory_space<vmem>>
      %dma_start3A_325 = arith.constant 0 : i32
      %dma_start3A_326 = arith.constant 0 : i32
      %dma_start3A_327 = tpu.memref_slice %arg10[%dma_start3A_325, %dma_start3A_326] : memref<10000x128xf32, #tpu.memory_space<vmem_shared>> -> memref<10000x128xf32, #tpu.memory_space<vmem_shared>>
      tpu.enqueue_indirect_dma source(%dma_start3A_321 : memref<80x128xf32, #tpu.memory_space<vmem>>) target(%dma_start3A_327 : memref<10000x128xf32, #tpu.memory_space<vmem_shared>>) offsets(%dma_start3A_324 : memref<80xi32, #tpu.memory_space<vmem>>) semaphore(%arg19 : memref<!tpu.dma_semaphore, #tpu.memory_space<semaphore_mem>>) {add = true}
      %add3A_328 = arith.constant 2 : i32
      %add3A_329 = arith.addi %add3A_303, %add3A_328 : i32
      %lt3A = arith.constant 125 : i32
      %lt3A_330 = arith.cmpi slt, %add3A_329, %lt3A : i32
      %convert_element_type3A_331 = arith.extui %lt3A_330 : i1 to i32
      %cond3A_332 = arith.constant 0 : i32
      %cond3A_333 = arith.cmpi ne, %convert_element_type3A_331, %cond3A_332 : i32
      scf.if %cond3A_333 {
        %dma_wait3A_461 = arith.constant 2 : i32
        %dma_wait3A_462 = arith.constant 0 : i32
        %dma_wait3A_463 = tpu.memref_slice %arg7[%dma_wait3A_461, %dma_wait3A_462] : memref<4x80xi32, #tpu.memory_space<vmem>> -> memref<1x80xi32, #tpu.memory_space<vmem>>
        %dma_wait3A_464 = tpu.memref_squeeze %dma_wait3A_463 : memref<1x80xi32, #tpu.memory_space<vmem>> -> memref<80xi32, #tpu.memory_space<vmem>>
        %dma_wait3A_465 = arith.constant 0 : i32
        %dma_wait3A_466 = tpu.memref_slice %arg3[%dma_wait3A_465] : memref<320000xi32, #tpu.memory_space<hbm>> -> memref<80xi32, #tpu.memory_space<hbm>>
        %dma_wait3A_467 = arith.constant 0 : i32
        %dma_wait3A_468 = tpu.memref_slice %arg7[%dma_wait3A_461, %dma_wait3A_467] : memref<4x80xi32, #tpu.memory_space<vmem>> -> memref<1x80xi32, #tpu.memory_space<vmem>>
        %dma_wait3A_469 = tpu.memref_squeeze %dma_wait3A_468 : memref<1x80xi32, #tpu.memory_space<vmem>> -> memref<80xi32, #tpu.memory_space<vmem>>
        %dma_wait3A_470 = arith.constant 0 : i32
        %dma_wait3A_471 = tpu.memref_slice %arg3[%dma_wait3A_470] : memref<320000xi32, #tpu.memory_space<hbm>> -> memref<80xi32, #tpu.memory_space<hbm>>
        tpu.wait_dma2 semaphore(%arg13 : memref<!tpu.dma_semaphore, #tpu.memory_space<semaphore_mem>>) src(%dma_wait3A_471 : memref<80xi32, #tpu.memory_space<hbm>>) dst(%dma_wait3A_469 : memref<80xi32, #tpu.memory_space<vmem>>)
        %dma_wait3A_472 = arith.constant 2 : i32
        %dma_wait3A_473 = arith.constant 0 : i32
        %dma_wait3A_474 = tpu.memref_slice %arg8[%dma_wait3A_472, %dma_wait3A_473] : memref<4x80xi32, #tpu.memory_space<vmem>> -> memref<1x80xi32, #tpu.memory_space<vmem>>
        %dma_wait3A_475 = tpu.memref_squeeze %dma_wait3A_474 : memref<1x80xi32, #tpu.memory_space<vmem>> -> memref<80xi32, #tpu.memory_space<vmem>>
        %dma_wait3A_476 = arith.constant 0 : i32
        %dma_wait3A_477 = tpu.memref_slice %arg4[%dma_wait3A_476] : memref<320000xi32, #tpu.memory_space<hbm>> -> memref<80xi32, #tpu.memory_space<hbm>>
        %dma_wait3A_478 = arith.constant 0 : i32
        %dma_wait3A_479 = tpu.memref_slice %arg8[%dma_wait3A_472, %dma_wait3A_478] : memref<4x80xi32, #tpu.memory_space<vmem>> -> memref<1x80xi32, #tpu.memory_space<vmem>>
        %dma_wait3A_480 = tpu.memref_squeeze %dma_wait3A_479 : memref<1x80xi32, #tpu.memory_space<vmem>> -> memref<80xi32, #tpu.memory_space<vmem>>
        %dma_wait3A_481 = arith.constant 0 : i32
        %dma_wait3A_482 = tpu.memref_slice %arg4[%dma_wait3A_481] : memref<320000xi32, #tpu.memory_space<hbm>> -> memref<80xi32, #tpu.memory_space<hbm>>
        tpu.wait_dma2 semaphore(%arg13 : memref<!tpu.dma_semaphore, #tpu.memory_space<semaphore_mem>>) src(%dma_wait3A_482 : memref<80xi32, #tpu.memory_space<hbm>>) dst(%dma_wait3A_480 : memref<80xi32, #tpu.memory_space<vmem>>)
        %ge3A = arith.constant 3 : i32
        %ge3A_483 = arith.cmpi sge, %add3A_303, %ge3A : i32
        %convert_element_type3A_484 = arith.extui %ge3A_483 : i1 to i32
        %cond3A_485 = arith.constant 0 : i32
        %cond3A_486 = arith.cmpi ne, %convert_element_type3A_484, %cond3A_485 : i32
        scf.if %cond3A_486 {
          %dma_wait3A_499 = arith.constant 2 : i32
          %dma_wait3A_500 = arith.constant 2 : i32
          %dma_wait3A_501 = arith.constant 0 : i32
          %dma_wait3A_502 = arith.constant 0 : i32
          %dma_wait3A_503 = tpu.memref_slice %arg9[%dma_wait3A_499, %dma_wait3A_501, %dma_wait3A_502] : memref<4x80x128xf32, #tpu.memory_space<vmem>> -> memref<1x80x128xf32, #tpu.memory_space<vmem>>
          %dma_wait3A_504 = tpu.memref_squeeze %dma_wait3A_503 : memref<1x80x128xf32, #tpu.memory_space<vmem>> -> memref<80x128xf32, #tpu.memory_space<vmem>>
          %dma_wait3A_505 = arith.constant 0 : i32
          %dma_wait3A_506 = tpu.memref_slice %arg8[%dma_wait3A_500, %dma_wait3A_505] : memref<4x80xi32, #tpu.memory_space<vmem>> -> memref<1x80xi32, #tpu.memory_space<vmem>>
          %dma_wait3A_507 = tpu.memref_squeeze %dma_wait3A_506 : memref<1x80xi32, #tpu.memory_space<vmem>> -> memref<80xi32, #tpu.memory_space<vmem>>
          %dma_wait3A_508 = arith.constant 0 : i32
          %dma_wait3A_509 = arith.constant 0 : i32
          %dma_wait3A_510 = tpu.memref_slice %arg10[%dma_wait3A_508, %dma_wait3A_509] : memref<10000x128xf32, #tpu.memory_space<vmem_shared>> -> memref<10000x128xf32, #tpu.memory_space<vmem_shared>>
          tpu.wait_indirect_dma semaphore(%arg21 : memref<!tpu.dma_semaphore, #tpu.memory_space<semaphore_mem>>) src(%dma_wait3A_504 : memref<80x128xf32, #tpu.memory_space<vmem>>) dst(%dma_wait3A_510 : memref<10000x128xf32, #tpu.memory_space<vmem_shared>>)
        } else {
        }
        %dma_start3A_487 = arith.constant 2 : i32
        %dma_start3A_488 = arith.constant 2 : i32
        %dma_start3A_489 = arith.constant 0 : i32
        %dma_start3A_490 = arith.constant 0 : i32
        %dma_start3A_491 = tpu.memref_slice %arg9[%dma_start3A_488, %dma_start3A_489, %dma_start3A_490] : memref<4x80x128xf32, #tpu.memory_space<vmem>> -> memref<1x80x128xf32, #tpu.memory_space<vmem>>
        %dma_start3A_492 = tpu.memref_squeeze %dma_start3A_491 : memref<1x80x128xf32, #tpu.memory_space<vmem>> -> memref<80x128xf32, #tpu.memory_space<vmem>>
        %dma_start3A_493 = arith.constant 0 : i32
        %dma_start3A_494 = tpu.memref_slice %arg7[%dma_start3A_487, %dma_start3A_493] : memref<4x80xi32, #tpu.memory_space<vmem>> -> memref<1x80xi32, #tpu.memory_space<vmem>>
        %dma_start3A_495 = tpu.memref_squeeze %dma_start3A_494 : memref<1x80xi32, #tpu.memory_space<vmem>> -> memref<80xi32, #tpu.memory_space<vmem>>
        %dma_start3A_496 = arith.constant 0 : i32
        %dma_start3A_497 = arith.constant 0 : i32
        %dma_start3A_498 = tpu.memref_slice %arg2[%dma_start3A_496, %dma_start3A_497] : memref<10000x128xf32, #tpu.memory_space<hbm>> -> memref<10000x128xf32, #tpu.memory_space<hbm>>
        tpu.enqueue_indirect_dma source(%dma_start3A_498 : memref<10000x128xf32, #tpu.memory_space<hbm>>) target(%dma_start3A_492 : memref<80x128xf32, #tpu.memory_space<vmem>>) offsets(%dma_start3A_495 : memref<80xi32, #tpu.memory_space<vmem>>) semaphore(%arg17 : memref<!tpu.dma_semaphore, #tpu.memory_space<semaphore_mem>>)
      } else {
      }
      %add3A_334 = arith.constant 3 : i32
      %add3A_335 = arith.addi %add3A_303, %add3A_334 : i32
      %lt3A_336 = arith.constant 125 : i32
      %lt3A_337 = arith.cmpi slt, %add3A_335, %lt3A_336 : i32
      %convert_element_type3A_338 = arith.extui %lt3A_337 : i1 to i32
      %cond3A_339 = arith.constant 0 : i32
      %cond3A_340 = arith.cmpi ne, %convert_element_type3A_338, %cond3A_339 : i32
      scf.if %cond3A_340 {
        %add3A_461 = arith.constant 3 : i32
        %add3A_462 = arith.addi %add3A_303, %add3A_461 : i32
        %mul3A_463 = arith.constant 80 : i32
        %mul3A_464 = arith.muli %add3A_462, %mul3A_463 : i32
        %add3A_465 = arith.addi %mul3A_2, %mul3A_464 : i32
        %multiple_of3A_466 = tpu.assume_multiple %add3A_465, 8 : i32
        %dma_start3A_467 = arith.constant 3 : i32
        %dma_start3A_468 = arith.constant 0 : i32
        %dma_start3A_469 = tpu.memref_slice %arg7[%dma_start3A_467, %dma_start3A_468] : memref<4x80xi32, #tpu.memory_space<vmem>> -> memref<1x80xi32, #tpu.memory_space<vmem>>
        %dma_start3A_470 = tpu.memref_squeeze %dma_start3A_469 : memref<1x80xi32, #tpu.memory_space<vmem>> -> memref<80xi32, #tpu.memory_space<vmem>>
        %dma_start3A_471 = tpu.memref_slice %arg3[%multiple_of3A_466] : memref<320000xi32, #tpu.memory_space<hbm>> -> memref<80xi32, #tpu.memory_space<hbm>>
        %dma_start3A_472 = arith.constant 0 : i32
        %dma_start3A_473 = tpu.memref_slice %arg7[%dma_start3A_467, %dma_start3A_472] : memref<4x80xi32, #tpu.memory_space<vmem>> -> memref<1x80xi32, #tpu.memory_space<vmem>>
        %dma_start3A_474 = tpu.memref_squeeze %dma_start3A_473 : memref<1x80xi32, #tpu.memory_space<vmem>> -> memref<80xi32, #tpu.memory_space<vmem>>
        %dma_start3A_475 = tpu.memref_slice %arg3[%multiple_of3A_466] : memref<320000xi32, #tpu.memory_space<hbm>> -> memref<80xi32, #tpu.memory_space<hbm>>
        tpu.enqueue_dma source(%dma_start3A_475 : memref<80xi32, #tpu.memory_space<hbm>>) target(%dma_start3A_474 : memref<80xi32, #tpu.memory_space<vmem>>) target_semaphore(%arg14 : memref<!tpu.dma_semaphore, #tpu.memory_space<semaphore_mem>>)
        %dma_start3A_476 = arith.constant 3 : i32
        %dma_start3A_477 = arith.constant 0 : i32
        %dma_start3A_478 = tpu.memref_slice %arg8[%dma_start3A_476, %dma_start3A_477] : memref<4x80xi32, #tpu.memory_space<vmem>> -> memref<1x80xi32, #tpu.memory_space<vmem>>
        %dma_start3A_479 = tpu.memref_squeeze %dma_start3A_478 : memref<1x80xi32, #tpu.memory_space<vmem>> -> memref<80xi32, #tpu.memory_space<vmem>>
        %dma_start3A_480 = tpu.memref_slice %arg4[%multiple_of3A_466] : memref<320000xi32, #tpu.memory_space<hbm>> -> memref<80xi32, #tpu.memory_space<hbm>>
        %dma_start3A_481 = arith.constant 0 : i32
        %dma_start3A_482 = tpu.memref_slice %arg8[%dma_start3A_476, %dma_start3A_481] : memref<4x80xi32, #tpu.memory_space<vmem>> -> memref<1x80xi32, #tpu.memory_space<vmem>>
        %dma_start3A_483 = tpu.memref_squeeze %dma_start3A_482 : memref<1x80xi32, #tpu.memory_space<vmem>> -> memref<80xi32, #tpu.memory_space<vmem>>
        %dma_start3A_484 = tpu.memref_slice %arg4[%multiple_of3A_466] : memref<320000xi32, #tpu.memory_space<hbm>> -> memref<80xi32, #tpu.memory_space<hbm>>
        tpu.enqueue_dma source(%dma_start3A_484 : memref<80xi32, #tpu.memory_space<hbm>>) target(%dma_start3A_483 : memref<80xi32, #tpu.memory_space<vmem>>) target_semaphore(%arg14 : memref<!tpu.dma_semaphore, #tpu.memory_space<semaphore_mem>>)
      } else {
      }
      %add3A_341 = arith.constant 1 : i32
      %add3A_342 = arith.addi %add3A_301, %add3A_341 : i32
      %dma_wait3A_343 = arith.constant 1 : i32
      %dma_wait3A_344 = arith.constant 1 : i32
      %dma_wait3A_345 = arith.constant 0 : i32
      %dma_wait3A_346 = arith.constant 0 : i32
      %dma_wait3A_347 = tpu.memref_slice %arg9[%dma_wait3A_344, %dma_wait3A_345, %dma_wait3A_346] : memref<4x80x128xf32, #tpu.memory_space<vmem>> -> memref<1x80x128xf32, #tpu.memory_space<vmem>>
      %dma_wait3A_348 = tpu.memref_squeeze %dma_wait3A_347 : memref<1x80x128xf32, #tpu.memory_space<vmem>> -> memref<80x128xf32, #tpu.memory_space<vmem>>
      %dma_wait3A_349 = arith.constant 0 : i32
      %dma_wait3A_350 = tpu.memref_slice %arg7[%dma_wait3A_343, %dma_wait3A_349] : memref<4x80xi32, #tpu.memory_space<vmem>> -> memref<1x80xi32, #tpu.memory_space<vmem>>
      %dma_wait3A_351 = tpu.memref_squeeze %dma_wait3A_350 : memref<1x80xi32, #tpu.memory_space<vmem>> -> memref<80xi32, #tpu.memory_space<vmem>>
      %dma_wait3A_352 = arith.constant 0 : i32
      %dma_wait3A_353 = arith.constant 0 : i32
      %dma_wait3A_354 = tpu.memref_slice %arg2[%dma_wait3A_352, %dma_wait3A_353] : memref<10000x128xf32, #tpu.memory_space<hbm>> -> memref<10000x128xf32, #tpu.memory_space<hbm>>
      tpu.wait_indirect_dma semaphore(%arg16 : memref<!tpu.dma_semaphore, #tpu.memory_space<semaphore_mem>>) src(%dma_wait3A_354 : memref<10000x128xf32, #tpu.memory_space<hbm>>) dst(%dma_wait3A_348 : memref<80x128xf32, #tpu.memory_space<vmem>>)
      %dma_start3A_355 = arith.constant 1 : i32
      %dma_start3A_356 = arith.constant 1 : i32
      %dma_start3A_357 = arith.constant 0 : i32
      %dma_start3A_358 = arith.constant 0 : i32
      %dma_start3A_359 = tpu.memref_slice %arg9[%dma_start3A_355, %dma_start3A_357, %dma_start3A_358] : memref<4x80x128xf32, #tpu.memory_space<vmem>> -> memref<1x80x128xf32, #tpu.memory_space<vmem>>
      %dma_start3A_360 = tpu.memref_squeeze %dma_start3A_359 : memref<1x80x128xf32, #tpu.memory_space<vmem>> -> memref<80x128xf32, #tpu.memory_space<vmem>>
      %dma_start3A_361 = arith.constant 0 : i32
      %dma_start3A_362 = tpu.memref_slice %arg8[%dma_start3A_356, %dma_start3A_361] : memref<4x80xi32, #tpu.memory_space<vmem>> -> memref<1x80xi32, #tpu.memory_space<vmem>>
      %dma_start3A_363 = tpu.memref_squeeze %dma_start3A_362 : memref<1x80xi32, #tpu.memory_space<vmem>> -> memref<80xi32, #tpu.memory_space<vmem>>
      %dma_start3A_364 = arith.constant 0 : i32
      %dma_start3A_365 = arith.constant 0 : i32
      %dma_start3A_366 = tpu.memref_slice %arg10[%dma_start3A_364, %dma_start3A_365] : memref<10000x128xf32, #tpu.memory_space<vmem_shared>> -> memref<10000x128xf32, #tpu.memory_space<vmem_shared>>
      tpu.enqueue_indirect_dma source(%dma_start3A_360 : memref<80x128xf32, #tpu.memory_space<vmem>>) target(%dma_start3A_366 : memref<10000x128xf32, #tpu.memory_space<vmem_shared>>) offsets(%dma_start3A_363 : memref<80xi32, #tpu.memory_space<vmem>>) semaphore(%arg20 : memref<!tpu.dma_semaphore, #tpu.memory_space<semaphore_mem>>) {add = true}
      %add3A_367 = arith.constant 2 : i32
      %add3A_368 = arith.addi %add3A_342, %add3A_367 : i32
      %lt3A_369 = arith.constant 125 : i32
      %lt3A_370 = arith.cmpi slt, %add3A_368, %lt3A_369 : i32
      %convert_element_type3A_371 = arith.extui %lt3A_370 : i1 to i32
      %cond3A_372 = arith.constant 0 : i32
      %cond3A_373 = arith.cmpi ne, %convert_element_type3A_371, %cond3A_372 : i32
      scf.if %cond3A_373 {
        %dma_wait3A_461 = arith.constant 3 : i32
        %dma_wait3A_462 = arith.constant 0 : i32
        %dma_wait3A_463 = tpu.memref_slice %arg7[%dma_wait3A_461, %dma_wait3A_462] : memref<4x80xi32, #tpu.memory_space<vmem>> -> memref<1x80xi32, #tpu.memory_space<vmem>>
        %dma_wait3A_464 = tpu.memref_squeeze %dma_wait3A_463 : memref<1x80xi32, #tpu.memory_space<vmem>> -> memref<80xi32, #tpu.memory_space<vmem>>
        %dma_wait3A_465 = arith.constant 0 : i32
        %dma_wait3A_466 = tpu.memref_slice %arg3[%dma_wait3A_465] : memref<320000xi32, #tpu.memory_space<hbm>> -> memref<80xi32, #tpu.memory_space<hbm>>
        %dma_wait3A_467 = arith.constant 0 : i32
        %dma_wait3A_468 = tpu.memref_slice %arg7[%dma_wait3A_461, %dma_wait3A_467] : memref<4x80xi32, #tpu.memory_space<vmem>> -> memref<1x80xi32, #tpu.memory_space<vmem>>
        %dma_wait3A_469 = tpu.memref_squeeze %dma_wait3A_468 : memref<1x80xi32, #tpu.memory_space<vmem>> -> memref<80xi32, #tpu.memory_space<vmem>>
        %dma_wait3A_470 = arith.constant 0 : i32
        %dma_wait3A_471 = tpu.memref_slice %arg3[%dma_wait3A_470] : memref<320000xi32, #tpu.memory_space<hbm>> -> memref<80xi32, #tpu.memory_space<hbm>>
        tpu.wait_dma2 semaphore(%arg14 : memref<!tpu.dma_semaphore, #tpu.memory_space<semaphore_mem>>) src(%dma_wait3A_471 : memref<80xi32, #tpu.memory_space<hbm>>) dst(%dma_wait3A_469 : memref<80xi32, #tpu.memory_space<vmem>>)
        %dma_wait3A_472 = arith.constant 3 : i32
        %dma_wait3A_473 = arith.constant 0 : i32
        %dma_wait3A_474 = tpu.memref_slice %arg8[%dma_wait3A_472, %dma_wait3A_473] : memref<4x80xi32, #tpu.memory_space<vmem>> -> memref<1x80xi32, #tpu.memory_space<vmem>>
        %dma_wait3A_475 = tpu.memref_squeeze %dma_wait3A_474 : memref<1x80xi32, #tpu.memory_space<vmem>> -> memref<80xi32, #tpu.memory_space<vmem>>
        %dma_wait3A_476 = arith.constant 0 : i32
        %dma_wait3A_477 = tpu.memref_slice %arg4[%dma_wait3A_476] : memref<320000xi32, #tpu.memory_space<hbm>> -> memref<80xi32, #tpu.memory_space<hbm>>
        %dma_wait3A_478 = arith.constant 0 : i32
        %dma_wait3A_479 = tpu.memref_slice %arg8[%dma_wait3A_472, %dma_wait3A_478] : memref<4x80xi32, #tpu.memory_space<vmem>> -> memref<1x80xi32, #tpu.memory_space<vmem>>
        %dma_wait3A_480 = tpu.memref_squeeze %dma_wait3A_479 : memref<1x80xi32, #tpu.memory_space<vmem>> -> memref<80xi32, #tpu.memory_space<vmem>>
        %dma_wait3A_481 = arith.constant 0 : i32
        %dma_wait3A_482 = tpu.memref_slice %arg4[%dma_wait3A_481] : memref<320000xi32, #tpu.memory_space<hbm>> -> memref<80xi32, #tpu.memory_space<hbm>>
        tpu.wait_dma2 semaphore(%arg14 : memref<!tpu.dma_semaphore, #tpu.memory_space<semaphore_mem>>) src(%dma_wait3A_482 : memref<80xi32, #tpu.memory_space<hbm>>) dst(%dma_wait3A_480 : memref<80xi32, #tpu.memory_space<vmem>>)
        %ge3A = arith.constant 3 : i32
        %ge3A_483 = arith.cmpi sge, %add3A_342, %ge3A : i32
        %convert_element_type3A_484 = arith.extui %ge3A_483 : i1 to i32
        %cond3A_485 = arith.constant 0 : i32
        %cond3A_486 = arith.cmpi ne, %convert_element_type3A_484, %cond3A_485 : i32
        scf.if %cond3A_486 {
          %dma_wait3A_499 = arith.constant 3 : i32
          %dma_wait3A_500 = arith.constant 3 : i32
          %dma_wait3A_501 = arith.constant 0 : i32
          %dma_wait3A_502 = arith.constant 0 : i32
          %dma_wait3A_503 = tpu.memref_slice %arg9[%dma_wait3A_499, %dma_wait3A_501, %dma_wait3A_502] : memref<4x80x128xf32, #tpu.memory_space<vmem>> -> memref<1x80x128xf32, #tpu.memory_space<vmem>>
          %dma_wait3A_504 = tpu.memref_squeeze %dma_wait3A_503 : memref<1x80x128xf32, #tpu.memory_space<vmem>> -> memref<80x128xf32, #tpu.memory_space<vmem>>
          %dma_wait3A_505 = arith.constant 0 : i32
          %dma_wait3A_506 = tpu.memref_slice %arg8[%dma_wait3A_500, %dma_wait3A_505] : memref<4x80xi32, #tpu.memory_space<vmem>> -> memref<1x80xi32, #tpu.memory_space<vmem>>
          %dma_wait3A_507 = tpu.memref_squeeze %dma_wait3A_506 : memref<1x80xi32, #tpu.memory_space<vmem>> -> memref<80xi32, #tpu.memory_space<vmem>>
          %dma_wait3A_508 = arith.constant 0 : i32
          %dma_wait3A_509 = arith.constant 0 : i32
          %dma_wait3A_510 = tpu.memref_slice %arg10[%dma_wait3A_508, %dma_wait3A_509] : memref<10000x128xf32, #tpu.memory_space<vmem_shared>> -> memref<10000x128xf32, #tpu.memory_space<vmem_shared>>
          tpu.wait_indirect_dma semaphore(%arg22 : memref<!tpu.dma_semaphore, #tpu.memory_space<semaphore_mem>>) src(%dma_wait3A_504 : memref<80x128xf32, #tpu.memory_space<vmem>>) dst(%dma_wait3A_510 : memref<10000x128xf32, #tpu.memory_space<vmem_shared>>)
        } else {
        }
        %dma_start3A_487 = arith.constant 3 : i32
        %dma_start3A_488 = arith.constant 3 : i32
        %dma_start3A_489 = arith.constant 0 : i32
        %dma_start3A_490 = arith.constant 0 : i32
        %dma_start3A_491 = tpu.memref_slice %arg9[%dma_start3A_488, %dma_start3A_489, %dma_start3A_490] : memref<4x80x128xf32, #tpu.memory_space<vmem>> -> memref<1x80x128xf32, #tpu.memory_space<vmem>>
        %dma_start3A_492 = tpu.memref_squeeze %dma_start3A_491 : memref<1x80x128xf32, #tpu.memory_space<vmem>> -> memref<80x128xf32, #tpu.memory_space<vmem>>
        %dma_start3A_493 = arith.constant 0 : i32
        %dma_start3A_494 = tpu.memref_slice %arg7[%dma_start3A_487, %dma_start3A_493] : memref<4x80xi32, #tpu.memory_space<vmem>> -> memref<1x80xi32, #tpu.memory_space<vmem>>
        %dma_start3A_495 = tpu.memref_squeeze %dma_start3A_494 : memref<1x80xi32, #tpu.memory_space<vmem>> -> memref<80xi32, #tpu.memory_space<vmem>>
        %dma_start3A_496 = arith.constant 0 : i32
        %dma_start3A_497 = arith.constant 0 : i32
        %dma_start3A_498 = tpu.memref_slice %arg2[%dma_start3A_496, %dma_start3A_497] : memref<10000x128xf32, #tpu.memory_space<hbm>> -> memref<10000x128xf32, #tpu.memory_space<hbm>>
        tpu.enqueue_indirect_dma source(%dma_start3A_498 : memref<10000x128xf32, #tpu.memory_space<hbm>>) target(%dma_start3A_492 : memref<80x128xf32, #tpu.memory_space<vmem>>) offsets(%dma_start3A_495 : memref<80xi32, #tpu.memory_space<vmem>>) semaphore(%arg18 : memref<!tpu.dma_semaphore, #tpu.memory_space<semaphore_mem>>)
      } else {
      }
      %add3A_374 = arith.constant 3 : i32
      %add3A_375 = arith.addi %add3A_342, %add3A_374 : i32
      %lt3A_376 = arith.constant 125 : i32
      %lt3A_377 = arith.cmpi slt, %add3A_375, %lt3A_376 : i32
      %convert_element_type3A_378 = arith.extui %lt3A_377 : i1 to i32
      %cond3A_379 = arith.constant 0 : i32
      %cond3A_380 = arith.cmpi ne, %convert_element_type3A_378, %cond3A_379 : i32
      scf.if %cond3A_380 {
        %add3A_461 = arith.constant 3 : i32
        %add3A_462 = arith.addi %add3A_342, %add3A_461 : i32
        %mul3A_463 = arith.constant 80 : i32
        %mul3A_464 = arith.muli %add3A_462, %mul3A_463 : i32
        %add3A_465 = arith.addi %mul3A_2, %mul3A_464 : i32
        %multiple_of3A_466 = tpu.assume_multiple %add3A_465, 8 : i32
        %dma_start3A_467 = arith.constant 0 : i32
        %dma_start3A_468 = arith.constant 0 : i32
        %dma_start3A_469 = tpu.memref_slice %arg7[%dma_start3A_467, %dma_start3A_468] : memref<4x80xi32, #tpu.memory_space<vmem>> -> memref<1x80xi32, #tpu.memory_space<vmem>>
        %dma_start3A_470 = tpu.memref_squeeze %dma_start3A_469 : memref<1x80xi32, #tpu.memory_space<vmem>> -> memref<80xi32, #tpu.memory_space<vmem>>
        %dma_start3A_471 = tpu.memref_slice %arg3[%multiple_of3A_466] : memref<320000xi32, #tpu.memory_space<hbm>> -> memref<80xi32, #tpu.memory_space<hbm>>
        %dma_start3A_472 = arith.constant 0 : i32
        %dma_start3A_473 = tpu.memref_slice %arg7[%dma_start3A_467, %dma_start3A_472] : memref<4x80xi32, #tpu.memory_space<vmem>> -> memref<1x80xi32, #tpu.memory_space<vmem>>
        %dma_start3A_474 = tpu.memref_squeeze %dma_start3A_473 : memref<1x80xi32, #tpu.memory_space<vmem>> -> memref<80xi32, #tpu.memory_space<vmem>>
        %dma_start3A_475 = tpu.memref_slice %arg3[%multiple_of3A_466] : memref<320000xi32, #tpu.memory_space<hbm>> -> memref<80xi32, #tpu.memory_space<hbm>>
        tpu.enqueue_dma source(%dma_start3A_475 : memref<80xi32, #tpu.memory_space<hbm>>) target(%dma_start3A_474 : memref<80xi32, #tpu.memory_space<vmem>>) target_semaphore(%arg11 : memref<!tpu.dma_semaphore, #tpu.memory_space<semaphore_mem>>)
        %dma_start3A_476 = arith.constant 0 : i32
        %dma_start3A_477 = arith.constant 0 : i32
        %dma_start3A_478 = tpu.memref_slice %arg8[%dma_start3A_476, %dma_start3A_477] : memref<4x80xi32, #tpu.memory_space<vmem>> -> memref<1x80xi32, #tpu.memory_space<vmem>>
        %dma_start3A_479 = tpu.memref_squeeze %dma_start3A_478 : memref<1x80xi32, #tpu.memory_space<vmem>> -> memref<80xi32, #tpu.memory_space<vmem>>
        %dma_start3A_480 = tpu.memref_slice %arg4[%multiple_of3A_466] : memref<320000xi32, #tpu.memory_space<hbm>> -> memref<80xi32, #tpu.memory_space<hbm>>
        %dma_start3A_481 = arith.constant 0 : i32
        %dma_start3A_482 = tpu.memref_slice %arg8[%dma_start3A_476, %dma_start3A_481] : memref<4x80xi32, #tpu.memory_space<vmem>> -> memref<1x80xi32, #tpu.memory_space<vmem>>
        %dma_start3A_483 = tpu.memref_squeeze %dma_start3A_482 : memref<1x80xi32, #tpu.memory_space<vmem>> -> memref<80xi32, #tpu.memory_space<vmem>>
        %dma_start3A_484 = tpu.memref_slice %arg4[%multiple_of3A_466] : memref<320000xi32, #tpu.memory_space<hbm>> -> memref<80xi32, #tpu.memory_space<hbm>>
        tpu.enqueue_dma source(%dma_start3A_484 : memref<80xi32, #tpu.memory_space<hbm>>) target(%dma_start3A_483 : memref<80xi32, #tpu.memory_space<vmem>>) target_semaphore(%arg11 : memref<!tpu.dma_semaphore, #tpu.memory_space<semaphore_mem>>)
      } else {
      }
      %add3A_381 = arith.constant 2 : i32
      %add3A_382 = arith.addi %add3A_301, %add3A_381 : i32
      %dma_wait3A_383 = arith.constant 2 : i32
      %dma_wait3A_384 = arith.constant 2 : i32
      %dma_wait3A_385 = arith.constant 0 : i32
      %dma_wait3A_386 = arith.constant 0 : i32
      %dma_wait3A_387 = tpu.memref_slice %arg9[%dma_wait3A_384, %dma_wait3A_385, %dma_wait3A_386] : memref<4x80x128xf32, #tpu.memory_space<vmem>> -> memref<1x80x128xf32, #tpu.memory_space<vmem>>
      %dma_wait3A_388 = tpu.memref_squeeze %dma_wait3A_387 : memref<1x80x128xf32, #tpu.memory_space<vmem>> -> memref<80x128xf32, #tpu.memory_space<vmem>>
      %dma_wait3A_389 = arith.constant 0 : i32
      %dma_wait3A_390 = tpu.memref_slice %arg7[%dma_wait3A_383, %dma_wait3A_389] : memref<4x80xi32, #tpu.memory_space<vmem>> -> memref<1x80xi32, #tpu.memory_space<vmem>>
      %dma_wait3A_391 = tpu.memref_squeeze %dma_wait3A_390 : memref<1x80xi32, #tpu.memory_space<vmem>> -> memref<80xi32, #tpu.memory_space<vmem>>
      %dma_wait3A_392 = arith.constant 0 : i32
      %dma_wait3A_393 = arith.constant 0 : i32
      %dma_wait3A_394 = tpu.memref_slice %arg2[%dma_wait3A_392, %dma_wait3A_393] : memref<10000x128xf32, #tpu.memory_space<hbm>> -> memref<10000x128xf32, #tpu.memory_space<hbm>>
      tpu.wait_indirect_dma semaphore(%arg17 : memref<!tpu.dma_semaphore, #tpu.memory_space<semaphore_mem>>) src(%dma_wait3A_394 : memref<10000x128xf32, #tpu.memory_space<hbm>>) dst(%dma_wait3A_388 : memref<80x128xf32, #tpu.memory_space<vmem>>)
      %dma_start3A_395 = arith.constant 2 : i32
      %dma_start3A_396 = arith.constant 2 : i32
      %dma_start3A_397 = arith.constant 0 : i32
      %dma_start3A_398 = arith.constant 0 : i32
      %dma_start3A_399 = tpu.memref_slice %arg9[%dma_start3A_395, %dma_start3A_397, %dma_start3A_398] : memref<4x80x128xf32, #tpu.memory_space<vmem>> -> memref<1x80x128xf32, #tpu.memory_space<vmem>>
      %dma_start3A_400 = tpu.memref_squeeze %dma_start3A_399 : memref<1x80x128xf32, #tpu.memory_space<vmem>> -> memref<80x128xf32, #tpu.memory_space<vmem>>
      %dma_start3A_401 = arith.constant 0 : i32
      %dma_start3A_402 = tpu.memref_slice %arg8[%dma_start3A_396, %dma_start3A_401] : memref<4x80xi32, #tpu.memory_space<vmem>> -> memref<1x80xi32, #tpu.memory_space<vmem>>
      %dma_start3A_403 = tpu.memref_squeeze %dma_start3A_402 : memref<1x80xi32, #tpu.memory_space<vmem>> -> memref<80xi32, #tpu.memory_space<vmem>>
      %dma_start3A_404 = arith.constant 0 : i32
      %dma_start3A_405 = arith.constant 0 : i32
      %dma_start3A_406 = tpu.memref_slice %arg10[%dma_start3A_404, %dma_start3A_405] : memref<10000x128xf32, #tpu.memory_space<vmem_shared>> -> memref<10000x128xf32, #tpu.memory_space<vmem_shared>>
      tpu.enqueue_indirect_dma source(%dma_start3A_400 : memref<80x128xf32, #tpu.memory_space<vmem>>) target(%dma_start3A_406 : memref<10000x128xf32, #tpu.memory_space<vmem_shared>>) offsets(%dma_start3A_403 : memref<80xi32, #tpu.memory_space<vmem>>) semaphore(%arg21 : memref<!tpu.dma_semaphore, #tpu.memory_space<semaphore_mem>>) {add = true}
      %add3A_407 = arith.constant 2 : i32
      %add3A_408 = arith.addi %add3A_382, %add3A_407 : i32
      %lt3A_409 = arith.constant 125 : i32
      %lt3A_410 = arith.cmpi slt, %add3A_408, %lt3A_409 : i32
      %convert_element_type3A_411 = arith.extui %lt3A_410 : i1 to i32
      %cond3A_412 = arith.constant 0 : i32
      %cond3A_413 = arith.cmpi ne, %convert_element_type3A_411, %cond3A_412 : i32
      scf.if %cond3A_413 {
        %dma_wait3A_461 = arith.constant 0 : i32
        %dma_wait3A_462 = arith.constant 0 : i32
        %dma_wait3A_463 = tpu.memref_slice %arg7[%dma_wait3A_461, %dma_wait3A_462] : memref<4x80xi32, #tpu.memory_space<vmem>> -> memref<1x80xi32, #tpu.memory_space<vmem>>
        %dma_wait3A_464 = tpu.memref_squeeze %dma_wait3A_463 : memref<1x80xi32, #tpu.memory_space<vmem>> -> memref<80xi32, #tpu.memory_space<vmem>>
        %dma_wait3A_465 = arith.constant 0 : i32
        %dma_wait3A_466 = tpu.memref_slice %arg3[%dma_wait3A_465] : memref<320000xi32, #tpu.memory_space<hbm>> -> memref<80xi32, #tpu.memory_space<hbm>>
        %dma_wait3A_467 = arith.constant 0 : i32
        %dma_wait3A_468 = tpu.memref_slice %arg7[%dma_wait3A_461, %dma_wait3A_467] : memref<4x80xi32, #tpu.memory_space<vmem>> -> memref<1x80xi32, #tpu.memory_space<vmem>>
        %dma_wait3A_469 = tpu.memref_squeeze %dma_wait3A_468 : memref<1x80xi32, #tpu.memory_space<vmem>> -> memref<80xi32, #tpu.memory_space<vmem>>
        %dma_wait3A_470 = arith.constant 0 : i32
        %dma_wait3A_471 = tpu.memref_slice %arg3[%dma_wait3A_470] : memref<320000xi32, #tpu.memory_space<hbm>> -> memref<80xi32, #tpu.memory_space<hbm>>
        tpu.wait_dma2 semaphore(%arg11 : memref<!tpu.dma_semaphore, #tpu.memory_space<semaphore_mem>>) src(%dma_wait3A_471 : memref<80xi32, #tpu.memory_space<hbm>>) dst(%dma_wait3A_469 : memref<80xi32, #tpu.memory_space<vmem>>)
        %dma_wait3A_472 = arith.constant 0 : i32
        %dma_wait3A_473 = arith.constant 0 : i32
        %dma_wait3A_474 = tpu.memref_slice %arg8[%dma_wait3A_472, %dma_wait3A_473] : memref<4x80xi32, #tpu.memory_space<vmem>> -> memref<1x80xi32, #tpu.memory_space<vmem>>
        %dma_wait3A_475 = tpu.memref_squeeze %dma_wait3A_474 : memref<1x80xi32, #tpu.memory_space<vmem>> -> memref<80xi32, #tpu.memory_space<vmem>>
        %dma_wait3A_476 = arith.constant 0 : i32
        %dma_wait3A_477 = tpu.memref_slice %arg4[%dma_wait3A_476] : memref<320000xi32, #tpu.memory_space<hbm>> -> memref<80xi32, #tpu.memory_space<hbm>>
        %dma_wait3A_478 = arith.constant 0 : i32
        %dma_wait3A_479 = tpu.memref_slice %arg8[%dma_wait3A_472, %dma_wait3A_478] : memref<4x80xi32, #tpu.memory_space<vmem>> -> memref<1x80xi32, #tpu.memory_space<vmem>>
        %dma_wait3A_480 = tpu.memref_squeeze %dma_wait3A_479 : memref<1x80xi32, #tpu.memory_space<vmem>> -> memref<80xi32, #tpu.memory_space<vmem>>
        %dma_wait3A_481 = arith.constant 0 : i32
        %dma_wait3A_482 = tpu.memref_slice %arg4[%dma_wait3A_481] : memref<320000xi32, #tpu.memory_space<hbm>> -> memref<80xi32, #tpu.memory_space<hbm>>
        tpu.wait_dma2 semaphore(%arg11 : memref<!tpu.dma_semaphore, #tpu.memory_space<semaphore_mem>>) src(%dma_wait3A_482 : memref<80xi32, #tpu.memory_space<hbm>>) dst(%dma_wait3A_480 : memref<80xi32, #tpu.memory_space<vmem>>)
        %ge3A = arith.constant 3 : i32
        %ge3A_483 = arith.cmpi sge, %add3A_382, %ge3A : i32
        %convert_element_type3A_484 = arith.extui %ge3A_483 : i1 to i32
        %cond3A_485 = arith.constant 0 : i32
        %cond3A_486 = arith.cmpi ne, %convert_element_type3A_484, %cond3A_485 : i32
        scf.if %cond3A_486 {
          %dma_wait3A_499 = arith.constant 0 : i32
          %dma_wait3A_500 = arith.constant 0 : i32
          %dma_wait3A_501 = arith.constant 0 : i32
          %dma_wait3A_502 = arith.constant 0 : i32
          %dma_wait3A_503 = tpu.memref_slice %arg9[%dma_wait3A_499, %dma_wait3A_501, %dma_wait3A_502] : memref<4x80x128xf32, #tpu.memory_space<vmem>> -> memref<1x80x128xf32, #tpu.memory_space<vmem>>
          %dma_wait3A_504 = tpu.memref_squeeze %dma_wait3A_503 : memref<1x80x128xf32, #tpu.memory_space<vmem>> -> memref<80x128xf32, #tpu.memory_space<vmem>>
          %dma_wait3A_505 = arith.constant 0 : i32
          %dma_wait3A_506 = tpu.memref_slice %arg8[%dma_wait3A_500, %dma_wait3A_505] : memref<4x80xi32, #tpu.memory_space<vmem>> -> memref<1x80xi32, #tpu.memory_space<vmem>>
          %dma_wait3A_507 = tpu.memref_squeeze %dma_wait3A_506 : memref<1x80xi32, #tpu.memory_space<vmem>> -> memref<80xi32, #tpu.memory_space<vmem>>
          %dma_wait3A_508 = arith.constant 0 : i32
          %dma_wait3A_509 = arith.constant 0 : i32
          %dma_wait3A_510 = tpu.memref_slice %arg10[%dma_wait3A_508, %dma_wait3A_509] : memref<10000x128xf32, #tpu.memory_space<vmem_shared>> -> memref<10000x128xf32, #tpu.memory_space<vmem_shared>>
          tpu.wait_indirect_dma semaphore(%arg19 : memref<!tpu.dma_semaphore, #tpu.memory_space<semaphore_mem>>) src(%dma_wait3A_504 : memref<80x128xf32, #tpu.memory_space<vmem>>) dst(%dma_wait3A_510 : memref<10000x128xf32, #tpu.memory_space<vmem_shared>>)
        } else {
        }
        %dma_start3A_487 = arith.constant 0 : i32
        %dma_start3A_488 = arith.constant 0 : i32
        %dma_start3A_489 = arith.constant 0 : i32
        %dma_start3A_490 = arith.constant 0 : i32
        %dma_start3A_491 = tpu.memref_slice %arg9[%dma_start3A_488, %dma_start3A_489, %dma_start3A_490] : memref<4x80x128xf32, #tpu.memory_space<vmem>> -> memref<1x80x128xf32, #tpu.memory_space<vmem>>
        %dma_start3A_492 = tpu.memref_squeeze %dma_start3A_491 : memref<1x80x128xf32, #tpu.memory_space<vmem>> -> memref<80x128xf32, #tpu.memory_space<vmem>>
        %dma_start3A_493 = arith.constant 0 : i32
        %dma_start3A_494 = tpu.memref_slice %arg7[%dma_start3A_487, %dma_start3A_493] : memref<4x80xi32, #tpu.memory_space<vmem>> -> memref<1x80xi32, #tpu.memory_space<vmem>>
        %dma_start3A_495 = tpu.memref_squeeze %dma_start3A_494 : memref<1x80xi32, #tpu.memory_space<vmem>> -> memref<80xi32, #tpu.memory_space<vmem>>
        %dma_start3A_496 = arith.constant 0 : i32
        %dma_start3A_497 = arith.constant 0 : i32
        %dma_start3A_498 = tpu.memref_slice %arg2[%dma_start3A_496, %dma_start3A_497] : memref<10000x128xf32, #tpu.memory_space<hbm>> -> memref<10000x128xf32, #tpu.memory_space<hbm>>
        tpu.enqueue_indirect_dma source(%dma_start3A_498 : memref<10000x128xf32, #tpu.memory_space<hbm>>) target(%dma_start3A_492 : memref<80x128xf32, #tpu.memory_space<vmem>>) offsets(%dma_start3A_495 : memref<80xi32, #tpu.memory_space<vmem>>) semaphore(%arg15 : memref<!tpu.dma_semaphore, #tpu.memory_space<semaphore_mem>>)
      } else {
      }
      %add3A_414 = arith.constant 3 : i32
      %add3A_415 = arith.addi %add3A_382, %add3A_414 : i32
      %lt3A_416 = arith.constant 125 : i32
      %lt3A_417 = arith.cmpi slt, %add3A_415, %lt3A_416 : i32
      %convert_element_type3A_418 = arith.extui %lt3A_417 : i1 to i32
      %cond3A_419 = arith.constant 0 : i32
      %cond3A_420 = arith.cmpi ne, %convert_element_type3A_418, %cond3A_419 : i32
      scf.if %cond3A_420 {
        %add3A_461 = arith.constant 3 : i32
        %add3A_462 = arith.addi %add3A_382, %add3A_461 : i32
        %mul3A_463 = arith.constant 80 : i32
        %mul3A_464 = arith.muli %add3A_462, %mul3A_463 : i32
        %add3A_465 = arith.addi %mul3A_2, %mul3A_464 : i32
        %multiple_of3A_466 = tpu.assume_multiple %add3A_465, 8 : i32
        %dma_start3A_467 = arith.constant 1 : i32
        %dma_start3A_468 = arith.constant 0 : i32
        %dma_start3A_469 = tpu.memref_slice %arg7[%dma_start3A_467, %dma_start3A_468] : memref<4x80xi32, #tpu.memory_space<vmem>> -> memref<1x80xi32, #tpu.memory_space<vmem>>
        %dma_start3A_470 = tpu.memref_squeeze %dma_start3A_469 : memref<1x80xi32, #tpu.memory_space<vmem>> -> memref<80xi32, #tpu.memory_space<vmem>>
        %dma_start3A_471 = tpu.memref_slice %arg3[%multiple_of3A_466] : memref<320000xi32, #tpu.memory_space<hbm>> -> memref<80xi32, #tpu.memory_space<hbm>>
        %dma_start3A_472 = arith.constant 0 : i32
        %dma_start3A_473 = tpu.memref_slice %arg7[%dma_start3A_467, %dma_start3A_472] : memref<4x80xi32, #tpu.memory_space<vmem>> -> memref<1x80xi32, #tpu.memory_space<vmem>>
        %dma_start3A_474 = tpu.memref_squeeze %dma_start3A_473 : memref<1x80xi32, #tpu.memory_space<vmem>> -> memref<80xi32, #tpu.memory_space<vmem>>
        %dma_start3A_475 = tpu.memref_slice %arg3[%multiple_of3A_466] : memref<320000xi32, #tpu.memory_space<hbm>> -> memref<80xi32, #tpu.memory_space<hbm>>
        tpu.enqueue_dma source(%dma_start3A_475 : memref<80xi32, #tpu.memory_space<hbm>>) target(%dma_start3A_474 : memref<80xi32, #tpu.memory_space<vmem>>) target_semaphore(%arg12 : memref<!tpu.dma_semaphore, #tpu.memory_space<semaphore_mem>>)
        %dma_start3A_476 = arith.constant 1 : i32
        %dma_start3A_477 = arith.constant 0 : i32
        %dma_start3A_478 = tpu.memref_slice %arg8[%dma_start3A_476, %dma_start3A_477] : memref<4x80xi32, #tpu.memory_space<vmem>> -> memref<1x80xi32, #tpu.memory_space<vmem>>
        %dma_start3A_479 = tpu.memref_squeeze %dma_start3A_478 : memref<1x80xi32, #tpu.memory_space<vmem>> -> memref<80xi32, #tpu.memory_space<vmem>>
        %dma_start3A_480 = tpu.memref_slice %arg4[%multiple_of3A_466] : memref<320000xi32, #tpu.memory_space<hbm>> -> memref<80xi32, #tpu.memory_space<hbm>>
        %dma_start3A_481 = arith.constant 0 : i32
        %dma_start3A_482 = tpu.memref_slice %arg8[%dma_start3A_476, %dma_start3A_481] : memref<4x80xi32, #tpu.memory_space<vmem>> -> memref<1x80xi32, #tpu.memory_space<vmem>>
        %dma_start3A_483 = tpu.memref_squeeze %dma_start3A_482 : memref<1x80xi32, #tpu.memory_space<vmem>> -> memref<80xi32, #tpu.memory_space<vmem>>
        %dma_start3A_484 = tpu.memref_slice %arg4[%multiple_of3A_466] : memref<320000xi32, #tpu.memory_space<hbm>> -> memref<80xi32, #tpu.memory_space<hbm>>
        tpu.enqueue_dma source(%dma_start3A_484 : memref<80xi32, #tpu.memory_space<hbm>>) target(%dma_start3A_483 : memref<80xi32, #tpu.memory_space<vmem>>) target_semaphore(%arg12 : memref<!tpu.dma_semaphore, #tpu.memory_space<semaphore_mem>>)
      } else {
      }
      %add3A_421 = arith.constant 3 : i32
      %add3A_422 = arith.addi %add3A_301, %add3A_421 : i32
      %dma_wait3A_423 = arith.constant 3 : i32
      %dma_wait3A_424 = arith.constant 3 : i32
      %dma_wait3A_425 = arith.constant 0 : i32
      %dma_wait3A_426 = arith.constant 0 : i32
      %dma_wait3A_427 = tpu.memref_slice %arg9[%dma_wait3A_424, %dma_wait3A_425, %dma_wait3A_426] : memref<4x80x128xf32, #tpu.memory_space<vmem>> -> memref<1x80x128xf32, #tpu.memory_space<vmem>>
      %dma_wait3A_428 = tpu.memref_squeeze %dma_wait3A_427 : memref<1x80x128xf32, #tpu.memory_space<vmem>> -> memref<80x128xf32, #tpu.memory_space<vmem>>
      %dma_wait3A_429 = arith.constant 0 : i32
      %dma_wait3A_430 = tpu.memref_slice %arg7[%dma_wait3A_423, %dma_wait3A_429] : memref<4x80xi32, #tpu.memory_space<vmem>> -> memref<1x80xi32, #tpu.memory_space<vmem>>
      %dma_wait3A_431 = tpu.memref_squeeze %dma_wait3A_430 : memref<1x80xi32, #tpu.memory_space<vmem>> -> memref<80xi32, #tpu.memory_space<vmem>>
      %dma_wait3A_432 = arith.constant 0 : i32
      %dma_wait3A_433 = arith.constant 0 : i32
      %dma_wait3A_434 = tpu.memref_slice %arg2[%dma_wait3A_432, %dma_wait3A_433] : memref<10000x128xf32, #tpu.memory_space<hbm>> -> memref<10000x128xf32, #tpu.memory_space<hbm>>
      tpu.wait_indirect_dma semaphore(%arg18 : memref<!tpu.dma_semaphore, #tpu.memory_space<semaphore_mem>>) src(%dma_wait3A_434 : memref<10000x128xf32, #tpu.memory_space<hbm>>) dst(%dma_wait3A_428 : memref<80x128xf32, #tpu.memory_space<vmem>>)
      %dma_start3A_435 = arith.constant 3 : i32
      %dma_start3A_436 = arith.constant 3 : i32
      %dma_start3A_437 = arith.constant 0 : i32
      %dma_start3A_438 = arith.constant 0 : i32
      %dma_start3A_439 = tpu.memref_slice %arg9[%dma_start3A_435, %dma_start3A_437, %dma_start3A_438] : memref<4x80x128xf32, #tpu.memory_space<vmem>> -> memref<1x80x128xf32, #tpu.memory_space<vmem>>
      %dma_start3A_440 = tpu.memref_squeeze %dma_start3A_439 : memref<1x80x128xf32, #tpu.memory_space<vmem>> -> memref<80x128xf32, #tpu.memory_space<vmem>>
      %dma_start3A_441 = arith.constant 0 : i32
      %dma_start3A_442 = tpu.memref_slice %arg8[%dma_start3A_436, %dma_start3A_441] : memref<4x80xi32, #tpu.memory_space<vmem>> -> memref<1x80xi32, #tpu.memory_space<vmem>>
      %dma_start3A_443 = tpu.memref_squeeze %dma_start3A_442 : memref<1x80xi32, #tpu.memory_space<vmem>> -> memref<80xi32, #tpu.memory_space<vmem>>
      %dma_start3A_444 = arith.constant 0 : i32
      %dma_start3A_445 = arith.constant 0 : i32
      %dma_start3A_446 = tpu.memref_slice %arg10[%dma_start3A_444, %dma_start3A_445] : memref<10000x128xf32, #tpu.memory_space<vmem_shared>> -> memref<10000x128xf32, #tpu.memory_space<vmem_shared>>
      tpu.enqueue_indirect_dma source(%dma_start3A_440 : memref<80x128xf32, #tpu.memory_space<vmem>>) target(%dma_start3A_446 : memref<10000x128xf32, #tpu.memory_space<vmem_shared>>) offsets(%dma_start3A_443 : memref<80xi32, #tpu.memory_space<vmem>>) semaphore(%arg22 : memref<!tpu.dma_semaphore, #tpu.memory_space<semaphore_mem>>) {add = true}
      %add3A_447 = arith.constant 2 : i32
      %add3A_448 = arith.addi %add3A_422, %add3A_447 : i32
      %lt3A_449 = arith.constant 125 : i32
      %lt3A_450 = arith.cmpi slt, %add3A_448, %lt3A_449 : i32
      %convert_element_type3A_451 = arith.extui %lt3A_450 : i1 to i32
      %cond3A_452 = arith.constant 0 : i32
      %cond3A_453 = arith.cmpi ne, %convert_element_type3A_451, %cond3A_452 : i32
      scf.if %cond3A_453 {
        %dma_wait3A_461 = arith.constant 1 : i32
        %dma_wait3A_462 = arith.constant 0 : i32
        %dma_wait3A_463 = tpu.memref_slice %arg7[%dma_wait3A_461, %dma_wait3A_462] : memref<4x80xi32, #tpu.memory_space<vmem>> -> memref<1x80xi32, #tpu.memory_space<vmem>>
        %dma_wait3A_464 = tpu.memref_squeeze %dma_wait3A_463 : memref<1x80xi32, #tpu.memory_space<vmem>> -> memref<80xi32, #tpu.memory_space<vmem>>
        %dma_wait3A_465 = arith.constant 0 : i32
        %dma_wait3A_466 = tpu.memref_slice %arg3[%dma_wait3A_465] : memref<320000xi32, #tpu.memory_space<hbm>> -> memref<80xi32, #tpu.memory_space<hbm>>
        %dma_wait3A_467 = arith.constant 0 : i32
        %dma_wait3A_468 = tpu.memref_slice %arg7[%dma_wait3A_461, %dma_wait3A_467] : memref<4x80xi32, #tpu.memory_space<vmem>> -> memref<1x80xi32, #tpu.memory_space<vmem>>
        %dma_wait3A_469 = tpu.memref_squeeze %dma_wait3A_468 : memref<1x80xi32, #tpu.memory_space<vmem>> -> memref<80xi32, #tpu.memory_space<vmem>>
        %dma_wait3A_470 = arith.constant 0 : i32
        %dma_wait3A_471 = tpu.memref_slice %arg3[%dma_wait3A_470] : memref<320000xi32, #tpu.memory_space<hbm>> -> memref<80xi32, #tpu.memory_space<hbm>>
        tpu.wait_dma2 semaphore(%arg12 : memref<!tpu.dma_semaphore, #tpu.memory_space<semaphore_mem>>) src(%dma_wait3A_471 : memref<80xi32, #tpu.memory_space<hbm>>) dst(%dma_wait3A_469 : memref<80xi32, #tpu.memory_space<vmem>>)
        %dma_wait3A_472 = arith.constant 1 : i32
        %dma_wait3A_473 = arith.constant 0 : i32
        %dma_wait3A_474 = tpu.memref_slice %arg8[%dma_wait3A_472, %dma_wait3A_473] : memref<4x80xi32, #tpu.memory_space<vmem>> -> memref<1x80xi32, #tpu.memory_space<vmem>>
        %dma_wait3A_475 = tpu.memref_squeeze %dma_wait3A_474 : memref<1x80xi32, #tpu.memory_space<vmem>> -> memref<80xi32, #tpu.memory_space<vmem>>
        %dma_wait3A_476 = arith.constant 0 : i32
        %dma_wait3A_477 = tpu.memref_slice %arg4[%dma_wait3A_476] : memref<320000xi32, #tpu.memory_space<hbm>> -> memref<80xi32, #tpu.memory_space<hbm>>
        %dma_wait3A_478 = arith.constant 0 : i32
        %dma_wait3A_479 = tpu.memref_slice %arg8[%dma_wait3A_472, %dma_wait3A_478] : memref<4x80xi32, #tpu.memory_space<vmem>> -> memref<1x80xi32, #tpu.memory_space<vmem>>
        %dma_wait3A_480 = tpu.memref_squeeze %dma_wait3A_479 : memref<1x80xi32, #tpu.memory_space<vmem>> -> memref<80xi32, #tpu.memory_space<vmem>>
        %dma_wait3A_481 = arith.constant 0 : i32
        %dma_wait3A_482 = tpu.memref_slice %arg4[%dma_wait3A_481] : memref<320000xi32, #tpu.memory_space<hbm>> -> memref<80xi32, #tpu.memory_space<hbm>>
        tpu.wait_dma2 semaphore(%arg12 : memref<!tpu.dma_semaphore, #tpu.memory_space<semaphore_mem>>) src(%dma_wait3A_482 : memref<80xi32, #tpu.memory_space<hbm>>) dst(%dma_wait3A_480 : memref<80xi32, #tpu.memory_space<vmem>>)
        %ge3A = arith.constant 3 : i32
        %ge3A_483 = arith.cmpi sge, %add3A_422, %ge3A : i32
        %convert_element_type3A_484 = arith.extui %ge3A_483 : i1 to i32
        %cond3A_485 = arith.constant 0 : i32
        %cond3A_486 = arith.cmpi ne, %convert_element_type3A_484, %cond3A_485 : i32
        scf.if %cond3A_486 {
          %dma_wait3A_499 = arith.constant 1 : i32
          %dma_wait3A_500 = arith.constant 1 : i32
          %dma_wait3A_501 = arith.constant 0 : i32
          %dma_wait3A_502 = arith.constant 0 : i32
          %dma_wait3A_503 = tpu.memref_slice %arg9[%dma_wait3A_499, %dma_wait3A_501, %dma_wait3A_502] : memref<4x80x128xf32, #tpu.memory_space<vmem>> -> memref<1x80x128xf32, #tpu.memory_space<vmem>>
          %dma_wait3A_504 = tpu.memref_squeeze %dma_wait3A_503 : memref<1x80x128xf32, #tpu.memory_space<vmem>> -> memref<80x128xf32, #tpu.memory_space<vmem>>
          %dma_wait3A_505 = arith.constant 0 : i32
          %dma_wait3A_506 = tpu.memref_slice %arg8[%dma_wait3A_500, %dma_wait3A_505] : memref<4x80xi32, #tpu.memory_space<vmem>> -> memref<1x80xi32, #tpu.memory_space<vmem>>
          %dma_wait3A_507 = tpu.memref_squeeze %dma_wait3A_506 : memref<1x80xi32, #tpu.memory_space<vmem>> -> memref<80xi32, #tpu.memory_space<vmem>>
          %dma_wait3A_508 = arith.constant 0 : i32
          %dma_wait3A_509 = arith.constant 0 : i32
          %dma_wait3A_510 = tpu.memref_slice %arg10[%dma_wait3A_508, %dma_wait3A_509] : memref<10000x128xf32, #tpu.memory_space<vmem_shared>> -> memref<10000x128xf32, #tpu.memory_space<vmem_shared>>
          tpu.wait_indirect_dma semaphore(%arg20 : memref<!tpu.dma_semaphore, #tpu.memory_space<semaphore_mem>>) src(%dma_wait3A_504 : memref<80x128xf32, #tpu.memory_space<vmem>>) dst(%dma_wait3A_510 : memref<10000x128xf32, #tpu.memory_space<vmem_shared>>)
        } else {
        }
        %dma_start3A_487 = arith.constant 1 : i32
        %dma_start3A_488 = arith.constant 1 : i32
        %dma_start3A_489 = arith.constant 0 : i32
        %dma_start3A_490 = arith.constant 0 : i32
        %dma_start3A_491 = tpu.memref_slice %arg9[%dma_start3A_488, %dma_start3A_489, %dma_start3A_490] : memref<4x80x128xf32, #tpu.memory_space<vmem>> -> memref<1x80x128xf32, #tpu.memory_space<vmem>>
        %dma_start3A_492 = tpu.memref_squeeze %dma_start3A_491 : memref<1x80x128xf32, #tpu.memory_space<vmem>> -> memref<80x128xf32, #tpu.memory_space<vmem>>
        %dma_start3A_493 = arith.constant 0 : i32
        %dma_start3A_494 = tpu.memref_slice %arg7[%dma_start3A_487, %dma_start3A_493] : memref<4x80xi32, #tpu.memory_space<vmem>> -> memref<1x80xi32, #tpu.memory_space<vmem>>
        %dma_start3A_495 = tpu.memref_squeeze %dma_start3A_494 : memref<1x80xi32, #tpu.memory_space<vmem>> -> memref<80xi32, #tpu.memory_space<vmem>>
        %dma_start3A_496 = arith.constant 0 : i32
        %dma_start3A_497 = arith.constant 0 : i32
        %dma_start3A_498 = tpu.memref_slice %arg2[%dma_start3A_496, %dma_start3A_497] : memref<10000x128xf32, #tpu.memory_space<hbm>> -> memref<10000x128xf32, #tpu.memory_space<hbm>>
        tpu.enqueue_indirect_dma source(%dma_start3A_498 : memref<10000x128xf32, #tpu.memory_space<hbm>>) target(%dma_start3A_492 : memref<80x128xf32, #tpu.memory_space<vmem>>) offsets(%dma_start3A_495 : memref<80xi32, #tpu.memory_space<vmem>>) semaphore(%arg16 : memref<!tpu.dma_semaphore, #tpu.memory_space<semaphore_mem>>)
      } else {
      }
      %add3A_454 = arith.constant 3 : i32
      %add3A_455 = arith.addi %add3A_422, %add3A_454 : i32
      %lt3A_456 = arith.constant 125 : i32
      %lt3A_457 = arith.cmpi slt, %add3A_455, %lt3A_456 : i32
      %convert_element_type3A_458 = arith.extui %lt3A_457 : i1 to i32
      %cond3A_459 = arith.constant 0 : i32
      %cond3A_460 = arith.cmpi ne, %convert_element_type3A_458, %cond3A_459 : i32
      scf.if %cond3A_460 {
        %add3A_461 = arith.constant 3 : i32
        %add3A_462 = arith.addi %add3A_422, %add3A_461 : i32
        %mul3A_463 = arith.constant 80 : i32
        %mul3A_464 = arith.muli %add3A_462, %mul3A_463 : i32
        %add3A_465 = arith.addi %mul3A_2, %mul3A_464 : i32
        %multiple_of3A_466 = tpu.assume_multiple %add3A_465, 8 : i32
        %dma_start3A_467 = arith.constant 2 : i32
        %dma_start3A_468 = arith.constant 0 : i32
        %dma_start3A_469 = tpu.memref_slice %arg7[%dma_start3A_467, %dma_start3A_468] : memref<4x80xi32, #tpu.memory_space<vmem>> -> memref<1x80xi32, #tpu.memory_space<vmem>>
        %dma_start3A_470 = tpu.memref_squeeze %dma_start3A_469 : memref<1x80xi32, #tpu.memory_space<vmem>> -> memref<80xi32, #tpu.memory_space<vmem>>
        %dma_start3A_471 = tpu.memref_slice %arg3[%multiple_of3A_466] : memref<320000xi32, #tpu.memory_space<hbm>> -> memref<80xi32, #tpu.memory_space<hbm>>
        %dma_start3A_472 = arith.constant 0 : i32
        %dma_start3A_473 = tpu.memref_slice %arg7[%dma_start3A_467, %dma_start3A_472] : memref<4x80xi32, #tpu.memory_space<vmem>> -> memref<1x80xi32, #tpu.memory_space<vmem>>
        %dma_start3A_474 = tpu.memref_squeeze %dma_start3A_473 : memref<1x80xi32, #tpu.memory_space<vmem>> -> memref<80xi32, #tpu.memory_space<vmem>>
        %dma_start3A_475 = tpu.memref_slice %arg3[%multiple_of3A_466] : memref<320000xi32, #tpu.memory_space<hbm>> -> memref<80xi32, #tpu.memory_space<hbm>>
        tpu.enqueue_dma source(%dma_start3A_475 : memref<80xi32, #tpu.memory_space<hbm>>) target(%dma_start3A_474 : memref<80xi32, #tpu.memory_space<vmem>>) target_semaphore(%arg13 : memref<!tpu.dma_semaphore, #tpu.memory_space<semaphore_mem>>)
        %dma_start3A_476 = arith.constant 2 : i32
        %dma_start3A_477 = arith.constant 0 : i32
        %dma_start3A_478 = tpu.memref_slice %arg8[%dma_start3A_476, %dma_start3A_477] : memref<4x80xi32, #tpu.memory_space<vmem>> -> memref<1x80xi32, #tpu.memory_space<vmem>>
        %dma_start3A_479 = tpu.memref_squeeze %dma_start3A_478 : memref<1x80xi32, #tpu.memory_space<vmem>> -> memref<80xi32, #tpu.memory_space<vmem>>
        %dma_start3A_480 = tpu.memref_slice %arg4[%multiple_of3A_466] : memref<320000xi32, #tpu.memory_space<hbm>> -> memref<80xi32, #tpu.memory_space<hbm>>
        %dma_start3A_481 = arith.constant 0 : i32
        %dma_start3A_482 = tpu.memref_slice %arg8[%dma_start3A_476, %dma_start3A_481] : memref<4x80xi32, #tpu.memory_space<vmem>> -> memref<1x80xi32, #tpu.memory_space<vmem>>
        %dma_start3A_483 = tpu.memref_squeeze %dma_start3A_482 : memref<1x80xi32, #tpu.memory_space<vmem>> -> memref<80xi32, #tpu.memory_space<vmem>>
        %dma_start3A_484 = tpu.memref_slice %arg4[%multiple_of3A_466] : memref<320000xi32, #tpu.memory_space<hbm>> -> memref<80xi32, #tpu.memory_space<hbm>>
        tpu.enqueue_dma source(%dma_start3A_484 : memref<80xi32, #tpu.memory_space<hbm>>) target(%dma_start3A_483 : memref<80xi32, #tpu.memory_space<vmem>>) target_semaphore(%arg13 : memref<!tpu.dma_semaphore, #tpu.memory_space<semaphore_mem>>)
      } else {
      }
    }
    %scan3A_231 = arith.constant 31 : i32
    %dma_wait3A_232 = arith.constant 0 : i32
    %dma_wait3A_233 = arith.constant 0 : i32
    %dma_wait3A_234 = arith.constant 0 : i32
    %dma_wait3A_235 = arith.constant 0 : i32
    %dma_wait3A_236 = tpu.memref_slice %arg9[%dma_wait3A_232, %dma_wait3A_234, %dma_wait3A_235] : memref<4x80x128xf32, #tpu.memory_space<vmem>> -> memref<1x80x128xf32, #tpu.memory_space<vmem>>
    %dma_wait3A_237 = tpu.memref_squeeze %dma_wait3A_236 : memref<1x80x128xf32, #tpu.memory_space<vmem>> -> memref<80x128xf32, #tpu.memory_space<vmem>>
    %dma_wait3A_238 = arith.constant 0 : i32
    %dma_wait3A_239 = tpu.memref_slice %arg8[%dma_wait3A_233, %dma_wait3A_238] : memref<4x80xi32, #tpu.memory_space<vmem>> -> memref<1x80xi32, #tpu.memory_space<vmem>>
    %dma_wait3A_240 = tpu.memref_squeeze %dma_wait3A_239 : memref<1x80xi32, #tpu.memory_space<vmem>> -> memref<80xi32, #tpu.memory_space<vmem>>
    %dma_wait3A_241 = arith.constant 0 : i32
    %dma_wait3A_242 = arith.constant 0 : i32
    %dma_wait3A_243 = tpu.memref_slice %arg10[%dma_wait3A_241, %dma_wait3A_242] : memref<10000x128xf32, #tpu.memory_space<vmem_shared>> -> memref<10000x128xf32, #tpu.memory_space<vmem_shared>>
    tpu.wait_indirect_dma semaphore(%arg19 : memref<!tpu.dma_semaphore, #tpu.memory_space<semaphore_mem>>) src(%dma_wait3A_237 : memref<80x128xf32, #tpu.memory_space<vmem>>) dst(%dma_wait3A_243 : memref<10000x128xf32, #tpu.memory_space<vmem_shared>>)
    %dma_wait3A_244 = arith.constant 1 : i32
    %dma_wait3A_245 = arith.constant 1 : i32
    %dma_wait3A_246 = arith.constant 0 : i32
    %dma_wait3A_247 = arith.constant 0 : i32
    %dma_wait3A_248 = tpu.memref_slice %arg9[%dma_wait3A_244, %dma_wait3A_246, %dma_wait3A_247] : memref<4x80x128xf32, #tpu.memory_space<vmem>> -> memref<1x80x128xf32, #tpu.memory_space<vmem>>
    %dma_wait3A_249 = tpu.memref_squeeze %dma_wait3A_248 : memref<1x80x128xf32, #tpu.memory_space<vmem>> -> memref<80x128xf32, #tpu.memory_space<vmem>>
    %dma_wait3A_250 = arith.constant 0 : i32
    %dma_wait3A_251 = tpu.memref_slice %arg8[%dma_wait3A_245, %dma_wait3A_250] : memref<4x80xi32, #tpu.memory_space<vmem>> -> memref<1x80xi32, #tpu.memory_space<vmem>>
    %dma_wait3A_252 = tpu.memref_squeeze %dma_wait3A_251 : memref<1x80xi32, #tpu.memory_space<vmem>> -> memref<80xi32, #tpu.memory_space<vmem>>
    %dma_wait3A_253 = arith.constant 0 : i32
    %dma_wait3A_254 = arith.constant 0 : i32
    %dma_wait3A_255 = tpu.memref_slice %arg10[%dma_wait3A_253, %dma_wait3A_254] : memref<10000x128xf32, #tpu.memory_space<vmem_shared>> -> memref<10000x128xf32, #tpu.memory_space<vmem_shared>>
    tpu.wait_indirect_dma semaphore(%arg20 : memref<!tpu.dma_semaphore, #tpu.memory_space<semaphore_mem>>) src(%dma_wait3A_249 : memref<80x128xf32, #tpu.memory_space<vmem>>) dst(%dma_wait3A_255 : memref<10000x128xf32, #tpu.memory_space<vmem_shared>>)
    %dma_wait3A_256 = arith.constant 2 : i32
    %dma_wait3A_257 = arith.constant 2 : i32
    %dma_wait3A_258 = arith.constant 0 : i32
    %dma_wait3A_259 = arith.constant 0 : i32
    %dma_wait3A_260 = tpu.memref_slice %arg9[%dma_wait3A_256, %dma_wait3A_258, %dma_wait3A_259] : memref<4x80x128xf32, #tpu.memory_space<vmem>> -> memref<1x80x128xf32, #tpu.memory_space<vmem>>
    %dma_wait3A_261 = tpu.memref_squeeze %dma_wait3A_260 : memref<1x80x128xf32, #tpu.memory_space<vmem>> -> memref<80x128xf32, #tpu.memory_space<vmem>>
    %dma_wait3A_262 = arith.constant 0 : i32
    %dma_wait3A_263 = tpu.memref_slice %arg8[%dma_wait3A_257, %dma_wait3A_262] : memref<4x80xi32, #tpu.memory_space<vmem>> -> memref<1x80xi32, #tpu.memory_space<vmem>>
    %dma_wait3A_264 = tpu.memref_squeeze %dma_wait3A_263 : memref<1x80xi32, #tpu.memory_space<vmem>> -> memref<80xi32, #tpu.memory_space<vmem>>
    %dma_wait3A_265 = arith.constant 0 : i32
    %dma_wait3A_266 = arith.constant 0 : i32
    %dma_wait3A_267 = tpu.memref_slice %arg10[%dma_wait3A_265, %dma_wait3A_266] : memref<10000x128xf32, #tpu.memory_space<vmem_shared>> -> memref<10000x128xf32, #tpu.memory_space<vmem_shared>>
    tpu.wait_indirect_dma semaphore(%arg21 : memref<!tpu.dma_semaphore, #tpu.memory_space<semaphore_mem>>) src(%dma_wait3A_261 : memref<80x128xf32, #tpu.memory_space<vmem>>) dst(%dma_wait3A_267 : memref<10000x128xf32, #tpu.memory_space<vmem_shared>>)
    %dma_wait3A_268 = arith.constant 3 : i32
    %dma_wait3A_269 = arith.constant 3 : i32
    %dma_wait3A_270 = arith.constant 0 : i32
    %dma_wait3A_271 = arith.constant 0 : i32
    %dma_wait3A_272 = tpu.memref_slice %arg9[%dma_wait3A_268, %dma_wait3A_270, %dma_wait3A_271] : memref<4x80x128xf32, #tpu.memory_space<vmem>> -> memref<1x80x128xf32, #tpu.memory_space<vmem>>
    %dma_wait3A_273 = tpu.memref_squeeze %dma_wait3A_272 : memref<1x80x128xf32, #tpu.memory_space<vmem>> -> memref<80x128xf32, #tpu.memory_space<vmem>>
    %dma_wait3A_274 = arith.constant 0 : i32
    %dma_wait3A_275 = tpu.memref_slice %arg8[%dma_wait3A_269, %dma_wait3A_274] : memref<4x80xi32, #tpu.memory_space<vmem>> -> memref<1x80xi32, #tpu.memory_space<vmem>>
    %dma_wait3A_276 = tpu.memref_squeeze %dma_wait3A_275 : memref<1x80xi32, #tpu.memory_space<vmem>> -> memref<80xi32, #tpu.memory_space<vmem>>
    %dma_wait3A_277 = arith.constant 0 : i32
    %dma_wait3A_278 = arith.constant 0 : i32
    %dma_wait3A_279 = tpu.memref_slice %arg10[%dma_wait3A_277, %dma_wait3A_278] : memref<10000x128xf32, #tpu.memory_space<vmem_shared>> -> memref<10000x128xf32, #tpu.memory_space<vmem_shared>>
    tpu.wait_indirect_dma semaphore(%arg22 : memref<!tpu.dma_semaphore, #tpu.memory_space<semaphore_mem>>) src(%dma_wait3A_273 : memref<80x128xf32, #tpu.memory_space<vmem>>) dst(%dma_wait3A_279 : memref<10000x128xf32, #tpu.memory_space<vmem_shared>>)
    %barrier3A_280 = arith.constant 0 : index
    tpu.barrier barrier_id(%barrier3A_280)
    %mul3A_281 = arith.constant 624 : i32
    %mul3A_282 = arith.muli %arg1, %mul3A_281 : i32
    %mul3A_283 = arith.constant 10000 : i32
    %mul3A_284 = arith.muli %arg0, %mul3A_283 : i32
    %mul3A_285 = arith.constant 624 : i32
    %mul3A_286 = arith.muli %arg1, %mul3A_285 : i32
    %add3A_287 = arith.addi %mul3A_284, %mul3A_286 : i32
    "tpu.region"() ({
      %run_scoped3A = tpu.sem_alloc : memref<!tpu.dma_semaphore, #tpu.memory_space<semaphore_mem>>
      %dma_start3A_293 = arith.constant 0 : i32
      %dma_start3A_294 = tpu.memref_slice %arg6[%add3A_287, %dma_start3A_293] : memref<20000x128xf32, #tpu.memory_space<hbm>> -> memref<624x128xf32, #tpu.memory_space<hbm>>
      %dma_start3A_295 = arith.constant 0 : i32
      %dma_start3A_296 = tpu.memref_slice %arg10[%mul3A_282, %dma_start3A_295] : memref<10000x128xf32, #tpu.memory_space<vmem_shared>> -> memref<624x128xf32, #tpu.memory_space<vmem_shared>>
      tpu.enqueue_dma source(%dma_start3A_296 : memref<624x128xf32, #tpu.memory_space<vmem_shared>>) target(%dma_start3A_294 : memref<624x128xf32, #tpu.memory_space<hbm>>) target_semaphore(%run_scoped3A : memref<!tpu.dma_semaphore, #tpu.memory_space<semaphore_mem>>)
      %dma_wait3A_297 = arith.constant 0 : i32
      %dma_wait3A_298 = tpu.memref_slice %arg6[%add3A_287, %dma_wait3A_297] : memref<20000x128xf32, #tpu.memory_space<hbm>> -> memref<624x128xf32, #tpu.memory_space<hbm>>
      %dma_wait3A_299 = arith.constant 0 : i32
      %dma_wait3A_300 = tpu.memref_slice %arg10[%mul3A_282, %dma_wait3A_299] : memref<10000x128xf32, #tpu.memory_space<vmem_shared>> -> memref<624x128xf32, #tpu.memory_space<vmem_shared>>
      tpu.wait_dma2 semaphore(%run_scoped3A : memref<!tpu.dma_semaphore, #tpu.memory_space<semaphore_mem>>) src(%dma_wait3A_300 : memref<624x128xf32, #tpu.memory_space<vmem_shared>>) dst(%dma_wait3A_298 : memref<624x128xf32, #tpu.memory_space<hbm>>)
      tpu.yield
    }) : () -> ()
    %eq3A_288 = arith.constant 15 : i32
    %eq3A_289 = arith.cmpi eq, %arg1, %eq3A_288 : i32
    %convert_element_type3A_290 = arith.extui %eq3A_289 : i1 to i32
    %cond3A_291 = arith.constant 0 : i32
    %cond3A_292 = arith.cmpi ne, %convert_element_type3A_290, %cond3A_291 : i32
    scf.if %cond3A_292 {
      %mul3A_293 = arith.constant 10000 : i32
      %mul3A_294 = arith.muli %arg0, %mul3A_293 : i32
      %add3A_295 = arith.constant 9984 : i32
      %add3A_296 = arith.addi %mul3A_294, %add3A_295 : i32
      "tpu.region"() ({
        %run_scoped3A = tpu.sem_alloc : memref<!tpu.dma_semaphore, #tpu.memory_space<semaphore_mem>>
        %dma_start3A_297 = arith.constant 0 : i32
        %dma_start3A_298 = tpu.memref_slice %arg6[%add3A_296, %dma_start3A_297] : memref<20000x128xf32, #tpu.memory_space<hbm>> -> memref<16x128xf32, #tpu.memory_space<hbm>>
        %dma_start3A_299 = arith.constant 9984 : i32
        %dma_start3A_300 = arith.constant 0 : i32
        %dma_start3A_301 = tpu.memref_slice %arg10[%dma_start3A_299, %dma_start3A_300] : memref<10000x128xf32, #tpu.memory_space<vmem_shared>> -> memref<16x128xf32, #tpu.memory_space<vmem_shared>>
        tpu.enqueue_dma source(%dma_start3A_301 : memref<16x128xf32, #tpu.memory_space<vmem_shared>>) target(%dma_start3A_298 : memref<16x128xf32, #tpu.memory_space<hbm>>) target_semaphore(%run_scoped3A : memref<!tpu.dma_semaphore, #tpu.memory_space<semaphore_mem>>)
        %dma_wait3A_302 = arith.constant 0 : i32
        %dma_wait3A_303 = tpu.memref_slice %arg6[%add3A_296, %dma_wait3A_302] : memref<20000x128xf32, #tpu.memory_space<hbm>> -> memref<16x128xf32, #tpu.memory_space<hbm>>
        %dma_wait3A_304 = arith.constant 9984 : i32
        %dma_wait3A_305 = arith.constant 0 : i32
        %dma_wait3A_306 = tpu.memref_slice %arg10[%dma_wait3A_304, %dma_wait3A_305] : memref<10000x128xf32, #tpu.memory_space<vmem_shared>> -> memref<16x128xf32, #tpu.memory_space<vmem_shared>>
        tpu.wait_dma2 semaphore(%run_scoped3A : memref<!tpu.dma_semaphore, #tpu.memory_space<semaphore_mem>>) src(%dma_wait3A_306 : memref<16x128xf32, #tpu.memory_space<vmem_shared>>) dst(%dma_wait3A_303 : memref<16x128xf32, #tpu.memory_space<hbm>>)
        tpu.yield
      }) : () -> ()
    } else {
    }
    return
  }
}

#map = affine_map<(d0, d1) -> (0, 0)>
#map1 = affine_map<(d0, d1) -> (0)>
module attributes {stable_mosaic.version = 14 : i64} {
  func.func @k(%arg0: i32, %arg1: i32, %arg2: memref<10000x128xf32, #tpu.memory_space<hbm>>, %arg3: memref<320000xi32, #tpu.memory_space<hbm>>, %arg4: memref<320000xi32, #tpu.memory_space<hbm>>, %arg5: memref<10000x128xf32, #tpu.memory_space<hbm>>, %arg6: memref<20000x128xf32, #tpu.memory_space<hbm>>, %arg7: memref<4x80xi32, #tpu.memory_space<vmem>>, %arg8: memref<4x80xi32, #tpu.memory_space<vmem>>, %arg9: memref<4x80x128xf32, #tpu.memory_space<vmem>>, %arg10: memref<10000x128xf32, #tpu.memory_space<vmem_shared>>, %arg11: memref<!tpu.dma_semaphore, #tpu.memory_space<semaphore_mem>>, %arg12: memref<!tpu.dma_semaphore, #tpu.memory_space<semaphore_mem>>, %arg13: memref<!tpu.dma_semaphore, #tpu.memory_space<semaphore_mem>>, %arg14: memref<!tpu.dma_semaphore, #tpu.memory_space<semaphore_mem>>, %arg15: memref<!tpu.dma_semaphore, #tpu.memory_space<semaphore_mem>>, %arg16: memref<!tpu.dma_semaphore, #tpu.memory_space<semaphore_mem>>, %arg17: memref<!tpu.dma_semaphore, #tpu.memory_space<semaphore_mem>>, %arg18: memref<!tpu.dma_semaphore, #tpu.memory_space<semaphore_mem>>, %arg19: memref<!tpu.dma_semaphore, #tpu.memory_space<semaphore_mem>>, %arg20: memref<!tpu.dma_semaphore, #tpu.memory_space<semaphore_mem>>, %arg21: memref<!tpu.dma_semaphore, #tpu.memory_space<semaphore_mem>>, %arg22: memref<!tpu.dma_semaphore, #tpu.memory_space<semaphore_mem>>) attributes {dimension_semantics = [#tpu.dimension_semantics<core_parallel>, #tpu.dimension_semantics<subcore_parallel>], iteration_bounds = array<i64: 2, 16>, scalar_prefetch = 0 : i64, scratch_operands = 16 : i64, tpu.core_type = #tpu.core_type<sc_vector_subcore>, window_params = [{transform_indices = #map}, {transform_indices = #map1}, {transform_indices = #map1}, {transform_indices = #map}, {transform_indices = #map}]} {
    %mul3A = arith.constant 16 : i32
    %mul3A_0 = arith.muli %arg0, %mul3A : i32
    %add3A = arith.addi %mul3A_0, %arg1 : i32
    %mul3A_1 = arith.constant 10000 : i32
    %mul3A_2 = arith.muli %add3A, %mul3A_1 : i32
    %mul3A_3 = arith.constant 624 : i32
    %mul3A_4 = arith.muli %arg1, %mul3A_3 : i32
    %mul3A_5 = arith.constant 624 : i32
    %mul3A_6 = arith.muli %arg1, %mul3A_5 : i32
    "tpu.region"() ({
      %run_scoped3A = tpu.sem_alloc : memref<!tpu.dma_semaphore, #tpu.memory_space<semaphore_mem>>
      %dma_start3A_293 = arith.constant 0 : i32
      %dma_start3A_294 = tpu.memref_slice %arg10[%mul3A_6, %dma_start3A_293] : memref<10000x128xf32, #tpu.memory_space<vmem_shared>> -> memref<624x128xf32, #tpu.memory_space<vmem_shared>>
      %dma_start3A_295 = arith.constant 0 : i32
      %dma_start3A_296 = tpu.memref_slice %arg5[%mul3A_4, %dma_start3A_295] : memref<10000x128xf32, #tpu.memory_space<hbm>> -> memref<624x128xf32, #tpu.memory_space<hbm>>
      tpu.enqueue_dma source(%dma_start3A_296 : memref<624x128xf32, #tpu.memory_space<hbm>>) target(%dma_start3A_294 : memref<624x128xf32, #tpu.memory_space<vmem_shared>>) target_semaphore(%run_scoped3A : memref<!tpu.dma_semaphore, #tpu.memory_space<semaphore_mem>>)
      %dma_wait3A_297 = arith.constant 0 : i32
      %dma_wait3A_298 = tpu.memref_slice %arg10[%mul3A_6, %dma_wait3A_297] : memref<10000x128xf32, #tpu.memory_space<vmem_shared>> -> memref<624x128xf32, #tpu.memory_space<vmem_shared>>
      %dma_wait3A_299 = arith.constant 0 : i32
      %dma_wait3A_300 = tpu.memref_slice %arg5[%mul3A_4, %dma_wait3A_299] : memref<10000x128xf32, #tpu.memory_space<hbm>> -> memref<624x128xf32, #tpu.memory_space<hbm>>
      tpu.wait_dma2 semaphore(%run_scoped3A : memref<!tpu.dma_semaphore, #tpu.memory_space<semaphore_mem>>) src(%dma_wait3A_300 : memref<624x128xf32, #tpu.memory_space<hbm>>) dst(%dma_wait3A_298 : memref<624x128xf32, #tpu.memory_space<vmem_shared>>)
      tpu.yield
    }) : () -> ()
    %eq3A = arith.constant 15 : i32
    %eq3A_7 = arith.cmpi eq, %arg1, %eq3A : i32
    %convert_element_type3A = arith.extui %eq3A_7 : i1 to i32
    %cond3A = arith.constant 0 : i32
    %cond3A_8 = arith.cmpi ne, %convert_element_type3A, %cond3A : i32
    scf.if %cond3A_8 {
      "tpu.region"() ({
        %run_scoped3A = tpu.sem_alloc : memref<!tpu.dma_semaphore, #tpu.memory_space<semaphore_mem>>
        %dma_start3A_293 = arith.constant 9984 : i32
        %dma_start3A_294 = arith.constant 0 : i32
        %dma_start3A_295 = tpu.memref_slice %arg10[%dma_start3A_293, %dma_start3A_294] : memref<10000x128xf32, #tpu.memory_space<vmem_shared>> -> memref<16x128xf32, #tpu.memory_space<vmem_shared>>
        %dma_start3A_296 = arith.constant 9984 : i32
        %dma_start3A_297 = arith.constant 0 : i32
        %dma_start3A_298 = tpu.memref_slice %arg5[%dma_start3A_296, %dma_start3A_297] : memref<10000x128xf32, #tpu.memory_space<hbm>> -> memref<16x128xf32, #tpu.memory_space<hbm>>
        tpu.enqueue_dma source(%dma_start3A_298 : memref<16x128xf32, #tpu.memory_space<hbm>>) target(%dma_start3A_295 : memref<16x128xf32, #tpu.memory_space<vmem_shared>>) target_semaphore(%run_scoped3A : memref<!tpu.dma_semaphore, #tpu.memory_space<semaphore_mem>>)
        %dma_wait3A_299 = arith.constant 9984 : i32
        %dma_wait3A_300 = arith.constant 0 : i32
        %dma_wait3A_301 = tpu.memref_slice %arg10[%dma_wait3A_299, %dma_wait3A_300] : memref<10000x128xf32, #tpu.memory_space<vmem_shared>> -> memref<16x128xf32, #tpu.memory_space<vmem_shared>>
        %dma_wait3A_302 = arith.constant 9984 : i32
        %dma_wait3A_303 = arith.constant 0 : i32
        %dma_wait3A_304 = tpu.memref_slice %arg5[%dma_wait3A_302, %dma_wait3A_303] : memref<10000x128xf32, #tpu.memory_space<hbm>> -> memref<16x128xf32, #tpu.memory_space<hbm>>
        tpu.wait_dma2 semaphore(%run_scoped3A : memref<!tpu.dma_semaphore, #tpu.memory_space<semaphore_mem>>) src(%dma_wait3A_304 : memref<16x128xf32, #tpu.memory_space<hbm>>) dst(%dma_wait3A_301 : memref<16x128xf32, #tpu.memory_space<vmem_shared>>)
        tpu.yield
      }) : () -> ()
    } else {
    }
    %barrier3A = arith.constant 0 : index
    tpu.barrier barrier_id(%barrier3A)
    %add3A_9 = arith.constant 0 : i32
    %add3A_10 = arith.addi %mul3A_2, %add3A_9 : i32
    %multiple_of3A = tpu.assume_multiple %add3A_10, 8 : i32
    %dma_start3A = arith.constant 0 : i32
    %dma_start3A_11 = arith.constant 0 : i32
    %dma_start3A_12 = tpu.memref_slice %arg7[%dma_start3A, %dma_start3A_11] : memref<4x80xi32, #tpu.memory_space<vmem>> -> memref<1x80xi32, #tpu.memory_space<vmem>>
    %dma_start3A_13 = tpu.memref_squeeze %dma_start3A_12 : memref<1x80xi32, #tpu.memory_space<vmem>> -> memref<80xi32, #tpu.memory_space<vmem>>
    %dma_start3A_14 = tpu.memref_slice %arg3[%multiple_of3A] : memref<320000xi32, #tpu.memory_space<hbm>> -> memref<80xi32, #tpu.memory_space<hbm>>
    %dma_start3A_15 = arith.constant 0 : i32
    %dma_start3A_16 = tpu.memref_slice %arg7[%dma_start3A, %dma_start3A_15] : memref<4x80xi32, #tpu.memory_space<vmem>> -> memref<1x80xi32, #tpu.memory_space<vmem>>
    %dma_start3A_17 = tpu.memref_squeeze %dma_start3A_16 : memref<1x80xi32, #tpu.memory_space<vmem>> -> memref<80xi32, #tpu.memory_space<vmem>>
    %dma_start3A_18 = tpu.memref_slice %arg3[%multiple_of3A] : memref<320000xi32, #tpu.memory_space<hbm>> -> memref<80xi32, #tpu.memory_space<hbm>>
    tpu.enqueue_dma source(%dma_start3A_18 : memref<80xi32, #tpu.memory_space<hbm>>) target(%dma_start3A_17 : memref<80xi32, #tpu.memory_space<vmem>>) target_semaphore(%arg11 : memref<!tpu.dma_semaphore, #tpu.memory_space<semaphore_mem>>)
    %dma_start3A_19 = arith.constant 0 : i32
    %dma_start3A_20 = arith.constant 0 : i32
    %dma_start3A_21 = tpu.memref_slice %arg8[%dma_start3A_19, %dma_start3A_20] : memref<4x80xi32, #tpu.memory_space<vmem>> -> memref<1x80xi32, #tpu.memory_space<vmem>>
    %dma_start3A_22 = tpu.memref_squeeze %dma_start3A_21 : memref<1x80xi32, #tpu.memory_space<vmem>> -> memref<80xi32, #tpu.memory_space<vmem>>
    %dma_start3A_23 = tpu.memref_slice %arg4[%multiple_of3A] : memref<320000xi32, #tpu.memory_space<hbm>> -> memref<80xi32, #tpu.memory_space<hbm>>
    %dma_start3A_24 = arith.constant 0 : i32
    %dma_start3A_25 = tpu.memref_slice %arg8[%dma_start3A_19, %dma_start3A_24] : memref<4x80xi32, #tpu.memory_space<vmem>> -> memref<1x80xi32, #tpu.memory_space<vmem>>
    %dma_start3A_26 = tpu.memref_squeeze %dma_start3A_25 : memref<1x80xi32, #tpu.memory_space<vmem>> -> memref<80xi32, #tpu.memory_space<vmem>>
    %dma_start3A_27 = tpu.memref_slice %arg4[%multiple_of3A] : memref<320000xi32, #tpu.memory_space<hbm>> -> memref<80xi32, #tpu.memory_space<hbm>>
    tpu.enqueue_dma source(%dma_start3A_27 : memref<80xi32, #tpu.memory_space<hbm>>) target(%dma_start3A_26 : memref<80xi32, #tpu.memory_space<vmem>>) target_semaphore(%arg11 : memref<!tpu.dma_semaphore, #tpu.memory_space<semaphore_mem>>)
    %dma_wait3A = arith.constant 0 : i32
    %dma_wait3A_28 = arith.constant 0 : i32
    %dma_wait3A_29 = tpu.memref_slice %arg7[%dma_wait3A, %dma_wait3A_28] : memref<4x80xi32, #tpu.memory_space<vmem>> -> memref<1x80xi32, #tpu.memory_space<vmem>>
    %dma_wait3A_30 = tpu.memref_squeeze %dma_wait3A_29 : memref<1x80xi32, #tpu.memory_space<vmem>> -> memref<80xi32, #tpu.memory_space<vmem>>
    %dma_wait3A_31 = arith.constant 0 : i32
    %dma_wait3A_32 = tpu.memref_slice %arg3[%dma_wait3A_31] : memref<320000xi32, #tpu.memory_space<hbm>> -> memref<80xi32, #tpu.memory_space<hbm>>
    %dma_wait3A_33 = arith.constant 0 : i32
    %dma_wait3A_34 = tpu.memref_slice %arg7[%dma_wait3A, %dma_wait3A_33] : memref<4x80xi32, #tpu.memory_space<vmem>> -> memref<1x80xi32, #tpu.memory_space<vmem>>
    %dma_wait3A_35 = tpu.memref_squeeze %dma_wait3A_34 : memref<1x80xi32, #tpu.memory_space<vmem>> -> memref<80xi32, #tpu.memory_space<vmem>>
    %dma_wait3A_36 = arith.constant 0 : i32
    %dma_wait3A_37 = tpu.memref_slice %arg3[%dma_wait3A_36] : memref<320000xi32, #tpu.memory_space<hbm>> -> memref<80xi32, #tpu.memory_space<hbm>>
    tpu.wait_dma2 semaphore(%arg11 : memref<!tpu.dma_semaphore, #tpu.memory_space<semaphore_mem>>) src(%dma_wait3A_37 : memref<80xi32, #tpu.memory_space<hbm>>) dst(%dma_wait3A_35 : memref<80xi32, #tpu.memory_space<vmem>>)
    %dma_wait3A_38 = arith.constant 0 : i32
    %dma_wait3A_39 = arith.constant 0 : i32
    %dma_wait3A_40 = tpu.memref_slice %arg8[%dma_wait3A_38, %dma_wait3A_39] : memref<4x80xi32, #tpu.memory_space<vmem>> -> memref<1x80xi32, #tpu.memory_space<vmem>>
    %dma_wait3A_41 = tpu.memref_squeeze %dma_wait3A_40 : memref<1x80xi32, #tpu.memory_space<vmem>> -> memref<80xi32, #tpu.memory_space<vmem>>
    %dma_wait3A_42 = arith.constant 0 : i32
    %dma_wait3A_43 = tpu.memref_slice %arg4[%dma_wait3A_42] : memref<320000xi32, #tpu.memory_space<hbm>> -> memref<80xi32, #tpu.memory_space<hbm>>
    %dma_wait3A_44 = arith.constant 0 : i32
    %dma_wait3A_45 = tpu.memref_slice %arg8[%dma_wait3A_38, %dma_wait3A_44] : memref<4x80xi32, #tpu.memory_space<vmem>> -> memref<1x80xi32, #tpu.memory_space<vmem>>
    %dma_wait3A_46 = tpu.memref_squeeze %dma_wait3A_45 : memref<1x80xi32, #tpu.memory_space<vmem>> -> memref<80xi32, #tpu.memory_space<vmem>>
    %dma_wait3A_47 = arith.constant 0 : i32
    %dma_wait3A_48 = tpu.memref_slice %arg4[%dma_wait3A_47] : memref<320000xi32, #tpu.memory_space<hbm>> -> memref<80xi32, #tpu.memory_space<hbm>>
    tpu.wait_dma2 semaphore(%arg11 : memref<!tpu.dma_semaphore, #tpu.memory_space<semaphore_mem>>) src(%dma_wait3A_48 : memref<80xi32, #tpu.memory_space<hbm>>) dst(%dma_wait3A_46 : memref<80xi32, #tpu.memory_space<vmem>>)
    %dma_start3A_49 = arith.constant 0 : i32
    %dma_start3A_50 = arith.constant 0 : i32
    %dma_start3A_51 = arith.constant 0 : i32
    %dma_start3A_52 = arith.constant 0 : i32
    %dma_start3A_53 = tpu.memref_slice %arg9[%dma_start3A_50, %dma_start3A_51, %dma_start3A_52] : memref<4x80x128xf32, #tpu.memory_space<vmem>> -> memref<1x80x128xf32, #tpu.memory_space<vmem>>
    %dma_start3A_54 = tpu.memref_squeeze %dma_start3A_53 : memref<1x80x128xf32, #tpu.memory_space<vmem>> -> memref<80x128xf32, #tpu.memory_space<vmem>>
    %dma_start3A_55 = arith.constant 0 : i32
    %dma_start3A_56 = tpu.memref_slice %arg7[%dma_start3A_49, %dma_start3A_55] : memref<4x80xi32, #tpu.memory_space<vmem>> -> memref<1x80xi32, #tpu.memory_space<vmem>>
    %dma_start3A_57 = tpu.memref_squeeze %dma_start3A_56 : memref<1x80xi32, #tpu.memory_space<vmem>> -> memref<80xi32, #tpu.memory_space<vmem>>
    %dma_start3A_58 = arith.constant 0 : i32
    %dma_start3A_59 = arith.constant 0 : i32
    %dma_start3A_60 = tpu.memref_slice %arg2[%dma_start3A_58, %dma_start3A_59] : memref<10000x128xf32, #tpu.memory_space<hbm>> -> memref<10000x128xf32, #tpu.memory_space<hbm>>
    tpu.enqueue_indirect_dma source(%dma_start3A_60 : memref<10000x128xf32, #tpu.memory_space<hbm>>) target(%dma_start3A_54 : memref<80x128xf32, #tpu.memory_space<vmem>>) offsets(%dma_start3A_57 : memref<80xi32, #tpu.memory_space<vmem>>) semaphore(%arg15 : memref<!tpu.dma_semaphore, #tpu.memory_space<semaphore_mem>>)
    %dma_wait3A_61 = arith.constant 0 : i32
    %dma_wait3A_62 = arith.constant 0 : i32
    %dma_wait3A_63 = arith.constant 0 : i32
    %dma_wait3A_64 = arith.constant 0 : i32
    %dma_wait3A_65 = tpu.memref_slice %arg9[%dma_wait3A_62, %dma_wait3A_63, %dma_wait3A_64] : memref<4x80x128xf32, #tpu.memory_space<vmem>> -> memref<1x80x128xf32, #tpu.memory_space<vmem>>
    %dma_wait3A_66 = tpu.memref_squeeze %dma_wait3A_65 : memref<1x80x128xf32, #tpu.memory_space<vmem>> -> memref<80x128xf32, #tpu.memory_space<vmem>>
    %dma_wait3A_67 = arith.constant 0 : i32
    %dma_wait3A_68 = tpu.memref_slice %arg7[%dma_wait3A_61, %dma_wait3A_67] : memref<4x80xi32, #tpu.memory_space<vmem>> -> memref<1x80xi32, #tpu.memory_space<vmem>>
    %dma_wait3A_69 = tpu.memref_squeeze %dma_wait3A_68 : memref<1x80xi32, #tpu.memory_space<vmem>> -> memref<80xi32, #tpu.memory_space<vmem>>
    %dma_wait3A_70 = arith.constant 0 : i32
    %dma_wait3A_71 = arith.constant 0 : i32
    %dma_wait3A_72 = tpu.memref_slice %arg2[%dma_wait3A_70, %dma_wait3A_71] : memref<10000x128xf32, #tpu.memory_space<hbm>> -> memref<10000x128xf32, #tpu.memory_space<hbm>>
    tpu.wait_indirect_dma semaphore(%arg15 : memref<!tpu.dma_semaphore, #tpu.memory_space<semaphore_mem>>) src(%dma_wait3A_72 : memref<10000x128xf32, #tpu.memory_space<hbm>>) dst(%dma_wait3A_66 : memref<80x128xf32, #tpu.memory_space<vmem>>)
    %dma_start3A_73 = arith.constant 0 : i32
    %dma_start3A_74 = arith.constant 0 : i32
    %dma_start3A_75 = arith.constant 0 : i32
    %dma_start3A_76 = arith.constant 0 : i32
    %dma_start3A_77 = tpu.memref_slice %arg9[%dma_start3A_73, %dma_start3A_75, %dma_start3A_76] : memref<4x80x128xf32, #tpu.memory_space<vmem>> -> memref<1x80x128xf32, #tpu.memory_space<vmem>>
    %dma_start3A_78 = tpu.memref_squeeze %dma_start3A_77 : memref<1x80x128xf32, #tpu.memory_space<vmem>> -> memref<80x128xf32, #tpu.memory_space<vmem>>
    %dma_start3A_79 = arith.constant 0 : i32
    %dma_start3A_80 = tpu.memref_slice %arg8[%dma_start3A_74, %dma_start3A_79] : memref<4x80xi32, #tpu.memory_space<vmem>> -> memref<1x80xi32, #tpu.memory_space<vmem>>
    %dma_start3A_81 = tpu.memref_squeeze %dma_start3A_80 : memref<1x80xi32, #tpu.memory_space<vmem>> -> memref<80xi32, #tpu.memory_space<vmem>>
    %dma_start3A_82 = arith.constant 0 : i32
    %dma_start3A_83 = arith.constant 0 : i32
    %dma_start3A_84 = tpu.memref_slice %arg10[%dma_start3A_82, %dma_start3A_83] : memref<10000x128xf32, #tpu.memory_space<vmem_shared>> -> memref<10000x128xf32, #tpu.memory_space<vmem_shared>>
    tpu.enqueue_indirect_dma source(%dma_start3A_78 : memref<80x128xf32, #tpu.memory_space<vmem>>) target(%dma_start3A_84 : memref<10000x128xf32, #tpu.memory_space<vmem_shared>>) offsets(%dma_start3A_81 : memref<80xi32, #tpu.memory_space<vmem>>) semaphore(%arg19 : memref<!tpu.dma_semaphore, #tpu.memory_space<semaphore_mem>>) {add = true}
    %dma_wait3A_85 = arith.constant 0 : i32
    %dma_wait3A_86 = arith.constant 0 : i32
    %dma_wait3A_87 = arith.constant 0 : i32
    %dma_wait3A_88 = arith.constant 0 : i32
    %dma_wait3A_89 = tpu.memref_slice %arg9[%dma_wait3A_85, %dma_wait3A_87, %dma_wait3A_88] : memref<4x80x128xf32, #tpu.memory_space<vmem>> -> memref<1x80x128xf32, #tpu.memory_space<vmem>>
    %dma_wait3A_90 = tpu.memref_squeeze %dma_wait3A_89 : memref<1x80x128xf32, #tpu.memory_space<vmem>> -> memref<80x128xf32, #tpu.memory_space<vmem>>
    %dma_wait3A_91 = arith.constant 0 : i32
    %dma_wait3A_92 = tpu.memref_slice %arg8[%dma_wait3A_86, %dma_wait3A_91] : memref<4x80xi32, #tpu.memory_space<vmem>> -> memref<1x80xi32, #tpu.memory_space<vmem>>
    %dma_wait3A_93 = tpu.memref_squeeze %dma_wait3A_92 : memref<1x80xi32, #tpu.memory_space<vmem>> -> memref<80xi32, #tpu.memory_space<vmem>>
    %dma_wait3A_94 = arith.constant 0 : i32
    %dma_wait3A_95 = arith.constant 0 : i32
    %dma_wait3A_96 = tpu.memref_slice %arg10[%dma_wait3A_94, %dma_wait3A_95] : memref<10000x128xf32, #tpu.memory_space<vmem_shared>> -> memref<10000x128xf32, #tpu.memory_space<vmem_shared>>
    tpu.wait_indirect_dma semaphore(%arg19 : memref<!tpu.dma_semaphore, #tpu.memory_space<semaphore_mem>>) src(%dma_wait3A_90 : memref<80x128xf32, #tpu.memory_space<vmem>>) dst(%dma_wait3A_96 : memref<10000x128xf32, #tpu.memory_space<vmem_shared>>)
    %add3A_97 = arith.constant 80 : i32
    %add3A_98 = arith.addi %mul3A_2, %add3A_97 : i32
    %multiple_of3A_99 = tpu.assume_multiple %add3A_98, 8 : i32
    %dma_start3A_100 = arith.constant 0 : i32
    %dma_start3A_101 = arith.constant 0 : i32
    %dma_start3A_102 = tpu.memref_slice %arg7[%dma_start3A_100, %dma_start3A_101] : memref<4x80xi32, #tpu.memory_space<vmem>> -> memref<1x80xi32, #tpu.memory_space<vmem>>
    %dma_start3A_103 = tpu.memref_squeeze %dma_start3A_102 : memref<1x80xi32, #tpu.memory_space<vmem>> -> memref<80xi32, #tpu.memory_space<vmem>>
    %dma_start3A_104 = tpu.memref_slice %arg3[%multiple_of3A_99] : memref<320000xi32, #tpu.memory_space<hbm>> -> memref<80xi32, #tpu.memory_space<hbm>>
    %dma_start3A_105 = arith.constant 0 : i32
    %dma_start3A_106 = tpu.memref_slice %arg7[%dma_start3A_100, %dma_start3A_105] : memref<4x80xi32, #tpu.memory_space<vmem>> -> memref<1x80xi32, #tpu.memory_space<vmem>>
    %dma_start3A_107 = tpu.memref_squeeze %dma_start3A_106 : memref<1x80xi32, #tpu.memory_space<vmem>> -> memref<80xi32, #tpu.memory_space<vmem>>
    %dma_start3A_108 = tpu.memref_slice %arg3[%multiple_of3A_99] : memref<320000xi32, #tpu.memory_space<hbm>> -> memref<80xi32, #tpu.memory_space<hbm>>
    tpu.enqueue_dma source(%dma_start3A_108 : memref<80xi32, #tpu.memory_space<hbm>>) target(%dma_start3A_107 : memref<80xi32, #tpu.memory_space<vmem>>) target_semaphore(%arg11 : memref<!tpu.dma_semaphore, #tpu.memory_space<semaphore_mem>>)
    %dma_start3A_109 = arith.constant 0 : i32
    %dma_start3A_110 = arith.constant 0 : i32
    %dma_start3A_111 = tpu.memref_slice %arg8[%dma_start3A_109, %dma_start3A_110] : memref<4x80xi32, #tpu.memory_space<vmem>> -> memref<1x80xi32, #tpu.memory_space<vmem>>
    %dma_start3A_112 = tpu.memref_squeeze %dma_start3A_111 : memref<1x80xi32, #tpu.memory_space<vmem>> -> memref<80xi32, #tpu.memory_space<vmem>>
    %dma_start3A_113 = tpu.memref_slice %arg4[%multiple_of3A_99] : memref<320000xi32, #tpu.memory_space<hbm>> -> memref<80xi32, #tpu.memory_space<hbm>>
    %dma_start3A_114 = arith.constant 0 : i32
    %dma_start3A_115 = tpu.memref_slice %arg8[%dma_start3A_109, %dma_start3A_114] : memref<4x80xi32, #tpu.memory_space<vmem>> -> memref<1x80xi32, #tpu.memory_space<vmem>>
    %dma_start3A_116 = tpu.memref_squeeze %dma_start3A_115 : memref<1x80xi32, #tpu.memory_space<vmem>> -> memref<80xi32, #tpu.memory_space<vmem>>
    %dma_start3A_117 = tpu.memref_slice %arg4[%multiple_of3A_99] : memref<320000xi32, #tpu.memory_space<hbm>> -> memref<80xi32, #tpu.memory_space<hbm>>
    tpu.enqueue_dma source(%dma_start3A_117 : memref<80xi32, #tpu.memory_space<hbm>>) target(%dma_start3A_116 : memref<80xi32, #tpu.memory_space<vmem>>) target_semaphore(%arg11 : memref<!tpu.dma_semaphore, #tpu.memory_space<semaphore_mem>>)
    %add3A_118 = arith.constant 160 : i32
    %add3A_119 = arith.addi %mul3A_2, %add3A_118 : i32
    %multiple_of3A_120 = tpu.assume_multiple %add3A_119, 8 : i32
    %dma_start3A_121 = arith.constant 1 : i32
    %dma_start3A_122 = arith.constant 0 : i32
    %dma_start3A_123 = tpu.memref_slice %arg7[%dma_start3A_121, %dma_start3A_122] : memref<4x80xi32, #tpu.memory_space<vmem>> -> memref<1x80xi32, #tpu.memory_space<vmem>>
    %dma_start3A_124 = tpu.memref_squeeze %dma_start3A_123 : memref<1x80xi32, #tpu.memory_space<vmem>> -> memref<80xi32, #tpu.memory_space<vmem>>
    %dma_start3A_125 = tpu.memref_slice %arg3[%multiple_of3A_120] : memref<320000xi32, #tpu.memory_space<hbm>> -> memref<80xi32, #tpu.memory_space<hbm>>
    %dma_start3A_126 = arith.constant 0 : i32
    %dma_start3A_127 = tpu.memref_slice %arg7[%dma_start3A_121, %dma_start3A_126] : memref<4x80xi32, #tpu.memory_space<vmem>> -> memref<1x80xi32, #tpu.memory_space<vmem>>
    %dma_start3A_128 = tpu.memref_squeeze %dma_start3A_127 : memref<1x80xi32, #tpu.memory_space<vmem>> -> memref<80xi32, #tpu.memory_space<vmem>>
    %dma_start3A_129 = tpu.memref_slice %arg3[%multiple_of3A_120] : memref<320000xi32, #tpu.memory_space<hbm>> -> memref<80xi32, #tpu.memory_space<hbm>>
    tpu.enqueue_dma source(%dma_start3A_129 : memref<80xi32, #tpu.memory_space<hbm>>) target(%dma_start3A_128 : memref<80xi32, #tpu.memory_space<vmem>>) target_semaphore(%arg12 : memref<!tpu.dma_semaphore, #tpu.memory_space<semaphore_mem>>)
    %dma_start3A_130 = arith.constant 1 : i32
    %dma_start3A_131 = arith.constant 0 : i32
    %dma_start3A_132 = tpu.memref_slice %arg8[%dma_start3A_130, %dma_start3A_131] : memref<4x80xi32, #tpu.memory_space<vmem>> -> memref<1x80xi32, #tpu.memory_space<vmem>>
    %dma_start3A_133 = tpu.memref_squeeze %dma_start3A_132 : memref<1x80xi32, #tpu.memory_space<vmem>> -> memref<80xi32, #tpu.memory_space<vmem>>
    %dma_start3A_134 = tpu.memref_slice %arg4[%multiple_of3A_120] : memref<320000xi32, #tpu.memory_space<hbm>> -> memref<80xi32, #tpu.memory_space<hbm>>
    %dma_start3A_135 = arith.constant 0 : i32
    %dma_start3A_136 = tpu.memref_slice %arg8[%dma_start3A_130, %dma_start3A_135] : memref<4x80xi32, #tpu.memory_space<vmem>> -> memref<1x80xi32, #tpu.memory_space<vmem>>
    %dma_start3A_137 = tpu.memref_squeeze %dma_start3A_136 : memref<1x80xi32, #tpu.memory_space<vmem>> -> memref<80xi32, #tpu.memory_space<vmem>>
    %dma_start3A_138 = tpu.memref_slice %arg4[%multiple_of3A_120] : memref<320000xi32, #tpu.memory_space<hbm>> -> memref<80xi32, #tpu.memory_space<hbm>>
    tpu.enqueue_dma source(%dma_start3A_138 : memref<80xi32, #tpu.memory_space<hbm>>) target(%dma_start3A_137 : memref<80xi32, #tpu.memory_space<vmem>>) target_semaphore(%arg12 : memref<!tpu.dma_semaphore, #tpu.memory_space<semaphore_mem>>)
    %add3A_139 = arith.constant 240 : i32
    %add3A_140 = arith.addi %mul3A_2, %add3A_139 : i32
    %multiple_of3A_141 = tpu.assume_multiple %add3A_140, 8 : i32
    %dma_start3A_142 = arith.constant 2 : i32
    %dma_start3A_143 = arith.constant 0 : i32
    %dma_start3A_144 = tpu.memref_slice %arg7[%dma_start3A_142, %dma_start3A_143] : memref<4x80xi32, #tpu.memory_space<vmem>> -> memref<1x80xi32, #tpu.memory_space<vmem>>
    %dma_start3A_145 = tpu.memref_squeeze %dma_start3A_144 : memref<1x80xi32, #tpu.memory_space<vmem>> -> memref<80xi32, #tpu.memory_space<vmem>>
    %dma_start3A_146 = tpu.memref_slice %arg3[%multiple_of3A_141] : memref<320000xi32, #tpu.memory_space<hbm>> -> memref<80xi32, #tpu.memory_space<hbm>>
    %dma_start3A_147 = arith.constant 0 : i32
    %dma_start3A_148 = tpu.memref_slice %arg7[%dma_start3A_142, %dma_start3A_147] : memref<4x80xi32, #tpu.memory_space<vmem>> -> memref<1x80xi32, #tpu.memory_space<vmem>>
    %dma_start3A_149 = tpu.memref_squeeze %dma_start3A_148 : memref<1x80xi32, #tpu.memory_space<vmem>> -> memref<80xi32, #tpu.memory_space<vmem>>
    %dma_start3A_150 = tpu.memref_slice %arg3[%multiple_of3A_141] : memref<320000xi32, #tpu.memory_space<hbm>> -> memref<80xi32, #tpu.memory_space<hbm>>
    tpu.enqueue_dma source(%dma_start3A_150 : memref<80xi32, #tpu.memory_space<hbm>>) target(%dma_start3A_149 : memref<80xi32, #tpu.memory_space<vmem>>) target_semaphore(%arg13 : memref<!tpu.dma_semaphore, #tpu.memory_space<semaphore_mem>>)
    %dma_start3A_151 = arith.constant 2 : i32
    %dma_start3A_152 = arith.constant 0 : i32
    %dma_start3A_153 = tpu.memref_slice %arg8[%dma_start3A_151, %dma_start3A_152] : memref<4x80xi32, #tpu.memory_space<vmem>> -> memref<1x80xi32, #tpu.memory_space<vmem>>
    %dma_start3A_154 = tpu.memref_squeeze %dma_start3A_153 : memref<1x80xi32, #tpu.memory_space<vmem>> -> memref<80xi32, #tpu.memory_space<vmem>>
    %dma_start3A_155 = tpu.memref_slice %arg4[%multiple_of3A_141] : memref<320000xi32, #tpu.memory_space<hbm>> -> memref<80xi32, #tpu.memory_space<hbm>>
    %dma_start3A_156 = arith.constant 0 : i32
    %dma_start3A_157 = tpu.memref_slice %arg8[%dma_start3A_151, %dma_start3A_156] : memref<4x80xi32, #tpu.memory_space<vmem>> -> memref<1x80xi32, #tpu.memory_space<vmem>>
    %dma_start3A_158 = tpu.memref_squeeze %dma_start3A_157 : memref<1x80xi32, #tpu.memory_space<vmem>> -> memref<80xi32, #tpu.memory_space<vmem>>
    %dma_start3A_159 = tpu.memref_slice %arg4[%multiple_of3A_141] : memref<320000xi32, #tpu.memory_space<hbm>> -> memref<80xi32, #tpu.memory_space<hbm>>
    tpu.enqueue_dma source(%dma_start3A_159 : memref<80xi32, #tpu.memory_space<hbm>>) target(%dma_start3A_158 : memref<80xi32, #tpu.memory_space<vmem>>) target_semaphore(%arg13 : memref<!tpu.dma_semaphore, #tpu.memory_space<semaphore_mem>>)
    %dma_wait3A_160 = arith.constant 0 : i32
    %dma_wait3A_161 = arith.constant 0 : i32
    %dma_wait3A_162 = tpu.memref_slice %arg7[%dma_wait3A_160, %dma_wait3A_161] : memref<4x80xi32, #tpu.memory_space<vmem>> -> memref<1x80xi32, #tpu.memory_space<vmem>>
    %dma_wait3A_163 = tpu.memref_squeeze %dma_wait3A_162 : memref<1x80xi32, #tpu.memory_space<vmem>> -> memref<80xi32, #tpu.memory_space<vmem>>
    %dma_wait3A_164 = arith.constant 0 : i32
    %dma_wait3A_165 = tpu.memref_slice %arg3[%dma_wait3A_164] : memref<320000xi32, #tpu.memory_space<hbm>> -> memref<80xi32, #tpu.memory_space<hbm>>
    %dma_wait3A_166 = arith.constant 0 : i32
    %dma_wait3A_167 = tpu.memref_slice %arg7[%dma_wait3A_160, %dma_wait3A_166] : memref<4x80xi32, #tpu.memory_space<vmem>> -> memref<1x80xi32, #tpu.memory_space<vmem>>
    %dma_wait3A_168 = tpu.memref_squeeze %dma_wait3A_167 : memref<1x80xi32, #tpu.memory_space<vmem>> -> memref<80xi32, #tpu.memory_space<vmem>>
    %dma_wait3A_169 = arith.constant 0 : i32
    %dma_wait3A_170 = tpu.memref_slice %arg3[%dma_wait3A_169] : memref<320000xi32, #tpu.memory_space<hbm>> -> memref<80xi32, #tpu.memory_space<hbm>>
    tpu.wait_dma2 semaphore(%arg11 : memref<!tpu.dma_semaphore, #tpu.memory_space<semaphore_mem>>) src(%dma_wait3A_170 : memref<80xi32, #tpu.memory_space<hbm>>) dst(%dma_wait3A_168 : memref<80xi32, #tpu.memory_space<vmem>>)
    %dma_wait3A_171 = arith.constant 0 : i32
    %dma_wait3A_172 = arith.constant 0 : i32
    %dma_wait3A_173 = tpu.memref_slice %arg8[%dma_wait3A_171, %dma_wait3A_172] : memref<4x80xi32, #tpu.memory_space<vmem>> -> memref<1x80xi32, #tpu.memory_space<vmem>>
    %dma_wait3A_174 = tpu.memref_squeeze %dma_wait3A_173 : memref<1x80xi32, #tpu.memory_space<vmem>> -> memref<80xi32, #tpu.memory_space<vmem>>
    %dma_wait3A_175 = arith.constant 0 : i32
    %dma_wait3A_176 = tpu.memref_slice %arg4[%dma_wait3A_175] : memref<320000xi32, #tpu.memory_space<hbm>> -> memref<80xi32, #tpu.memory_space<hbm>>
    %dma_wait3A_177 = arith.constant 0 : i32
    %dma_wait3A_178 = tpu.memref_slice %arg8[%dma_wait3A_171, %dma_wait3A_177] : memref<4x80xi32, #tpu.memory_space<vmem>> -> memref<1x80xi32, #tpu.memory_space<vmem>>
    %dma_wait3A_179 = tpu.memref_squeeze %dma_wait3A_178 : memref<1x80xi32, #tpu.memory_space<vmem>> -> memref<80xi32, #tpu.memory_space<vmem>>
    %dma_wait3A_180 = arith.constant 0 : i32
    %dma_wait3A_181 = tpu.memref_slice %arg4[%dma_wait3A_180] : memref<320000xi32, #tpu.memory_space<hbm>> -> memref<80xi32, #tpu.memory_space<hbm>>
    tpu.wait_dma2 semaphore(%arg11 : memref<!tpu.dma_semaphore, #tpu.memory_space<semaphore_mem>>) src(%dma_wait3A_181 : memref<80xi32, #tpu.memory_space<hbm>>) dst(%dma_wait3A_179 : memref<80xi32, #tpu.memory_space<vmem>>)
    %dma_start3A_182 = arith.constant 0 : i32
    %dma_start3A_183 = arith.constant 0 : i32
    %dma_start3A_184 = arith.constant 0 : i32
    %dma_start3A_185 = arith.constant 0 : i32
    %dma_start3A_186 = tpu.memref_slice %arg9[%dma_start3A_183, %dma_start3A_184, %dma_start3A_185] : memref<4x80x128xf32, #tpu.memory_space<vmem>> -> memref<1x80x128xf32, #tpu.memory_space<vmem>>
    %dma_start3A_187 = tpu.memref_squeeze %dma_start3A_186 : memref<1x80x128xf32, #tpu.memory_space<vmem>> -> memref<80x128xf32, #tpu.memory_space<vmem>>
    %dma_start3A_188 = arith.constant 0 : i32
    %dma_start3A_189 = tpu.memref_slice %arg7[%dma_start3A_182, %dma_start3A_188] : memref<4x80xi32, #tpu.memory_space<vmem>> -> memref<1x80xi32, #tpu.memory_space<vmem>>
    %dma_start3A_190 = tpu.memref_squeeze %dma_start3A_189 : memref<1x80xi32, #tpu.memory_space<vmem>> -> memref<80xi32, #tpu.memory_space<vmem>>
    %dma_start3A_191 = arith.constant 0 : i32
    %dma_start3A_192 = arith.constant 0 : i32
    %dma_start3A_193 = tpu.memref_slice %arg2[%dma_start3A_191, %dma_start3A_192] : memref<10000x128xf32, #tpu.memory_space<hbm>> -> memref<10000x128xf32, #tpu.memory_space<hbm>>
    tpu.enqueue_indirect_dma source(%dma_start3A_193 : memref<10000x128xf32, #tpu.memory_space<hbm>>) target(%dma_start3A_187 : memref<80x128xf32, #tpu.memory_space<vmem>>) offsets(%dma_start3A_190 : memref<80xi32, #tpu.memory_space<vmem>>) semaphore(%arg15 : memref<!tpu.dma_semaphore, #tpu.memory_space<semaphore_mem>>)
    %dma_wait3A_194 = arith.constant 1 : i32
    %dma_wait3A_195 = arith.constant 0 : i32
    %dma_wait3A_196 = tpu.memref_slice %arg7[%dma_wait3A_194, %dma_wait3A_195] : memref<4x80xi32, #tpu.memory_space<vmem>> -> memref<1x80xi32, #tpu.memory_space<vmem>>
    %dma_wait3A_197 = tpu.memref_squeeze %dma_wait3A_196 : memref<1x80xi32, #tpu.memory_space<vmem>> -> memref<80xi32, #tpu.memory_space<vmem>>
    %dma_wait3A_198 = arith.constant 0 : i32
    %dma_wait3A_199 = tpu.memref_slice %arg3[%dma_wait3A_198] : memref<320000xi32, #tpu.memory_space<hbm>> -> memref<80xi32, #tpu.memory_space<hbm>>
    %dma_wait3A_200 = arith.constant 0 : i32
    %dma_wait3A_201 = tpu.memref_slice %arg7[%dma_wait3A_194, %dma_wait3A_200] : memref<4x80xi32, #tpu.memory_space<vmem>> -> memref<1x80xi32, #tpu.memory_space<vmem>>
    %dma_wait3A_202 = tpu.memref_squeeze %dma_wait3A_201 : memref<1x80xi32, #tpu.memory_space<vmem>> -> memref<80xi32, #tpu.memory_space<vmem>>
    %dma_wait3A_203 = arith.constant 0 : i32
    %dma_wait3A_204 = tpu.memref_slice %arg3[%dma_wait3A_203] : memref<320000xi32, #tpu.memory_space<hbm>> -> memref<80xi32, #tpu.memory_space<hbm>>
    tpu.wait_dma2 semaphore(%arg12 : memref<!tpu.dma_semaphore, #tpu.memory_space<semaphore_mem>>) src(%dma_wait3A_204 : memref<80xi32, #tpu.memory_space<hbm>>) dst(%dma_wait3A_202 : memref<80xi32, #tpu.memory_space<vmem>>)
    %dma_wait3A_205 = arith.constant 1 : i32
    %dma_wait3A_206 = arith.constant 0 : i32
    %dma_wait3A_207 = tpu.memref_slice %arg8[%dma_wait3A_205, %dma_wait3A_206] : memref<4x80xi32, #tpu.memory_space<vmem>> -> memref<1x80xi32, #tpu.memory_space<vmem>>
    %dma_wait3A_208 = tpu.memref_squeeze %dma_wait3A_207 : memref<1x80xi32, #tpu.memory_space<vmem>> -> memref<80xi32, #tpu.memory_space<vmem>>
    %dma_wait3A_209 = arith.constant 0 : i32
    %dma_wait3A_210 = tpu.memref_slice %arg4[%dma_wait3A_209] : memref<320000xi32, #tpu.memory_space<hbm>> -> memref<80xi32, #tpu.memory_space<hbm>>
    %dma_wait3A_211 = arith.constant 0 : i32
    %dma_wait3A_212 = tpu.memref_slice %arg8[%dma_wait3A_205, %dma_wait3A_211] : memref<4x80xi32, #tpu.memory_space<vmem>> -> memref<1x80xi32, #tpu.memory_space<vmem>>
    %dma_wait3A_213 = tpu.memref_squeeze %dma_wait3A_212 : memref<1x80xi32, #tpu.memory_space<vmem>> -> memref<80xi32, #tpu.memory_space<vmem>>
    %dma_wait3A_214 = arith.constant 0 : i32
    %dma_wait3A_215 = tpu.memref_slice %arg4[%dma_wait3A_214] : memref<320000xi32, #tpu.memory_space<hbm>> -> memref<80xi32, #tpu.memory_space<hbm>>
    tpu.wait_dma2 semaphore(%arg12 : memref<!tpu.dma_semaphore, #tpu.memory_space<semaphore_mem>>) src(%dma_wait3A_215 : memref<80xi32, #tpu.memory_space<hbm>>) dst(%dma_wait3A_213 : memref<80xi32, #tpu.memory_space<vmem>>)
    %dma_start3A_216 = arith.constant 1 : i32
    %dma_start3A_217 = arith.constant 1 : i32
    %dma_start3A_218 = arith.constant 0 : i32
    %dma_start3A_219 = arith.constant 0 : i32
    %dma_start3A_220 = tpu.memref_slice %arg9[%dma_start3A_217, %dma_start3A_218, %dma_start3A_219] : memref<4x80x128xf32, #tpu.memory_space<vmem>> -> memref<1x80x128xf32, #tpu.memory_space<vmem>>
    %dma_start3A_221 = tpu.memref_squeeze %dma_start3A_220 : memref<1x80x128xf32, #tpu.memory_space<vmem>> -> memref<80x128xf32, #tpu.memory_space<vmem>>
    %dma_start3A_222 = arith.constant 0 : i32
    %dma_start3A_223 = tpu.memref_slice %arg7[%dma_start3A_216, %dma_start3A_222] : memref<4x80xi32, #tpu.memory_space<vmem>> -> memref<1x80xi32, #tpu.memory_space<vmem>>
    %dma_start3A_224 = tpu.memref_squeeze %dma_start3A_223 : memref<1x80xi32, #tpu.memory_space<vmem>> -> memref<80xi32, #tpu.memory_space<vmem>>
    %dma_start3A_225 = arith.constant 0 : i32
    %dma_start3A_226 = arith.constant 0 : i32
    %dma_start3A_227 = tpu.memref_slice %arg2[%dma_start3A_225, %dma_start3A_226] : memref<10000x128xf32, #tpu.memory_space<hbm>> -> memref<10000x128xf32, #tpu.memory_space<hbm>>
    tpu.enqueue_indirect_dma source(%dma_start3A_227 : memref<10000x128xf32, #tpu.memory_space<hbm>>) target(%dma_start3A_221 : memref<80x128xf32, #tpu.memory_space<vmem>>) offsets(%dma_start3A_224 : memref<80xi32, #tpu.memory_space<vmem>>) semaphore(%arg16 : memref<!tpu.dma_semaphore, #tpu.memory_space<semaphore_mem>>)
    %scan3A = arith.constant 0 : i32
    %scan3A_228 = arith.constant 31 : i32
    %scan3A_229 = arith.addi %scan3A, %scan3A_228 : i32
    %scan3A_230 = arith.constant 1 : i32
    scf.for %scan3A_293 = %scan3A to %scan3A_229 step %scan3A_230  : i32 {
      %mul3A_294 = arith.constant 1 : i32
      %mul3A_295 = arith.muli %scan3A_293, %mul3A_294 : i32
      %add3A_296 = arith.constant 0 : i32
      %add3A_297 = arith.addi %add3A_296, %mul3A_295 : i32
      %mul3A_298 = arith.constant 4 : i32
      %mul3A_299 = arith.muli %add3A_297, %mul3A_298 : i32
      %add3A_300 = arith.constant 1 : i32
      %add3A_301 = arith.addi %add3A_300, %mul3A_299 : i32
      %add3A_302 = arith.constant 0 : i32
      %add3A_303 = arith.addi %add3A_301, %add3A_302 : i32
      %dma_wait3A_304 = arith.constant 0 : i32
      %dma_wait3A_305 = arith.constant 0 : i32
      %dma_wait3A_306 = arith.constant 0 : i32
      %dma_wait3A_307 = arith.constant 0 : i32
      %dma_wait3A_308 = tpu.memref_slice %arg9[%dma_wait3A_305, %dma_wait3A_306, %dma_wait3A_307] : memref<4x80x128xf32, #tpu.memory_space<vmem>> -> memref<1x80x128xf32, #tpu.memory_space<vmem>>
      %dma_wait3A_309 = tpu.memref_squeeze %dma_wait3A_308 : memref<1x80x128xf32, #tpu.memory_space<vmem>> -> memref<80x128xf32, #tpu.memory_space<vmem>>
      %dma_wait3A_310 = arith.constant 0 : i32
      %dma_wait3A_311 = tpu.memref_slice %arg7[%dma_wait3A_304, %dma_wait3A_310] : memref<4x80xi32, #tpu.memory_space<vmem>> -> memref<1x80xi32, #tpu.memory_space<vmem>>
      %dma_wait3A_312 = tpu.memref_squeeze %dma_wait3A_311 : memref<1x80xi32, #tpu.memory_space<vmem>> -> memref<80xi32, #tpu.memory_space<vmem>>
      %dma_wait3A_313 = arith.constant 0 : i32
      %dma_wait3A_314 = arith.constant 0 : i32
      %dma_wait3A_315 = tpu.memref_slice %arg2[%dma_wait3A_313, %dma_wait3A_314] : memref<10000x128xf32, #tpu.memory_space<hbm>> -> memref<10000x128xf32, #tpu.memory_space<hbm>>
      tpu.wait_indirect_dma semaphore(%arg15 : memref<!tpu.dma_semaphore, #tpu.memory_space<semaphore_mem>>) src(%dma_wait3A_315 : memref<10000x128xf32, #tpu.memory_space<hbm>>) dst(%dma_wait3A_309 : memref<80x128xf32, #tpu.memory_space<vmem>>)
      %dma_start3A_316 = arith.constant 0 : i32
      %dma_start3A_317 = arith.constant 0 : i32
      %dma_start3A_318 = arith.constant 0 : i32
      %dma_start3A_319 = arith.constant 0 : i32
      %dma_start3A_320 = tpu.memref_slice %arg9[%dma_start3A_316, %dma_start3A_318, %dma_start3A_319] : memref<4x80x128xf32, #tpu.memory_space<vmem>> -> memref<1x80x128xf32, #tpu.memory_space<vmem>>
      %dma_start3A_321 = tpu.memref_squeeze %dma_start3A_320 : memref<1x80x128xf32, #tpu.memory_space<vmem>> -> memref<80x128xf32, #tpu.memory_space<vmem>>
      %dma_start3A_322 = arith.constant 0 : i32
      %dma_start3A_323 = tpu.memref_slice %arg8[%dma_start3A_317, %dma_start3A_322] : memref<4x80xi32, #tpu.memory_space<vmem>> -> memref<1x80xi32, #tpu.memory_space<vmem>>
      %dma_start3A_324 = tpu.memref_squeeze %dma_start3A_323 : memref<1x80xi32, #tpu.memory_space<vmem>> -> memref<80xi32, #tpu.memory_space<vmem>>
      %dma_start3A_325 = arith.constant 0 : i32
      %dma_start3A_326 = arith.constant 0 : i32
      %dma_start3A_327 = tpu.memref_slice %arg10[%dma_start3A_325, %dma_start3A_326] : memref<10000x128xf32, #tpu.memory_space<vmem_shared>> -> memref<10000x128xf32, #tpu.memory_space<vmem_shared>>
      tpu.enqueue_indirect_dma source(%dma_start3A_321 : memref<80x128xf32, #tpu.memory_space<vmem>>) target(%dma_start3A_327 : memref<10000x128xf32, #tpu.memory_space<vmem_shared>>) offsets(%dma_start3A_324 : memref<80xi32, #tpu.memory_space<vmem>>) semaphore(%arg19 : memref<!tpu.dma_semaphore, #tpu.memory_space<semaphore_mem>>) {add = true}
      %add3A_328 = arith.constant 2 : i32
      %add3A_329 = arith.addi %add3A_303, %add3A_328 : i32
      %lt3A = arith.constant 125 : i32
      %lt3A_330 = arith.cmpi slt, %add3A_329, %lt3A : i32
      %convert_element_type3A_331 = arith.extui %lt3A_330 : i1 to i32
      %cond3A_332 = arith.constant 0 : i32
      %cond3A_333 = arith.cmpi ne, %convert_element_type3A_331, %cond3A_332 : i32
      scf.if %cond3A_333 {
        %dma_wait3A_461 = arith.constant 2 : i32
        %dma_wait3A_462 = arith.constant 0 : i32
        %dma_wait3A_463 = tpu.memref_slice %arg7[%dma_wait3A_461, %dma_wait3A_462] : memref<4x80xi32, #tpu.memory_space<vmem>> -> memref<1x80xi32, #tpu.memory_space<vmem>>
        %dma_wait3A_464 = tpu.memref_squeeze %dma_wait3A_463 : memref<1x80xi32, #tpu.memory_space<vmem>> -> memref<80xi32, #tpu.memory_space<vmem>>
        %dma_wait3A_465 = arith.constant 0 : i32
        %dma_wait3A_466 = tpu.memref_slice %arg3[%dma_wait3A_465] : memref<320000xi32, #tpu.memory_space<hbm>> -> memref<80xi32, #tpu.memory_space<hbm>>
        %dma_wait3A_467 = arith.constant 0 : i32
        %dma_wait3A_468 = tpu.memref_slice %arg7[%dma_wait3A_461, %dma_wait3A_467] : memref<4x80xi32, #tpu.memory_space<vmem>> -> memref<1x80xi32, #tpu.memory_space<vmem>>
        %dma_wait3A_469 = tpu.memref_squeeze %dma_wait3A_468 : memref<1x80xi32, #tpu.memory_space<vmem>> -> memref<80xi32, #tpu.memory_space<vmem>>
        %dma_wait3A_470 = arith.constant 0 : i32
        %dma_wait3A_471 = tpu.memref_slice %arg3[%dma_wait3A_470] : memref<320000xi32, #tpu.memory_space<hbm>> -> memref<80xi32, #tpu.memory_space<hbm>>
        tpu.wait_dma2 semaphore(%arg13 : memref<!tpu.dma_semaphore, #tpu.memory_space<semaphore_mem>>) src(%dma_wait3A_471 : memref<80xi32, #tpu.memory_space<hbm>>) dst(%dma_wait3A_469 : memref<80xi32, #tpu.memory_space<vmem>>)
        %dma_wait3A_472 = arith.constant 2 : i32
        %dma_wait3A_473 = arith.constant 0 : i32
        %dma_wait3A_474 = tpu.memref_slice %arg8[%dma_wait3A_472, %dma_wait3A_473] : memref<4x80xi32, #tpu.memory_space<vmem>> -> memref<1x80xi32, #tpu.memory_space<vmem>>
        %dma_wait3A_475 = tpu.memref_squeeze %dma_wait3A_474 : memref<1x80xi32, #tpu.memory_space<vmem>> -> memref<80xi32, #tpu.memory_space<vmem>>
        %dma_wait3A_476 = arith.constant 0 : i32
        %dma_wait3A_477 = tpu.memref_slice %arg4[%dma_wait3A_476] : memref<320000xi32, #tpu.memory_space<hbm>> -> memref<80xi32, #tpu.memory_space<hbm>>
        %dma_wait3A_478 = arith.constant 0 : i32
        %dma_wait3A_479 = tpu.memref_slice %arg8[%dma_wait3A_472, %dma_wait3A_478] : memref<4x80xi32, #tpu.memory_space<vmem>> -> memref<1x80xi32, #tpu.memory_space<vmem>>
        %dma_wait3A_480 = tpu.memref_squeeze %dma_wait3A_479 : memref<1x80xi32, #tpu.memory_space<vmem>> -> memref<80xi32, #tpu.memory_space<vmem>>
        %dma_wait3A_481 = arith.constant 0 : i32
        %dma_wait3A_482 = tpu.memref_slice %arg4[%dma_wait3A_481] : memref<320000xi32, #tpu.memory_space<hbm>> -> memref<80xi32, #tpu.memory_space<hbm>>
        tpu.wait_dma2 semaphore(%arg13 : memref<!tpu.dma_semaphore, #tpu.memory_space<semaphore_mem>>) src(%dma_wait3A_482 : memref<80xi32, #tpu.memory_space<hbm>>) dst(%dma_wait3A_480 : memref<80xi32, #tpu.memory_space<vmem>>)
        %ge3A = arith.constant 3 : i32
        %ge3A_483 = arith.cmpi sge, %add3A_303, %ge3A : i32
        %convert_element_type3A_484 = arith.extui %ge3A_483 : i1 to i32
        %cond3A_485 = arith.constant 0 : i32
        %cond3A_486 = arith.cmpi ne, %convert_element_type3A_484, %cond3A_485 : i32
        scf.if %cond3A_486 {
          %dma_wait3A_499 = arith.constant 2 : i32
          %dma_wait3A_500 = arith.constant 2 : i32
          %dma_wait3A_501 = arith.constant 0 : i32
          %dma_wait3A_502 = arith.constant 0 : i32
          %dma_wait3A_503 = tpu.memref_slice %arg9[%dma_wait3A_499, %dma_wait3A_501, %dma_wait3A_502] : memref<4x80x128xf32, #tpu.memory_space<vmem>> -> memref<1x80x128xf32, #tpu.memory_space<vmem>>
          %dma_wait3A_504 = tpu.memref_squeeze %dma_wait3A_503 : memref<1x80x128xf32, #tpu.memory_space<vmem>> -> memref<80x128xf32, #tpu.memory_space<vmem>>
          %dma_wait3A_505 = arith.constant 0 : i32
          %dma_wait3A_506 = tpu.memref_slice %arg8[%dma_wait3A_500, %dma_wait3A_505] : memref<4x80xi32, #tpu.memory_space<vmem>> -> memref<1x80xi32, #tpu.memory_space<vmem>>
          %dma_wait3A_507 = tpu.memref_squeeze %dma_wait3A_506 : memref<1x80xi32, #tpu.memory_space<vmem>> -> memref<80xi32, #tpu.memory_space<vmem>>
          %dma_wait3A_508 = arith.constant 0 : i32
          %dma_wait3A_509 = arith.constant 0 : i32
          %dma_wait3A_510 = tpu.memref_slice %arg10[%dma_wait3A_508, %dma_wait3A_509] : memref<10000x128xf32, #tpu.memory_space<vmem_shared>> -> memref<10000x128xf32, #tpu.memory_space<vmem_shared>>
          tpu.wait_indirect_dma semaphore(%arg21 : memref<!tpu.dma_semaphore, #tpu.memory_space<semaphore_mem>>) src(%dma_wait3A_504 : memref<80x128xf32, #tpu.memory_space<vmem>>) dst(%dma_wait3A_510 : memref<10000x128xf32, #tpu.memory_space<vmem_shared>>)
        } else {
        }
        %dma_start3A_487 = arith.constant 2 : i32
        %dma_start3A_488 = arith.constant 2 : i32
        %dma_start3A_489 = arith.constant 0 : i32
        %dma_start3A_490 = arith.constant 0 : i32
        %dma_start3A_491 = tpu.memref_slice %arg9[%dma_start3A_488, %dma_start3A_489, %dma_start3A_490] : memref<4x80x128xf32, #tpu.memory_space<vmem>> -> memref<1x80x128xf32, #tpu.memory_space<vmem>>
        %dma_start3A_492 = tpu.memref_squeeze %dma_start3A_491 : memref<1x80x128xf32, #tpu.memory_space<vmem>> -> memref<80x128xf32, #tpu.memory_space<vmem>>
        %dma_start3A_493 = arith.constant 0 : i32
        %dma_start3A_494 = tpu.memref_slice %arg7[%dma_start3A_487, %dma_start3A_493] : memref<4x80xi32, #tpu.memory_space<vmem>> -> memref<1x80xi32, #tpu.memory_space<vmem>>
        %dma_start3A_495 = tpu.memref_squeeze %dma_start3A_494 : memref<1x80xi32, #tpu.memory_space<vmem>> -> memref<80xi32, #tpu.memory_space<vmem>>
        %dma_start3A_496 = arith.constant 0 : i32
        %dma_start3A_497 = arith.constant 0 : i32
        %dma_start3A_498 = tpu.memref_slice %arg2[%dma_start3A_496, %dma_start3A_497] : memref<10000x128xf32, #tpu.memory_space<hbm>> -> memref<10000x128xf32, #tpu.memory_space<hbm>>
        tpu.enqueue_indirect_dma source(%dma_start3A_498 : memref<10000x128xf32, #tpu.memory_space<hbm>>) target(%dma_start3A_492 : memref<80x128xf32, #tpu.memory_space<vmem>>) offsets(%dma_start3A_495 : memref<80xi32, #tpu.memory_space<vmem>>) semaphore(%arg17 : memref<!tpu.dma_semaphore, #tpu.memory_space<semaphore_mem>>)
      } else {
      }
      %add3A_334 = arith.constant 3 : i32
      %add3A_335 = arith.addi %add3A_303, %add3A_334 : i32
      %lt3A_336 = arith.constant 125 : i32
      %lt3A_337 = arith.cmpi slt, %add3A_335, %lt3A_336 : i32
      %convert_element_type3A_338 = arith.extui %lt3A_337 : i1 to i32
      %cond3A_339 = arith.constant 0 : i32
      %cond3A_340 = arith.cmpi ne, %convert_element_type3A_338, %cond3A_339 : i32
      scf.if %cond3A_340 {
        %add3A_461 = arith.constant 3 : i32
        %add3A_462 = arith.addi %add3A_303, %add3A_461 : i32
        %mul3A_463 = arith.constant 80 : i32
        %mul3A_464 = arith.muli %add3A_462, %mul3A_463 : i32
        %add3A_465 = arith.addi %mul3A_2, %mul3A_464 : i32
        %multiple_of3A_466 = tpu.assume_multiple %add3A_465, 8 : i32
        %dma_start3A_467 = arith.constant 3 : i32
        %dma_start3A_468 = arith.constant 0 : i32
        %dma_start3A_469 = tpu.memref_slice %arg7[%dma_start3A_467, %dma_start3A_468] : memref<4x80xi32, #tpu.memory_space<vmem>> -> memref<1x80xi32, #tpu.memory_space<vmem>>
        %dma_start3A_470 = tpu.memref_squeeze %dma_start3A_469 : memref<1x80xi32, #tpu.memory_space<vmem>> -> memref<80xi32, #tpu.memory_space<vmem>>
        %dma_start3A_471 = tpu.memref_slice %arg3[%multiple_of3A_466] : memref<320000xi32, #tpu.memory_space<hbm>> -> memref<80xi32, #tpu.memory_space<hbm>>
        %dma_start3A_472 = arith.constant 0 : i32
        %dma_start3A_473 = tpu.memref_slice %arg7[%dma_start3A_467, %dma_start3A_472] : memref<4x80xi32, #tpu.memory_space<vmem>> -> memref<1x80xi32, #tpu.memory_space<vmem>>
        %dma_start3A_474 = tpu.memref_squeeze %dma_start3A_473 : memref<1x80xi32, #tpu.memory_space<vmem>> -> memref<80xi32, #tpu.memory_space<vmem>>
        %dma_start3A_475 = tpu.memref_slice %arg3[%multiple_of3A_466] : memref<320000xi32, #tpu.memory_space<hbm>> -> memref<80xi32, #tpu.memory_space<hbm>>
        tpu.enqueue_dma source(%dma_start3A_475 : memref<80xi32, #tpu.memory_space<hbm>>) target(%dma_start3A_474 : memref<80xi32, #tpu.memory_space<vmem>>) target_semaphore(%arg14 : memref<!tpu.dma_semaphore, #tpu.memory_space<semaphore_mem>>)
        %dma_start3A_476 = arith.constant 3 : i32
        %dma_start3A_477 = arith.constant 0 : i32
        %dma_start3A_478 = tpu.memref_slice %arg8[%dma_start3A_476, %dma_start3A_477] : memref<4x80xi32, #tpu.memory_space<vmem>> -> memref<1x80xi32, #tpu.memory_space<vmem>>
        %dma_start3A_479 = tpu.memref_squeeze %dma_start3A_478 : memref<1x80xi32, #tpu.memory_space<vmem>> -> memref<80xi32, #tpu.memory_space<vmem>>
        %dma_start3A_480 = tpu.memref_slice %arg4[%multiple_of3A_466] : memref<320000xi32, #tpu.memory_space<hbm>> -> memref<80xi32, #tpu.memory_space<hbm>>
        %dma_start3A_481 = arith.constant 0 : i32
        %dma_start3A_482 = tpu.memref_slice %arg8[%dma_start3A_476, %dma_start3A_481] : memref<4x80xi32, #tpu.memory_space<vmem>> -> memref<1x80xi32, #tpu.memory_space<vmem>>
        %dma_start3A_483 = tpu.memref_squeeze %dma_start3A_482 : memref<1x80xi32, #tpu.memory_space<vmem>> -> memref<80xi32, #tpu.memory_space<vmem>>
        %dma_start3A_484 = tpu.memref_slice %arg4[%multiple_of3A_466] : memref<320000xi32, #tpu.memory_space<hbm>> -> memref<80xi32, #tpu.memory_space<hbm>>
        tpu.enqueue_dma source(%dma_start3A_484 : memref<80xi32, #tpu.memory_space<hbm>>) target(%dma_start3A_483 : memref<80xi32, #tpu.memory_space<vmem>>) target_semaphore(%arg14 : memref<!tpu.dma_semaphore, #tpu.memory_space<semaphore_mem>>)
      } else {
      }
      %add3A_341 = arith.constant 1 : i32
      %add3A_342 = arith.addi %add3A_301, %add3A_341 : i32
      %dma_wait3A_343 = arith.constant 1 : i32
      %dma_wait3A_344 = arith.constant 1 : i32
      %dma_wait3A_345 = arith.constant 0 : i32
      %dma_wait3A_346 = arith.constant 0 : i32
      %dma_wait3A_347 = tpu.memref_slice %arg9[%dma_wait3A_344, %dma_wait3A_345, %dma_wait3A_346] : memref<4x80x128xf32, #tpu.memory_space<vmem>> -> memref<1x80x128xf32, #tpu.memory_space<vmem>>
      %dma_wait3A_348 = tpu.memref_squeeze %dma_wait3A_347 : memref<1x80x128xf32, #tpu.memory_space<vmem>> -> memref<80x128xf32, #tpu.memory_space<vmem>>
      %dma_wait3A_349 = arith.constant 0 : i32
      %dma_wait3A_350 = tpu.memref_slice %arg7[%dma_wait3A_343, %dma_wait3A_349] : memref<4x80xi32, #tpu.memory_space<vmem>> -> memref<1x80xi32, #tpu.memory_space<vmem>>
      %dma_wait3A_351 = tpu.memref_squeeze %dma_wait3A_350 : memref<1x80xi32, #tpu.memory_space<vmem>> -> memref<80xi32, #tpu.memory_space<vmem>>
      %dma_wait3A_352 = arith.constant 0 : i32
      %dma_wait3A_353 = arith.constant 0 : i32
      %dma_wait3A_354 = tpu.memref_slice %arg2[%dma_wait3A_352, %dma_wait3A_353] : memref<10000x128xf32, #tpu.memory_space<hbm>> -> memref<10000x128xf32, #tpu.memory_space<hbm>>
      tpu.wait_indirect_dma semaphore(%arg16 : memref<!tpu.dma_semaphore, #tpu.memory_space<semaphore_mem>>) src(%dma_wait3A_354 : memref<10000x128xf32, #tpu.memory_space<hbm>>) dst(%dma_wait3A_348 : memref<80x128xf32, #tpu.memory_space<vmem>>)
      %dma_start3A_355 = arith.constant 1 : i32
      %dma_start3A_356 = arith.constant 1 : i32
      %dma_start3A_357 = arith.constant 0 : i32
      %dma_start3A_358 = arith.constant 0 : i32
      %dma_start3A_359 = tpu.memref_slice %arg9[%dma_start3A_355, %dma_start3A_357, %dma_start3A_358] : memref<4x80x128xf32, #tpu.memory_space<vmem>> -> memref<1x80x128xf32, #tpu.memory_space<vmem>>
      %dma_start3A_360 = tpu.memref_squeeze %dma_start3A_359 : memref<1x80x128xf32, #tpu.memory_space<vmem>> -> memref<80x128xf32, #tpu.memory_space<vmem>>
      %dma_start3A_361 = arith.constant 0 : i32
      %dma_start3A_362 = tpu.memref_slice %arg8[%dma_start3A_356, %dma_start3A_361] : memref<4x80xi32, #tpu.memory_space<vmem>> -> memref<1x80xi32, #tpu.memory_space<vmem>>
      %dma_start3A_363 = tpu.memref_squeeze %dma_start3A_362 : memref<1x80xi32, #tpu.memory_space<vmem>> -> memref<80xi32, #tpu.memory_space<vmem>>
      %dma_start3A_364 = arith.constant 0 : i32
      %dma_start3A_365 = arith.constant 0 : i32
      %dma_start3A_366 = tpu.memref_slice %arg10[%dma_start3A_364, %dma_start3A_365] : memref<10000x128xf32, #tpu.memory_space<vmem_shared>> -> memref<10000x128xf32, #tpu.memory_space<vmem_shared>>
      tpu.enqueue_indirect_dma source(%dma_start3A_360 : memref<80x128xf32, #tpu.memory_space<vmem>>) target(%dma_start3A_366 : memref<10000x128xf32, #tpu.memory_space<vmem_shared>>) offsets(%dma_start3A_363 : memref<80xi32, #tpu.memory_space<vmem>>) semaphore(%arg20 : memref<!tpu.dma_semaphore, #tpu.memory_space<semaphore_mem>>) {add = true}
      %add3A_367 = arith.constant 2 : i32
      %add3A_368 = arith.addi %add3A_342, %add3A_367 : i32
      %lt3A_369 = arith.constant 125 : i32
      %lt3A_370 = arith.cmpi slt, %add3A_368, %lt3A_369 : i32
      %convert_element_type3A_371 = arith.extui %lt3A_370 : i1 to i32
      %cond3A_372 = arith.constant 0 : i32
      %cond3A_373 = arith.cmpi ne, %convert_element_type3A_371, %cond3A_372 : i32
      scf.if %cond3A_373 {
        %dma_wait3A_461 = arith.constant 3 : i32
        %dma_wait3A_462 = arith.constant 0 : i32
        %dma_wait3A_463 = tpu.memref_slice %arg7[%dma_wait3A_461, %dma_wait3A_462] : memref<4x80xi32, #tpu.memory_space<vmem>> -> memref<1x80xi32, #tpu.memory_space<vmem>>
        %dma_wait3A_464 = tpu.memref_squeeze %dma_wait3A_463 : memref<1x80xi32, #tpu.memory_space<vmem>> -> memref<80xi32, #tpu.memory_space<vmem>>
        %dma_wait3A_465 = arith.constant 0 : i32
        %dma_wait3A_466 = tpu.memref_slice %arg3[%dma_wait3A_465] : memref<320000xi32, #tpu.memory_space<hbm>> -> memref<80xi32, #tpu.memory_space<hbm>>
        %dma_wait3A_467 = arith.constant 0 : i32
        %dma_wait3A_468 = tpu.memref_slice %arg7[%dma_wait3A_461, %dma_wait3A_467] : memref<4x80xi32, #tpu.memory_space<vmem>> -> memref<1x80xi32, #tpu.memory_space<vmem>>
        %dma_wait3A_469 = tpu.memref_squeeze %dma_wait3A_468 : memref<1x80xi32, #tpu.memory_space<vmem>> -> memref<80xi32, #tpu.memory_space<vmem>>
        %dma_wait3A_470 = arith.constant 0 : i32
        %dma_wait3A_471 = tpu.memref_slice %arg3[%dma_wait3A_470] : memref<320000xi32, #tpu.memory_space<hbm>> -> memref<80xi32, #tpu.memory_space<hbm>>
        tpu.wait_dma2 semaphore(%arg14 : memref<!tpu.dma_semaphore, #tpu.memory_space<semaphore_mem>>) src(%dma_wait3A_471 : memref<80xi32, #tpu.memory_space<hbm>>) dst(%dma_wait3A_469 : memref<80xi32, #tpu.memory_space<vmem>>)
        %dma_wait3A_472 = arith.constant 3 : i32
        %dma_wait3A_473 = arith.constant 0 : i32
        %dma_wait3A_474 = tpu.memref_slice %arg8[%dma_wait3A_472, %dma_wait3A_473] : memref<4x80xi32, #tpu.memory_space<vmem>> -> memref<1x80xi32, #tpu.memory_space<vmem>>
        %dma_wait3A_475 = tpu.memref_squeeze %dma_wait3A_474 : memref<1x80xi32, #tpu.memory_space<vmem>> -> memref<80xi32, #tpu.memory_space<vmem>>
        %dma_wait3A_476 = arith.constant 0 : i32
        %dma_wait3A_477 = tpu.memref_slice %arg4[%dma_wait3A_476] : memref<320000xi32, #tpu.memory_space<hbm>> -> memref<80xi32, #tpu.memory_space<hbm>>
        %dma_wait3A_478 = arith.constant 0 : i32
        %dma_wait3A_479 = tpu.memref_slice %arg8[%dma_wait3A_472, %dma_wait3A_478] : memref<4x80xi32, #tpu.memory_space<vmem>> -> memref<1x80xi32, #tpu.memory_space<vmem>>
        %dma_wait3A_480 = tpu.memref_squeeze %dma_wait3A_479 : memref<1x80xi32, #tpu.memory_space<vmem>> -> memref<80xi32, #tpu.memory_space<vmem>>
        %dma_wait3A_481 = arith.constant 0 : i32
        %dma_wait3A_482 = tpu.memref_slice %arg4[%dma_wait3A_481] : memref<320000xi32, #tpu.memory_space<hbm>> -> memref<80xi32, #tpu.memory_space<hbm>>
        tpu.wait_dma2 semaphore(%arg14 : memref<!tpu.dma_semaphore, #tpu.memory_space<semaphore_mem>>) src(%dma_wait3A_482 : memref<80xi32, #tpu.memory_space<hbm>>) dst(%dma_wait3A_480 : memref<80xi32, #tpu.memory_space<vmem>>)
        %ge3A = arith.constant 3 : i32
        %ge3A_483 = arith.cmpi sge, %add3A_342, %ge3A : i32
        %convert_element_type3A_484 = arith.extui %ge3A_483 : i1 to i32
        %cond3A_485 = arith.constant 0 : i32
        %cond3A_486 = arith.cmpi ne, %convert_element_type3A_484, %cond3A_485 : i32
        scf.if %cond3A_486 {
          %dma_wait3A_499 = arith.constant 3 : i32
          %dma_wait3A_500 = arith.constant 3 : i32
          %dma_wait3A_501 = arith.constant 0 : i32
          %dma_wait3A_502 = arith.constant 0 : i32
          %dma_wait3A_503 = tpu.memref_slice %arg9[%dma_wait3A_499, %dma_wait3A_501, %dma_wait3A_502] : memref<4x80x128xf32, #tpu.memory_space<vmem>> -> memref<1x80x128xf32, #tpu.memory_space<vmem>>
          %dma_wait3A_504 = tpu.memref_squeeze %dma_wait3A_503 : memref<1x80x128xf32, #tpu.memory_space<vmem>> -> memref<80x128xf32, #tpu.memory_space<vmem>>
          %dma_wait3A_505 = arith.constant 0 : i32
          %dma_wait3A_506 = tpu.memref_slice %arg8[%dma_wait3A_500, %dma_wait3A_505] : memref<4x80xi32, #tpu.memory_space<vmem>> -> memref<1x80xi32, #tpu.memory_space<vmem>>
          %dma_wait3A_507 = tpu.memref_squeeze %dma_wait3A_506 : memref<1x80xi32, #tpu.memory_space<vmem>> -> memref<80xi32, #tpu.memory_space<vmem>>
          %dma_wait3A_508 = arith.constant 0 : i32
          %dma_wait3A_509 = arith.constant 0 : i32
          %dma_wait3A_510 = tpu.memref_slice %arg10[%dma_wait3A_508, %dma_wait3A_509] : memref<10000x128xf32, #tpu.memory_space<vmem_shared>> -> memref<10000x128xf32, #tpu.memory_space<vmem_shared>>
          tpu.wait_indirect_dma semaphore(%arg22 : memref<!tpu.dma_semaphore, #tpu.memory_space<semaphore_mem>>) src(%dma_wait3A_504 : memref<80x128xf32, #tpu.memory_space<vmem>>) dst(%dma_wait3A_510 : memref<10000x128xf32, #tpu.memory_space<vmem_shared>>)
        } else {
        }
        %dma_start3A_487 = arith.constant 3 : i32
        %dma_start3A_488 = arith.constant 3 : i32
        %dma_start3A_489 = arith.constant 0 : i32
        %dma_start3A_490 = arith.constant 0 : i32
        %dma_start3A_491 = tpu.memref_slice %arg9[%dma_start3A_488, %dma_start3A_489, %dma_start3A_490] : memref<4x80x128xf32, #tpu.memory_space<vmem>> -> memref<1x80x128xf32, #tpu.memory_space<vmem>>
        %dma_start3A_492 = tpu.memref_squeeze %dma_start3A_491 : memref<1x80x128xf32, #tpu.memory_space<vmem>> -> memref<80x128xf32, #tpu.memory_space<vmem>>
        %dma_start3A_493 = arith.constant 0 : i32
        %dma_start3A_494 = tpu.memref_slice %arg7[%dma_start3A_487, %dma_start3A_493] : memref<4x80xi32, #tpu.memory_space<vmem>> -> memref<1x80xi32, #tpu.memory_space<vmem>>
        %dma_start3A_495 = tpu.memref_squeeze %dma_start3A_494 : memref<1x80xi32, #tpu.memory_space<vmem>> -> memref<80xi32, #tpu.memory_space<vmem>>
        %dma_start3A_496 = arith.constant 0 : i32
        %dma_start3A_497 = arith.constant 0 : i32
        %dma_start3A_498 = tpu.memref_slice %arg2[%dma_start3A_496, %dma_start3A_497] : memref<10000x128xf32, #tpu.memory_space<hbm>> -> memref<10000x128xf32, #tpu.memory_space<hbm>>
        tpu.enqueue_indirect_dma source(%dma_start3A_498 : memref<10000x128xf32, #tpu.memory_space<hbm>>) target(%dma_start3A_492 : memref<80x128xf32, #tpu.memory_space<vmem>>) offsets(%dma_start3A_495 : memref<80xi32, #tpu.memory_space<vmem>>) semaphore(%arg18 : memref<!tpu.dma_semaphore, #tpu.memory_space<semaphore_mem>>)
      } else {
      }
      %add3A_374 = arith.constant 3 : i32
      %add3A_375 = arith.addi %add3A_342, %add3A_374 : i32
      %lt3A_376 = arith.constant 125 : i32
      %lt3A_377 = arith.cmpi slt, %add3A_375, %lt3A_376 : i32
      %convert_element_type3A_378 = arith.extui %lt3A_377 : i1 to i32
      %cond3A_379 = arith.constant 0 : i32
      %cond3A_380 = arith.cmpi ne, %convert_element_type3A_378, %cond3A_379 : i32
      scf.if %cond3A_380 {
        %add3A_461 = arith.constant 3 : i32
        %add3A_462 = arith.addi %add3A_342, %add3A_461 : i32
        %mul3A_463 = arith.constant 80 : i32
        %mul3A_464 = arith.muli %add3A_462, %mul3A_463 : i32
        %add3A_465 = arith.addi %mul3A_2, %mul3A_464 : i32
        %multiple_of3A_466 = tpu.assume_multiple %add3A_465, 8 : i32
        %dma_start3A_467 = arith.constant 0 : i32
        %dma_start3A_468 = arith.constant 0 : i32
        %dma_start3A_469 = tpu.memref_slice %arg7[%dma_start3A_467, %dma_start3A_468] : memref<4x80xi32, #tpu.memory_space<vmem>> -> memref<1x80xi32, #tpu.memory_space<vmem>>
        %dma_start3A_470 = tpu.memref_squeeze %dma_start3A_469 : memref<1x80xi32, #tpu.memory_space<vmem>> -> memref<80xi32, #tpu.memory_space<vmem>>
        %dma_start3A_471 = tpu.memref_slice %arg3[%multiple_of3A_466] : memref<320000xi32, #tpu.memory_space<hbm>> -> memref<80xi32, #tpu.memory_space<hbm>>
        %dma_start3A_472 = arith.constant 0 : i32
        %dma_start3A_473 = tpu.memref_slice %arg7[%dma_start3A_467, %dma_start3A_472] : memref<4x80xi32, #tpu.memory_space<vmem>> -> memref<1x80xi32, #tpu.memory_space<vmem>>
        %dma_start3A_474 = tpu.memref_squeeze %dma_start3A_473 : memref<1x80xi32, #tpu.memory_space<vmem>> -> memref<80xi32, #tpu.memory_space<vmem>>
        %dma_start3A_475 = tpu.memref_slice %arg3[%multiple_of3A_466] : memref<320000xi32, #tpu.memory_space<hbm>> -> memref<80xi32, #tpu.memory_space<hbm>>
        tpu.enqueue_dma source(%dma_start3A_475 : memref<80xi32, #tpu.memory_space<hbm>>) target(%dma_start3A_474 : memref<80xi32, #tpu.memory_space<vmem>>) target_semaphore(%arg11 : memref<!tpu.dma_semaphore, #tpu.memory_space<semaphore_mem>>)
        %dma_start3A_476 = arith.constant 0 : i32
        %dma_start3A_477 = arith.constant 0 : i32
        %dma_start3A_478 = tpu.memref_slice %arg8[%dma_start3A_476, %dma_start3A_477] : memref<4x80xi32, #tpu.memory_space<vmem>> -> memref<1x80xi32, #tpu.memory_space<vmem>>
        %dma_start3A_479 = tpu.memref_squeeze %dma_start3A_478 : memref<1x80xi32, #tpu.memory_space<vmem>> -> memref<80xi32, #tpu.memory_space<vmem>>
        %dma_start3A_480 = tpu.memref_slice %arg4[%multiple_of3A_466] : memref<320000xi32, #tpu.memory_space<hbm>> -> memref<80xi32, #tpu.memory_space<hbm>>
        %dma_start3A_481 = arith.constant 0 : i32
        %dma_start3A_482 = tpu.memref_slice %arg8[%dma_start3A_476, %dma_start3A_481] : memref<4x80xi32, #tpu.memory_space<vmem>> -> memref<1x80xi32, #tpu.memory_space<vmem>>
        %dma_start3A_483 = tpu.memref_squeeze %dma_start3A_482 : memref<1x80xi32, #tpu.memory_space<vmem>> -> memref<80xi32, #tpu.memory_space<vmem>>
        %dma_start3A_484 = tpu.memref_slice %arg4[%multiple_of3A_466] : memref<320000xi32, #tpu.memory_space<hbm>> -> memref<80xi32, #tpu.memory_space<hbm>>
        tpu.enqueue_dma source(%dma_start3A_484 : memref<80xi32, #tpu.memory_space<hbm>>) target(%dma_start3A_483 : memref<80xi32, #tpu.memory_space<vmem>>) target_semaphore(%arg11 : memref<!tpu.dma_semaphore, #tpu.memory_space<semaphore_mem>>)
      } else {
      }
      %add3A_381 = arith.constant 2 : i32
      %add3A_382 = arith.addi %add3A_301, %add3A_381 : i32
      %dma_wait3A_383 = arith.constant 2 : i32
      %dma_wait3A_384 = arith.constant 2 : i32
      %dma_wait3A_385 = arith.constant 0 : i32
      %dma_wait3A_386 = arith.constant 0 : i32
      %dma_wait3A_387 = tpu.memref_slice %arg9[%dma_wait3A_384, %dma_wait3A_385, %dma_wait3A_386] : memref<4x80x128xf32, #tpu.memory_space<vmem>> -> memref<1x80x128xf32, #tpu.memory_space<vmem>>
      %dma_wait3A_388 = tpu.memref_squeeze %dma_wait3A_387 : memref<1x80x128xf32, #tpu.memory_space<vmem>> -> memref<80x128xf32, #tpu.memory_space<vmem>>
      %dma_wait3A_389 = arith.constant 0 : i32
      %dma_wait3A_390 = tpu.memref_slice %arg7[%dma_wait3A_383, %dma_wait3A_389] : memref<4x80xi32, #tpu.memory_space<vmem>> -> memref<1x80xi32, #tpu.memory_space<vmem>>
      %dma_wait3A_391 = tpu.memref_squeeze %dma_wait3A_390 : memref<1x80xi32, #tpu.memory_space<vmem>> -> memref<80xi32, #tpu.memory_space<vmem>>
      %dma_wait3A_392 = arith.constant 0 : i32
      %dma_wait3A_393 = arith.constant 0 : i32
      %dma_wait3A_394 = tpu.memref_slice %arg2[%dma_wait3A_392, %dma_wait3A_393] : memref<10000x128xf32, #tpu.memory_space<hbm>> -> memref<10000x128xf32, #tpu.memory_space<hbm>>
      tpu.wait_indirect_dma semaphore(%arg17 : memref<!tpu.dma_semaphore, #tpu.memory_space<semaphore_mem>>) src(%dma_wait3A_394 : memref<10000x128xf32, #tpu.memory_space<hbm>>) dst(%dma_wait3A_388 : memref<80x128xf32, #tpu.memory_space<vmem>>)
      %dma_start3A_395 = arith.constant 2 : i32
      %dma_start3A_396 = arith.constant 2 : i32
      %dma_start3A_397 = arith.constant 0 : i32
      %dma_start3A_398 = arith.constant 0 : i32
      %dma_start3A_399 = tpu.memref_slice %arg9[%dma_start3A_395, %dma_start3A_397, %dma_start3A_398] : memref<4x80x128xf32, #tpu.memory_space<vmem>> -> memref<1x80x128xf32, #tpu.memory_space<vmem>>
      %dma_start3A_400 = tpu.memref_squeeze %dma_start3A_399 : memref<1x80x128xf32, #tpu.memory_space<vmem>> -> memref<80x128xf32, #tpu.memory_space<vmem>>
      %dma_start3A_401 = arith.constant 0 : i32
      %dma_start3A_402 = tpu.memref_slice %arg8[%dma_start3A_396, %dma_start3A_401] : memref<4x80xi32, #tpu.memory_space<vmem>> -> memref<1x80xi32, #tpu.memory_space<vmem>>
      %dma_start3A_403 = tpu.memref_squeeze %dma_start3A_402 : memref<1x80xi32, #tpu.memory_space<vmem>> -> memref<80xi32, #tpu.memory_space<vmem>>
      %dma_start3A_404 = arith.constant 0 : i32
      %dma_start3A_405 = arith.constant 0 : i32
      %dma_start3A_406 = tpu.memref_slice %arg10[%dma_start3A_404, %dma_start3A_405] : memref<10000x128xf32, #tpu.memory_space<vmem_shared>> -> memref<10000x128xf32, #tpu.memory_space<vmem_shared>>
      tpu.enqueue_indirect_dma source(%dma_start3A_400 : memref<80x128xf32, #tpu.memory_space<vmem>>) target(%dma_start3A_406 : memref<10000x128xf32, #tpu.memory_space<vmem_shared>>) offsets(%dma_start3A_403 : memref<80xi32, #tpu.memory_space<vmem>>) semaphore(%arg21 : memref<!tpu.dma_semaphore, #tpu.memory_space<semaphore_mem>>) {add = true}
      %add3A_407 = arith.constant 2 : i32
      %add3A_408 = arith.addi %add3A_382, %add3A_407 : i32
      %lt3A_409 = arith.constant 125 : i32
      %lt3A_410 = arith.cmpi slt, %add3A_408, %lt3A_409 : i32
      %convert_element_type3A_411 = arith.extui %lt3A_410 : i1 to i32
      %cond3A_412 = arith.constant 0 : i32
      %cond3A_413 = arith.cmpi ne, %convert_element_type3A_411, %cond3A_412 : i32
      scf.if %cond3A_413 {
        %dma_wait3A_461 = arith.constant 0 : i32
        %dma_wait3A_462 = arith.constant 0 : i32
        %dma_wait3A_463 = tpu.memref_slice %arg7[%dma_wait3A_461, %dma_wait3A_462] : memref<4x80xi32, #tpu.memory_space<vmem>> -> memref<1x80xi32, #tpu.memory_space<vmem>>
        %dma_wait3A_464 = tpu.memref_squeeze %dma_wait3A_463 : memref<1x80xi32, #tpu.memory_space<vmem>> -> memref<80xi32, #tpu.memory_space<vmem>>
        %dma_wait3A_465 = arith.constant 0 : i32
        %dma_wait3A_466 = tpu.memref_slice %arg3[%dma_wait3A_465] : memref<320000xi32, #tpu.memory_space<hbm>> -> memref<80xi32, #tpu.memory_space<hbm>>
        %dma_wait3A_467 = arith.constant 0 : i32
        %dma_wait3A_468 = tpu.memref_slice %arg7[%dma_wait3A_461, %dma_wait3A_467] : memref<4x80xi32, #tpu.memory_space<vmem>> -> memref<1x80xi32, #tpu.memory_space<vmem>>
        %dma_wait3A_469 = tpu.memref_squeeze %dma_wait3A_468 : memref<1x80xi32, #tpu.memory_space<vmem>> -> memref<80xi32, #tpu.memory_space<vmem>>
        %dma_wait3A_470 = arith.constant 0 : i32
        %dma_wait3A_471 = tpu.memref_slice %arg3[%dma_wait3A_470] : memref<320000xi32, #tpu.memory_space<hbm>> -> memref<80xi32, #tpu.memory_space<hbm>>
        tpu.wait_dma2 semaphore(%arg11 : memref<!tpu.dma_semaphore, #tpu.memory_space<semaphore_mem>>) src(%dma_wait3A_471 : memref<80xi32, #tpu.memory_space<hbm>>) dst(%dma_wait3A_469 : memref<80xi32, #tpu.memory_space<vmem>>)
        %dma_wait3A_472 = arith.constant 0 : i32
        %dma_wait3A_473 = arith.constant 0 : i32
        %dma_wait3A_474 = tpu.memref_slice %arg8[%dma_wait3A_472, %dma_wait3A_473] : memref<4x80xi32, #tpu.memory_space<vmem>> -> memref<1x80xi32, #tpu.memory_space<vmem>>
        %dma_wait3A_475 = tpu.memref_squeeze %dma_wait3A_474 : memref<1x80xi32, #tpu.memory_space<vmem>> -> memref<80xi32, #tpu.memory_space<vmem>>
        %dma_wait3A_476 = arith.constant 0 : i32
        %dma_wait3A_477 = tpu.memref_slice %arg4[%dma_wait3A_476] : memref<320000xi32, #tpu.memory_space<hbm>> -> memref<80xi32, #tpu.memory_space<hbm>>
        %dma_wait3A_478 = arith.constant 0 : i32
        %dma_wait3A_479 = tpu.memref_slice %arg8[%dma_wait3A_472, %dma_wait3A_478] : memref<4x80xi32, #tpu.memory_space<vmem>> -> memref<1x80xi32, #tpu.memory_space<vmem>>
        %dma_wait3A_480 = tpu.memref_squeeze %dma_wait3A_479 : memref<1x80xi32, #tpu.memory_space<vmem>> -> memref<80xi32, #tpu.memory_space<vmem>>
        %dma_wait3A_481 = arith.constant 0 : i32
        %dma_wait3A_482 = tpu.memref_slice %arg4[%dma_wait3A_481] : memref<320000xi32, #tpu.memory_space<hbm>> -> memref<80xi32, #tpu.memory_space<hbm>>
        tpu.wait_dma2 semaphore(%arg11 : memref<!tpu.dma_semaphore, #tpu.memory_space<semaphore_mem>>) src(%dma_wait3A_482 : memref<80xi32, #tpu.memory_space<hbm>>) dst(%dma_wait3A_480 : memref<80xi32, #tpu.memory_space<vmem>>)
        %ge3A = arith.constant 3 : i32
        %ge3A_483 = arith.cmpi sge, %add3A_382, %ge3A : i32
        %convert_element_type3A_484 = arith.extui %ge3A_483 : i1 to i32
        %cond3A_485 = arith.constant 0 : i32
        %cond3A_486 = arith.cmpi ne, %convert_element_type3A_484, %cond3A_485 : i32
        scf.if %cond3A_486 {
          %dma_wait3A_499 = arith.constant 0 : i32
          %dma_wait3A_500 = arith.constant 0 : i32
          %dma_wait3A_501 = arith.constant 0 : i32
          %dma_wait3A_502 = arith.constant 0 : i32
          %dma_wait3A_503 = tpu.memref_slice %arg9[%dma_wait3A_499, %dma_wait3A_501, %dma_wait3A_502] : memref<4x80x128xf32, #tpu.memory_space<vmem>> -> memref<1x80x128xf32, #tpu.memory_space<vmem>>
          %dma_wait3A_504 = tpu.memref_squeeze %dma_wait3A_503 : memref<1x80x128xf32, #tpu.memory_space<vmem>> -> memref<80x128xf32, #tpu.memory_space<vmem>>
          %dma_wait3A_505 = arith.constant 0 : i32
          %dma_wait3A_506 = tpu.memref_slice %arg8[%dma_wait3A_500, %dma_wait3A_505] : memref<4x80xi32, #tpu.memory_space<vmem>> -> memref<1x80xi32, #tpu.memory_space<vmem>>
          %dma_wait3A_507 = tpu.memref_squeeze %dma_wait3A_506 : memref<1x80xi32, #tpu.memory_space<vmem>> -> memref<80xi32, #tpu.memory_space<vmem>>
          %dma_wait3A_508 = arith.constant 0 : i32
          %dma_wait3A_509 = arith.constant 0 : i32
          %dma_wait3A_510 = tpu.memref_slice %arg10[%dma_wait3A_508, %dma_wait3A_509] : memref<10000x128xf32, #tpu.memory_space<vmem_shared>> -> memref<10000x128xf32, #tpu.memory_space<vmem_shared>>
          tpu.wait_indirect_dma semaphore(%arg19 : memref<!tpu.dma_semaphore, #tpu.memory_space<semaphore_mem>>) src(%dma_wait3A_504 : memref<80x128xf32, #tpu.memory_space<vmem>>) dst(%dma_wait3A_510 : memref<10000x128xf32, #tpu.memory_space<vmem_shared>>)
        } else {
        }
        %dma_start3A_487 = arith.constant 0 : i32
        %dma_start3A_488 = arith.constant 0 : i32
        %dma_start3A_489 = arith.constant 0 : i32
        %dma_start3A_490 = arith.constant 0 : i32
        %dma_start3A_491 = tpu.memref_slice %arg9[%dma_start3A_488, %dma_start3A_489, %dma_start3A_490] : memref<4x80x128xf32, #tpu.memory_space<vmem>> -> memref<1x80x128xf32, #tpu.memory_space<vmem>>
        %dma_start3A_492 = tpu.memref_squeeze %dma_start3A_491 : memref<1x80x128xf32, #tpu.memory_space<vmem>> -> memref<80x128xf32, #tpu.memory_space<vmem>>
        %dma_start3A_493 = arith.constant 0 : i32
        %dma_start3A_494 = tpu.memref_slice %arg7[%dma_start3A_487, %dma_start3A_493] : memref<4x80xi32, #tpu.memory_space<vmem>> -> memref<1x80xi32, #tpu.memory_space<vmem>>
        %dma_start3A_495 = tpu.memref_squeeze %dma_start3A_494 : memref<1x80xi32, #tpu.memory_space<vmem>> -> memref<80xi32, #tpu.memory_space<vmem>>
        %dma_start3A_496 = arith.constant 0 : i32
        %dma_start3A_497 = arith.constant 0 : i32
        %dma_start3A_498 = tpu.memref_slice %arg2[%dma_start3A_496, %dma_start3A_497] : memref<10000x128xf32, #tpu.memory_space<hbm>> -> memref<10000x128xf32, #tpu.memory_space<hbm>>
        tpu.enqueue_indirect_dma source(%dma_start3A_498 : memref<10000x128xf32, #tpu.memory_space<hbm>>) target(%dma_start3A_492 : memref<80x128xf32, #tpu.memory_space<vmem>>) offsets(%dma_start3A_495 : memref<80xi32, #tpu.memory_space<vmem>>) semaphore(%arg15 : memref<!tpu.dma_semaphore, #tpu.memory_space<semaphore_mem>>)
      } else {
      }
      %add3A_414 = arith.constant 3 : i32
      %add3A_415 = arith.addi %add3A_382, %add3A_414 : i32
      %lt3A_416 = arith.constant 125 : i32
      %lt3A_417 = arith.cmpi slt, %add3A_415, %lt3A_416 : i32
      %convert_element_type3A_418 = arith.extui %lt3A_417 : i1 to i32
      %cond3A_419 = arith.constant 0 : i32
      %cond3A_420 = arith.cmpi ne, %convert_element_type3A_418, %cond3A_419 : i32
      scf.if %cond3A_420 {
        %add3A_461 = arith.constant 3 : i32
        %add3A_462 = arith.addi %add3A_382, %add3A_461 : i32
        %mul3A_463 = arith.constant 80 : i32
        %mul3A_464 = arith.muli %add3A_462, %mul3A_463 : i32
        %add3A_465 = arith.addi %mul3A_2, %mul3A_464 : i32
        %multiple_of3A_466 = tpu.assume_multiple %add3A_465, 8 : i32
        %dma_start3A_467 = arith.constant 1 : i32
        %dma_start3A_468 = arith.constant 0 : i32
        %dma_start3A_469 = tpu.memref_slice %arg7[%dma_start3A_467, %dma_start3A_468] : memref<4x80xi32, #tpu.memory_space<vmem>> -> memref<1x80xi32, #tpu.memory_space<vmem>>
        %dma_start3A_470 = tpu.memref_squeeze %dma_start3A_469 : memref<1x80xi32, #tpu.memory_space<vmem>> -> memref<80xi32, #tpu.memory_space<vmem>>
        %dma_start3A_471 = tpu.memref_slice %arg3[%multiple_of3A_466] : memref<320000xi32, #tpu.memory_space<hbm>> -> memref<80xi32, #tpu.memory_space<hbm>>
        %dma_start3A_472 = arith.constant 0 : i32
        %dma_start3A_473 = tpu.memref_slice %arg7[%dma_start3A_467, %dma_start3A_472] : memref<4x80xi32, #tpu.memory_space<vmem>> -> memref<1x80xi32, #tpu.memory_space<vmem>>
        %dma_start3A_474 = tpu.memref_squeeze %dma_start3A_473 : memref<1x80xi32, #tpu.memory_space<vmem>> -> memref<80xi32, #tpu.memory_space<vmem>>
        %dma_start3A_475 = tpu.memref_slice %arg3[%multiple_of3A_466] : memref<320000xi32, #tpu.memory_space<hbm>> -> memref<80xi32, #tpu.memory_space<hbm>>
        tpu.enqueue_dma source(%dma_start3A_475 : memref<80xi32, #tpu.memory_space<hbm>>) target(%dma_start3A_474 : memref<80xi32, #tpu.memory_space<vmem>>) target_semaphore(%arg12 : memref<!tpu.dma_semaphore, #tpu.memory_space<semaphore_mem>>)
        %dma_start3A_476 = arith.constant 1 : i32
        %dma_start3A_477 = arith.constant 0 : i32
        %dma_start3A_478 = tpu.memref_slice %arg8[%dma_start3A_476, %dma_start3A_477] : memref<4x80xi32, #tpu.memory_space<vmem>> -> memref<1x80xi32, #tpu.memory_space<vmem>>
        %dma_start3A_479 = tpu.memref_squeeze %dma_start3A_478 : memref<1x80xi32, #tpu.memory_space<vmem>> -> memref<80xi32, #tpu.memory_space<vmem>>
        %dma_start3A_480 = tpu.memref_slice %arg4[%multiple_of3A_466] : memref<320000xi32, #tpu.memory_space<hbm>> -> memref<80xi32, #tpu.memory_space<hbm>>
        %dma_start3A_481 = arith.constant 0 : i32
        %dma_start3A_482 = tpu.memref_slice %arg8[%dma_start3A_476, %dma_start3A_481] : memref<4x80xi32, #tpu.memory_space<vmem>> -> memref<1x80xi32, #tpu.memory_space<vmem>>
        %dma_start3A_483 = tpu.memref_squeeze %dma_start3A_482 : memref<1x80xi32, #tpu.memory_space<vmem>> -> memref<80xi32, #tpu.memory_space<vmem>>
        %dma_start3A_484 = tpu.memref_slice %arg4[%multiple_of3A_466] : memref<320000xi32, #tpu.memory_space<hbm>> -> memref<80xi32, #tpu.memory_space<hbm>>
        tpu.enqueue_dma source(%dma_start3A_484 : memref<80xi32, #tpu.memory_space<hbm>>) target(%dma_start3A_483 : memref<80xi32, #tpu.memory_space<vmem>>) target_semaphore(%arg12 : memref<!tpu.dma_semaphore, #tpu.memory_space<semaphore_mem>>)
      } else {
      }
      %add3A_421 = arith.constant 3 : i32
      %add3A_422 = arith.addi %add3A_301, %add3A_421 : i32
      %dma_wait3A_423 = arith.constant 3 : i32
      %dma_wait3A_424 = arith.constant 3 : i32
      %dma_wait3A_425 = arith.constant 0 : i32
      %dma_wait3A_426 = arith.constant 0 : i32
      %dma_wait3A_427 = tpu.memref_slice %arg9[%dma_wait3A_424, %dma_wait3A_425, %dma_wait3A_426] : memref<4x80x128xf32, #tpu.memory_space<vmem>> -> memref<1x80x128xf32, #tpu.memory_space<vmem>>
      %dma_wait3A_428 = tpu.memref_squeeze %dma_wait3A_427 : memref<1x80x128xf32, #tpu.memory_space<vmem>> -> memref<80x128xf32, #tpu.memory_space<vmem>>
      %dma_wait3A_429 = arith.constant 0 : i32
      %dma_wait3A_430 = tpu.memref_slice %arg7[%dma_wait3A_423, %dma_wait3A_429] : memref<4x80xi32, #tpu.memory_space<vmem>> -> memref<1x80xi32, #tpu.memory_space<vmem>>
      %dma_wait3A_431 = tpu.memref_squeeze %dma_wait3A_430 : memref<1x80xi32, #tpu.memory_space<vmem>> -> memref<80xi32, #tpu.memory_space<vmem>>
      %dma_wait3A_432 = arith.constant 0 : i32
      %dma_wait3A_433 = arith.constant 0 : i32
      %dma_wait3A_434 = tpu.memref_slice %arg2[%dma_wait3A_432, %dma_wait3A_433] : memref<10000x128xf32, #tpu.memory_space<hbm>> -> memref<10000x128xf32, #tpu.memory_space<hbm>>
      tpu.wait_indirect_dma semaphore(%arg18 : memref<!tpu.dma_semaphore, #tpu.memory_space<semaphore_mem>>) src(%dma_wait3A_434 : memref<10000x128xf32, #tpu.memory_space<hbm>>) dst(%dma_wait3A_428 : memref<80x128xf32, #tpu.memory_space<vmem>>)
      %dma_start3A_435 = arith.constant 3 : i32
      %dma_start3A_436 = arith.constant 3 : i32
      %dma_start3A_437 = arith.constant 0 : i32
      %dma_start3A_438 = arith.constant 0 : i32
      %dma_start3A_439 = tpu.memref_slice %arg9[%dma_start3A_435, %dma_start3A_437, %dma_start3A_438] : memref<4x80x128xf32, #tpu.memory_space<vmem>> -> memref<1x80x128xf32, #tpu.memory_space<vmem>>
      %dma_start3A_440 = tpu.memref_squeeze %dma_start3A_439 : memref<1x80x128xf32, #tpu.memory_space<vmem>> -> memref<80x128xf32, #tpu.memory_space<vmem>>
      %dma_start3A_441 = arith.constant 0 : i32
      %dma_start3A_442 = tpu.memref_slice %arg8[%dma_start3A_436, %dma_start3A_441] : memref<4x80xi32, #tpu.memory_space<vmem>> -> memref<1x80xi32, #tpu.memory_space<vmem>>
      %dma_start3A_443 = tpu.memref_squeeze %dma_start3A_442 : memref<1x80xi32, #tpu.memory_space<vmem>> -> memref<80xi32, #tpu.memory_space<vmem>>
      %dma_start3A_444 = arith.constant 0 : i32
      %dma_start3A_445 = arith.constant 0 : i32
      %dma_start3A_446 = tpu.memref_slice %arg10[%dma_start3A_444, %dma_start3A_445] : memref<10000x128xf32, #tpu.memory_space<vmem_shared>> -> memref<10000x128xf32, #tpu.memory_space<vmem_shared>>
      tpu.enqueue_indirect_dma source(%dma_start3A_440 : memref<80x128xf32, #tpu.memory_space<vmem>>) target(%dma_start3A_446 : memref<10000x128xf32, #tpu.memory_space<vmem_shared>>) offsets(%dma_start3A_443 : memref<80xi32, #tpu.memory_space<vmem>>) semaphore(%arg22 : memref<!tpu.dma_semaphore, #tpu.memory_space<semaphore_mem>>) {add = true}
      %add3A_447 = arith.constant 2 : i32
      %add3A_448 = arith.addi %add3A_422, %add3A_447 : i32
      %lt3A_449 = arith.constant 125 : i32
      %lt3A_450 = arith.cmpi slt, %add3A_448, %lt3A_449 : i32
      %convert_element_type3A_451 = arith.extui %lt3A_450 : i1 to i32
      %cond3A_452 = arith.constant 0 : i32
      %cond3A_453 = arith.cmpi ne, %convert_element_type3A_451, %cond3A_452 : i32
      scf.if %cond3A_453 {
        %dma_wait3A_461 = arith.constant 1 : i32
        %dma_wait3A_462 = arith.constant 0 : i32
        %dma_wait3A_463 = tpu.memref_slice %arg7[%dma_wait3A_461, %dma_wait3A_462] : memref<4x80xi32, #tpu.memory_space<vmem>> -> memref<1x80xi32, #tpu.memory_space<vmem>>
        %dma_wait3A_464 = tpu.memref_squeeze %dma_wait3A_463 : memref<1x80xi32, #tpu.memory_space<vmem>> -> memref<80xi32, #tpu.memory_space<vmem>>
        %dma_wait3A_465 = arith.constant 0 : i32
        %dma_wait3A_466 = tpu.memref_slice %arg3[%dma_wait3A_465] : memref<320000xi32, #tpu.memory_space<hbm>> -> memref<80xi32, #tpu.memory_space<hbm>>
        %dma_wait3A_467 = arith.constant 0 : i32
        %dma_wait3A_468 = tpu.memref_slice %arg7[%dma_wait3A_461, %dma_wait3A_467] : memref<4x80xi32, #tpu.memory_space<vmem>> -> memref<1x80xi32, #tpu.memory_space<vmem>>
        %dma_wait3A_469 = tpu.memref_squeeze %dma_wait3A_468 : memref<1x80xi32, #tpu.memory_space<vmem>> -> memref<80xi32, #tpu.memory_space<vmem>>
        %dma_wait3A_470 = arith.constant 0 : i32
        %dma_wait3A_471 = tpu.memref_slice %arg3[%dma_wait3A_470] : memref<320000xi32, #tpu.memory_space<hbm>> -> memref<80xi32, #tpu.memory_space<hbm>>
        tpu.wait_dma2 semaphore(%arg12 : memref<!tpu.dma_semaphore, #tpu.memory_space<semaphore_mem>>) src(%dma_wait3A_471 : memref<80xi32, #tpu.memory_space<hbm>>) dst(%dma_wait3A_469 : memref<80xi32, #tpu.memory_space<vmem>>)
        %dma_wait3A_472 = arith.constant 1 : i32
        %dma_wait3A_473 = arith.constant 0 : i32
        %dma_wait3A_474 = tpu.memref_slice %arg8[%dma_wait3A_472, %dma_wait3A_473] : memref<4x80xi32, #tpu.memory_space<vmem>> -> memref<1x80xi32, #tpu.memory_space<vmem>>
        %dma_wait3A_475 = tpu.memref_squeeze %dma_wait3A_474 : memref<1x80xi32, #tpu.memory_space<vmem>> -> memref<80xi32, #tpu.memory_space<vmem>>
        %dma_wait3A_476 = arith.constant 0 : i32
        %dma_wait3A_477 = tpu.memref_slice %arg4[%dma_wait3A_476] : memref<320000xi32, #tpu.memory_space<hbm>> -> memref<80xi32, #tpu.memory_space<hbm>>
        %dma_wait3A_478 = arith.constant 0 : i32
        %dma_wait3A_479 = tpu.memref_slice %arg8[%dma_wait3A_472, %dma_wait3A_478] : memref<4x80xi32, #tpu.memory_space<vmem>> -> memref<1x80xi32, #tpu.memory_space<vmem>>
        %dma_wait3A_480 = tpu.memref_squeeze %dma_wait3A_479 : memref<1x80xi32, #tpu.memory_space<vmem>> -> memref<80xi32, #tpu.memory_space<vmem>>
        %dma_wait3A_481 = arith.constant 0 : i32
        %dma_wait3A_482 = tpu.memref_slice %arg4[%dma_wait3A_481] : memref<320000xi32, #tpu.memory_space<hbm>> -> memref<80xi32, #tpu.memory_space<hbm>>
        tpu.wait_dma2 semaphore(%arg12 : memref<!tpu.dma_semaphore, #tpu.memory_space<semaphore_mem>>) src(%dma_wait3A_482 : memref<80xi32, #tpu.memory_space<hbm>>) dst(%dma_wait3A_480 : memref<80xi32, #tpu.memory_space<vmem>>)
        %ge3A = arith.constant 3 : i32
        %ge3A_483 = arith.cmpi sge, %add3A_422, %ge3A : i32
        %convert_element_type3A_484 = arith.extui %ge3A_483 : i1 to i32
        %cond3A_485 = arith.constant 0 : i32
        %cond3A_486 = arith.cmpi ne, %convert_element_type3A_484, %cond3A_485 : i32
        scf.if %cond3A_486 {
          %dma_wait3A_499 = arith.constant 1 : i32
          %dma_wait3A_500 = arith.constant 1 : i32
          %dma_wait3A_501 = arith.constant 0 : i32
          %dma_wait3A_502 = arith.constant 0 : i32
          %dma_wait3A_503 = tpu.memref_slice %arg9[%dma_wait3A_499, %dma_wait3A_501, %dma_wait3A_502] : memref<4x80x128xf32, #tpu.memory_space<vmem>> -> memref<1x80x128xf32, #tpu.memory_space<vmem>>
          %dma_wait3A_504 = tpu.memref_squeeze %dma_wait3A_503 : memref<1x80x128xf32, #tpu.memory_space<vmem>> -> memref<80x128xf32, #tpu.memory_space<vmem>>
          %dma_wait3A_505 = arith.constant 0 : i32
          %dma_wait3A_506 = tpu.memref_slice %arg8[%dma_wait3A_500, %dma_wait3A_505] : memref<4x80xi32, #tpu.memory_space<vmem>> -> memref<1x80xi32, #tpu.memory_space<vmem>>
          %dma_wait3A_507 = tpu.memref_squeeze %dma_wait3A_506 : memref<1x80xi32, #tpu.memory_space<vmem>> -> memref<80xi32, #tpu.memory_space<vmem>>
          %dma_wait3A_508 = arith.constant 0 : i32
          %dma_wait3A_509 = arith.constant 0 : i32
          %dma_wait3A_510 = tpu.memref_slice %arg10[%dma_wait3A_508, %dma_wait3A_509] : memref<10000x128xf32, #tpu.memory_space<vmem_shared>> -> memref<10000x128xf32, #tpu.memory_space<vmem_shared>>
          tpu.wait_indirect_dma semaphore(%arg20 : memref<!tpu.dma_semaphore, #tpu.memory_space<semaphore_mem>>) src(%dma_wait3A_504 : memref<80x128xf32, #tpu.memory_space<vmem>>) dst(%dma_wait3A_510 : memref<10000x128xf32, #tpu.memory_space<vmem_shared>>)
        } else {
        }
        %dma_start3A_487 = arith.constant 1 : i32
        %dma_start3A_488 = arith.constant 1 : i32
        %dma_start3A_489 = arith.constant 0 : i32
        %dma_start3A_490 = arith.constant 0 : i32
        %dma_start3A_491 = tpu.memref_slice %arg9[%dma_start3A_488, %dma_start3A_489, %dma_start3A_490] : memref<4x80x128xf32, #tpu.memory_space<vmem>> -> memref<1x80x128xf32, #tpu.memory_space<vmem>>
        %dma_start3A_492 = tpu.memref_squeeze %dma_start3A_491 : memref<1x80x128xf32, #tpu.memory_space<vmem>> -> memref<80x128xf32, #tpu.memory_space<vmem>>
        %dma_start3A_493 = arith.constant 0 : i32
        %dma_start3A_494 = tpu.memref_slice %arg7[%dma_start3A_487, %dma_start3A_493] : memref<4x80xi32, #tpu.memory_space<vmem>> -> memref<1x80xi32, #tpu.memory_space<vmem>>
        %dma_start3A_495 = tpu.memref_squeeze %dma_start3A_494 : memref<1x80xi32, #tpu.memory_space<vmem>> -> memref<80xi32, #tpu.memory_space<vmem>>
        %dma_start3A_496 = arith.constant 0 : i32
        %dma_start3A_497 = arith.constant 0 : i32
        %dma_start3A_498 = tpu.memref_slice %arg2[%dma_start3A_496, %dma_start3A_497] : memref<10000x128xf32, #tpu.memory_space<hbm>> -> memref<10000x128xf32, #tpu.memory_space<hbm>>
        tpu.enqueue_indirect_dma source(%dma_start3A_498 : memref<10000x128xf32, #tpu.memory_space<hbm>>) target(%dma_start3A_492 : memref<80x128xf32, #tpu.memory_space<vmem>>) offsets(%dma_start3A_495 : memref<80xi32, #tpu.memory_space<vmem>>) semaphore(%arg16 : memref<!tpu.dma_semaphore, #tpu.memory_space<semaphore_mem>>)
      } else {
      }
      %add3A_454 = arith.constant 3 : i32
      %add3A_455 = arith.addi %add3A_422, %add3A_454 : i32
      %lt3A_456 = arith.constant 125 : i32
      %lt3A_457 = arith.cmpi slt, %add3A_455, %lt3A_456 : i32
      %convert_element_type3A_458 = arith.extui %lt3A_457 : i1 to i32
      %cond3A_459 = arith.constant 0 : i32
      %cond3A_460 = arith.cmpi ne, %convert_element_type3A_458, %cond3A_459 : i32
      scf.if %cond3A_460 {
        %add3A_461 = arith.constant 3 : i32
        %add3A_462 = arith.addi %add3A_422, %add3A_461 : i32
        %mul3A_463 = arith.constant 80 : i32
        %mul3A_464 = arith.muli %add3A_462, %mul3A_463 : i32
        %add3A_465 = arith.addi %mul3A_2, %mul3A_464 : i32
        %multiple_of3A_466 = tpu.assume_multiple %add3A_465, 8 : i32
        %dma_start3A_467 = arith.constant 2 : i32
        %dma_start3A_468 = arith.constant 0 : i32
        %dma_start3A_469 = tpu.memref_slice %arg7[%dma_start3A_467, %dma_start3A_468] : memref<4x80xi32, #tpu.memory_space<vmem>> -> memref<1x80xi32, #tpu.memory_space<vmem>>
        %dma_start3A_470 = tpu.memref_squeeze %dma_start3A_469 : memref<1x80xi32, #tpu.memory_space<vmem>> -> memref<80xi32, #tpu.memory_space<vmem>>
        %dma_start3A_471 = tpu.memref_slice %arg3[%multiple_of3A_466] : memref<320000xi32, #tpu.memory_space<hbm>> -> memref<80xi32, #tpu.memory_space<hbm>>
        %dma_start3A_472 = arith.constant 0 : i32
        %dma_start3A_473 = tpu.memref_slice %arg7[%dma_start3A_467, %dma_start3A_472] : memref<4x80xi32, #tpu.memory_space<vmem>> -> memref<1x80xi32, #tpu.memory_space<vmem>>
        %dma_start3A_474 = tpu.memref_squeeze %dma_start3A_473 : memref<1x80xi32, #tpu.memory_space<vmem>> -> memref<80xi32, #tpu.memory_space<vmem>>
        %dma_start3A_475 = tpu.memref_slice %arg3[%multiple_of3A_466] : memref<320000xi32, #tpu.memory_space<hbm>> -> memref<80xi32, #tpu.memory_space<hbm>>
        tpu.enqueue_dma source(%dma_start3A_475 : memref<80xi32, #tpu.memory_space<hbm>>) target(%dma_start3A_474 : memref<80xi32, #tpu.memory_space<vmem>>) target_semaphore(%arg13 : memref<!tpu.dma_semaphore, #tpu.memory_space<semaphore_mem>>)
        %dma_start3A_476 = arith.constant 2 : i32
        %dma_start3A_477 = arith.constant 0 : i32
        %dma_start3A_478 = tpu.memref_slice %arg8[%dma_start3A_476, %dma_start3A_477] : memref<4x80xi32, #tpu.memory_space<vmem>> -> memref<1x80xi32, #tpu.memory_space<vmem>>
        %dma_start3A_479 = tpu.memref_squeeze %dma_start3A_478 : memref<1x80xi32, #tpu.memory_space<vmem>> -> memref<80xi32, #tpu.memory_space<vmem>>
        %dma_start3A_480 = tpu.memref_slice %arg4[%multiple_of3A_466] : memref<320000xi32, #tpu.memory_space<hbm>> -> memref<80xi32, #tpu.memory_space<hbm>>
        %dma_start3A_481 = arith.constant 0 : i32
        %dma_start3A_482 = tpu.memref_slice %arg8[%dma_start3A_476, %dma_start3A_481] : memref<4x80xi32, #tpu.memory_space<vmem>> -> memref<1x80xi32, #tpu.memory_space<vmem>>
        %dma_start3A_483 = tpu.memref_squeeze %dma_start3A_482 : memref<1x80xi32, #tpu.memory_space<vmem>> -> memref<80xi32, #tpu.memory_space<vmem>>
        %dma_start3A_484 = tpu.memref_slice %arg4[%multiple_of3A_466] : memref<320000xi32, #tpu.memory_space<hbm>> -> memref<80xi32, #tpu.memory_space<hbm>>
        tpu.enqueue_dma source(%dma_start3A_484 : memref<80xi32, #tpu.memory_space<hbm>>) target(%dma_start3A_483 : memref<80xi32, #tpu.memory_space<vmem>>) target_semaphore(%arg13 : memref<!tpu.dma_semaphore, #tpu.memory_space<semaphore_mem>>)
      } else {
      }
    }
    %scan3A_231 = arith.constant 31 : i32
    %dma_wait3A_232 = arith.constant 0 : i32
    %dma_wait3A_233 = arith.constant 0 : i32
    %dma_wait3A_234 = arith.constant 0 : i32
    %dma_wait3A_235 = arith.constant 0 : i32
    %dma_wait3A_236 = tpu.memref_slice %arg9[%dma_wait3A_232, %dma_wait3A_234, %dma_wait3A_235] : memref<4x80x128xf32, #tpu.memory_space<vmem>> -> memref<1x80x128xf32, #tpu.memory_space<vmem>>
    %dma_wait3A_237 = tpu.memref_squeeze %dma_wait3A_236 : memref<1x80x128xf32, #tpu.memory_space<vmem>> -> memref<80x128xf32, #tpu.memory_space<vmem>>
    %dma_wait3A_238 = arith.constant 0 : i32
    %dma_wait3A_239 = tpu.memref_slice %arg8[%dma_wait3A_233, %dma_wait3A_238] : memref<4x80xi32, #tpu.memory_space<vmem>> -> memref<1x80xi32, #tpu.memory_space<vmem>>
    %dma_wait3A_240 = tpu.memref_squeeze %dma_wait3A_239 : memref<1x80xi32, #tpu.memory_space<vmem>> -> memref<80xi32, #tpu.memory_space<vmem>>
    %dma_wait3A_241 = arith.constant 0 : i32
    %dma_wait3A_242 = arith.constant 0 : i32
    %dma_wait3A_243 = tpu.memref_slice %arg10[%dma_wait3A_241, %dma_wait3A_242] : memref<10000x128xf32, #tpu.memory_space<vmem_shared>> -> memref<10000x128xf32, #tpu.memory_space<vmem_shared>>
    tpu.wait_indirect_dma semaphore(%arg19 : memref<!tpu.dma_semaphore, #tpu.memory_space<semaphore_mem>>) src(%dma_wait3A_237 : memref<80x128xf32, #tpu.memory_space<vmem>>) dst(%dma_wait3A_243 : memref<10000x128xf32, #tpu.memory_space<vmem_shared>>)
    %dma_wait3A_244 = arith.constant 1 : i32
    %dma_wait3A_245 = arith.constant 1 : i32
    %dma_wait3A_246 = arith.constant 0 : i32
    %dma_wait3A_247 = arith.constant 0 : i32
    %dma_wait3A_248 = tpu.memref_slice %arg9[%dma_wait3A_244, %dma_wait3A_246, %dma_wait3A_247] : memref<4x80x128xf32, #tpu.memory_space<vmem>> -> memref<1x80x128xf32, #tpu.memory_space<vmem>>
    %dma_wait3A_249 = tpu.memref_squeeze %dma_wait3A_248 : memref<1x80x128xf32, #tpu.memory_space<vmem>> -> memref<80x128xf32, #tpu.memory_space<vmem>>
    %dma_wait3A_250 = arith.constant 0 : i32
    %dma_wait3A_251 = tpu.memref_slice %arg8[%dma_wait3A_245, %dma_wait3A_250] : memref<4x80xi32, #tpu.memory_space<vmem>> -> memref<1x80xi32, #tpu.memory_space<vmem>>
    %dma_wait3A_252 = tpu.memref_squeeze %dma_wait3A_251 : memref<1x80xi32, #tpu.memory_space<vmem>> -> memref<80xi32, #tpu.memory_space<vmem>>
    %dma_wait3A_253 = arith.constant 0 : i32
    %dma_wait3A_254 = arith.constant 0 : i32
    %dma_wait3A_255 = tpu.memref_slice %arg10[%dma_wait3A_253, %dma_wait3A_254] : memref<10000x128xf32, #tpu.memory_space<vmem_shared>> -> memref<10000x128xf32, #tpu.memory_space<vmem_shared>>
    tpu.wait_indirect_dma semaphore(%arg20 : memref<!tpu.dma_semaphore, #tpu.memory_space<semaphore_mem>>) src(%dma_wait3A_249 : memref<80x128xf32, #tpu.memory_space<vmem>>) dst(%dma_wait3A_255 : memref<10000x128xf32, #tpu.memory_space<vmem_shared>>)
    %dma_wait3A_256 = arith.constant 2 : i32
    %dma_wait3A_257 = arith.constant 2 : i32
    %dma_wait3A_258 = arith.constant 0 : i32
    %dma_wait3A_259 = arith.constant 0 : i32
    %dma_wait3A_260 = tpu.memref_slice %arg9[%dma_wait3A_256, %dma_wait3A_258, %dma_wait3A_259] : memref<4x80x128xf32, #tpu.memory_space<vmem>> -> memref<1x80x128xf32, #tpu.memory_space<vmem>>
    %dma_wait3A_261 = tpu.memref_squeeze %dma_wait3A_260 : memref<1x80x128xf32, #tpu.memory_space<vmem>> -> memref<80x128xf32, #tpu.memory_space<vmem>>
    %dma_wait3A_262 = arith.constant 0 : i32
    %dma_wait3A_263 = tpu.memref_slice %arg8[%dma_wait3A_257, %dma_wait3A_262] : memref<4x80xi32, #tpu.memory_space<vmem>> -> memref<1x80xi32, #tpu.memory_space<vmem>>
    %dma_wait3A_264 = tpu.memref_squeeze %dma_wait3A_263 : memref<1x80xi32, #tpu.memory_space<vmem>> -> memref<80xi32, #tpu.memory_space<vmem>>
    %dma_wait3A_265 = arith.constant 0 : i32
    %dma_wait3A_266 = arith.constant 0 : i32
    %dma_wait3A_267 = tpu.memref_slice %arg10[%dma_wait3A_265, %dma_wait3A_266] : memref<10000x128xf32, #tpu.memory_space<vmem_shared>> -> memref<10000x128xf32, #tpu.memory_space<vmem_shared>>
    tpu.wait_indirect_dma semaphore(%arg21 : memref<!tpu.dma_semaphore, #tpu.memory_space<semaphore_mem>>) src(%dma_wait3A_261 : memref<80x128xf32, #tpu.memory_space<vmem>>) dst(%dma_wait3A_267 : memref<10000x128xf32, #tpu.memory_space<vmem_shared>>)
    %dma_wait3A_268 = arith.constant 3 : i32
    %dma_wait3A_269 = arith.constant 3 : i32
    %dma_wait3A_270 = arith.constant 0 : i32
    %dma_wait3A_271 = arith.constant 0 : i32
    %dma_wait3A_272 = tpu.memref_slice %arg9[%dma_wait3A_268, %dma_wait3A_270, %dma_wait3A_271] : memref<4x80x128xf32, #tpu.memory_space<vmem>> -> memref<1x80x128xf32, #tpu.memory_space<vmem>>
    %dma_wait3A_273 = tpu.memref_squeeze %dma_wait3A_272 : memref<1x80x128xf32, #tpu.memory_space<vmem>> -> memref<80x128xf32, #tpu.memory_space<vmem>>
    %dma_wait3A_274 = arith.constant 0 : i32
    %dma_wait3A_275 = tpu.memref_slice %arg8[%dma_wait3A_269, %dma_wait3A_274] : memref<4x80xi32, #tpu.memory_space<vmem>> -> memref<1x80xi32, #tpu.memory_space<vmem>>
    %dma_wait3A_276 = tpu.memref_squeeze %dma_wait3A_275 : memref<1x80xi32, #tpu.memory_space<vmem>> -> memref<80xi32, #tpu.memory_space<vmem>>
    %dma_wait3A_277 = arith.constant 0 : i32
    %dma_wait3A_278 = arith.constant 0 : i32
    %dma_wait3A_279 = tpu.memref_slice %arg10[%dma_wait3A_277, %dma_wait3A_278] : memref<10000x128xf32, #tpu.memory_space<vmem_shared>> -> memref<10000x128xf32, #tpu.memory_space<vmem_shared>>
    tpu.wait_indirect_dma semaphore(%arg22 : memref<!tpu.dma_semaphore, #tpu.memory_space<semaphore_mem>>) src(%dma_wait3A_273 : memref<80x128xf32, #tpu.memory_space<vmem>>) dst(%dma_wait3A_279 : memref<10000x128xf32, #tpu.memory_space<vmem_shared>>)
    %barrier3A_280 = arith.constant 0 : index
    tpu.barrier barrier_id(%barrier3A_280)
    %mul3A_281 = arith.constant 624 : i32
    %mul3A_282 = arith.muli %arg1, %mul3A_281 : i32
    %mul3A_283 = arith.constant 10000 : i32
    %mul3A_284 = arith.muli %arg0, %mul3A_283 : i32
    %mul3A_285 = arith.constant 624 : i32
    %mul3A_286 = arith.muli %arg1, %mul3A_285 : i32
    %add3A_287 = arith.addi %mul3A_284, %mul3A_286 : i32
    "tpu.region"() ({
      %run_scoped3A = tpu.sem_alloc : memref<!tpu.dma_semaphore, #tpu.memory_space<semaphore_mem>>
      %dma_start3A_293 = arith.constant 0 : i32
      %dma_start3A_294 = tpu.memref_slice %arg6[%add3A_287, %dma_start3A_293] : memref<20000x128xf32, #tpu.memory_space<hbm>> -> memref<624x128xf32, #tpu.memory_space<hbm>>
      %dma_start3A_295 = arith.constant 0 : i32
      %dma_start3A_296 = tpu.memref_slice %arg10[%mul3A_282, %dma_start3A_295] : memref<10000x128xf32, #tpu.memory_space<vmem_shared>> -> memref<624x128xf32, #tpu.memory_space<vmem_shared>>
      tpu.enqueue_dma source(%dma_start3A_296 : memref<624x128xf32, #tpu.memory_space<vmem_shared>>) target(%dma_start3A_294 : memref<624x128xf32, #tpu.memory_space<hbm>>) target_semaphore(%run_scoped3A : memref<!tpu.dma_semaphore, #tpu.memory_space<semaphore_mem>>)
      %dma_wait3A_297 = arith.constant 0 : i32
      %dma_wait3A_298 = tpu.memref_slice %arg6[%add3A_287, %dma_wait3A_297] : memref<20000x128xf32, #tpu.memory_space<hbm>> -> memref<624x128xf32, #tpu.memory_space<hbm>>
      %dma_wait3A_299 = arith.constant 0 : i32
      %dma_wait3A_300 = tpu.memref_slice %arg10[%mul3A_282, %dma_wait3A_299] : memref<10000x128xf32, #tpu.memory_space<vmem_shared>> -> memref<624x128xf32, #tpu.memory_space<vmem_shared>>
      tpu.wait_dma2 semaphore(%run_scoped3A : memref<!tpu.dma_semaphore, #tpu.memory_space<semaphore_mem>>) src(%dma_wait3A_300 : memref<624x128xf32, #tpu.memory_space<vmem_shared>>) dst(%dma_wait3A_298 : memref<624x128xf32, #tpu.memory_space<hbm>>)
      tpu.yield
    }) : () -> ()
    %eq3A_288 = arith.constant 15 : i32
    %eq3A_289 = arith.cmpi eq, %arg1, %eq3A_288 : i32
    %convert_element_type3A_290 = arith.extui %eq3A_289 : i1 to i32
    %cond3A_291 = arith.constant 0 : i32
    %cond3A_292 = arith.cmpi ne, %convert_element_type3A_290, %cond3A_291 : i32
    scf.if %cond3A_292 {
      %mul3A_293 = arith.constant 10000 : i32
      %mul3A_294 = arith.muli %arg0, %mul3A_293 : i32
      %add3A_295 = arith.constant 9984 : i32
      %add3A_296 = arith.addi %mul3A_294, %add3A_295 : i32
      "tpu.region"() ({
        %run_scoped3A = tpu.sem_alloc : memref<!tpu.dma_semaphore, #tpu.memory_space<semaphore_mem>>
        %dma_start3A_297 = arith.constant 0 : i32
        %dma_start3A_298 = tpu.memref_slice %arg6[%add3A_296, %dma_start3A_297] : memref<20000x128xf32, #tpu.memory_space<hbm>> -> memref<16x128xf32, #tpu.memory_space<hbm>>
        %dma_start3A_299 = arith.constant 9984 : i32
        %dma_start3A_300 = arith.constant 0 : i32
        %dma_start3A_301 = tpu.memref_slice %arg10[%dma_start3A_299, %dma_start3A_300] : memref<10000x128xf32, #tpu.memory_space<vmem_shared>> -> memref<16x128xf32, #tpu.memory_space<vmem_shared>>
        tpu.enqueue_dma source(%dma_start3A_301 : memref<16x128xf32, #tpu.memory_space<vmem_shared>>) target(%dma_start3A_298 : memref<16x128xf32, #tpu.memory_space<hbm>>) target_semaphore(%run_scoped3A : memref<!tpu.dma_semaphore, #tpu.memory_space<semaphore_mem>>)
        %dma_wait3A_302 = arith.constant 0 : i32
        %dma_wait3A_303 = tpu.memref_slice %arg6[%add3A_296, %dma_wait3A_302] : memref<20000x128xf32, #tpu.memory_space<hbm>> -> memref<16x128xf32, #tpu.memory_space<hbm>>
        %dma_wait3A_304 = arith.constant 9984 : i32
        %dma_wait3A_305 = arith.constant 0 : i32
        %dma_wait3A_306 = tpu.memref_slice %arg10[%dma_wait3A_304, %dma_wait3A_305] : memref<10000x128xf32, #tpu.memory_space<vmem_shared>> -> memref<16x128xf32, #tpu.memory_space<vmem_shared>>
        tpu.wait_dma2 semaphore(%run_scoped3A : memref<!tpu.dma_semaphore, #tpu.memory_space<semaphore_mem>>) src(%dma_wait3A_306 : memref<16x128xf32, #tpu.memory_space<vmem_shared>>) dst(%dma_wait3A_303 : memref<16x128xf32, #tpu.memory_space<hbm>>)
        tpu.yield
      }) : () -> ()
    } else {
    }
    return
  }
}

module attributes {stable_mosaic.version = 14 : i64} {
  func.func @body(%arg0: memref<1xf32, #tpu.memory_space<smem>>, %arg1: memref<10000x128xf32, #tpu.memory_space<vmem>>, %arg2: memref<2x10000x128xf32, #tpu.memory_space<vmem>>, %arg3: memref<128x128xf32, #tpu.memory_space<vmem>>, %arg4: memref<1x128xf32, #tpu.memory_space<vmem>>, %arg5: memref<128x128xf32, #tpu.memory_space<vmem>>, %arg6: memref<1x128xf32, #tpu.memory_space<vmem>>, %arg7: memref<1x128xf32, #tpu.memory_space<vmem>>, %arg8: memref<1x128xf32, #tpu.memory_space<vmem>>, %arg9: memref<10000x128xf32, #tpu.memory_space<vmem>>) attributes {dimension_semantics = [], scalar_prefetch = 0 : i64, scratch_operands = 0 : i64, tpu.core_type = #tpu.core_type<tc>} {
    %get3A = arith.constant 0 : index
    %get3A_0 = memref.load %arg0[%get3A] : memref<1xf32, #tpu.memory_space<smem>>
    %add3A = arith.constant 1.000000e+00 : f32
    %add3A_1 = arith.addf %add3A, %get3A_0 : f32
    %get3A_2 = arith.constant 0 : index
    %get3A_3 = arith.constant 0 : index
    %get3A_4 = vector.load %arg1[%get3A_2, %get3A_3] : memref<10000x128xf32, #tpu.memory_space<vmem>>, vector<10000x128xf32>
    %mul3A = vector.broadcast %add3A_1 : f32 to vector<10000x128xf32>
    %mul3A_5 = arith.mulf %mul3A, %get3A_4 : vector<10000x128xf32>
    %get3A_6 = arith.constant 0 : index
    %get3A_7 = arith.constant 0 : index
    %get3A_8 = arith.constant 0 : index
    %get3A_9 = vector.load %arg2[%get3A_6, %get3A_7, %get3A_8] : memref<2x10000x128xf32, #tpu.memory_space<vmem>>, vector<1x10000x128xf32>
    %get3A_10 = vector.shape_cast %get3A_9 : vector<1x10000x128xf32> to vector<10000x128xf32>
    %add3A_11 = arith.addf %mul3A_5, %get3A_10 : vector<10000x128xf32>
    %get3A_12 = arith.constant 1 : index
    %get3A_13 = arith.constant 0 : index
    %get3A_14 = arith.constant 0 : index
    %get3A_15 = vector.load %arg2[%get3A_12, %get3A_13, %get3A_14] : memref<2x10000x128xf32, #tpu.memory_space<vmem>>, vector<1x10000x128xf32>
    %get3A_16 = vector.shape_cast %get3A_15 : vector<1x10000x128xf32> to vector<10000x128xf32>
    %add3A_17 = arith.addf %add3A_11, %get3A_16 : vector<10000x128xf32>
    %get3A_18 = arith.constant 0 : index
    %get3A_19 = arith.constant 0 : index
    %get3A_20 = vector.load %arg3[%get3A_18, %get3A_19] : memref<128x128xf32, #tpu.memory_space<vmem>>, vector<128x128xf32>
    %dot_general3A = arith.constant dense<0.000000e+00> : vector<10000x128xf32>
    %dot_general3A_21 = tpu.matmul %add3A_17, %get3A_20, %dot_general3A {dimension_numbers = #tpu.dot_dimension_numbers<[1], [0], [0], [1], [0, 0, 1, 1], [], []>, transpose_lhs_hint = false} : vector<10000x128xf32>, vector<128x128xf32>, vector<10000x128xf32> -> vector<10000x128xf32>
    %get3A_22 = arith.constant 0 : index
    %get3A_23 = arith.constant 0 : index
    %get3A_24 = vector.load %arg4[%get3A_22, %get3A_23] : memref<1x128xf32, #tpu.memory_space<vmem>>, vector<1x128xf32>
    %add3A_25 = vector.broadcast %get3A_24 : vector<1x128xf32> to vector<10000x128xf32>
    %add3A_26 = arith.addf %dot_general3A_21, %add3A_25 : vector<10000x128xf32>
    %max3A = arith.constant 0.000000e+00 : f32
    %max3A_27 = vector.broadcast %max3A : f32 to vector<10000x128xf32>
    %max3A_28 = arith.maximumf %add3A_26, %max3A_27 : vector<10000x128xf32>
    %get3A_29 = arith.constant 0 : index
    %get3A_30 = arith.constant 0 : index
    %get3A_31 = vector.load %arg5[%get3A_29, %get3A_30] : memref<128x128xf32, #tpu.memory_space<vmem>>, vector<128x128xf32>
    %dot_general3A_32 = arith.constant dense<0.000000e+00> : vector<10000x128xf32>
    %dot_general3A_33 = tpu.matmul %max3A_28, %get3A_31, %dot_general3A_32 {dimension_numbers = #tpu.dot_dimension_numbers<[1], [0], [0], [1], [0, 0, 1, 1], [], []>, transpose_lhs_hint = false} : vector<10000x128xf32>, vector<128x128xf32>, vector<10000x128xf32> -> vector<10000x128xf32>
    %get3A_34 = arith.constant 0 : index
    %get3A_35 = arith.constant 0 : index
    %get3A_36 = vector.load %arg6[%get3A_34, %get3A_35] : memref<1x128xf32, #tpu.memory_space<vmem>>, vector<1x128xf32>
    %add3A_37 = vector.broadcast %get3A_36 : vector<1x128xf32> to vector<10000x128xf32>
    %add3A_38 = arith.addf %dot_general3A_33, %add3A_37 : vector<10000x128xf32>
    %reduce_sum3A = arith.constant dense<0.000000e+00> : vector<128xf32>
    %reduce_sum3A_39 = vector.multi_reduction <add>, %add3A_38, %reduce_sum3A [0] : vector<10000x128xf32> to vector<128xf32>
    %broadcast_in_dim3A = vector.shape_cast %reduce_sum3A_39 : vector<128xf32> to vector<1x128xf32>
    %div3A = arith.constant 1.000000e+04 : f32
    %div3A_40 = vector.broadcast %div3A : f32 to vector<1x128xf32>
    %div3A_41 = arith.divf %broadcast_in_dim3A, %div3A_40 : vector<1x128xf32>
    %sub3A = vector.broadcast %div3A_41 : vector<1x128xf32> to vector<10000x128xf32>
    %sub3A_42 = arith.subf %add3A_38, %sub3A : vector<10000x128xf32>
    %mul3A_43 = arith.mulf %sub3A_42, %sub3A_42 : vector<10000x128xf32>
    %reduce_sum3A_44 = arith.constant dense<0.000000e+00> : vector<128xf32>
    %reduce_sum3A_45 = vector.multi_reduction <add>, %mul3A_43, %reduce_sum3A_44 [0] : vector<10000x128xf32> to vector<128xf32>
    %broadcast_in_dim3A_46 = vector.shape_cast %reduce_sum3A_45 : vector<128xf32> to vector<1x128xf32>
    %div3A_47 = arith.constant 1.000000e+04 : f32
    %div3A_48 = vector.broadcast %div3A_47 : f32 to vector<1x128xf32>
    %div3A_49 = arith.divf %broadcast_in_dim3A_46, %div3A_48 : vector<1x128xf32>
    %add3A_50 = arith.constant 9.99999974E-6 : f32
    %add3A_51 = vector.broadcast %add3A_50 : f32 to vector<1x128xf32>
    %add3A_52 = arith.addf %div3A_49, %add3A_51 : vector<1x128xf32>
    %rsqrt3A = math.rsqrt %add3A_52 : vector<1x128xf32>
    %mul3A_53 = vector.broadcast %rsqrt3A : vector<1x128xf32> to vector<10000x128xf32>
    %mul3A_54 = arith.mulf %sub3A_42, %mul3A_53 : vector<10000x128xf32>
    %get3A_55 = arith.constant 0 : index
    %get3A_56 = arith.constant 0 : index
    %get3A_57 = vector.load %arg7[%get3A_55, %get3A_56] : memref<1x128xf32, #tpu.memory_space<vmem>>, vector<1x128xf32>
    %mul3A_58 = vector.broadcast %get3A_57 : vector<1x128xf32> to vector<10000x128xf32>
    %mul3A_59 = arith.mulf %mul3A_54, %mul3A_58 : vector<10000x128xf32>
    %get3A_60 = arith.constant 0 : index
    %get3A_61 = arith.constant 0 : index
    %get3A_62 = vector.load %arg8[%get3A_60, %get3A_61] : memref<1x128xf32, #tpu.memory_space<vmem>>, vector<1x128xf32>
    %add3A_63 = vector.broadcast %get3A_62 : vector<1x128xf32> to vector<10000x128xf32>
    %add3A_64 = arith.addf %mul3A_59, %add3A_63 : vector<10000x128xf32>
    %max3A_65 = arith.constant 0.000000e+00 : f32
    %max3A_66 = vector.broadcast %max3A_65 : f32 to vector<10000x128xf32>
    %max3A_67 = arith.maximumf %add3A_64, %max3A_66 : vector<10000x128xf32>
    %swap3A = arith.constant 0 : index
    %swap3A_68 = arith.constant 0 : index
    %swap3A_69 = vector.load %arg9[%swap3A, %swap3A_68] : memref<10000x128xf32, #tpu.memory_space<vmem>>, vector<10000x128xf32>
    tpu.vector_store %arg9[%swap3A, %swap3A_68], %max3A_67 {strides = array<i32>} : memref<10000x128xf32, #tpu.memory_space<vmem>>, vector<10000x128xf32>,
    return
  }
}

module attributes {stable_mosaic.version = 14 : i64} {
  func.func @body(%arg0: memref<1xf32, #tpu.memory_space<smem>>, %arg1: memref<10000x128xf32, #tpu.memory_space<vmem>>, %arg2: memref<2x10000x128xf32, #tpu.memory_space<vmem>>, %arg3: memref<128x128xf32, #tpu.memory_space<vmem>>, %arg4: memref<1x128xf32, #tpu.memory_space<vmem>>, %arg5: memref<128x128xf32, #tpu.memory_space<vmem>>, %arg6: memref<1x128xf32, #tpu.memory_space<vmem>>, %arg7: memref<1x128xf32, #tpu.memory_space<vmem>>, %arg8: memref<1x128xf32, #tpu.memory_space<vmem>>, %arg9: memref<10000x1xf32, #tpu.memory_space<vmem>>, %arg10: memref<128x64xf32, #tpu.memory_space<vmem>>, %arg11: memref<1x64xf32, #tpu.memory_space<vmem>>, %arg12: memref<128x64xf32, #tpu.memory_space<vmem>>, %arg13: memref<1x64xf32, #tpu.memory_space<vmem>>, %arg14: memref<64x64xf32, #tpu.memory_space<vmem>>, %arg15: memref<64x64xf32, #tpu.memory_space<vmem>>) attributes {dimension_semantics = [], scalar_prefetch = 0 : i64, scratch_operands = 0 : i64, tpu.core_type = #tpu.core_type<tc>} {
    %get3A = arith.constant 0 : index
    %get3A_0 = memref.load %arg0[%get3A] : memref<1xf32, #tpu.memory_space<smem>>
    %add3A = arith.constant 1.000000e+00 : f32
    %add3A_1 = arith.addf %add3A, %get3A_0 : f32
    %get3A_2 = arith.constant 0 : index
    %get3A_3 = arith.constant 0 : index
    %get3A_4 = vector.load %arg1[%get3A_2, %get3A_3] : memref<10000x128xf32, #tpu.memory_space<vmem>>, vector<10000x128xf32>
    %mul3A = vector.broadcast %add3A_1 : f32 to vector<10000x128xf32>
    %mul3A_5 = arith.mulf %mul3A, %get3A_4 : vector<10000x128xf32>
    %get3A_6 = arith.constant 0 : index
    %get3A_7 = arith.constant 0 : index
    %get3A_8 = arith.constant 0 : index
    %get3A_9 = vector.load %arg2[%get3A_6, %get3A_7, %get3A_8] : memref<2x10000x128xf32, #tpu.memory_space<vmem>>, vector<1x10000x128xf32>
    %get3A_10 = vector.shape_cast %get3A_9 : vector<1x10000x128xf32> to vector<10000x128xf32>
    %add3A_11 = arith.addf %mul3A_5, %get3A_10 : vector<10000x128xf32>
    %get3A_12 = arith.constant 1 : index
    %get3A_13 = arith.constant 0 : index
    %get3A_14 = arith.constant 0 : index
    %get3A_15 = vector.load %arg2[%get3A_12, %get3A_13, %get3A_14] : memref<2x10000x128xf32, #tpu.memory_space<vmem>>, vector<1x10000x128xf32>
    %get3A_16 = vector.shape_cast %get3A_15 : vector<1x10000x128xf32> to vector<10000x128xf32>
    %add3A_17 = arith.addf %add3A_11, %get3A_16 : vector<10000x128xf32>
    %get3A_18 = arith.constant 0 : index
    %get3A_19 = arith.constant 0 : index
    %get3A_20 = vector.load %arg3[%get3A_18, %get3A_19] : memref<128x128xf32, #tpu.memory_space<vmem>>, vector<128x128xf32>
    %dot_general3A = arith.constant dense<0.000000e+00> : vector<10000x128xf32>
    %dot_general3A_21 = tpu.matmul %add3A_17, %get3A_20, %dot_general3A {dimension_numbers = #tpu.dot_dimension_numbers<[1], [0], [0], [1], [0, 0, 1, 1], [], []>, transpose_lhs_hint = false} : vector<10000x128xf32>, vector<128x128xf32>, vector<10000x128xf32> -> vector<10000x128xf32>
    %get3A_22 = arith.constant 0 : index
    %get3A_23 = arith.constant 0 : index
    %get3A_24 = vector.load %arg4[%get3A_22, %get3A_23] : memref<1x128xf32, #tpu.memory_space<vmem>>, vector<1x128xf32>
    %add3A_25 = vector.broadcast %get3A_24 : vector<1x128xf32> to vector<10000x128xf32>
    %add3A_26 = arith.addf %dot_general3A_21, %add3A_25 : vector<10000x128xf32>
    %max3A = arith.constant 0.000000e+00 : f32
    %max3A_27 = vector.broadcast %max3A : f32 to vector<10000x128xf32>
    %max3A_28 = arith.maximumf %add3A_26, %max3A_27 : vector<10000x128xf32>
    %get3A_29 = arith.constant 0 : index
    %get3A_30 = arith.constant 0 : index
    %get3A_31 = vector.load %arg5[%get3A_29, %get3A_30] : memref<128x128xf32, #tpu.memory_space<vmem>>, vector<128x128xf32>
    %dot_general3A_32 = arith.constant dense<0.000000e+00> : vector<10000x128xf32>
    %dot_general3A_33 = tpu.matmul %max3A_28, %get3A_31, %dot_general3A_32 {dimension_numbers = #tpu.dot_dimension_numbers<[1], [0], [0], [1], [0, 0, 1, 1], [], []>, transpose_lhs_hint = false} : vector<10000x128xf32>, vector<128x128xf32>, vector<10000x128xf32> -> vector<10000x128xf32>
    %get3A_34 = arith.constant 0 : index
    %get3A_35 = arith.constant 0 : index
    %get3A_36 = vector.load %arg6[%get3A_34, %get3A_35] : memref<1x128xf32, #tpu.memory_space<vmem>>, vector<1x128xf32>
    %add3A_37 = vector.broadcast %get3A_36 : vector<1x128xf32> to vector<10000x128xf32>
    %add3A_38 = arith.addf %dot_general3A_33, %add3A_37 : vector<10000x128xf32>
    %reduce_sum3A = arith.constant dense<0.000000e+00> : vector<128xf32>
    %reduce_sum3A_39 = vector.multi_reduction <add>, %add3A_38, %reduce_sum3A [0] : vector<10000x128xf32> to vector<128xf32>
    %broadcast_in_dim3A = vector.shape_cast %reduce_sum3A_39 : vector<128xf32> to vector<1x128xf32>
    %div3A = arith.constant 1.000000e+04 : f32
    %div3A_40 = vector.broadcast %div3A : f32 to vector<1x128xf32>
    %div3A_41 = arith.divf %broadcast_in_dim3A, %div3A_40 : vector<1x128xf32>
    %sub3A = vector.broadcast %div3A_41 : vector<1x128xf32> to vector<10000x128xf32>
    %sub3A_42 = arith.subf %add3A_38, %sub3A : vector<10000x128xf32>
    %mul3A_43 = arith.mulf %sub3A_42, %sub3A_42 : vector<10000x128xf32>
    %reduce_sum3A_44 = arith.constant dense<0.000000e+00> : vector<128xf32>
    %reduce_sum3A_45 = vector.multi_reduction <add>, %mul3A_43, %reduce_sum3A_44 [0] : vector<10000x128xf32> to vector<128xf32>
    %broadcast_in_dim3A_46 = vector.shape_cast %reduce_sum3A_45 : vector<128xf32> to vector<1x128xf32>
    %div3A_47 = arith.constant 1.000000e+04 : f32
    %div3A_48 = vector.broadcast %div3A_47 : f32 to vector<1x128xf32>
    %div3A_49 = arith.divf %broadcast_in_dim3A_46, %div3A_48 : vector<1x128xf32>
    %add3A_50 = arith.constant 9.99999974E-6 : f32
    %add3A_51 = vector.broadcast %add3A_50 : f32 to vector<1x128xf32>
    %add3A_52 = arith.addf %div3A_49, %add3A_51 : vector<1x128xf32>
    %rsqrt3A = math.rsqrt %add3A_52 : vector<1x128xf32>
    %mul3A_53 = vector.broadcast %rsqrt3A : vector<1x128xf32> to vector<10000x128xf32>
    %mul3A_54 = arith.mulf %sub3A_42, %mul3A_53 : vector<10000x128xf32>
    %get3A_55 = arith.constant 0 : index
    %get3A_56 = arith.constant 0 : index
    %get3A_57 = vector.load %arg7[%get3A_55, %get3A_56] : memref<1x128xf32, #tpu.memory_space<vmem>>, vector<1x128xf32>
    %mul3A_58 = vector.broadcast %get3A_57 : vector<1x128xf32> to vector<10000x128xf32>
    %mul3A_59 = arith.mulf %mul3A_54, %mul3A_58 : vector<10000x128xf32>
    %get3A_60 = arith.constant 0 : index
    %get3A_61 = arith.constant 0 : index
    %get3A_62 = vector.load %arg8[%get3A_60, %get3A_61] : memref<1x128xf32, #tpu.memory_space<vmem>>, vector<1x128xf32>
    %add3A_63 = vector.broadcast %get3A_62 : vector<1x128xf32> to vector<10000x128xf32>
    %add3A_64 = arith.addf %mul3A_59, %add3A_63 : vector<10000x128xf32>
    %max3A_65 = arith.constant 0.000000e+00 : f32
    %max3A_66 = vector.broadcast %max3A_65 : f32 to vector<10000x128xf32>
    %max3A_67 = arith.maximumf %add3A_64, %max3A_66 : vector<10000x128xf32>
    %iota3A = tpu.iota {dimensions = array<i32: 1>} : vector<1x64xi32>
    %convert_element_type3A = arith.sitofp %iota3A : vector<1x64xi32> to vector<1x64xf32>
    %get3A_68 = arith.constant 0 : index
    %get3A_69 = arith.constant 0 : index
    %get3A_70 = vector.load %arg9[%get3A_68, %get3A_69] : memref<10000x1xf32, #tpu.memory_space<vmem>>, vector<10000x1xf32>
    %eq3A = vector.broadcast %get3A_70 : vector<10000x1xf32> to vector<10000x64xf32>
    %eq3A_71 = vector.broadcast %convert_element_type3A : vector<1x64xf32> to vector<10000x64xf32>
    %eq3A_72 = arith.cmpf oeq, %eq3A, %eq3A_71 : vector<10000x64xf32>
    %convert_element_type3A_73 = arith.extui %eq3A_72 : vector<10000x64xi1> to vector<10000x64xi32>
    %convert_element_type3A_74 = arith.sitofp %convert_element_type3A_73 : vector<10000x64xi32> to vector<10000x64xf32>
    %broadcast_in_dim3A_75 = arith.constant 1.000000e+00 : f32
    %broadcast_in_dim3A_76 = vector.broadcast %broadcast_in_dim3A_75 : f32 to vector<10000x1xf32>
    %dot_general3A_77 = arith.constant dense<0.000000e+00> : vector<64x1xf32>
    %dot_general3A_78 = tpu.matmul %convert_element_type3A_74, %broadcast_in_dim3A_76, %dot_general3A_77 {dimension_numbers = #tpu.dot_dimension_numbers<[0], [0], [1], [1], [0, 1, 1, 1], [], []>, transpose_lhs_hint = false} : vector<10000x64xf32>, vector<10000x1xf32>, vector<64x1xf32> -> vector<64x1xf32>
    %dot_general3A_79 = arith.constant dense<0.000000e+00> : vector<64x128xf32>
    %dot_general3A_80 = tpu.matmul %convert_element_type3A_74, %max3A_67, %dot_general3A_79 {dimension_numbers = #tpu.dot_dimension_numbers<[0], [0], [1], [1], [0, 1, 1, 1], [], []>, transpose_lhs_hint = false} : vector<10000x64xf32>, vector<10000x128xf32>, vector<64x128xf32> -> vector<64x128xf32>
    %jit3A = arith.constant 1.000000e+00 : f32
    %max3A_81 = vector.broadcast %jit3A : f32 to vector<64x1xf32>
    %max3A_82 = arith.maximumf %max3A_81, %dot_general3A_78 : vector<64x1xf32>
    %div3A_83 = arith.constant 1.000000e+00 : f32
    %div3A_84 = vector.broadcast %div3A_83 : f32 to vector<64x1xf32>
    %div3A_85 = arith.divf %div3A_84, %max3A_82 : vector<64x1xf32>
    %mul3A_86 = vector.broadcast %div3A_85 : vector<64x1xf32> to vector<64x128xf32>
    %mul3A_87 = arith.mulf %dot_general3A_80, %mul3A_86 : vector<64x128xf32>
    %get3A_88 = arith.constant 0 : index
    %get3A_89 = arith.constant 0 : index
    %get3A_90 = vector.load %arg10[%get3A_88, %get3A_89] : memref<128x64xf32, #tpu.memory_space<vmem>>, vector<128x64xf32>
    %dot_general3A_91 = arith.constant dense<0.000000e+00> : vector<64x64xf32>
    %dot_general3A_92 = tpu.matmul %mul3A_87, %get3A_90, %dot_general3A_91 {dimension_numbers = #tpu.dot_dimension_numbers<[1], [0], [0], [1], [0, 0, 1, 1], [], []>, transpose_lhs_hint = false} : vector<64x128xf32>, vector<128x64xf32>, vector<64x64xf32> -> vector<64x64xf32>
    %get3A_93 = arith.constant 0 : index
    %get3A_94 = arith.constant 0 : index
    %get3A_95 = vector.load %arg11[%get3A_93, %get3A_94] : memref<1x64xf32, #tpu.memory_space<vmem>>, vector<1x64xf32>
    %add3A_96 = vector.broadcast %get3A_95 : vector<1x64xf32> to vector<64x64xf32>
    %add3A_97 = arith.addf %dot_general3A_92, %add3A_96 : vector<64x64xf32>
    %swap3A = arith.constant 0 : index
    %swap3A_98 = arith.constant 0 : index
    %swap3A_99 = vector.load %arg14[%swap3A, %swap3A_98] : memref<64x64xf32, #tpu.memory_space<vmem>>, vector<64x64xf32>
    tpu.vector_store %arg14[%swap3A, %swap3A_98], %add3A_97 {strides = array<i32>} : memref<64x64xf32, #tpu.memory_space<vmem>>, vector<64x64xf32>,
    %get3A_100 = arith.constant 0 : index
    %get3A_101 = arith.constant 0 : index
    %get3A_102 = vector.load %arg12[%get3A_100, %get3A_101] : memref<128x64xf32, #tpu.memory_space<vmem>>, vector<128x64xf32>
    %dot_general3A_103 = arith.constant dense<0.000000e+00> : vector<64x64xf32>
    %dot_general3A_104 = tpu.matmul %mul3A_87, %get3A_102, %dot_general3A_103 {dimension_numbers = #tpu.dot_dimension_numbers<[1], [0], [0], [1], [0, 0, 1, 1], [], []>, transpose_lhs_hint = false} : vector<64x128xf32>, vector<128x64xf32>, vector<64x64xf32> -> vector<64x64xf32>
    %get3A_105 = arith.constant 0 : index
    %get3A_106 = arith.constant 0 : index
    %get3A_107 = vector.load %arg13[%get3A_105, %get3A_106] : memref<1x64xf32, #tpu.memory_space<vmem>>, vector<1x64xf32>
    %add3A_108 = vector.broadcast %get3A_107 : vector<1x64xf32> to vector<64x64xf32>
    %add3A_109 = arith.addf %dot_general3A_104, %add3A_108 : vector<64x64xf32>
    %swap3A_110 = arith.constant 0 : index
    %swap3A_111 = arith.constant 0 : index
    %swap3A_112 = vector.load %arg15[%swap3A_110, %swap3A_111] : memref<64x64xf32, #tpu.memory_space<vmem>>, vector<64x64xf32>
    tpu.vector_store %arg15[%swap3A_110, %swap3A_111], %add3A_109 {strides = array<i32>} : memref<64x64xf32, #tpu.memory_space<vmem>>, vector<64x64xf32>,
    return
  }
}

</mosaic_0001>

<sc_bundles>
// kernel: kernel.11.cloned.1.call-start
scs
__scs_entry_jumppad:
0x0: {  	(pc) =	sbr.rel $0x88, $3  }
0x1: {  	(tag) =	ssettag $0x0;
	lr =	simm.s32 $0x1  }
0x2: {  	[smem:$0x3F85] =	sst lr;
	_ =	strace $0xD0000000  }
0x3: {  	_ = 	snop  }
0x4: {  	_ = 	snop  }
0x5: {  	_ = 	snop  }
0x6: {  	_ = 	snop  }
0x7: {  	_ = 	snop  }
__scs_overlays_trampoline_lowered:
0x8: {  	[smem:$0x3F94] =	sst s0  }
0x9: {  	[smem:$0x3F95] =	sst s1  }
0xa: {  	[smem:$0x3F96] =	sst s2  }
0xb: {  	[smem:$0x3F97] =	sst s3  }
0xc: {  	[smem:$0x3F98] =	sst s4  }
0xd: {  	[smem:$0x3F99] =	sst s5  }
0xe: {  	[smem:$0x3F9A] =	sst s6  }
0xf: {  	[smem:$0x3F9B] =	sst s7  }
0x10: {  	[smem:$0x3F9C] =	sst s8  }
0x11: {  	[smem:$0x3F9D] =	sst s9;
	s0 =	simm.s32 @!p0 $0x0  }
0x12: {  	s1 =	sld [smem:$0x3F83];
	s0 =	simm.s32 @p0 $0x1  }
0x13: {  	[smem:$0x3F9E] =	sst s0;
	s0 =	simm.s32 @!p1 $0x0  }
0x14: {  	s2 =	sld [smem:$0x3F82];
	s0 =	simm.s32 @p1 $0x1  }
0x15: {  	[smem:$0x3F9F] =	sst s0;
	s0 =	simm.s32 @!p2 $0x0  }
0x16: {  	s3 =	sld [smem:$0x3FDB];
	s0 =	simm.s32 @p2 $0x1  }
0x17: {  	s4 =	simm.s32 $0x1BF5;
	[smem:$0x3FA1] =	sst s0  }
0x18: {  	s0 =	sld [smem:$0x3F84];
	_ =	swait.ge [sflag:s4], $0x0  }
0x19: {  	s7 =	sld [smem:$0x3F85]  }
0x1a: {  	s8 =	sadd.s32 $0xFFFFE003, lr  }
0x1b: {  	s9 =	sadd.s32 $0xFFFFFEF7, lr;
	s5 =	simm.s32 $0xFFFFFFFF;
	p2 =	slt.u32 s8, $0xFFFFF086  }
0x1c: {  	p1 =	slt.u32 s9, $0xF7A;
	s5 =	simm.s32 @!p2 $0x0  }
0x1d: {  	s5 =	simm.s32 @p1 $0x1;
	p0 =	seq.s32 s7, s2  }
0x1e: {  	s7 =	smul.u32 @!p0 $0xF7A, s2;
	p2 =	seq.s32 @!p0 s5, $0x0  }
0x1f: {  	s9 =	smul.u32 $0xF7A, s1;
	s8 =	simm.s32 @!p0 $0x1BF5;
	p2 =	por !p2, p0  }
0x20: {  	[sflag:s8] =	ssyncset.s32 @!p0 $0xFFFFF086;
	s6 =	sadd.s32 @!p0 s3, s7;
	s7 =	simm.s32 @!p0 $0x108  }
0x21: {  	s3 =	sadd.s32 s3, s9;
	s6 =	sadd.s32 @!p0 $0x88, s6;
	s7 =	simm.s32 @p2 $0x1082  }
0x22: {  	[simem:s7], [sflag:s8] =	dma.local @!p0 [hbm:s6], $0xF7A  }
0x23: {  	s9 =	sor.u32 $0xD0000000, s2;
	s6 =	simm.s32 $0x108;
	_ =	swait.ge @!p0 [sflag:s8], $0x0  }
0x24: {  	s3 =	sadd.s32 $0x88, s3;
	s6 =	simm.s32 @!p1 $0x1082;
	[sflag:s4] =	ssyncset.s32 $0xFFFFF086  }
0x25: {  	[simem:s6], [sflag:s4] =	dma.local [hbm:s3], $0xF7A  }
0x26: {  	[smem:$0x3F85] =	sst s1;
	(tag) =	ssettag s2;
	_ =	strace s9  }
0x27: {  	s1 =	sld [smem:$0x3F95]  }
0x28: {  	s2 =	sld [smem:$0x3F96]  }
0x29: {  	s4 =	sld [smem:$0x3F98]  }
0x2a: {  	p0 =	seq.s32 s5, $0x0;
	s5 =	sld [smem:$0x3F99]  }
0x2b: {  	s6 =	sld [smem:$0x3F9A]  }
0x2c: {  	s7 =	sld [smem:$0x3F9B]  }
0x2d: {  	s3 =	simm.s32 $0x108;
	s8 =	sld [smem:$0x3F9C]  }
0x2e: {  	s3 =	simm.s32 @!p0 $0x1082;
	s9 =	sld [smem:$0x3F9D]  }
0x2f: {  	lr =	sadd.s32 s0, s3;
	s0 =	sld [smem:$0x3F94]  }
0x30: {  	s3 =	sld [smem:$0x3F97]  }
0x31: {  	[smem:$0x3FA0] =	sst s10  }
0x32: {  	s10 =	sld [smem:$0x3F9E];
	_ =	sdelay $0x3  }
0x33: {  	p0 =	seq.s32 s10, $0x1;
	s10 =	sld [smem:$0x3FA0];
	_ =	sdelay $0x3  }
0x34: {  	[smem:$0x3FA0] =	sst s10  }
0x35: {  	s10 =	sld [smem:$0x3F9F];
	_ =	sdelay $0x3  }
0x36: {  	p1 =	seq.s32 s10, $0x1;
	s10 =	sld [smem:$0x3FA0];
	_ =	sdelay $0x3  }
0x37: {  	[smem:$0x3FA0] =	sst s10  }
0x38: {  	s10 =	sld [smem:$0x3FA1]  }
0x39: {  	_ = 	snop;
	(pc) =	sbr.ind lr, $3  }
0x3a: {  	_ = 	snop  }
0x3b: {  	_ = 	snop  }
0x3c: {  	p2 =	seq.s32 s10, $0x1;
	s10 =	sld [smem:$0x3FA0]  }
0x3d: {  	_ =	shalt  }
0x3e: {  	_ =	shalt  }
0x3f: {  	_ =	shalt  }
0x40: {  	_ =	shalt  }
0x41: {  	_ =	shalt  }
0x42: {  	_ =	shalt  }
0x43: {  	_ =	shalt  }
0x44: {  	_ =	shalt  }
0x45: {  	_ =	shalt  }
0x46: {  	_ =	shalt  }
0x47: {  	_ =	shalt  }
0x48: {  	_ =	shalt  }
0x49: {  	_ =	shalt  }
0x4a: {  	_ =	shalt  }
0x4b: {  	_ =	shalt  }
0x4c: {  	_ =	shalt  }
0x4d: {  	_ =	shalt  }
0x4e: {  	_ =	shalt  }
0x4f: {  	_ =	shalt  }
0x50: {  	_ =	shalt  }
0x51: {  	_ =	shalt  }
0x52: {  	_ =	shalt  }
0x53: {  	_ =	shalt  }
0x54: {  	_ =	shalt  }
0x55: {  	_ =	shalt  }
0x56: {  	_ =	shalt  }
0x57: {  	_ =	shalt  }
0x58: {  	_ =	shalt  }
0x59: {  	_ =	shalt  }
0x5a: {  	_ =	shalt  }
0x5b: {  	_ =	shalt  }
0x5c: {  	_ =	shalt  }
0x5d: {  	_ =	shalt  }
0x5e: {  	_ =	shalt  }
0x5f: {  	_ =	shalt  }
0x60: {  	_ =	shalt  }
0x61: {  	_ =	shalt  }
0x62: {  	_ =	shalt  }
0x63: {  	_ =	shalt  }
0x64: {  	_ =	shalt  }
0x65: {  	_ =	shalt  }
0x66: {  	_ =	shalt  }
0x67: {  	_ =	shalt  }
0x68: {  	_ =	shalt  }
0x69: {  	_ =	shalt  }
0x6a: {  	_ =	shalt  }
0x6b: {  	_ =	shalt  }
0x6c: {  	_ =	shalt  }
0x6d: {  	_ =	shalt  }
0x6e: {  	_ =	shalt  }
0x6f: {  	_ =	shalt  }
0x70: {  	_ =	shalt  }
0x71: {  	_ =	shalt  }
0x72: {  	_ =	shalt  }
0x73: {  	_ =	shalt  }
0x74: {  	_ =	shalt  }
0x75: {  	_ =	shalt  }
0x76: {  	_ =	shalt  }
0x77: {  	_ =	shalt  }
0x78: {  	_ =	shalt  }
0x79: {  	_ =	shalt  }
0x7a: {  	_ =	shalt  }
0x7b: {  	_ =	shalt  }
0x7c: {  	_ =	shalt  }
0x7d: {  	_ =	shalt  }
0x7e: {  	_ =	shalt  }
0x7f: {  	_ =	shalt  }
0x80: {  	_ =	shalt  }
0x81: {  	_ =	shalt  }
0x82: {  	_ =	shalt  }
0x83: {  	_ =	shalt  }
0x84: {  	_ =	shalt  }
0x85: {  	_ =	shalt  }
0x86: {  	_ =	shalt  }
0x87: {  	_ =	shalt  }
.Lfunc_end0:
.L_simem_size_0:
called_computation.1_lowered:
.L_overlay_start_0:
0x88: {  	s2 =	sld [smem:$0x3FD9]  }
0x89: {  	s3 =	sld [smem:$0x3FFE];
	_ =	sdelay $0x1  }
0x8a: {  	s1 =	srdreg.scid  }
0x8b: {  	s0 =	sand.u32 $0x1, s1  }
0x8c: {  	s16 =	sshll.u32 s0, $0xA;
	s2 =	sadd.s32 s3, s2  }
0x8d: {  	s2 =	sadd.s32 s2, s16  }
0x8e: {  	[smem:$0x3FAC] =	sst s2  }
0x8f: {  	_ = 	snop  }
0x90: {  	(tm) =	ssettm $0x1  }
0x91: {  	s17 =	sld [smem:$0x3FFB];
	_ =	sdelay $0x3  }
0x92: {  	_ =	strace s17  }
0x93: {  	s2 =	sld [smem:$0x3FFC];
	_ =	sdelay $0x3  }
0x94: {  	_ =	strace s2  }
0x95: {  	s2 =	sld [smem:$0x3FFD];
	_ =	sdelay $0x3  }
0x96: {  	_ =	strace s2  }
0x97: {  	_ =	strace $0x8FFFFFFF  }
0x98: {  	s18 =	sld [smem:$0x3FDB];
	_ =	sdelay $0x1  }
0x99: {  	s19 =	simm.s32 $_scs_section_size  }
0x9a: {  	s4 =	simm.s32 $_size__tile_overlayer_lowered;
	s5 =	simm.s32 $_tile_overlayer_lowered  }
0x9b: {  	s22 =	simm.s32 $0x1BFF;
	s21 =	sshll.u32 s5, $0x1;
	s2 =	sadd.s32 s19, s18  }
0x9c: {  	s6 =	simm.s32 $0x0;
	s20 =	sshll.u32 s4, $0x1;
	s4 =	sadd.s32 s21, s2  }
0x9d: {  	[timem:s6], [sflag:s22] =	dma.local [hbm:s4], s20  }
0x9e: {  	_ =	swait.ge [sflag:s22], s20  }
0x9f: {  	s3 =	ssub.s32 $0x0, s20;
	[sflag:s22] =	ssyncset.done $0x0  }
0xa0: {  	[sflag:s22] =	ssyncadd.s32 s3;
	_ =	sdelay $0x1  }
0xa1: {  	s23 =	simm.s32 $0x1B8B  }
0xa2: {  	_ =	swait.ge [sflag:s23], $0x1  }
0xa3: {  	[sflag:s23] =	ssyncset.done $0x0  }
0xa4: {  	s25 =	simm.s32 $0x1B8E;
	s24 =	sld [smem:$0x3FFE];
	[sflag:s23] =	ssyncadd.s32 $0xFFFFFFFF  }
0xa5: {  	s26 =	simm.s32 $execute0_lowered;
	[smem:$0x3FD2] =	sst s25  }
0xa6: {  	s4 =	sshll.u32 s26, $0x1;
	_ =	strace $0x80000049;
	[dreg:$0x1] =	wrdreg $0xFFFFFFFF  }
0xa7: {  	s28 =	simm.s32 $_size_execute0_lowered;
	s2 =	sadd.s32 s2, s4;
	[dreg:$0x0] =	wrdreg $0x0  }
0xa8: {  	s4 =	sshll.u32 s28, $0x1;
	[dreg:$0x2] =	wrdreg s2  }
0xa9: {  	[dreg:$0x3] =	wrdreg s4  }
0xaa: {  	[dreg:$0x4] =	wrdreg $0xC0  }
0xab: {  	_ =	task [dreg:s6], $0x5FFFF  }
0xac: {  	[dreg:$0x1] =	wrdreg $0xFFFFFFFF  }
0xad: {  	[dreg:$0x0] =	wrdreg $0x60  }
0xae: {  	[dreg:$0x2] =	wrdreg s24  }
0xaf: {  	[dreg:$0x3] =	wrdreg $0xA4000  }
0xb0: {  	[dreg:$0x4] =	wrdreg $0x9  }
0xb1: {  	_ =	task.clear_ibuf [dreg:s6], $0x5FFFF;
	_ =	strace $0x90000049  }
0xb2: {  	s29 =	simm.s32 $0x9;
	_ =	strace $0x8000004B  }
0xb3: {  	_ =	swait.ge [sflag:s29], $0x1  }
0xb4: {  	[sflag:s29] =	ssyncadd.s32 $0xFFFFFFFF  }
0xb5: {  	_ =	strace $0x9000004B  }
0xb6: {  	_ =	sfence  }
0xb7: {  	s30 =	sld [smem:$0x0];
	_ =	sdelay $0x2  }
0xb8: {  	s31 =	sshll.u32 s1, $0xD;
	s1 =	sshrl.u32 s1, $0x2  }
0xb9: {  	s3 =	sand.u32 $0x4000, s31;
	s1 =	sadd.s32 s1, s30  }
0xba: {  	s0 =	sor.u32 s3, s0;
	s1 =	sshll.u32 s1, $0x11  }
0xbb: {  	s0 =	sor.u32 s1, s0  }
0xbc: {  	s0 =	sadd.s32 $0x8F2B, s0  }
0xbd: {  	[sflag:s0] =	ssyncadd.remote.s32 $0x1  }
0xbe: {  	_ =	sfence.sel $0xFFFF  }
0xbf: {  	[dreg:$0x0] =	wrdreg $0xFFFFFFFF;
	(pc) =	sbr.abs _section_cstart, $3  }
0xc0: {  	[dreg:$0x1] =	wrdreg $0xFFFFFFFF  }
0xc1: {  	_ =	task.clear_ibuf [dreg:s6], $0x2FFFF;
	_ =	strace $0x9FFFFFFF  }
0xc2: {  	(tm) =	ssettm $0x7FFFFFFF  }
0xc3: {  	_ =	shalt  }
tec
execute0_lowered:
.L_overlay_start_1:
0x0: {  	(tag) =	ssettag $0x1  }
0x1: {  	s0 =	rddreg [dreg:$0x0]  }
0x2: {  	s1 =	rddreg [dreg:$0x1];
	s3 =	simm.s32 $0x0;
	s14 =	stileid.u32  }
0x3: {  	s7 =	srdreg.scid;
	s28 =	simm.s32 $0x50;
	s29 =	simm.s32 $0x400  }
0x4: {  	s30 =	simm.s32 $0x5;
	s31 =	simm.s32 $0x9;
	[smem:$0x7FF] =	sst s3  }
0x5: {  	s4 =	sadd.s32 $0x3F600, s0;
	s2 =	smul.u32 $0x2700, s14;
	s5 =	sadd.s32 $0xE600, s0  }
0x6: {  	s6 =	sadd.s32 $0x4800, s0;
	s7 =	sand.u32 $0x1, s7;
	s10 =	smul.u32 $0x4E000, s14  }
0x7: {  	s11 =	sadd.s32 $0x66800, s0;
	s22 =	sshll.u32 s14, $0x6;
	s24 =	sadd.s32 $0x138000, s1  }
0x8: {  	s19 =	smul.u32 $0x2710, s14;
	p0 =	sne.s32 s14, $0xF;
	_ =	strace $0x8000004A  }
0x9: {  	s9 =	sshll.u32 s7, $0x4;
	s12 =	ssub.s32 $0x2, s7;
	s16 =	smul.u32 $0x27100, s7  }
0xa: {  	s22 =	sor.u32 $0x1C0D, s22;
	[dreg:$0x6] =	wrdreg s24;
	s7 =	smul.u32 $0x138800, s7  }
0xb: {  	s24 =	simm.s32 $0xD;
	s8 =	sadd.s32 s2, s0;
	s9 =	sor.u32 s14, s9  }
0xc: {  	s13 =	sshrl.u32 s12, $0x1;
	s10 =	sshrl.u32 s10, $0x2;
	s0 =	sadd.s32 $0x3F400, s0  }
0xd: {  	s14 =	simm.s32 $0x180;
	[dreg:$0x5] =	wrdreg s22;
	s9 =	smul.u32 $0x2710, s9  }
0xe: {  	s12 =	ssub.s32 s12, s13;
	s10 =	sadd.s32 s10, s1;
	[dreg:$0x7] =	wrdreg s0  }
0xf: {  	s8 =	sadd.s32 $0x18400, s8;
	s2 =	sadd.s32 s2, s16;
	[dreg:$0x3] =	wrdreg s10  }
0x10: {  	s7 =	sshrl.u32 s7, $0x3;
	[dreg:$0x4] =	wrdreg s8;
	s2 =	sadd.s32 s11, s2  }
0x11: {  	s20 =	sadd.s32 s11, s7;
	s21 =	smax.u32 s12, $0x1;
	s7 =	simm.s32 $0x100  }
0x12: {  	s11 =	simm.s32 $0x2C00;
	s12 =	simm.s32 $0x3;
	[dreg:$0x10] =	wrdreg s2  }
0x13: {  	s23 =	sshrl.u32 s9, $0x3;
	s2 =	sadd.s32 $0x27000, s20;
	[dreg:$0x12] =	wrdreg s21  }
0x14: {  	s25 =	sadd.s32 $0xA, s23;
	s26 =	sadd.s32 s5, s23;
	[dreg:$0x11] =	wrdreg s2  }
0x15: {  	s10 =	sadd.s32 s6, s23;
	s15 =	sadd.s32 $0x14, s23;
	[dreg:$0x8] =	wrdreg s26  }
0x16: {  	s8 =	sadd.s32 $0x1E, s23;
	s23 =	simm.s32 $0x0;
	[dreg:$0x9] =	wrdreg s10  }
0x17: {  	s20 =	simm.s32 $0x8;
	s13 =	sadd.s32 s5, s25;
	[dreg:$0x14] =	wrdreg s23  }
0x18: {  	s21 =	simm.s32 $0xA;
	s0 =	sadd.s32 s6, s25;
	[dreg:$0xa] =	wrdreg s13  }
0x19: {  	s2 =	simm.s32 $0x280;
	s17 =	sadd.s32 s5, s15;
	[dreg:$0xb] =	wrdreg s0  }
0x1a: {  	s18 =	sadd.s32 s5, s8;
	s8 =	sadd.s32 s6, s8;
	[dreg:$0xc] =	wrdreg s17  }
0x1b: {  	s25 =	simm.s32 $0x200;
	s26 =	simm.s32 $0x1;
	[dreg:$0xe] =	wrdreg s18  }
0x1c: {  	s10 =	simm.s32 $0x2;
	s0 =	sadd.s32 s6, s15;
	[dreg:$0xf] =	wrdreg s8  }
0x1d: {  	s8 =	simm.s32 $0x300;
	s13 =	simm.s32 $0x5400;
	s15 =	simm.s32 $0x380  }
0x1e: {  	s17 =	simm.s32 $0x4;
	[dreg:$0xd] =	wrdreg s0;
	s0 =	sadd.s32 s19, s16  }
0x1f: {  	s18 =	simm.s32 $0x7C00;
	s16 =	simm.s32 $0x6;
	s0 =	sadd.s32 $0x230, s0  }
0x20: {  	s19 =	simm.s32 $0x7;
	[dreg:$0x13] =	wrdreg s0;
	s0 =	simm.s32 $0x80  }
.LBB2_1:
0x21: {  	s9 =	rddreg [dreg:$0x3]  }
0x22: {  	s23 =	sshrl.u32 s9, $0x3;
	s9 =	rddreg [dreg:$0x4]  }
0x23: {  	[dreg:$0x15] =	wrdreg s23  }
0x24: {  	[spmem:s23], [sflag:s22] =	dma.local [hbm:s9], $0x2700  }
0x25: {  	_ =	swait.ge [sflag:s24], $0x2700  }
0x26: {  	s9 =	rddreg [dreg:$0x6]  }
0x27: {  	[sflag:s24] =	ssyncset.done $0x0;
	s23 =	sshrl.u32 @!p0 s9, $0x3;
	s9 =	rddreg [dreg:$0x7]  }
0x28: {  	[sflag:s24] =	ssyncadd.s32 $0xFFFFD900;
	[dreg:$0x16] =	wrdreg s23  }
0x29: {  	[spmem:s23], [sflag:s22] =	dma.local @!p0 [hbm:s9], $0x100  }
0x2a: {  	s9 =	simm.s32 @!p0 $0xD  }
0x2b: {  	_ =	swait.ge @!p0 [sflag:s9], $0x100  }
0x2c: {  	[sflag:s9] =	ssyncset.done @!p0 $0x0  }
0x2d: {  	[sflag:s9] =	ssyncadd.s32 @!p0 $0xFFFFFF00  }
0x2e: {  	[bflag:$0x0] =	sbarrier.arrive $0xFFFF  }
0x2f: {  	s23 =	rddreg [dreg:$0x8]  }
0x30: {  	[tilespmem:s3], [sflag:$0x1] =	stream.linear.gather [hbm4b:s23+s3], $0x50, $0x38;
	[tilespmem:$0x1DC80] =	vst v63  }
0x31: {  	s24 =	rddreg [dreg:$0x9]  }
0x32: {  	[tilespmem:s25], [sflag:$0x1] =	stream.linear.gather [hbm4b:s24+s3], $0x50, $0x38;
	[tilespmem:$0x1DC80] =	vst v63  }
0x33: {  	_ =	swait.ge [sflag:s26], $0x50  }
0x34: {  	[sflag:s26] =	ssyncset.done $0x0  }
0x35: {  	[sflag:s26] =	ssyncadd.s32 $0xFFFFFFB0  }
0x36: {  	_ =	swait.ge [sflag:s26], $0x50  }
0x37: {  	[sflag:s26] =	ssyncset.done $0x0  }
0x38: {  	[sflag:s26] =	ssyncadd.s32 $0xFFFFFFB0  }
0x39: {  	[tilespmem:s29], [sflag:$0x5] =	stream.indirect.gather [hbm4b:s4+s28], $0x80, s3, s28, $0xb8;
	[tilespmem:$0x1DC80] =	vst v63  }
0x3a: {  	_ =	swait.ge [sflag:s30], $0x2800  }
0x3b: {  	[sflag:s30] =	ssyncset.done $0x0  }
0x3c: {  	[sflag:s30] =	ssyncadd.s32 $0xFFFFD800  }
0x3d: {  	[spmem:s1] =	stream.indirect.scatter.add.f32 [tilespmem:s29], [sflag:$0x9], $0x80, s25, s28, $0xb8;
	[tilespmem:$0x1DC80] =	vst v63  }
0x3e: {  	_ =	swait.ge [sflag:s31], $0x2800  }
0x3f: {  	[sflag:s31] =	ssyncset.done $0x0  }
0x40: {  	s22 =	rddreg [dreg:$0xa];
	[sflag:s31] =	ssyncadd.s32 $0xFFFFD800  }
0x41: {  	[tilespmem:s3], [sflag:$0x1] =	stream.linear.gather [hbm4b:s22+s3], $0x50, $0x38;
	[tilespmem:$0x1DC80] =	vst v63  }
0x42: {  	s23 =	rddreg [dreg:$0xb]  }
0x43: {  	[tilespmem:s25], [sflag:$0x1] =	stream.linear.gather [hbm4b:s23+s3], $0x50, $0x38;
	[tilespmem:$0x1DC80] =	vst v63  }
0x44: {  	s24 =	rddreg [dreg:$0xc]  }
0x45: {  	[tilespmem:s0], [sflag:$0x2] =	stream.linear.gather [hbm4b:s24+s3], $0x50, $0x38;
	[tilespmem:$0x1DC80] =	vst v63  }
0x46: {  	s22 =	rddreg [dreg:$0xd]  }
0x47: {  	[tilespmem:s2], [sflag:$0x2] =	stream.linear.gather [hbm4b:s22+s3], $0x50, $0x38;
	[tilespmem:$0x1DC80] =	vst v63  }
0x48: {  	s23 =	rddreg [dreg:$0xe]  }
0x49: {  	[tilespmem:s7], [sflag:$0x3] =	stream.linear.gather [hbm4b:s23+s3], $0x50, $0x38;
	[tilespmem:$0x1DC80] =	vst v63  }
0x4a: {  	s24 =	rddreg [dreg:$0xf]  }
0x4b: {  	[tilespmem:s8], [sflag:$0x3] =	stream.linear.gather [hbm4b:s24+s3], $0x50, $0x38;
	[tilespmem:$0x1DC80] =	vst v63  }
0x4c: {  	_ =	swait.ge [sflag:s26], $0x50  }
0x4d: {  	[sflag:s26] =	ssyncset.done $0x0  }
0x4e: {  	[sflag:s26] =	ssyncadd.s32 $0xFFFFFFB0  }
0x4f: {  	_ =	swait.ge [sflag:s26], $0x50  }
0x50: {  	[sflag:s26] =	ssyncset.done $0x0  }
0x51: {  	[sflag:s26] =	ssyncadd.s32 $0xFFFFFFB0  }
0x52: {  	[tilespmem:s29], [sflag:$0x5] =	stream.indirect.gather [hbm4b:s4+s28], $0x80, s3, s28, $0xb8;
	[tilespmem:$0x1DC80] =	vst v63  }
0x53: {  	_ =	swait.ge [sflag:s10], $0x50  }
0x54: {  	[sflag:s10] =	ssyncset.done $0x0  }
.Ltmp0:
0x55: {  	[sflag:s10] =	ssyncadd.s32 $0xFFFFFFB0;
	(pc) =	sbr.rel .LBB2_2-.Ltmp0, $4  }
0x56: {  	_ =	swait.ge [sflag:s10], $0x50  }
0x57: {  	[sflag:s10] =	ssyncset.done $0x0  }
0x58: {  	s24 =	simm.s32 $0x1E;
	s9 =	rddreg [dreg:$0x13];
	[sflag:s10] =	ssyncadd.s32 $0xFFFFFFB0  }
0x59: {  	[tilespmem:s11], [sflag:$0x6] =	stream.indirect.gather [hbm4b:s4+s28], $0x80, s0, s28, $0xb8;
	[tilespmem:$0x1DC80] =	vst v63  }
.LBB2_3:
0x5a: {  	[tilespmem:s18], [sflag:$0x8] =	stream.indirect.gather [hbm4b:s4+s28], $0x80, s14, s28, $0xb8;
	[tilespmem:$0x1DC80] =	vst v63  }
.LBB2_5:
0x5b: {  	s22 =	sadd.s32 $0xFFFFFF60, s9  }
0x5c: {  	s22 =	sshrl.u32 s22, $0x3  }
0x5d: {  	s23 =	sadd.s32 s5, s22  }
0x5e: {  	[tilespmem:s3], [sflag:$0x1] =	stream.linear.gather [hbm4b:s23+s3], $0x50, $0x38;
	[tilespmem:$0x1DC80] =	vst v63  }
0x5f: {  	s22 =	sadd.s32 s6, s22  }
0x60: {  	[tilespmem:s25], [sflag:$0x1] =	stream.linear.gather [hbm4b:s22+s3], $0x50, $0x38;
	[tilespmem:$0x1DC80] =	vst v63  }
0x61: {  	_ =	swait.ge [sflag:s19], $0x2800  }
0x62: {  	[sflag:s19] =	ssyncset.done $0x0  }
0x63: {  	[sflag:s19] =	ssyncadd.s32 $0xFFFFD800  }
0x64: {  	[spmem:s1] =	stream.indirect.scatter.add.f32 [tilespmem:s13], [sflag:$0xB], $0x80, s8, s28, $0xb8;
	[tilespmem:$0x1DC80] =	vst v63  }
0x65: {  	_ =	swait.ge [sflag:s26], $0x50  }
0x66: {  	[sflag:s26] =	ssyncset.done $0x0  }
0x67: {  	[sflag:s26] =	ssyncadd.s32 $0xFFFFFFB0  }
0x68: {  	_ =	swait.ge [sflag:s26], $0x50  }
0x69: {  	[sflag:s26] =	ssyncset.done $0x0  }
0x6a: {  	[sflag:s26] =	ssyncadd.s32 $0xFFFFFFB0  }
0x6b: {  	_ =	swait.ge [sflag:s31], $0x2800  }
0x6c: {  	s23 =	sadd.s32 $0xFFFFFFB0, s9;
	[sflag:s31] =	ssyncset.done $0x0  }
0x6d: {  	s22 =	sshrl.u32 s23, $0x3;
	[sflag:s31] =	ssyncadd.s32 $0xFFFFD800  }
0x6e: {  	[tilespmem:s29], [sflag:$0x5] =	stream.indirect.gather [hbm4b:s4+s28], $0x80, s3, s28, $0xb8;
	[tilespmem:$0x1DC80] =	vst v63  }
0x6f: {  	s23 =	sadd.s32 s5, s22  }
0x70: {  	[tilespmem:s0], [sflag:$0x2] =	stream.linear.gather [hbm4b:s23+s3], $0x50, $0x38;
	[tilespmem:$0x1DC80] =	vst v63  }
0x71: {  	s22 =	sadd.s32 s6, s22  }
0x72: {  	[tilespmem:s2], [sflag:$0x2] =	stream.linear.gather [hbm4b:s22+s3], $0x50, $0x38;
	[tilespmem:$0x1DC80] =	vst v63  }
0x73: {  	_ =	swait.ge [sflag:s20], $0x2800  }
0x74: {  	[sflag:s20] =	ssyncset.done $0x0  }
0x75: {  	[sflag:s20] =	ssyncadd.s32 $0xFFFFD800  }
0x76: {  	[spmem:s1] =	stream.indirect.scatter.add.f32 [tilespmem:s18], [sflag:$0xC], $0x80, s15, s28, $0xb8;
	[tilespmem:$0x1DC80] =	vst v63  }
0x77: {  	_ =	swait.ge [sflag:s10], $0x50  }
0x78: {  	[sflag:s10] =	ssyncset.done $0x0  }
0x79: {  	[sflag:s10] =	ssyncadd.s32 $0xFFFFFFB0  }
0x7a: {  	_ =	swait.ge [sflag:s10], $0x50  }
0x7b: {  	[sflag:s10] =	ssyncset.done $0x0  }
0x7c: {  	[sflag:s10] =	ssyncadd.s32 $0xFFFFFFB0  }
0x7d: {  	_ =	swait.ge [sflag:s21], $0x2800  }
0x7e: {  	[sflag:s21] =	ssyncset.done $0x0  }
0x7f: {  	s22 =	sshrl.u32 s9, $0x3;
	[sflag:s21] =	ssyncadd.s32 $0xFFFFD800  }
0x80: {  	[tilespmem:s11], [sflag:$0x6] =	stream.indirect.gather [hbm4b:s4+s28], $0x80, s0, s28, $0xb8;
	[tilespmem:$0x1DC80] =	vst v63  }
0x81: {  	s23 =	sadd.s32 s5, s22  }
0x82: {  	[tilespmem:s7], [sflag:$0x3] =	stream.linear.gather [hbm4b:s23+s3], $0x50, $0x38;
	[tilespmem:$0x1DC80] =	vst v63  }
0x83: {  	s24 =	sadd.s32 $0xFFFFFFFF, s24;
	s9 =	sadd.s32 $0x140, s9;
	s22 =	sadd.s32 s6, s22  }
0x84: {  	[tilespmem:s8], [sflag:$0x3] =	stream.linear.gather [hbm4b:s22+s3], $0x50, $0x38;
	[tilespmem:$0x1DC80] =	vst v63  }
.LBB2_2:
0x85: {  	_ =	swait.ge [sflag:s30], $0x2800  }
0x86: {  	[sflag:s30] =	ssyncset.done $0x0  }
0x87: {  	[sflag:s30] =	ssyncadd.s32 $0xFFFFD800  }
0x88: {  	[spmem:s1] =	stream.indirect.scatter.add.f32 [tilespmem:s29], [sflag:$0x9], $0x80, s25, s28, $0xb8;
	[tilespmem:$0x1DC80] =	vst v63  }
0x89: {  	_ =	swait.ge [sflag:s12], $0x50  }
0x8a: {  	[sflag:s12] =	ssyncset.done $0x0  }
0x8b: {  	[sflag:s12] =	ssyncadd.s32 $0xFFFFFFB0  }
0x8c: {  	_ =	swait.ge [sflag:s12], $0x50  }
0x8d: {  	p1 =	seq.s32 s24, $0x1E;
	[sflag:s12] =	ssyncset.done $0x0  }
0x8e: {  	s23 =	simm.s32 @!p1 $0xB;
	[sflag:s12] =	ssyncadd.s32 $0xFFFFFFB0  }
0x8f: {  	_ =	swait.ge @!p1 [sflag:s23], $0x2800  }
0x90: {  	s22 =	sadd.s32 $0xFFFFFF10, s9;
	[sflag:s23] =	ssyncset.done @!p1 $0x0  }
0x91: {  	[sflag:s23] =	ssyncadd.s32 @!p1 $0xFFFFD800;
	s23 =	sshrl.u32 s22, $0x3  }
0x92: {  	[tilespmem:s13], [sflag:$0x7] =	stream.indirect.gather [hbm4b:s4+s28], $0x80, s7, s28, $0xb8;
	[tilespmem:$0x1DC80] =	vst v63  }
0x93: {  	s22 =	sadd.s32 s5, s23  }
0x94: {  	[tilespmem:s14], [sflag:$0x4] =	stream.linear.gather [hbm4b:s22+s3], $0x50, $0x38;
	[tilespmem:$0x1DC80] =	vst v63  }
0x95: {  	s23 =	sadd.s32 s6, s23  }
0x96: {  	[tilespmem:s15], [sflag:$0x4] =	stream.linear.gather [hbm4b:s23+s3], $0x50, $0x38;
	[tilespmem:$0x1DC80] =	vst v63  }
0x97: {  	_ =	swait.ge [sflag:s16], $0x2800  }
0x98: {  	[sflag:s16] =	ssyncset.done $0x0  }
0x99: {  	[sflag:s16] =	ssyncadd.s32 $0xFFFFD800  }
0x9a: {  	[spmem:s1] =	stream.indirect.scatter.add.f32 [tilespmem:s11], [sflag:$0xA], $0x80, s2, s28, $0xb8;
	[tilespmem:$0x1DC80] =	vst v63  }
0x9b: {  	p1 =	sne.s32 s24, $0x1E;
	_ =	swait.ge [sflag:s17], $0x50  }
.Ltmp1:
0x9c: {  	[sflag:s17] =	ssyncset.done $0x0;
	(pc) =	sbr.rel @!p1 .LBB2_3-.Ltmp1, $4  }
0x9d: {  	[sflag:s17] =	ssyncadd.s32 $0xFFFFFFB0  }
0x9e: {  	_ =	swait.ge [sflag:s17], $0x50  }
0x9f: {  	[sflag:s17] =	ssyncset.done $0x0  }
0xa0: {  	[sflag:s17] =	ssyncadd.s32 $0xFFFFFFB0  }
0xa1: {  	p1 =	seq.s32 s24, $0x0  }
.Ltmp2:
0xa2: {  	s22 =	simm.s32 $0xC;
	(pc) =	sbr.rel @!p1 .LBB2_5-.Ltmp2, $4  }
0xa3: {  	_ =	swait.ge [sflag:s22], $0x2800  }
0xa4: {  	[sflag:s22] =	ssyncset.done $0x0  }
0xa5: {  	[sflag:s22] =	ssyncadd.s32 $0xFFFFD800  }
0xa6: {  	[tilespmem:s18], [sflag:$0x8] =	stream.indirect.gather [hbm4b:s4+s28], $0x80, s14, s28, $0xb8;
	[tilespmem:$0x1DC80] =	vst v63  }
0xa7: {  	_ =	swait.ge [sflag:s19], $0x2800  }
0xa8: {  	[sflag:s19] =	ssyncset.done $0x0  }
0xa9: {  	[sflag:s19] =	ssyncadd.s32 $0xFFFFD800  }
0xaa: {  	[spmem:s1] =	stream.indirect.scatter.add.f32 [tilespmem:s13], [sflag:$0xB], $0x80, s8, s28, $0xb8;
	[tilespmem:$0x1DC80] =	vst v63  }
0xab: {  	_ =	swait.ge [sflag:s20], $0x2800  }
0xac: {  	[sflag:s20] =	ssyncset.done $0x0  }
0xad: {  	[sflag:s20] =	ssyncadd.s32 $0xFFFFD800  }
0xae: {  	[spmem:s1] =	stream.indirect.scatter.add.f32 [tilespmem:s18], [sflag:$0xC], $0x80, s15, s28, $0xb8;
	[tilespmem:$0x1DC80] =	vst v63  }
0xaf: {  	_ =	swait.ge [sflag:s31], $0x2800  }
0xb0: {  	[sflag:s31] =	ssyncset.done $0x0  }
0xb1: {  	[sflag:s31] =	ssyncadd.s32 $0xFFFFD800  }
0xb2: {  	_ =	swait.ge [sflag:s21], $0x2800  }
0xb3: {  	[sflag:s21] =	ssyncset.done $0x0  }
0xb4: {  	s9 =	simm.s32 $0xB;
	[sflag:s21] =	ssyncadd.s32 $0xFFFFD800  }
0xb5: {  	_ =	swait.ge [sflag:s9], $0x2800  }
0xb6: {  	[sflag:s9] =	ssyncset.done $0x0  }
0xb7: {  	s23 =	simm.s32 $0xC;
	[sflag:s9] =	ssyncadd.s32 $0xFFFFD800  }
0xb8: {  	_ =	swait.ge [sflag:s23], $0x2800  }
0xb9: {  	[sflag:s23] =	ssyncset.done $0x0  }
0xba: {  	[sflag:s23] =	ssyncadd.s32 $0xFFFFD800  }
0xbb: {  	[bflag:$0x0] =	sbarrier.arrive $0xFFFF  }
0xbc: {  	s22 =	rddreg [dreg:$0x5]  }
0xbd: {  	s24 =	rddreg [dreg:$0x10]  }
0xbe: {  	s23 =	rddreg [dreg:$0x15]  }
0xbf: {  	[hbm:s24], [sflag:s22] =	dma.local [spmem:s23], $0x2700  }
0xc0: {  	s24 =	simm.s32 $0xD  }
0xc1: {  	_ =	swait.ge [sflag:s24], $0x2700  }
0xc2: {  	[sflag:s24] =	ssyncset.done $0x0;
	s9 =	rddreg [dreg:$0x11]  }
0xc3: {  	s23 =	rddreg [dreg:$0x16];
	[sflag:s24] =	ssyncadd.s32 $0xFFFFD900  }
0xc4: {  	[hbm:s9], [sflag:s22] =	dma.local @!p0 [spmem:s23], $0x100  }
0xc5: {  	s23 =	simm.s32 @!p0 $0xD  }
0xc6: {  	_ =	swait.ge @!p0 [sflag:s23], $0x100  }
0xc7: {  	s9 =	rddreg [dreg:$0x14]  }
0xc8: {  	[sflag:s23] =	ssyncset.done @!p0 $0x0;
	s23 =	rddreg [dreg:$0x12];
	s9 =	sadd.s32 $0x1, s9  }
0xc9: {  	p1 =	sne.s32 s9, s23  }
.Ltmp3:
0xca: {  	_ = 	snop;
	(pc) =	sbr.rel @p1 .LBB2_1-.Ltmp3, $3  }
0xcb: {  	_ =	sdelay $0x1  }
0xcc: {  	[dreg:$0x14] =	wrdreg s9;
	s9 =	simm.s32 @!p0 $0xD  }
0xcd: {  	[sflag:s9] =	ssyncadd.s32 @!p0 $0xFFFFFF00  }
0xce: {  	_ =	sfence.sel $0x180000  }
0xcf: {  	[bflag:$0x0] =	sbarrier.arrive $0xFFFF  }
0xd0: {  	_ =	strace $0x9000004A  }
0xd1: {  	s0 =	stileid.u32;
	[bflag:$0x2] =	sbarrier.arrive $0xFFFF  }
0xd2: {  	p0 =	sne.s32 s0, $0x0;
	s0 =	rddreg [dreg:$0x2]  }
0xd3: {  	s0 =	sadd.s32 @!p0 $0x100000, s0  }
0xd4: {  	[sflag:s0] =	ssyncadd.tile.s32 @!p0 $0x1;
	_ =	shalt  }
.Lfunc_end2:
_tile_overlayer_lowered:
.L_overlay_start_2:
0xd5: {  	(tag) =	ssettag $0x2  }
0xd6: {  	s0 =	rddreg [dreg:$0x0];
	s2 =	stileid.u32  }
0xd7: {  	s1 =	rddreg [dreg:$0x1];
	p0 =	sne.s32 s2, $0x0  }
0xd8: {  	s3 =	rddreg [dreg:$0x2];
	[bflag:$0x3] =	sbarrier.arrive $0xFFFF;
	s2 =	simm.s32 @!p0 $0x1C0D  }
0xd9: {  	[timem:s3], [sflag:s2] =	dma.local @!p0 [hbm:s0], s1  }
0xda: {  	s0 =	simm.s32 @!p0 $0xD  }
0xdb: {  	_ =	swait.ge @!p0 [sflag:s0], s1  }
0xdc: {  	s1 =	ssub.s32 @!p0 $0x0, s1;
	[sflag:s0] =	ssyncset.done @!p0 $0x0  }
0xdd: {  	[sflag:s0] =	ssyncadd.s32 @!p0 s1  }
0xde: {  	[bflag:$0x3] =	sbarrier.arrive $0xFFFF  }
0xdf: {  	_ =	shalt  }

// kernel: kernel.14.cloned.1.call-start
scs
__scs_entry_jumppad:
0x0: {  	(pc) =	sbr.rel $0x88, $3  }
0x1: {  	(tag) =	ssettag $0x0;
	lr =	simm.s32 $0x1  }
0x2: {  	[smem:$0x3F85] =	sst lr;
	_ =	strace $0xD0000000  }
0x3: {  	_ = 	snop  }
0x4: {  	_ = 	snop  }
0x5: {  	_ = 	snop  }
0x6: {  	_ = 	snop  }
0x7: {  	_ = 	snop  }
__scs_overlays_trampoline_lowered:
0x8: {  	[smem:$0x3F94] =	sst s0  }
0x9: {  	[smem:$0x3F95] =	sst s1  }
0xa: {  	[smem:$0x3F96] =	sst s2  }
0xb: {  	[smem:$0x3F97] =	sst s3  }
0xc: {  	[smem:$0x3F98] =	sst s4  }
0xd: {  	[smem:$0x3F99] =	sst s5  }
0xe: {  	[smem:$0x3F9A] =	sst s6  }
0xf: {  	[smem:$0x3F9B] =	sst s7  }
0x10: {  	[smem:$0x3F9C] =	sst s8  }
0x11: {  	[smem:$0x3F9D] =	sst s9;
	s0 =	simm.s32 @!p0 $0x0  }
0x12: {  	s1 =	sld [smem:$0x3F83];
	s0 =	simm.s32 @p0 $0x1  }
0x13: {  	[smem:$0x3F9E] =	sst s0;
	s0 =	simm.s32 @!p1 $0x0  }
0x14: {  	s2 =	sld [smem:$0x3F82];
	s0 =	simm.s32 @p1 $0x1  }
0x15: {  	[smem:$0x3F9F] =	sst s0;
	s0 =	simm.s32 @!p2 $0x0  }
0x16: {  	s3 =	sld [smem:$0x3FDB];
	s0 =	simm.s32 @p2 $0x1  }
0x17: {  	s4 =	simm.s32 $0x1BF5;
	[smem:$0x3FA1] =	sst s0  }
0x18: {  	s0 =	sld [smem:$0x3F84];
	_ =	swait.ge [sflag:s4], $0x0  }
0x19: {  	s7 =	sld [smem:$0x3F85]  }
0x1a: {  	s8 =	sadd.s32 $0xFFFFE003, lr  }
0x1b: {  	s9 =	sadd.s32 $0xFFFFFEF7, lr;
	s5 =	simm.s32 $0xFFFFFFFF;
	p2 =	slt.u32 s8, $0xFFFFF086  }
0x1c: {  	p1 =	slt.u32 s9, $0xF7A;
	s5 =	simm.s32 @!p2 $0x0  }
0x1d: {  	s5 =	simm.s32 @p1 $0x1;
	p0 =	seq.s32 s7, s2  }
0x1e: {  	s7 =	smul.u32 @!p0 $0xF7A, s2;
	p2 =	seq.s32 @!p0 s5, $0x0  }
0x1f: {  	s9 =	smul.u32 $0xF7A, s1;
	s8 =	simm.s32 @!p0 $0x1BF5;
	p2 =	por !p2, p0  }
0x20: {  	[sflag:s8] =	ssyncset.s32 @!p0 $0xFFFFF086;
	s6 =	sadd.s32 @!p0 s3, s7;
	s7 =	simm.s32 @!p0 $0x108  }
0x21: {  	s3 =	sadd.s32 s3, s9;
	s6 =	sadd.s32 @!p0 $0x88, s6;
	s7 =	simm.s32 @p2 $0x1082  }
0x22: {  	[simem:s7], [sflag:s8] =	dma.local @!p0 [hbm:s6], $0xF7A  }
0x23: {  	s9 =	sor.u32 $0xD0000000, s2;
	s6 =	simm.s32 $0x108;
	_ =	swait.ge @!p0 [sflag:s8], $0x0  }
0x24: {  	s3 =	sadd.s32 $0x88, s3;
	s6 =	simm.s32 @!p1 $0x1082;
	[sflag:s4] =	ssyncset.s32 $0xFFFFF086  }
0x25: {  	[simem:s6], [sflag:s4] =	dma.local [hbm:s3], $0xF7A  }
0x26: {  	[smem:$0x3F85] =	sst s1;
	(tag) =	ssettag s2;
	_ =	strace s9  }
0x27: {  	s1 =	sld [smem:$0x3F95]  }
0x28: {  	s2 =	sld [smem:$0x3F96]  }
0x29: {  	s4 =	sld [smem:$0x3F98]  }
0x2a: {  	p0 =	seq.s32 s5, $0x0;
	s5 =	sld [smem:$0x3F99]  }
0x2b: {  	s6 =	sld [smem:$0x3F9A]  }
0x2c: {  	s7 =	sld [smem:$0x3F9B]  }
0x2d: {  	s3 =	simm.s32 $0x108;
	s8 =	sld [smem:$0x3F9C]  }
0x2e: {  	s3 =	simm.s32 @!p0 $0x1082;
	s9 =	sld [smem:$0x3F9D]  }
0x2f: {  	lr =	sadd.s32 s0, s3;
	s0 =	sld [smem:$0x3F94]  }
0x30: {  	s3 =	sld [smem:$0x3F97]  }
0x31: {  	[smem:$0x3FA0] =	sst s10  }
0x32: {  	s10 =	sld [smem:$0x3F9E];
	_ =	sdelay $0x3  }
0x33: {  	p0 =	seq.s32 s10, $0x1;
	s10 =	sld [smem:$0x3FA0];
	_ =	sdelay $0x3  }
0x34: {  	[smem:$0x3FA0] =	sst s10  }
0x35: {  	s10 =	sld [smem:$0x3F9F];
	_ =	sdelay $0x3  }
0x36: {  	p1 =	seq.s32 s10, $0x1;
	s10 =	sld [smem:$0x3FA0];
	_ =	sdelay $0x3  }
0x37: {  	[smem:$0x3FA0] =	sst s10  }
0x38: {  	s10 =	sld [smem:$0x3FA1]  }
0x39: {  	_ = 	snop;
	(pc) =	sbr.ind lr, $3  }
0x3a: {  	_ = 	snop  }
0x3b: {  	_ = 	snop  }
0x3c: {  	p2 =	seq.s32 s10, $0x1;
	s10 =	sld [smem:$0x3FA0]  }
0x3d: {  	_ =	shalt  }
0x3e: {  	_ =	shalt  }
0x3f: {  	_ =	shalt  }
0x40: {  	_ =	shalt  }
0x41: {  	_ =	shalt  }
0x42: {  	_ =	shalt  }
0x43: {  	_ =	shalt  }
0x44: {  	_ =	shalt  }
0x45: {  	_ =	shalt  }
0x46: {  	_ =	shalt  }
0x47: {  	_ =	shalt  }
0x48: {  	_ =	shalt  }
0x49: {  	_ =	shalt  }
0x4a: {  	_ =	shalt  }
0x4b: {  	_ =	shalt  }
0x4c: {  	_ =	shalt  }
0x4d: {  	_ =	shalt  }
0x4e: {  	_ =	shalt  }
0x4f: {  	_ =	shalt  }
0x50: {  	_ =	shalt  }
0x51: {  	_ =	shalt  }
0x52: {  	_ =	shalt  }
0x53: {  	_ =	shalt  }
0x54: {  	_ =	shalt  }
0x55: {  	_ =	shalt  }
0x56: {  	_ =	shalt  }
0x57: {  	_ =	shalt  }
0x58: {  	_ =	shalt  }
0x59: {  	_ =	shalt  }
0x5a: {  	_ =	shalt  }
0x5b: {  	_ =	shalt  }
0x5c: {  	_ =	shalt  }
0x5d: {  	_ =	shalt  }
0x5e: {  	_ =	shalt  }
0x5f: {  	_ =	shalt  }
0x60: {  	_ =	shalt  }
0x61: {  	_ =	shalt  }
0x62: {  	_ =	shalt  }
0x63: {  	_ =	shalt  }
0x64: {  	_ =	shalt  }
0x65: {  	_ =	shalt  }
0x66: {  	_ =	shalt  }
0x67: {  	_ =	shalt  }
0x68: {  	_ =	shalt  }
0x69: {  	_ =	shalt  }
0x6a: {  	_ =	shalt  }
0x6b: {  	_ =	shalt  }
0x6c: {  	_ =	shalt  }
0x6d: {  	_ =	shalt  }
0x6e: {  	_ =	shalt  }
0x6f: {  	_ =	shalt  }
0x70: {  	_ =	shalt  }
0x71: {  	_ =	shalt  }
0x72: {  	_ =	shalt  }
0x73: {  	_ =	shalt  }
0x74: {  	_ =	shalt  }
0x75: {  	_ =	shalt  }
0x76: {  	_ =	shalt  }
0x77: {  	_ =	shalt  }
0x78: {  	_ =	shalt  }
0x79: {  	_ =	shalt  }
0x7a: {  	_ =	shalt  }
0x7b: {  	_ =	shalt  }
0x7c: {  	_ =	shalt  }
0x7d: {  	_ =	shalt  }
0x7e: {  	_ =	shalt  }
0x7f: {  	_ =	shalt  }
0x80: {  	_ =	shalt  }
0x81: {  	_ =	shalt  }
0x82: {  	_ =	shalt  }
0x83: {  	_ =	shalt  }
0x84: {  	_ =	shalt  }
0x85: {  	_ =	shalt  }
0x86: {  	_ =	shalt  }
0x87: {  	_ =	shalt  }
.Lfunc_end0:
.L_simem_size_0:
called_computation.2_lowered:
.L_overlay_start_0:
0x88: {  	s2 =	sld [smem:$0x3FD9]  }
0x89: {  	s3 =	sld [smem:$0x3FFE];
	_ =	sdelay $0x1  }
0x8a: {  	s1 =	srdreg.scid  }
0x8b: {  	s0 =	sand.u32 $0x1, s1  }
0x8c: {  	s16 =	sshll.u32 s0, $0xA;
	s2 =	sadd.s32 s3, s2  }
0x8d: {  	s2 =	sadd.s32 s2, s16  }
0x8e: {  	[smem:$0x3FAC] =	sst s2  }
0x8f: {  	_ = 	snop  }
0x90: {  	(tm) =	ssettm $0x1  }
0x91: {  	s17 =	sld [smem:$0x3FFB];
	_ =	sdelay $0x3  }
0x92: {  	_ =	strace s17  }
0x93: {  	s2 =	sld [smem:$0x3FFC];
	_ =	sdelay $0x3  }
0x94: {  	_ =	strace s2  }
0x95: {  	s2 =	sld [smem:$0x3FFD];
	_ =	sdelay $0x3  }
0x96: {  	_ =	strace s2  }
0x97: {  	_ =	strace $0x8FFFFFFF  }
0x98: {  	s18 =	sld [smem:$0x3FDB];
	_ =	sdelay $0x1  }
0x99: {  	s19 =	simm.s32 $_scs_section_size  }
0x9a: {  	s4 =	simm.s32 $_size__tile_overlayer_lowered;
	s5 =	simm.s32 $_tile_overlayer_lowered  }
0x9b: {  	s22 =	simm.s32 $0x1BFF;
	s21 =	sshll.u32 s5, $0x1;
	s2 =	sadd.s32 s19, s18  }
0x9c: {  	s6 =	simm.s32 $0x0;
	s20 =	sshll.u32 s4, $0x1;
	s4 =	sadd.s32 s21, s2  }
0x9d: {  	[timem:s6], [sflag:s22] =	dma.local [hbm:s4], s20  }
0x9e: {  	_ =	swait.ge [sflag:s22], s20  }
0x9f: {  	s3 =	ssub.s32 $0x0, s20;
	[sflag:s22] =	ssyncset.done $0x0  }
0xa0: {  	[sflag:s22] =	ssyncadd.s32 s3;
	_ =	sdelay $0x1  }
0xa1: {  	s23 =	simm.s32 $0x1B8B  }
0xa2: {  	_ =	swait.ge [sflag:s23], $0x1  }
0xa3: {  	[sflag:s23] =	ssyncset.done $0x0  }
0xa4: {  	s25 =	simm.s32 $0x1B8E;
	s24 =	sld [smem:$0x3FFE];
	[sflag:s23] =	ssyncadd.s32 $0xFFFFFFFF  }
0xa5: {  	s26 =	simm.s32 $execute0_lowered;
	[smem:$0x3FD2] =	sst s25  }
0xa6: {  	s4 =	sshll.u32 s26, $0x1;
	_ =	strace $0x8000004C;
	[dreg:$0x1] =	wrdreg $0xFFFFFFFF  }
0xa7: {  	s28 =	simm.s32 $_size_execute0_lowered;
	s2 =	sadd.s32 s2, s4;
	[dreg:$0x0] =	wrdreg $0x0  }
0xa8: {  	s4 =	sshll.u32 s28, $0x1;
	[dreg:$0x2] =	wrdreg s2  }
0xa9: {  	[dreg:$0x3] =	wrdreg s4  }
0xaa: {  	[dreg:$0x4] =	wrdreg $0xC0  }
0xab: {  	_ =	task [dreg:s6], $0x5FFFF  }
0xac: {  	[dreg:$0x1] =	wrdreg $0xFFFFFFFF  }
0xad: {  	[dreg:$0x0] =	wrdreg $0x60  }
0xae: {  	[dreg:$0x2] =	wrdreg s24  }
0xaf: {  	[dreg:$0x3] =	wrdreg $0xA4000  }
0xb0: {  	[dreg:$0x4] =	wrdreg $0x9  }
0xb1: {  	_ =	task.clear_ibuf [dreg:s6], $0x5FFFF;
	_ =	strace $0x9000004C  }
0xb2: {  	s29 =	simm.s32 $0x9;
	_ =	strace $0x8000004E  }
0xb3: {  	_ =	swait.ge [sflag:s29], $0x1  }
0xb4: {  	[sflag:s29] =	ssyncadd.s32 $0xFFFFFFFF  }
0xb5: {  	_ =	strace $0x9000004E  }
0xb6: {  	_ =	sfence  }
0xb7: {  	s30 =	sld [smem:$0x0];
	_ =	sdelay $0x2  }
0xb8: {  	s31 =	sshll.u32 s1, $0xD;
	s1 =	sshrl.u32 s1, $0x2  }
0xb9: {  	s3 =	sand.u32 $0x4000, s31;
	s1 =	sadd.s32 s1, s30  }
0xba: {  	s0 =	sor.u32 s3, s0;
	s1 =	sshll.u32 s1, $0x11  }
0xbb: {  	s0 =	sor.u32 s1, s0  }
0xbc: {  	s0 =	sadd.s32 $0x8F2B, s0  }
0xbd: {  	[sflag:s0] =	ssyncadd.remote.s32 $0x1  }
0xbe: {  	_ =	sfence.sel $0xFFFF  }
0xbf: {  	[dreg:$0x0] =	wrdreg $0xFFFFFFFF;
	(pc) =	sbr.abs _section_cstart, $3  }
0xc0: {  	[dreg:$0x1] =	wrdreg $0xFFFFFFFF  }
0xc1: {  	_ =	task.clear_ibuf [dreg:s6], $0x2FFFF;
	_ =	strace $0x9FFFFFFF  }
0xc2: {  	(tm) =	ssettm $0x7FFFFFFF  }
0xc3: {  	_ =	shalt  }
tec
execute0_lowered:
.L_overlay_start_1:
0x0: {  	(tag) =	ssettag $0x1  }
0x1: {  	s0 =	rddreg [dreg:$0x0]  }
0x2: {  	s1 =	rddreg [dreg:$0x1];
	s3 =	simm.s32 $0x0;
	s14 =	stileid.u32  }
0x3: {  	s7 =	srdreg.scid;
	s28 =	simm.s32 $0x50;
	s29 =	simm.s32 $0x400  }
0x4: {  	s30 =	simm.s32 $0x5;
	s31 =	simm.s32 $0x9;
	[smem:$0x7FF] =	sst s3  }
0x5: {  	s4 =	sadd.s32 $0x3F600, s0;
	s2 =	smul.u32 $0x2700, s14;
	s5 =	sadd.s32 $0xE600, s0  }
0x6: {  	s6 =	sadd.s32 $0x4800, s0;
	s7 =	sand.u32 $0x1, s7;
	s10 =	smul.u32 $0x4E000, s14  }
0x7: {  	s11 =	sadd.s32 $0x66800, s0;
	s22 =	sshll.u32 s14, $0x6;
	s24 =	sadd.s32 $0x138000, s1  }
0x8: {  	s19 =	smul.u32 $0x2710, s14;
	p0 =	sne.s32 s14, $0xF;
	_ =	strace $0x8000004D  }
0x9: {  	s9 =	sshll.u32 s7, $0x4;
	s12 =	ssub.s32 $0x2, s7;
	s16 =	smul.u32 $0x27100, s7  }
0xa: {  	s22 =	sor.u32 $0x1C0D, s22;
	[dreg:$0x6] =	wrdreg s24;
	s7 =	smul.u32 $0x138800, s7  }
0xb: {  	s24 =	simm.s32 $0xD;
	s8 =	sadd.s32 s2, s0;
	s9 =	sor.u32 s14, s9  }
0xc: {  	s13 =	sshrl.u32 s12, $0x1;
	s10 =	sshrl.u32 s10, $0x2;
	s0 =	sadd.s32 $0x3F400, s0  }
0xd: {  	s14 =	simm.s32 $0x180;
	[dreg:$0x5] =	wrdreg s22;
	s9 =	smul.u32 $0x2710, s9  }
0xe: {  	s12 =	ssub.s32 s12, s13;
	s10 =	sadd.s32 s10, s1;
	[dreg:$0x7] =	wrdreg s0  }
0xf: {  	s8 =	sadd.s32 $0x18400, s8;
	s2 =	sadd.s32 s2, s16;
	[dreg:$0x3] =	wrdreg s10  }
0x10: {  	s7 =	sshrl.u32 s7, $0x3;
	[dreg:$0x4] =	wrdreg s8;
	s2 =	sadd.s32 s11, s2  }
0x11: {  	s20 =	sadd.s32 s11, s7;
	s21 =	smax.u32 s12, $0x1;
	s7 =	simm.s32 $0x100  }
0x12: {  	s11 =	simm.s32 $0x2C00;
	s12 =	simm.s32 $0x3;
	[dreg:$0x10] =	wrdreg s2  }
0x13: {  	s23 =	sshrl.u32 s9, $0x3;
	s2 =	sadd.s32 $0x27000, s20;
	[dreg:$0x12] =	wrdreg s21  }
0x14: {  	s25 =	sadd.s32 $0xA, s23;
	s26 =	sadd.s32 s5, s23;
	[dreg:$0x11] =	wrdreg s2  }
0x15: {  	s10 =	sadd.s32 s6, s23;
	s15 =	sadd.s32 $0x14, s23;
	[dreg:$0x8] =	wrdreg s26  }
0x16: {  	s8 =	sadd.s32 $0x1E, s23;
	s23 =	simm.s32 $0x0;
	[dreg:$0x9] =	wrdreg s10  }
0x17: {  	s20 =	simm.s32 $0x8;
	s13 =	sadd.s32 s5, s25;
	[dreg:$0x14] =	wrdreg s23  }
0x18: {  	s21 =	simm.s32 $0xA;
	s0 =	sadd.s32 s6, s25;
	[dreg:$0xa] =	wrdreg s13  }
0x19: {  	s2 =	simm.s32 $0x280;
	s17 =	sadd.s32 s5, s15;
	[dreg:$0xb] =	wrdreg s0  }
0x1a: {  	s18 =	sadd.s32 s5, s8;
	s8 =	sadd.s32 s6, s8;
	[dreg:$0xc] =	wrdreg s17  }
0x1b: {  	s25 =	simm.s32 $0x200;
	s26 =	simm.s32 $0x1;
	[dreg:$0xe] =	wrdreg s18  }
0x1c: {  	s10 =	simm.s32 $0x2;
	s0 =	sadd.s32 s6, s15;
	[dreg:$0xf] =	wrdreg s8  }
0x1d: {  	s8 =	simm.s32 $0x300;
	s13 =	simm.s32 $0x5400;
	s15 =	simm.s32 $0x380  }
0x1e: {  	s17 =	simm.s32 $0x4;
	[dreg:$0xd] =	wrdreg s0;
	s0 =	sadd.s32 s19, s16  }
0x1f: {  	s18 =	simm.s32 $0x7C00;
	s16 =	simm.s32 $0x6;
	s0 =	sadd.s32 $0x230, s0  }
0x20: {  	s19 =	simm.s32 $0x7;
	[dreg:$0x13] =	wrdreg s0;
	s0 =	simm.s32 $0x80  }
.LBB2_1:
0x21: {  	s9 =	rddreg [dreg:$0x3]  }
0x22: {  	s23 =	sshrl.u32 s9, $0x3;
	s9 =	rddreg [dreg:$0x4]  }
0x23: {  	[dreg:$0x15] =	wrdreg s23  }
0x24: {  	[spmem:s23], [sflag:s22] =	dma.local [hbm:s9], $0x2700  }
0x25: {  	_ =	swait.ge [sflag:s24], $0x2700  }
0x26: {  	s9 =	rddreg [dreg:$0x6]  }
0x27: {  	[sflag:s24] =	ssyncset.done $0x0;
	s23 =	sshrl.u32 @!p0 s9, $0x3;
	s9 =	rddreg [dreg:$0x7]  }
0x28: {  	[sflag:s24] =	ssyncadd.s32 $0xFFFFD900;
	[dreg:$0x16] =	wrdreg s23  }
0x29: {  	[spmem:s23], [sflag:s22] =	dma.local @!p0 [hbm:s9], $0x100  }
0x2a: {  	s9 =	simm.s32 @!p0 $0xD  }
0x2b: {  	_ =	swait.ge @!p0 [sflag:s9], $0x100  }
0x2c: {  	[sflag:s9] =	ssyncset.done @!p0 $0x0  }
0x2d: {  	[sflag:s9] =	ssyncadd.s32 @!p0 $0xFFFFFF00  }
0x2e: {  	[bflag:$0x0] =	sbarrier.arrive $0xFFFF  }
0x2f: {  	s23 =	rddreg [dreg:$0x8]  }
0x30: {  	[tilespmem:s3], [sflag:$0x1] =	stream.linear.gather [hbm4b:s23+s3], $0x50, $0x38;
	[tilespmem:$0x1DC80] =	vst v63  }
0x31: {  	s24 =	rddreg [dreg:$0x9]  }
0x32: {  	[tilespmem:s25], [sflag:$0x1] =	stream.linear.gather [hbm4b:s24+s3], $0x50, $0x38;
	[tilespmem:$0x1DC80] =	vst v63  }
0x33: {  	_ =	swait.ge [sflag:s26], $0x50  }
0x34: {  	[sflag:s26] =	ssyncset.done $0x0  }
0x35: {  	[sflag:s26] =	ssyncadd.s32 $0xFFFFFFB0  }
0x36: {  	_ =	swait.ge [sflag:s26], $0x50  }
0x37: {  	[sflag:s26] =	ssyncset.done $0x0  }
0x38: {  	[sflag:s26] =	ssyncadd.s32 $0xFFFFFFB0  }
0x39: {  	[tilespmem:s29], [sflag:$0x5] =	stream.indirect.gather [hbm4b:s4+s28], $0x80, s3, s28, $0xb8;
	[tilespmem:$0x1DC80] =	vst v63  }
0x3a: {  	_ =	swait.ge [sflag:s30], $0x2800  }
0x3b: {  	[sflag:s30] =	ssyncset.done $0x0  }
0x3c: {  	[sflag:s30] =	ssyncadd.s32 $0xFFFFD800  }
0x3d: {  	[spmem:s1] =	stream.indirect.scatter.add.f32 [tilespmem:s29], [sflag:$0x9], $0x80, s25, s28, $0xb8;
	[tilespmem:$0x1DC80] =	vst v63  }
0x3e: {  	_ =	swait.ge [sflag:s31], $0x2800  }
0x3f: {  	[sflag:s31] =	ssyncset.done $0x0  }
0x40: {  	s22 =	rddreg [dreg:$0xa];
	[sflag:s31] =	ssyncadd.s32 $0xFFFFD800  }
0x41: {  	[tilespmem:s3], [sflag:$0x1] =	stream.linear.gather [hbm4b:s22+s3], $0x50, $0x38;
	[tilespmem:$0x1DC80] =	vst v63  }
0x42: {  	s23 =	rddreg [dreg:$0xb]  }
0x43: {  	[tilespmem:s25], [sflag:$0x1] =	stream.linear.gather [hbm4b:s23+s3], $0x50, $0x38;
	[tilespmem:$0x1DC80] =	vst v63  }
0x44: {  	s24 =	rddreg [dreg:$0xc]  }
0x45: {  	[tilespmem:s0], [sflag:$0x2] =	stream.linear.gather [hbm4b:s24+s3], $0x50, $0x38;
	[tilespmem:$0x1DC80] =	vst v63  }
0x46: {  	s22 =	rddreg [dreg:$0xd]  }
0x47: {  	[tilespmem:s2], [sflag:$0x2] =	stream.linear.gather [hbm4b:s22+s3], $0x50, $0x38;
	[tilespmem:$0x1DC80] =	vst v63  }
0x48: {  	s23 =	rddreg [dreg:$0xe]  }
0x49: {  	[tilespmem:s7], [sflag:$0x3] =	stream.linear.gather [hbm4b:s23+s3], $0x50, $0x38;
	[tilespmem:$0x1DC80] =	vst v63  }
0x4a: {  	s24 =	rddreg [dreg:$0xf]  }
0x4b: {  	[tilespmem:s8], [sflag:$0x3] =	stream.linear.gather [hbm4b:s24+s3], $0x50, $0x38;
	[tilespmem:$0x1DC80] =	vst v63  }
0x4c: {  	_ =	swait.ge [sflag:s26], $0x50  }
0x4d: {  	[sflag:s26] =	ssyncset.done $0x0  }
0x4e: {  	[sflag:s26] =	ssyncadd.s32 $0xFFFFFFB0  }
0x4f: {  	_ =	swait.ge [sflag:s26], $0x50  }
0x50: {  	[sflag:s26] =	ssyncset.done $0x0  }
0x51: {  	[sflag:s26] =	ssyncadd.s32 $0xFFFFFFB0  }
0x52: {  	[tilespmem:s29], [sflag:$0x5] =	stream.indirect.gather [hbm4b:s4+s28], $0x80, s3, s28, $0xb8;
	[tilespmem:$0x1DC80] =	vst v63  }
0x53: {  	_ =	swait.ge [sflag:s10], $0x50  }
0x54: {  	[sflag:s10] =	ssyncset.done $0x0  }
.Ltmp0:
0x55: {  	[sflag:s10] =	ssyncadd.s32 $0xFFFFFFB0;
	(pc) =	sbr.rel .LBB2_2-.Ltmp0, $4  }
0x56: {  	_ =	swait.ge [sflag:s10], $0x50  }
0x57: {  	[sflag:s10] =	ssyncset.done $0x0  }
0x58: {  	s24 =	simm.s32 $0x1E;
	s9 =	rddreg [dreg:$0x13];
	[sflag:s10] =	ssyncadd.s32 $0xFFFFFFB0  }
0x59: {  	[tilespmem:s11], [sflag:$0x6] =	stream.indirect.gather [hbm4b:s4+s28], $0x80, s0, s28, $0xb8;
	[tilespmem:$0x1DC80] =	vst v63  }
.LBB2_3:
0x5a: {  	[tilespmem:s18], [sflag:$0x8] =	stream.indirect.gather [hbm4b:s4+s28], $0x80, s14, s28, $0xb8;
	[tilespmem:$0x1DC80] =	vst v63  }
.LBB2_5:
0x5b: {  	s22 =	sadd.s32 $0xFFFFFF60, s9  }
0x5c: {  	s22 =	sshrl.u32 s22, $0x3  }
0x5d: {  	s23 =	sadd.s32 s5, s22  }
0x5e: {  	[tilespmem:s3], [sflag:$0x1] =	stream.linear.gather [hbm4b:s23+s3], $0x50, $0x38;
	[tilespmem:$0x1DC80] =	vst v63  }
0x5f: {  	s22 =	sadd.s32 s6, s22  }
0x60: {  	[tilespmem:s25], [sflag:$0x1] =	stream.linear.gather [hbm4b:s22+s3], $0x50, $0x38;
	[tilespmem:$0x1DC80] =	vst v63  }
0x61: {  	_ =	swait.ge [sflag:s19], $0x2800  }
0x62: {  	[sflag:s19] =	ssyncset.done $0x0  }
0x63: {  	[sflag:s19] =	ssyncadd.s32 $0xFFFFD800  }
0x64: {  	[spmem:s1] =	stream.indirect.scatter.add.f32 [tilespmem:s13], [sflag:$0xB], $0x80, s8, s28, $0xb8;
	[tilespmem:$0x1DC80] =	vst v63  }
0x65: {  	_ =	swait.ge [sflag:s26], $0x50  }
0x66: {  	[sflag:s26] =	ssyncset.done $0x0  }
0x67: {  	[sflag:s26] =	ssyncadd.s32 $0xFFFFFFB0  }
0x68: {  	_ =	swait.ge [sflag:s26], $0x50  }
0x69: {  	[sflag:s26] =	ssyncset.done $0x0  }
0x6a: {  	[sflag:s26] =	ssyncadd.s32 $0xFFFFFFB0  }
0x6b: {  	_ =	swait.ge [sflag:s31], $0x2800  }
0x6c: {  	s23 =	sadd.s32 $0xFFFFFFB0, s9;
	[sflag:s31] =	ssyncset.done $0x0  }
0x6d: {  	s22 =	sshrl.u32 s23, $0x3;
	[sflag:s31] =	ssyncadd.s32 $0xFFFFD800  }
0x6e: {  	[tilespmem:s29], [sflag:$0x5] =	stream.indirect.gather [hbm4b:s4+s28], $0x80, s3, s28, $0xb8;
	[tilespmem:$0x1DC80] =	vst v63  }
0x6f: {  	s23 =	sadd.s32 s5, s22  }
0x70: {  	[tilespmem:s0], [sflag:$0x2] =	stream.linear.gather [hbm4b:s23+s3], $0x50, $0x38;
	[tilespmem:$0x1DC80] =	vst v63  }
0x71: {  	s22 =	sadd.s32 s6, s22  }
0x72: {  	[tilespmem:s2], [sflag:$0x2] =	stream.linear.gather [hbm4b:s22+s3], $0x50, $0x38;
	[tilespmem:$0x1DC80] =	vst v63  }
0x73: {  	_ =	swait.ge [sflag:s20], $0x2800  }
0x74: {  	[sflag:s20] =	ssyncset.done $0x0  }
0x75: {  	[sflag:s20] =	ssyncadd.s32 $0xFFFFD800  }
0x76: {  	[spmem:s1] =	stream.indirect.scatter.add.f32 [tilespmem:s18], [sflag:$0xC], $0x80, s15, s28, $0xb8;
	[tilespmem:$0x1DC80] =	vst v63  }
0x77: {  	_ =	swait.ge [sflag:s10], $0x50  }
0x78: {  	[sflag:s10] =	ssyncset.done $0x0  }
0x79: {  	[sflag:s10] =	ssyncadd.s32 $0xFFFFFFB0  }
0x7a: {  	_ =	swait.ge [sflag:s10], $0x50  }
0x7b: {  	[sflag:s10] =	ssyncset.done $0x0  }
0x7c: {  	[sflag:s10] =	ssyncadd.s32 $0xFFFFFFB0  }
0x7d: {  	_ =	swait.ge [sflag:s21], $0x2800  }
0x7e: {  	[sflag:s21] =	ssyncset.done $0x0  }
0x7f: {  	s22 =	sshrl.u32 s9, $0x3;
	[sflag:s21] =	ssyncadd.s32 $0xFFFFD800  }
0x80: {  	[tilespmem:s11], [sflag:$0x6] =	stream.indirect.gather [hbm4b:s4+s28], $0x80, s0, s28, $0xb8;
	[tilespmem:$0x1DC80] =	vst v63  }
0x81: {  	s23 =	sadd.s32 s5, s22  }
0x82: {  	[tilespmem:s7], [sflag:$0x3] =	stream.linear.gather [hbm4b:s23+s3], $0x50, $0x38;
	[tilespmem:$0x1DC80] =	vst v63  }
0x83: {  	s24 =	sadd.s32 $0xFFFFFFFF, s24;
	s9 =	sadd.s32 $0x140, s9;
	s22 =	sadd.s32 s6, s22  }
0x84: {  	[tilespmem:s8], [sflag:$0x3] =	stream.linear.gather [hbm4b:s22+s3], $0x50, $0x38;
	[tilespmem:$0x1DC80] =	vst v63  }
.LBB2_2:
0x85: {  	_ =	swait.ge [sflag:s30], $0x2800  }
0x86: {  	[sflag:s30] =	ssyncset.done $0x0  }
0x87: {  	[sflag:s30] =	ssyncadd.s32 $0xFFFFD800  }
0x88: {  	[spmem:s1] =	stream.indirect.scatter.add.f32 [tilespmem:s29], [sflag:$0x9], $0x80, s25, s28, $0xb8;
	[tilespmem:$0x1DC80] =	vst v63  }
0x89: {  	_ =	swait.ge [sflag:s12], $0x50  }
0x8a: {  	[sflag:s12] =	ssyncset.done $0x0  }
0x8b: {  	[sflag:s12] =	ssyncadd.s32 $0xFFFFFFB0  }
0x8c: {  	_ =	swait.ge [sflag:s12], $0x50  }
0x8d: {  	p1 =	seq.s32 s24, $0x1E;
	[sflag:s12] =	ssyncset.done $0x0  }
0x8e: {  	s23 =	simm.s32 @!p1 $0xB;
	[sflag:s12] =	ssyncadd.s32 $0xFFFFFFB0  }
0x8f: {  	_ =	swait.ge @!p1 [sflag:s23], $0x2800  }
0x90: {  	s22 =	sadd.s32 $0xFFFFFF10, s9;
	[sflag:s23] =	ssyncset.done @!p1 $0x0  }
0x91: {  	[sflag:s23] =	ssyncadd.s32 @!p1 $0xFFFFD800;
	s23 =	sshrl.u32 s22, $0x3  }
0x92: {  	[tilespmem:s13], [sflag:$0x7] =	stream.indirect.gather [hbm4b:s4+s28], $0x80, s7, s28, $0xb8;
	[tilespmem:$0x1DC80] =	vst v63  }
0x93: {  	s22 =	sadd.s32 s5, s23  }
0x94: {  	[tilespmem:s14], [sflag:$0x4] =	stream.linear.gather [hbm4b:s22+s3], $0x50, $0x38;
	[tilespmem:$0x1DC80] =	vst v63  }
0x95: {  	s23 =	sadd.s32 s6, s23  }
0x96: {  	[tilespmem:s15], [sflag:$0x4] =	stream.linear.gather [hbm4b:s23+s3], $0x50, $0x38;
	[tilespmem:$0x1DC80] =	vst v63  }
0x97: {  	_ =	swait.ge [sflag:s16], $0x2800  }
0x98: {  	[sflag:s16] =	ssyncset.done $0x0  }
0x99: {  	[sflag:s16] =	ssyncadd.s32 $0xFFFFD800  }
0x9a: {  	[spmem:s1] =	stream.indirect.scatter.add.f32 [tilespmem:s11], [sflag:$0xA], $0x80, s2, s28, $0xb8;
	[tilespmem:$0x1DC80] =	vst v63  }
0x9b: {  	p1 =	sne.s32 s24, $0x1E;
	_ =	swait.ge [sflag:s17], $0x50  }
.Ltmp1:
0x9c: {  	[sflag:s17] =	ssyncset.done $0x0;
	(pc) =	sbr.rel @!p1 .LBB2_3-.Ltmp1, $4  }
0x9d: {  	[sflag:s17] =	ssyncadd.s32 $0xFFFFFFB0  }
0x9e: {  	_ =	swait.ge [sflag:s17], $0x50  }
0x9f: {  	[sflag:s17] =	ssyncset.done $0x0  }
0xa0: {  	[sflag:s17] =	ssyncadd.s32 $0xFFFFFFB0  }
0xa1: {  	p1 =	seq.s32 s24, $0x0  }
.Ltmp2:
0xa2: {  	s22 =	simm.s32 $0xC;
	(pc) =	sbr.rel @!p1 .LBB2_5-.Ltmp2, $4  }
0xa3: {  	_ =	swait.ge [sflag:s22], $0x2800  }
0xa4: {  	[sflag:s22] =	ssyncset.done $0x0  }
0xa5: {  	[sflag:s22] =	ssyncadd.s32 $0xFFFFD800  }
0xa6: {  	[tilespmem:s18], [sflag:$0x8] =	stream.indirect.gather [hbm4b:s4+s28], $0x80, s14, s28, $0xb8;
	[tilespmem:$0x1DC80] =	vst v63  }
0xa7: {  	_ =	swait.ge [sflag:s19], $0x2800  }
0xa8: {  	[sflag:s19] =	ssyncset.done $0x0  }
0xa9: {  	[sflag:s19] =	ssyncadd.s32 $0xFFFFD800  }
0xaa: {  	[spmem:s1] =	stream.indirect.scatter.add.f32 [tilespmem:s13], [sflag:$0xB], $0x80, s8, s28, $0xb8;
	[tilespmem:$0x1DC80] =	vst v63  }
0xab: {  	_ =	swait.ge [sflag:s20], $0x2800  }
0xac: {  	[sflag:s20] =	ssyncset.done $0x0  }
0xad: {  	[sflag:s20] =	ssyncadd.s32 $0xFFFFD800  }
0xae: {  	[spmem:s1] =	stream.indirect.scatter.add.f32 [tilespmem:s18], [sflag:$0xC], $0x80, s15, s28, $0xb8;
	[tilespmem:$0x1DC80] =	vst v63  }
0xaf: {  	_ =	swait.ge [sflag:s31], $0x2800  }
0xb0: {  	[sflag:s31] =	ssyncset.done $0x0  }
0xb1: {  	[sflag:s31] =	ssyncadd.s32 $0xFFFFD800  }
0xb2: {  	_ =	swait.ge [sflag:s21], $0x2800  }
0xb3: {  	[sflag:s21] =	ssyncset.done $0x0  }
0xb4: {  	s9 =	simm.s32 $0xB;
	[sflag:s21] =	ssyncadd.s32 $0xFFFFD800  }
0xb5: {  	_ =	swait.ge [sflag:s9], $0x2800  }
0xb6: {  	[sflag:s9] =	ssyncset.done $0x0  }
0xb7: {  	s23 =	simm.s32 $0xC;
	[sflag:s9] =	ssyncadd.s32 $0xFFFFD800  }
0xb8: {  	_ =	swait.ge [sflag:s23], $0x2800  }
0xb9: {  	[sflag:s23] =	ssyncset.done $0x0  }
0xba: {  	[sflag:s23] =	ssyncadd.s32 $0xFFFFD800  }
0xbb: {  	[bflag:$0x0] =	sbarrier.arrive $0xFFFF  }
0xbc: {  	s22 =	rddreg [dreg:$0x5]  }
0xbd: {  	s24 =	rddreg [dreg:$0x10]  }
0xbe: {  	s23 =	rddreg [dreg:$0x15]  }
0xbf: {  	[hbm:s24], [sflag:s22] =	dma.local [spmem:s23], $0x2700  }
0xc0: {  	s24 =	simm.s32 $0xD  }
0xc1: {  	_ =	swait.ge [sflag:s24], $0x2700  }
0xc2: {  	[sflag:s24] =	ssyncset.done $0x0;
	s9 =	rddreg [dreg:$0x11]  }
0xc3: {  	s23 =	rddreg [dreg:$0x16];
	[sflag:s24] =	ssyncadd.s32 $0xFFFFD900  }
0xc4: {  	[hbm:s9], [sflag:s22] =	dma.local @!p0 [spmem:s23], $0x100  }
0xc5: {  	s23 =	simm.s32 @!p0 $0xD  }
0xc6: {  	_ =	swait.ge @!p0 [sflag:s23], $0x100  }
0xc7: {  	s9 =	rddreg [dreg:$0x14]  }
0xc8: {  	[sflag:s23] =	ssyncset.done @!p0 $0x0;
	s23 =	rddreg [dreg:$0x12];
	s9 =	sadd.s32 $0x1, s9  }
0xc9: {  	p1 =	sne.s32 s9, s23  }
.Ltmp3:
0xca: {  	_ = 	snop;
	(pc) =	sbr.rel @p1 .LBB2_1-.Ltmp3, $3  }
0xcb: {  	_ =	sdelay $0x1  }
0xcc: {  	[dreg:$0x14] =	wrdreg s9;
	s9 =	simm.s32 @!p0 $0xD  }
0xcd: {  	[sflag:s9] =	ssyncadd.s32 @!p0 $0xFFFFFF00  }
0xce: {  	_ =	sfence.sel $0x180000  }
0xcf: {  	[bflag:$0x0] =	sbarrier.arrive $0xFFFF  }
0xd0: {  	_ =	strace $0x9000004D  }
0xd1: {  	s0 =	stileid.u32;
	[bflag:$0x2] =	sbarrier.arrive $0xFFFF  }
0xd2: {  	p0 =	sne.s32 s0, $0x0;
	s0 =	rddreg [dreg:$0x2]  }
0xd3: {  	s0 =	sadd.s32 @!p0 $0x100000, s0  }
0xd4: {  	[sflag:s0] =	ssyncadd.tile.s32 @!p0 $0x1;
	_ =	shalt  }
.Lfunc_end2:
_tile_overlayer_lowered:
.L_overlay_start_2:
0xd5: {  	(tag) =	ssettag $0x2  }
0xd6: {  	s0 =	rddreg [dreg:$0x0];
	s2 =	stileid.u32  }
0xd7: {  	s1 =	rddreg [dreg:$0x1];
	p0 =	sne.s32 s2, $0x0  }
0xd8: {  	s3 =	rddreg [dreg:$0x2];
	[bflag:$0x3] =	sbarrier.arrive $0xFFFF;
	s2 =	simm.s32 @!p0 $0x1C0D  }
0xd9: {  	[timem:s3], [sflag:s2] =	dma.local @!p0 [hbm:s0], s1  }
0xda: {  	s0 =	simm.s32 @!p0 $0xD  }
0xdb: {  	_ =	swait.ge @!p0 [sflag:s0], s1  }
0xdc: {  	s1 =	ssub.s32 @!p0 $0x0, s1;
	[sflag:s0] =	ssyncset.done @!p0 $0x0  }
0xdd: {  	[sflag:s0] =	ssyncadd.s32 @!p0 s1  }
0xde: {  	[bflag:$0x3] =	sbarrier.arrive $0xFFFF  }
0xdf: {  	_ =	shalt  }

// kernel: kernel.8.cloned.1.call-start
scs
__scs_entry_jumppad:
0x0: {  	(pc) =	sbr.rel $0x88, $3  }
0x1: {  	(tag) =	ssettag $0x0;
	lr =	simm.s32 $0x1  }
0x2: {  	[smem:$0x3F85] =	sst lr;
	_ =	strace $0xD0000000  }
0x3: {  	_ = 	snop  }
0x4: {  	_ = 	snop  }
0x5: {  	_ = 	snop  }
0x6: {  	_ = 	snop  }
0x7: {  	_ = 	snop  }
__scs_overlays_trampoline_lowered:
0x8: {  	[smem:$0x3F94] =	sst s0  }
0x9: {  	[smem:$0x3F95] =	sst s1  }
0xa: {  	[smem:$0x3F96] =	sst s2  }
0xb: {  	[smem:$0x3F97] =	sst s3  }
0xc: {  	[smem:$0x3F98] =	sst s4  }
0xd: {  	[smem:$0x3F99] =	sst s5  }
0xe: {  	[smem:$0x3F9A] =	sst s6  }
0xf: {  	[smem:$0x3F9B] =	sst s7  }
0x10: {  	[smem:$0x3F9C] =	sst s8  }
0x11: {  	[smem:$0x3F9D] =	sst s9;
	s0 =	simm.s32 @!p0 $0x0  }
0x12: {  	s1 =	sld [smem:$0x3F83];
	s0 =	simm.s32 @p0 $0x1  }
0x13: {  	[smem:$0x3F9E] =	sst s0;
	s0 =	simm.s32 @!p1 $0x0  }
0x14: {  	s2 =	sld [smem:$0x3F82];
	s0 =	simm.s32 @p1 $0x1  }
0x15: {  	[smem:$0x3F9F] =	sst s0;
	s0 =	simm.s32 @!p2 $0x0  }
0x16: {  	s3 =	sld [smem:$0x3FDB];
	s0 =	simm.s32 @p2 $0x1  }
0x17: {  	s4 =	simm.s32 $0x1BF5;
	[smem:$0x3FA1] =	sst s0  }
0x18: {  	s0 =	sld [smem:$0x3F84];
	_ =	swait.ge [sflag:s4], $0x0  }
0x19: {  	s7 =	sld [smem:$0x3F85]  }
0x1a: {  	s8 =	sadd.s32 $0xFFFFE003, lr  }
0x1b: {  	s9 =	sadd.s32 $0xFFFFFEF7, lr;
	s5 =	simm.s32 $0xFFFFFFFF;
	p2 =	slt.u32 s8, $0xFFFFF086  }
0x1c: {  	p1 =	slt.u32 s9, $0xF7A;
	s5 =	simm.s32 @!p2 $0x0  }
0x1d: {  	s5 =	simm.s32 @p1 $0x1;
	p0 =	seq.s32 s7, s2  }
0x1e: {  	s7 =	smul.u32 @!p0 $0xF7A, s2;
	p2 =	seq.s32 @!p0 s5, $0x0  }
0x1f: {  	s9 =	smul.u32 $0xF7A, s1;
	s8 =	simm.s32 @!p0 $0x1BF5;
	p2 =	por !p2, p0  }
0x20: {  	[sflag:s8] =	ssyncset.s32 @!p0 $0xFFFFF086;
	s6 =	sadd.s32 @!p0 s3, s7;
	s7 =	simm.s32 @!p0 $0x108  }
0x21: {  	s3 =	sadd.s32 s3, s9;
	s6 =	sadd.s32 @!p0 $0x88, s6;
	s7 =	simm.s32 @p2 $0x1082  }
0x22: {  	[simem:s7], [sflag:s8] =	dma.local @!p0 [hbm:s6], $0xF7A  }
0x23: {  	s9 =	sor.u32 $0xD0000000, s2;
	s6 =	simm.s32 $0x108;
	_ =	swait.ge @!p0 [sflag:s8], $0x0  }
0x24: {  	s3 =	sadd.s32 $0x88, s3;
	s6 =	simm.s32 @!p1 $0x1082;
	[sflag:s4] =	ssyncset.s32 $0xFFFFF086  }
0x25: {  	[simem:s6], [sflag:s4] =	dma.local [hbm:s3], $0xF7A  }
0x26: {  	[smem:$0x3F85] =	sst s1;
	(tag) =	ssettag s2;
	_ =	strace s9  }
0x27: {  	s1 =	sld [smem:$0x3F95]  }
0x28: {  	s2 =	sld [smem:$0x3F96]  }
0x29: {  	s4 =	sld [smem:$0x3F98]  }
0x2a: {  	p0 =	seq.s32 s5, $0x0;
	s5 =	sld [smem:$0x3F99]  }
0x2b: {  	s6 =	sld [smem:$0x3F9A]  }
0x2c: {  	s7 =	sld [smem:$0x3F9B]  }
0x2d: {  	s3 =	simm.s32 $0x108;
	s8 =	sld [smem:$0x3F9C]  }
0x2e: {  	s3 =	simm.s32 @!p0 $0x1082;
	s9 =	sld [smem:$0x3F9D]  }
0x2f: {  	lr =	sadd.s32 s0, s3;
	s0 =	sld [smem:$0x3F94]  }
0x30: {  	s3 =	sld [smem:$0x3F97]  }
0x31: {  	[smem:$0x3FA0] =	sst s10  }
0x32: {  	s10 =	sld [smem:$0x3F9E];
	_ =	sdelay $0x3  }
0x33: {  	p0 =	seq.s32 s10, $0x1;
	s10 =	sld [smem:$0x3FA0];
	_ =	sdelay $0x3  }
0x34: {  	[smem:$0x3FA0] =	sst s10  }
0x35: {  	s10 =	sld [smem:$0x3F9F];
	_ =	sdelay $0x3  }
0x36: {  	p1 =	seq.s32 s10, $0x1;
	s10 =	sld [smem:$0x3FA0];
	_ =	sdelay $0x3  }
0x37: {  	[smem:$0x3FA0] =	sst s10  }
0x38: {  	s10 =	sld [smem:$0x3FA1]  }
0x39: {  	_ = 	snop;
	(pc) =	sbr.ind lr, $3  }
0x3a: {  	_ = 	snop  }
0x3b: {  	_ = 	snop  }
0x3c: {  	p2 =	seq.s32 s10, $0x1;
	s10 =	sld [smem:$0x3FA0]  }
0x3d: {  	_ =	shalt  }
0x3e: {  	_ =	shalt  }
0x3f: {  	_ =	shalt  }
0x40: {  	_ =	shalt  }
0x41: {  	_ =	shalt  }
0x42: {  	_ =	shalt  }
0x43: {  	_ =	shalt  }
0x44: {  	_ =	shalt  }
0x45: {  	_ =	shalt  }
0x46: {  	_ =	shalt  }
0x47: {  	_ =	shalt  }
0x48: {  	_ =	shalt  }
0x49: {  	_ =	shalt  }
0x4a: {  	_ =	shalt  }
0x4b: {  	_ =	shalt  }
0x4c: {  	_ =	shalt  }
0x4d: {  	_ =	shalt  }
0x4e: {  	_ =	shalt  }
0x4f: {  	_ =	shalt  }
0x50: {  	_ =	shalt  }
0x51: {  	_ =	shalt  }
0x52: {  	_ =	shalt  }
0x53: {  	_ =	shalt  }
0x54: {  	_ =	shalt  }
0x55: {  	_ =	shalt  }
0x56: {  	_ =	shalt  }
0x57: {  	_ =	shalt  }
0x58: {  	_ =	shalt  }
0x59: {  	_ =	shalt  }
0x5a: {  	_ =	shalt  }
0x5b: {  	_ =	shalt  }
0x5c: {  	_ =	shalt  }
0x5d: {  	_ =	shalt  }
0x5e: {  	_ =	shalt  }
0x5f: {  	_ =	shalt  }
0x60: {  	_ =	shalt  }
0x61: {  	_ =	shalt  }
0x62: {  	_ =	shalt  }
0x63: {  	_ =	shalt  }
0x64: {  	_ =	shalt  }
0x65: {  	_ =	shalt  }
0x66: {  	_ =	shalt  }
0x67: {  	_ =	shalt  }
0x68: {  	_ =	shalt  }
0x69: {  	_ =	shalt  }
0x6a: {  	_ =	shalt  }
0x6b: {  	_ =	shalt  }
0x6c: {  	_ =	shalt  }
0x6d: {  	_ =	shalt  }
0x6e: {  	_ =	shalt  }
0x6f: {  	_ =	shalt  }
0x70: {  	_ =	shalt  }
0x71: {  	_ =	shalt  }
0x72: {  	_ =	shalt  }
0x73: {  	_ =	shalt  }
0x74: {  	_ =	shalt  }
0x75: {  	_ =	shalt  }
0x76: {  	_ =	shalt  }
0x77: {  	_ =	shalt  }
0x78: {  	_ =	shalt  }
0x79: {  	_ =	shalt  }
0x7a: {  	_ =	shalt  }
0x7b: {  	_ =	shalt  }
0x7c: {  	_ =	shalt  }
0x7d: {  	_ =	shalt  }
0x7e: {  	_ =	shalt  }
0x7f: {  	_ =	shalt  }
0x80: {  	_ =	shalt  }
0x81: {  	_ =	shalt  }
0x82: {  	_ =	shalt  }
0x83: {  	_ =	shalt  }
0x84: {  	_ =	shalt  }
0x85: {  	_ =	shalt  }
0x86: {  	_ =	shalt  }
0x87: {  	_ =	shalt  }
.Lfunc_end0:
.L_simem_size_0:
called_computation_lowered:
.L_overlay_start_0:
0x88: {  	s2 =	sld [smem:$0x3FD9]  }
0x89: {  	s3 =	sld [smem:$0x3FFE];
	_ =	sdelay $0x1  }
0x8a: {  	s1 =	srdreg.scid  }
0x8b: {  	s0 =	sand.u32 $0x1, s1  }
0x8c: {  	s17 =	sshll.u32 s0, $0xA;
	s2 =	sadd.s32 s3, s2  }
0x8d: {  	s2 =	sadd.s32 s2, s17  }
0x8e: {  	[smem:$0x3FAC] =	sst s2  }
0x8f: {  	_ = 	snop  }
0x90: {  	s2 =	sld [smem:$0x3FC9];
	(tm) =	ssettm $0x1  }
0x91: {  	s18 =	sld [smem:$0x3FFB];
	_ =	sdelay $0x3  }
0x92: {  	_ =	strace s18  }
0x93: {  	s3 =	sld [smem:$0x3FFC];
	_ =	sdelay $0x3  }
0x94: {  	_ =	strace s3  }
0x95: {  	s3 =	sld [smem:$0x3FFD];
	_ =	sdelay $0x3  }
0x96: {  	_ =	strace s3  }
0x97: {  	_ =	strace $0x8FFFFFFF  }
0x98: {  	s19 =	sld [smem:$0x3FDB];
	_ =	sdelay $0x1  }
0x99: {  	s4 =	simm.s32 $_scs_section_size  }
0x9a: {  	s5 =	simm.s32 $_size__tile_overlayer_lowered;
	s6 =	simm.s32 $_tile_overlayer_lowered  }
0x9b: {  	s22 =	simm.s32 $0x1BFF;
	s21 =	sshll.u32 s6, $0x1;
	s3 =	sadd.s32 s4, s19  }
0x9c: {  	s7 =	simm.s32 $0x0;
	s20 =	sshll.u32 s5, $0x1;
	s5 =	sadd.s32 s21, s3  }
0x9d: {  	[timem:s7], [sflag:s22] =	dma.local [hbm:s5], s20  }
0x9e: {  	_ =	swait.ge [sflag:s22], s20  }
0x9f: {  	s4 =	ssub.s32 $0x0, s20;
	[sflag:s22] =	ssyncset.done $0x0  }
0xa0: {  	[sflag:s22] =	ssyncadd.s32 s4;
	_ =	sdelay $0x1  }
0xa1: {  	s23 =	simm.s32 $0x1B8B  }
0xa2: {  	_ =	swait.ge [sflag:s23], $0x1  }
0xa3: {  	[sflag:s23] =	ssyncset.done $0x0  }
0xa4: {  	s25 =	simm.s32 $0x1B8E;
	s24 =	sld [smem:$0x3FFE];
	[sflag:s23] =	ssyncadd.s32 $0xFFFFFFFF  }
0xa5: {  	s26 =	simm.s32 $execute0_lowered;
	[smem:$0x3FD2] =	sst s25  }
0xa6: {  	s5 =	sshll.u32 s26, $0x1;
	_ =	strace $0x80000046;
	[dreg:$0x1] =	wrdreg $0xFFFFFFFF  }
0xa7: {  	s28 =	simm.s32 $_size_execute0_lowered;
	s3 =	sadd.s32 s3, s5;
	[dreg:$0x0] =	wrdreg $0x0  }
0xa8: {  	s5 =	sshll.u32 s28, $0x1;
	[dreg:$0x2] =	wrdreg s3  }
0xa9: {  	[dreg:$0x3] =	wrdreg s5  }
0xaa: {  	[dreg:$0x4] =	wrdreg $0xC0  }
0xab: {  	_ =	task [dreg:s7], $0x5FFFF  }
0xac: {  	[dreg:$0x1] =	wrdreg $0xFFFFFFFF  }
0xad: {  	[dreg:$0x0] =	wrdreg $0x60  }
0xae: {  	[dreg:$0x2] =	wrdreg s2  }
0xaf: {  	[dreg:$0x3] =	wrdreg s24  }
0xb0: {  	[dreg:$0x4] =	wrdreg $0xA4000  }
0xb1: {  	[dreg:$0x5] =	wrdreg $0x9  }
0xb2: {  	_ =	task.clear_ibuf [dreg:s7], $0x6FFFF;
	_ =	strace $0x90000046  }
0xb3: {  	s29 =	simm.s32 $0x9;
	_ =	strace $0x80000048  }
0xb4: {  	_ =	swait.ge [sflag:s29], $0x1  }
0xb5: {  	[sflag:s29] =	ssyncadd.s32 $0xFFFFFFFF  }
0xb6: {  	_ =	strace $0x90000048  }
0xb7: {  	_ =	sfence  }
0xb8: {  	s30 =	sld [smem:$0x0];
	_ =	sdelay $0x2  }
0xb9: {  	s31 =	sshll.u32 s1, $0xD;
	s1 =	sshrl.u32 s1, $0x2  }
0xba: {  	s3 =	sand.u32 $0x4000, s31;
	s1 =	sadd.s32 s1, s30  }
0xbb: {  	s0 =	sor.u32 s3, s0;
	s1 =	sshll.u32 s1, $0x11  }
0xbc: {  	s0 =	sor.u32 s1, s0  }
0xbd: {  	s0 =	sadd.s32 $0x8F2B, s0  }
0xbe: {  	[sflag:s0] =	ssyncadd.remote.s32 $0x1  }
0xbf: {  	_ =	sfence.sel $0xFFFF  }
0xc0: {  	[dreg:$0x0] =	wrdreg $0xFFFFFFFF;
	(pc) =	sbr.abs _section_cstart, $3  }
0xc1: {  	[dreg:$0x1] =	wrdreg $0xFFFFFFFF  }
0xc2: {  	_ =	task.clear_ibuf [dreg:s7], $0x2FFFF;
	_ =	strace $0x9FFFFFFF  }
0xc3: {  	(tm) =	ssettm $0x7FFFFFFF  }
tec
execute0_lowered:
.L_overlay_start_1:
0x0: {  	(tag) =	ssettag $0x1  }
0x1: {  	s1 =	rddreg [dreg:$0x0]  }
0x2: {  	s0 =	rddreg [dreg:$0x1]  }
0x3: {  	s3 =	rddreg [dreg:$0x2];
	s4 =	simm.s32 $0x0  }
0x4: {  	s14 =	stileid.u32;
	s7 =	srdreg.scid;
	s28 =	simm.s32 $0x50  }
0x5: {  	s29 =	simm.s32 $0x400;
	s30 =	simm.s32 $0x5;
	s31 =	simm.s32 $0x9  }
0x6: {  	[smem:$0x7FF] =	sst s4;
	s2 =	smul.u32 $0x2700, s14;
	s5 =	sadd.s32 $0xE600, s0  }
0x7: {  	s6 =	sadd.s32 $0x4800, s0;
	s7 =	sand.u32 $0x1, s7;
	s10 =	smul.u32 $0x4E000, s14  }
0x8: {  	s11 =	sadd.s32 $0x3F600, s0;
	s22 =	sshll.u32 s14, $0x6;
	s24 =	sadd.s32 $0x138000, s3  }
0x9: {  	s19 =	smul.u32 $0x2710, s14;
	p0 =	sne.s32 s14, $0xF;
	_ =	strace $0x80000047  }
0xa: {  	s9 =	sshll.u32 s7, $0x4;
	s12 =	ssub.s32 $0x2, s7;
	s16 =	smul.u32 $0x27100, s7  }
0xb: {  	s22 =	sor.u32 $0x1C0D, s22;
	[dreg:$0x7] =	wrdreg s24;
	s7 =	smul.u32 $0x138800, s7  }
0xc: {  	s24 =	simm.s32 $0xD;
	s8 =	sadd.s32 s2, s0;
	s9 =	sor.u32 s14, s9  }
0xd: {  	s13 =	sshrl.u32 s12, $0x1;
	s10 =	sshrl.u32 s10, $0x2;
	s0 =	sadd.s32 $0x3F400, s0  }
0xe: {  	s14 =	simm.s32 $0x180;
	[dreg:$0x6] =	wrdreg s22;
	s9 =	smul.u32 $0x2710, s9  }
0xf: {  	s12 =	ssub.s32 s12, s13;
	s10 =	sadd.s32 s10, s3;
	[dreg:$0x8] =	wrdreg s0  }
0x10: {  	s8 =	sadd.s32 $0x18400, s8;
	s2 =	sadd.s32 s2, s16;
	[dreg:$0x4] =	wrdreg s10  }
0x11: {  	s7 =	sshrl.u32 s7, $0x3;
	[dreg:$0x5] =	wrdreg s8;
	s2 =	sadd.s32 s11, s2  }
0x12: {  	s20 =	sadd.s32 s11, s7;
	s21 =	smax.u32 s12, $0x1;
	s7 =	simm.s32 $0x100  }
0x13: {  	s11 =	simm.s32 $0x2C00;
	s12 =	simm.s32 $0x3;
	[dreg:$0x11] =	wrdreg s2  }
0x14: {  	s23 =	sshrl.u32 s9, $0x3;
	s2 =	sadd.s32 $0x27000, s20;
	[dreg:$0x13] =	wrdreg s21  }
0x15: {  	s25 =	sadd.s32 $0xA, s23;
	s26 =	sadd.s32 s5, s23;
	[dreg:$0x12] =	wrdreg s2  }
0x16: {  	s10 =	sadd.s32 s6, s23;
	s15 =	sadd.s32 $0x14, s23;
	[dreg:$0x9] =	wrdreg s26  }
0x17: {  	s8 =	sadd.s32 $0x1E, s23;
	s23 =	simm.s32 $0x0;
	[dreg:$0xa] =	wrdreg s10  }
0x18: {  	s20 =	simm.s32 $0x8;
	s13 =	sadd.s32 s5, s25;
	[dreg:$0x15] =	wrdreg s23  }
0x19: {  	s21 =	simm.s32 $0xA;
	s0 =	sadd.s32 s6, s25;
	[dreg:$0xb] =	wrdreg s13  }
0x1a: {  	s2 =	simm.s32 $0x280;
	s17 =	sadd.s32 s5, s15;
	[dreg:$0xc] =	wrdreg s0  }
0x1b: {  	s18 =	sadd.s32 s5, s8;
	s8 =	sadd.s32 s6, s8;
	[dreg:$0xd] =	wrdreg s17  }
0x1c: {  	s25 =	simm.s32 $0x200;
	s26 =	simm.s32 $0x1;
	[dreg:$0xf] =	wrdreg s18  }
0x1d: {  	s10 =	simm.s32 $0x2;
	s0 =	sadd.s32 s6, s15;
	[dreg:$0x10] =	wrdreg s8  }
0x1e: {  	s8 =	simm.s32 $0x300;
	s13 =	simm.s32 $0x5400;
	s15 =	simm.s32 $0x380  }
0x1f: {  	s17 =	simm.s32 $0x4;
	[dreg:$0xe] =	wrdreg s0;
	s0 =	sadd.s32 s19, s16  }
0x20: {  	s18 =	simm.s32 $0x7C00;
	s16 =	simm.s32 $0x6;
	s0 =	sadd.s32 $0x230, s0  }
0x21: {  	s19 =	simm.s32 $0x7;
	[dreg:$0x14] =	wrdreg s0;
	s0 =	simm.s32 $0x80  }
.LBB2_1:
0x22: {  	s9 =	rddreg [dreg:$0x4]  }
0x23: {  	s23 =	sshrl.u32 s9, $0x3;
	s9 =	rddreg [dreg:$0x5]  }
0x24: {  	[dreg:$0x16] =	wrdreg s23  }
0x25: {  	[spmem:s23], [sflag:s22] =	dma.local [hbm:s9], $0x2700  }
0x26: {  	_ =	swait.ge [sflag:s24], $0x2700  }
0x27: {  	s9 =	rddreg [dreg:$0x7]  }
0x28: {  	[sflag:s24] =	ssyncset.done $0x0;
	s23 =	sshrl.u32 @!p0 s9, $0x3;
	s9 =	rddreg [dreg:$0x8]  }
0x29: {  	[sflag:s24] =	ssyncadd.s32 $0xFFFFD900;
	[dreg:$0x17] =	wrdreg s23  }
0x2a: {  	[spmem:s23], [sflag:s22] =	dma.local @!p0 [hbm:s9], $0x100  }
0x2b: {  	s9 =	simm.s32 @!p0 $0xD  }
0x2c: {  	_ =	swait.ge @!p0 [sflag:s9], $0x100  }
0x2d: {  	[sflag:s9] =	ssyncset.done @!p0 $0x0  }
0x2e: {  	[sflag:s9] =	ssyncadd.s32 @!p0 $0xFFFFFF00  }
0x2f: {  	[bflag:$0x0] =	sbarrier.arrive $0xFFFF  }
0x30: {  	s23 =	rddreg [dreg:$0x9]  }
0x31: {  	[tilespmem:s4], [sflag:$0x1] =	stream.linear.gather [hbm4b:s23+s4], $0x50, $0x38;
	[tilespmem:$0x1DC80] =	vst v63  }
0x32: {  	s24 =	rddreg [dreg:$0xa]  }
0x33: {  	[tilespmem:s25], [sflag:$0x1] =	stream.linear.gather [hbm4b:s24+s4], $0x50, $0x38;
	[tilespmem:$0x1DC80] =	vst v63  }
0x34: {  	_ =	swait.ge [sflag:s26], $0x50  }
0x35: {  	[sflag:s26] =	ssyncset.done $0x0  }
0x36: {  	[sflag:s26] =	ssyncadd.s32 $0xFFFFFFB0  }
0x37: {  	_ =	swait.ge [sflag:s26], $0x50  }
0x38: {  	[sflag:s26] =	ssyncset.done $0x0  }
0x39: {  	[sflag:s26] =	ssyncadd.s32 $0xFFFFFFB0  }
0x3a: {  	[tilespmem:s29], [sflag:$0x5] =	stream.indirect.gather [hbm4b:s1+s28], $0x80, s4, s28, $0xb8;
	[tilespmem:$0x1DC80] =	vst v63  }
0x3b: {  	_ =	swait.ge [sflag:s30], $0x2800  }
0x3c: {  	[sflag:s30] =	ssyncset.done $0x0  }
0x3d: {  	[sflag:s30] =	ssyncadd.s32 $0xFFFFD800  }
0x3e: {  	[spmem:s3] =	stream.indirect.scatter.add.f32 [tilespmem:s29], [sflag:$0x9], $0x80, s25, s28, $0xb8;
	[tilespmem:$0x1DC80] =	vst v63  }
0x3f: {  	_ =	swait.ge [sflag:s31], $0x2800  }
0x40: {  	[sflag:s31] =	ssyncset.done $0x0  }
0x41: {  	s22 =	rddreg [dreg:$0xb];
	[sflag:s31] =	ssyncadd.s32 $0xFFFFD800  }
0x42: {  	[tilespmem:s4], [sflag:$0x1] =	stream.linear.gather [hbm4b:s22+s4], $0x50, $0x38;
	[tilespmem:$0x1DC80] =	vst v63  }
0x43: {  	s23 =	rddreg [dreg:$0xc]  }
0x44: {  	[tilespmem:s25], [sflag:$0x1] =	stream.linear.gather [hbm4b:s23+s4], $0x50, $0x38;
	[tilespmem:$0x1DC80] =	vst v63  }
0x45: {  	s24 =	rddreg [dreg:$0xd]  }
0x46: {  	[tilespmem:s0], [sflag:$0x2] =	stream.linear.gather [hbm4b:s24+s4], $0x50, $0x38;
	[tilespmem:$0x1DC80] =	vst v63  }
0x47: {  	s22 =	rddreg [dreg:$0xe]  }
0x48: {  	[tilespmem:s2], [sflag:$0x2] =	stream.linear.gather [hbm4b:s22+s4], $0x50, $0x38;
	[tilespmem:$0x1DC80] =	vst v63  }
0x49: {  	s23 =	rddreg [dreg:$0xf]  }
0x4a: {  	[tilespmem:s7], [sflag:$0x3] =	stream.linear.gather [hbm4b:s23+s4], $0x50, $0x38;
	[tilespmem:$0x1DC80] =	vst v63  }
0x4b: {  	s24 =	rddreg [dreg:$0x10]  }
0x4c: {  	[tilespmem:s8], [sflag:$0x3] =	stream.linear.gather [hbm4b:s24+s4], $0x50, $0x38;
	[tilespmem:$0x1DC80] =	vst v63  }
0x4d: {  	_ =	swait.ge [sflag:s26], $0x50  }
0x4e: {  	[sflag:s26] =	ssyncset.done $0x0  }
0x4f: {  	[sflag:s26] =	ssyncadd.s32 $0xFFFFFFB0  }
0x50: {  	_ =	swait.ge [sflag:s26], $0x50  }
0x51: {  	[sflag:s26] =	ssyncset.done $0x0  }
0x52: {  	[sflag:s26] =	ssyncadd.s32 $0xFFFFFFB0  }
0x53: {  	[tilespmem:s29], [sflag:$0x5] =	stream.indirect.gather [hbm4b:s1+s28], $0x80, s4, s28, $0xb8;
	[tilespmem:$0x1DC80] =	vst v63  }
0x54: {  	_ =	swait.ge [sflag:s10], $0x50  }
0x55: {  	[sflag:s10] =	ssyncset.done $0x0  }
.Ltmp0:
0x56: {  	[sflag:s10] =	ssyncadd.s32 $0xFFFFFFB0;
	(pc) =	sbr.rel .LBB2_2-.Ltmp0, $4  }
0x57: {  	_ =	swait.ge [sflag:s10], $0x50  }
0x58: {  	[sflag:s10] =	ssyncset.done $0x0  }
0x59: {  	s24 =	simm.s32 $0x1E;
	s9 =	rddreg [dreg:$0x14];
	[sflag:s10] =	ssyncadd.s32 $0xFFFFFFB0  }
0x5a: {  	[tilespmem:s11], [sflag:$0x6] =	stream.indirect.gather [hbm4b:s1+s28], $0x80, s0, s28, $0xb8;
	[tilespmem:$0x1DC80] =	vst v63  }
.LBB2_3:
0x5b: {  	[tilespmem:s18], [sflag:$0x8] =	stream.indirect.gather [hbm4b:s1+s28], $0x80, s14, s28, $0xb8;
	[tilespmem:$0x1DC80] =	vst v63  }
.LBB2_5:
0x5c: {  	s22 =	sadd.s32 $0xFFFFFF60, s9  }
0x5d: {  	s22 =	sshrl.u32 s22, $0x3  }
0x5e: {  	s23 =	sadd.s32 s5, s22  }
0x5f: {  	[tilespmem:s4], [sflag:$0x1] =	stream.linear.gather [hbm4b:s23+s4], $0x50, $0x38;
	[tilespmem:$0x1DC80] =	vst v63  }
0x60: {  	s22 =	sadd.s32 s6, s22  }
0x61: {  	[tilespmem:s25], [sflag:$0x1] =	stream.linear.gather [hbm4b:s22+s4], $0x50, $0x38;
	[tilespmem:$0x1DC80] =	vst v63  }
0x62: {  	_ =	swait.ge [sflag:s19], $0x2800  }
0x63: {  	[sflag:s19] =	ssyncset.done $0x0  }
0x64: {  	[sflag:s19] =	ssyncadd.s32 $0xFFFFD800  }
0x65: {  	[spmem:s3] =	stream.indirect.scatter.add.f32 [tilespmem:s13], [sflag:$0xB], $0x80, s8, s28, $0xb8;
	[tilespmem:$0x1DC80] =	vst v63  }
0x66: {  	_ =	swait.ge [sflag:s26], $0x50  }
0x67: {  	[sflag:s26] =	ssyncset.done $0x0  }
0x68: {  	[sflag:s26] =	ssyncadd.s32 $0xFFFFFFB0  }
0x69: {  	_ =	swait.ge [sflag:s26], $0x50  }
0x6a: {  	[sflag:s26] =	ssyncset.done $0x0  }
0x6b: {  	[sflag:s26] =	ssyncadd.s32 $0xFFFFFFB0  }
0x6c: {  	_ =	swait.ge [sflag:s31], $0x2800  }
0x6d: {  	s23 =	sadd.s32 $0xFFFFFFB0, s9;
	[sflag:s31] =	ssyncset.done $0x0  }
0x6e: {  	s22 =	sshrl.u32 s23, $0x3;
	[sflag:s31] =	ssyncadd.s32 $0xFFFFD800  }
0x6f: {  	[tilespmem:s29], [sflag:$0x5] =	stream.indirect.gather [hbm4b:s1+s28], $0x80, s4, s28, $0xb8;
	[tilespmem:$0x1DC80] =	vst v63  }
0x70: {  	s23 =	sadd.s32 s5, s22  }
0x71: {  	[tilespmem:s0], [sflag:$0x2] =	stream.linear.gather [hbm4b:s23+s4], $0x50, $0x38;
	[tilespmem:$0x1DC80] =	vst v63  }
0x72: {  	s22 =	sadd.s32 s6, s22  }
0x73: {  	[tilespmem:s2], [sflag:$0x2] =	stream.linear.gather [hbm4b:s22+s4], $0x50, $0x38;
	[tilespmem:$0x1DC80] =	vst v63  }
0x74: {  	_ =	swait.ge [sflag:s20], $0x2800  }
0x75: {  	[sflag:s20] =	ssyncset.done $0x0  }
0x76: {  	[sflag:s20] =	ssyncadd.s32 $0xFFFFD800  }
0x77: {  	[spmem:s3] =	stream.indirect.scatter.add.f32 [tilespmem:s18], [sflag:$0xC], $0x80, s15, s28, $0xb8;
	[tilespmem:$0x1DC80] =	vst v63  }
0x78: {  	_ =	swait.ge [sflag:s10], $0x50  }
0x79: {  	[sflag:s10] =	ssyncset.done $0x0  }
0x7a: {  	[sflag:s10] =	ssyncadd.s32 $0xFFFFFFB0  }
0x7b: {  	_ =	swait.ge [sflag:s10], $0x50  }
0x7c: {  	[sflag:s10] =	ssyncset.done $0x0  }
0x7d: {  	[sflag:s10] =	ssyncadd.s32 $0xFFFFFFB0  }
0x7e: {  	_ =	swait.ge [sflag:s21], $0x2800  }
0x7f: {  	[sflag:s21] =	ssyncset.done $0x0  }
0x80: {  	s22 =	sshrl.u32 s9, $0x3;
	[sflag:s21] =	ssyncadd.s32 $0xFFFFD800  }
0x81: {  	[tilespmem:s11], [sflag:$0x6] =	stream.indirect.gather [hbm4b:s1+s28], $0x80, s0, s28, $0xb8;
	[tilespmem:$0x1DC80] =	vst v63  }
0x82: {  	s23 =	sadd.s32 s5, s22  }
0x83: {  	[tilespmem:s7], [sflag:$0x3] =	stream.linear.gather [hbm4b:s23+s4], $0x50, $0x38;
	[tilespmem:$0x1DC80] =	vst v63  }
0x84: {  	s24 =	sadd.s32 $0xFFFFFFFF, s24;
	s9 =	sadd.s32 $0x140, s9;
	s22 =	sadd.s32 s6, s22  }
0x85: {  	[tilespmem:s8], [sflag:$0x3] =	stream.linear.gather [hbm4b:s22+s4], $0x50, $0x38;
	[tilespmem:$0x1DC80] =	vst v63  }
.LBB2_2:
0x86: {  	_ =	swait.ge [sflag:s30], $0x2800  }
0x87: {  	[sflag:s30] =	ssyncset.done $0x0  }
0x88: {  	[sflag:s30] =	ssyncadd.s32 $0xFFFFD800  }
0x89: {  	[spmem:s3] =	stream.indirect.scatter.add.f32 [tilespmem:s29], [sflag:$0x9], $0x80, s25, s28, $0xb8;
	[tilespmem:$0x1DC80] =	vst v63  }
0x8a: {  	_ =	swait.ge [sflag:s12], $0x50  }
0x8b: {  	[sflag:s12] =	ssyncset.done $0x0  }
0x8c: {  	[sflag:s12] =	ssyncadd.s32 $0xFFFFFFB0  }
0x8d: {  	_ =	swait.ge [sflag:s12], $0x50  }
0x8e: {  	p1 =	seq.s32 s24, $0x1E;
	[sflag:s12] =	ssyncset.done $0x0  }
0x8f: {  	s23 =	simm.s32 @!p1 $0xB;
	[sflag:s12] =	ssyncadd.s32 $0xFFFFFFB0  }
0x90: {  	_ =	swait.ge @!p1 [sflag:s23], $0x2800  }
0x91: {  	s22 =	sadd.s32 $0xFFFFFF10, s9;
	[sflag:s23] =	ssyncset.done @!p1 $0x0  }
0x92: {  	[sflag:s23] =	ssyncadd.s32 @!p1 $0xFFFFD800;
	s23 =	sshrl.u32 s22, $0x3  }
0x93: {  	[tilespmem:s13], [sflag:$0x7] =	stream.indirect.gather [hbm4b:s1+s28], $0x80, s7, s28, $0xb8;
	[tilespmem:$0x1DC80] =	vst v63  }
0x94: {  	s22 =	sadd.s32 s5, s23  }
0x95: {  	[tilespmem:s14], [sflag:$0x4] =	stream.linear.gather [hbm4b:s22+s4], $0x50, $0x38;
	[tilespmem:$0x1DC80] =	vst v63  }
0x96: {  	s23 =	sadd.s32 s6, s23  }
0x97: {  	[tilespmem:s15], [sflag:$0x4] =	stream.linear.gather [hbm4b:s23+s4], $0x50, $0x38;
	[tilespmem:$0x1DC80] =	vst v63  }
0x98: {  	_ =	swait.ge [sflag:s16], $0x2800  }
0x99: {  	[sflag:s16] =	ssyncset.done $0x0  }
0x9a: {  	[sflag:s16] =	ssyncadd.s32 $0xFFFFD800  }
0x9b: {  	[spmem:s3] =	stream.indirect.scatter.add.f32 [tilespmem:s11], [sflag:$0xA], $0x80, s2, s28, $0xb8;
	[tilespmem:$0x1DC80] =	vst v63  }
0x9c: {  	p1 =	sne.s32 s24, $0x1E;
	_ =	swait.ge [sflag:s17], $0x50  }
.Ltmp1:
0x9d: {  	[sflag:s17] =	ssyncset.done $0x0;
	(pc) =	sbr.rel @!p1 .LBB2_3-.Ltmp1, $4  }
0x9e: {  	[sflag:s17] =	ssyncadd.s32 $0xFFFFFFB0  }
0x9f: {  	_ =	swait.ge [sflag:s17], $0x50  }
0xa0: {  	[sflag:s17] =	ssyncset.done $0x0  }
0xa1: {  	[sflag:s17] =	ssyncadd.s32 $0xFFFFFFB0  }
0xa2: {  	p1 =	seq.s32 s24, $0x0  }
.Ltmp2:
0xa3: {  	s22 =	simm.s32 $0xC;
	(pc) =	sbr.rel @!p1 .LBB2_5-.Ltmp2, $4  }
0xa4: {  	_ =	swait.ge [sflag:s22], $0x2800  }
0xa5: {  	[sflag:s22] =	ssyncset.done $0x0  }
0xa6: {  	[sflag:s22] =	ssyncadd.s32 $0xFFFFD800  }
0xa7: {  	[tilespmem:s18], [sflag:$0x8] =	stream.indirect.gather [hbm4b:s1+s28], $0x80, s14, s28, $0xb8;
	[tilespmem:$0x1DC80] =	vst v63  }
0xa8: {  	_ =	swait.ge [sflag:s19], $0x2800  }
0xa9: {  	[sflag:s19] =	ssyncset.done $0x0  }
0xaa: {  	[sflag:s19] =	ssyncadd.s32 $0xFFFFD800  }
0xab: {  	[spmem:s3] =	stream.indirect.scatter.add.f32 [tilespmem:s13], [sflag:$0xB], $0x80, s8, s28, $0xb8;
	[tilespmem:$0x1DC80] =	vst v63  }
0xac: {  	_ =	swait.ge [sflag:s20], $0x2800  }
0xad: {  	[sflag:s20] =	ssyncset.done $0x0  }
0xae: {  	[sflag:s20] =	ssyncadd.s32 $0xFFFFD800  }
0xaf: {  	[spmem:s3] =	stream.indirect.scatter.add.f32 [tilespmem:s18], [sflag:$0xC], $0x80, s15, s28, $0xb8;
	[tilespmem:$0x1DC80] =	vst v63  }
0xb0: {  	_ =	swait.ge [sflag:s31], $0x2800  }
0xb1: {  	[sflag:s31] =	ssyncset.done $0x0  }
0xb2: {  	[sflag:s31] =	ssyncadd.s32 $0xFFFFD800  }
0xb3: {  	_ =	swait.ge [sflag:s21], $0x2800  }
0xb4: {  	[sflag:s21] =	ssyncset.done $0x0  }
0xb5: {  	s9 =	simm.s32 $0xB;
	[sflag:s21] =	ssyncadd.s32 $0xFFFFD800  }
0xb6: {  	_ =	swait.ge [sflag:s9], $0x2800  }
0xb7: {  	[sflag:s9] =	ssyncset.done $0x0  }
0xb8: {  	s23 =	simm.s32 $0xC;
	[sflag:s9] =	ssyncadd.s32 $0xFFFFD800  }
0xb9: {  	_ =	swait.ge [sflag:s23], $0x2800  }
0xba: {  	[sflag:s23] =	ssyncset.done $0x0  }
0xbb: {  	[sflag:s23] =	ssyncadd.s32 $0xFFFFD800  }
0xbc: {  	[bflag:$0x0] =	sbarrier.arrive $0xFFFF  }
0xbd: {  	s22 =	rddreg [dreg:$0x6]  }
0xbe: {  	s24 =	rddreg [dreg:$0x11]  }
0xbf: {  	s23 =	rddreg [dreg:$0x16]  }
0xc0: {  	[hbm:s24], [sflag:s22] =	dma.local [spmem:s23], $0x2700  }
0xc1: {  	s24 =	simm.s32 $0xD  }
0xc2: {  	_ =	swait.ge [sflag:s24], $0x2700  }
0xc3: {  	[sflag:s24] =	ssyncset.done $0x0;
	s9 =	rddreg [dreg:$0x12]  }
0xc4: {  	s23 =	rddreg [dreg:$0x17];
	[sflag:s24] =	ssyncadd.s32 $0xFFFFD900  }
0xc5: {  	[hbm:s9], [sflag:s22] =	dma.local @!p0 [spmem:s23], $0x100  }
0xc6: {  	s23 =	simm.s32 @!p0 $0xD  }
0xc7: {  	_ =	swait.ge @!p0 [sflag:s23], $0x100  }
0xc8: {  	s9 =	rddreg [dreg:$0x15]  }
0xc9: {  	[sflag:s23] =	ssyncset.done @!p0 $0x0;
	s23 =	rddreg [dreg:$0x13];
	s9 =	sadd.s32 $0x1, s9  }
0xca: {  	p1 =	sne.s32 s9, s23  }
.Ltmp3:
0xcb: {  	_ = 	snop;
	(pc) =	sbr.rel @p1 .LBB2_1-.Ltmp3, $3  }
0xcc: {  	_ =	sdelay $0x1  }
0xcd: {  	[dreg:$0x15] =	wrdreg s9;
	s9 =	simm.s32 @!p0 $0xD  }
0xce: {  	[sflag:s9] =	ssyncadd.s32 @!p0 $0xFFFFFF00  }
0xcf: {  	_ =	sfence.sel $0x180000  }
0xd0: {  	[bflag:$0x0] =	sbarrier.arrive $0xFFFF  }
0xd1: {  	_ =	strace $0x90000047  }
0xd2: {  	s0 =	stileid.u32;
	[bflag:$0x2] =	sbarrier.arrive $0xFFFF  }
0xd3: {  	p0 =	sne.s32 s0, $0x0;
	s0 =	rddreg [dreg:$0x3]  }
0xd4: {  	s0 =	sadd.s32 @!p0 $0x100000, s0  }
0xd5: {  	[sflag:s0] =	ssyncadd.tile.s32 @!p0 $0x1;
	_ =	shalt  }
.Lfunc_end2:
_tile_overlayer_lowered:
.L_overlay_start_2:
0xd6: {  	(tag) =	ssettag $0x2  }
0xd7: {  	s0 =	rddreg [dreg:$0x0];
	s2 =	stileid.u32  }
0xd8: {  	s1 =	rddreg [dreg:$0x1];
	p0 =	sne.s32 s2, $0x0  }
0xd9: {  	s3 =	rddreg [dreg:$0x2];
	[bflag:$0x3] =	sbarrier.arrive $0xFFFF;
	s2 =	simm.s32 @!p0 $0x1C0D  }
0xda: {  	[timem:s3], [sflag:s2] =	dma.local @!p0 [hbm:s0], s1  }
0xdb: {  	s0 =	simm.s32 @!p0 $0xD  }
0xdc: {  	_ =	swait.ge @!p0 [sflag:s0], s1  }
0xdd: {  	s1 =	ssub.s32 @!p0 $0x0, s1;
	[sflag:s0] =	ssyncset.done @!p0 $0x0  }
0xde: {  	[sflag:s0] =	ssyncadd.s32 @!p0 s1  }
0xdf: {  	[bflag:$0x3] =	sbarrier.arrive $0xFFFF  }
0xe0: {  	_ =	shalt  }

</sc_bundles>
